<compile_context>
chip_gen: v7x
topology: tpu7x:2x2x1
jax: 0.10.2.dev20260603
libtpu: 0.0.44.dev20260713+nightly
codegen_flags: <defaults>
</compile_context>

<pallas_src>
import functools

import jax
import jax.numpy as jnp
from jax import lax
from jax.experimental import pallas as pl
from jax.experimental.pallas import tpu as pltpu
from jax.experimental.pallas import tpu_sc as plsc

B, S, TOPK, VOCAB = 16, 16, 4096, 50257
R = B * S
NC, NS, L = 2, 16, 16
NW = NC * NS
ROWS_PER_W = R // NW
ROWPAD = 50304
NFILL = ROWPAD // L
RBUF = 51200
VFULL = 50176
NSCAT = TOPK // L


def _prep_body(v_ref, i_ref, logv_ref, idx_ref, floor_ref):
    v = v_ref[...]
    logv_ref[...] = jnp.log(v + 1e-40).reshape(R * 4, 8, 128)
    idx_ref[...] = i_ref[...].reshape(R * 4, 8, 128)
    pmass = jnp.sum(v, axis=-1)
    rem = jnp.clip(1.0 - pmass, 1e-40, 1.0)
    fl = jnp.log(rem / (VOCAB - TOPK))
    floor_ref[...] = jnp.broadcast_to(
        fl.reshape(R)[:, None], (R, 128)).reshape(NW, 8, 128)


_prep = pl.pallas_call(
    _prep_body,
    out_shape=[
        jax.ShapeDtypeStruct((R * 4, 8, 128), jnp.float32),
        jax.ShapeDtypeStruct((R * 4, 8, 128), jnp.int32),
        jax.ShapeDtypeStruct((NW, 8, 128), jnp.float32),
    ],
)


@functools.partial(
    pl.kernel,
    out_type=[
        jax.ShapeDtypeStruct((B, S, VOCAB), jnp.float32),
        jax.ShapeDtypeStruct((NW, 8, 128), jnp.float32),
    ],
    mesh=plsc.VectorSubcoreMesh(core_axis_name="c", subcore_axis_name="s"),
    compiler_params=pltpu.CompilerParams(
        needs_layout_passes=False, use_tc_tiling_on_sc=True),
    scratch_types=[
        pltpu.VMEM((RBUF,), jnp.float32),
        pltpu.VMEM((RBUF,), jnp.float32),
        pltpu.VMEM((4, 4, 8, 128), jnp.int32),
        pltpu.VMEM((2, 4, 8, 128), jnp.float32),
        pltpu.VMEM((8, 128), jnp.float32),
        pltpu.VMEM((8, 128), jnp.float32),
        pltpu.SemaphoreType.DMA,
        pltpu.SemaphoreType.DMA,
        pltpu.SemaphoreType.DMA((4,)),
        pltpu.SemaphoreType.DMA((2,)),
    ],
)
def _sc_scatter(logv_hbm, idx_hbm, floor_hbm, out_hbm, tail_hbm,
                rb0, rb1, idxbuf, valbuf, floorbuf, tailtile,
                sout0, sout1, sidx, sval):
    wid = lax.axis_index("s") * NC + lax.axis_index("c")
    r_flat0 = wid * ROWS_PER_W
    rbs = (rb0, rb1)
    souts = (sout0, sout1)

    pltpu.sync_copy(floor_hbm.at[wid], floorbuf)

    def full_fill(rb, splat):
        def fill(i, carry):
            rb[pl.ds(i * L, L)] = splat
            return carry
        lax.fori_loop(0, NFILL, fill, None, unroll=8)

    def scat_vals(rb, q, p):
        def scat(j, carry):
            c = j >> 6
            m = (j >> 3) & 7
            l0 = (j & 7) * L
            iv = idxbuf[q, c, m, pl.ds(l0, L)]
            vv = valbuf[p, c, m, pl.ds(l0, L)]
            plsc.store_scatter(rb, [iv], vv)
            return carry
        lax.fori_loop(0, NSCAT, scat, None, unroll=8)

    def scat_reset(rb, q, splat):
        def scat(j, carry):
            c = j >> 6
            m = (j >> 3) & 7
            l0 = (j & 7) * L
            iv = idxbuf[q, c, m, pl.ds(l0, L)]
            plsc.store_scatter(rb, [iv], splat)
            return carry
        lax.fori_loop(0, NSCAT, scat, None, unroll=8)

    cp_idx = [None] * 4
    cp_val = [None] * 2
    cp_out = [None] * 2
    for r in range(2):
        cp_idx[r] = pltpu.async_copy(
            idx_hbm.at[pl.ds((r_flat0 + r) * 4, 4)], idxbuf.at[r],
            sidx.at[r])
        cp_val[r] = pltpu.async_copy(
            logv_hbm.at[pl.ds((r_flat0 + r) * 4, 4)], valbuf.at[r],
            sval.at[r])

    for r in range(ROWS_PER_W):
        p = r % 2
        q = r % 4
        rb = rbs[p]
        r_flat = r_flat0 + r
        bb = r_flat >> 4
        ss = r_flat & 15
        splat = floorbuf[r, pl.ds(0, L)]
        if r >= 2:
            cp_out[p].wait()
            prev = floorbuf[r - 2, pl.ds(0, L)]
            same = jnp.max(jnp.abs(splat - prev)) == 0.0
            lax.cond(same,
                     lambda: scat_reset(rb, (r - 2) % 4, splat),
                     lambda: full_fill(rb, splat))
        else:
            full_fill(rb, splat)
        if r + 1 < ROWS_PER_W:
            nq = (r + 1) % 4
            cp_idx[nq] = pltpu.async_copy(
                idx_hbm.at[pl.ds((r_flat0 + r + 1) * 4, 4)], idxbuf.at[nq],
                sidx.at[nq])
            cp_val[1 - p] = pltpu.async_copy(
                logv_hbm.at[pl.ds((r_flat0 + r + 1) * 4, 4)],
                valbuf.at[1 - p], sval.at[1 - p])
        cp_idx[q].wait()
        cp_val[p].wait()
        scat_vals(rb, q, p)
        cp_out[p] = pltpu.async_copy(
            rb.at[pl.ds(0, VFULL)], out_hbm.at[bb, ss, pl.ds(0, VFULL)],
            souts[p])
        for i in range(8):
            tailtile[r, pl.ds(i * L, L)] = rb[pl.ds(VFULL + i * L, L)]
    pltpu.sync_copy(tailtile, tail_hbm.at[wid])
    cp_out[0].wait()
    cp_out[1].wait()


def _merge_body(m_ref, t_ref, o_ref):
    o_ref[...] = t_ref[...]


_merge = pl.pallas_call(
    _merge_body,
    grid=(1,),
    in_specs=[
        pl.BlockSpec((B, S, 128), lambda i: (0, 0, VFULL // 128)),
        pl.BlockSpec((B, S, 128), lambda i: (0, 0, 0)),
    ],
    out_specs=pl.BlockSpec((B, S, 128), lambda i: (0, 0, VFULL // 128)),
    out_shape=jax.ShapeDtypeStruct((B, S, VOCAB), jnp.float32),
    input_output_aliases={0: 0},
)


def kernel(topk_values, topk_indices):
    logv, idx, floor = _prep(topk_values, topk_indices)
    main, tail = _sc_scatter(logv, idx, floor)
    return _merge(main, tail.reshape(B, S, 128))

# --- scband reference (transcript-rebuilt; emitter-appended) ---
"""Pipeline reference for scband-model-client-41764261986365 (READ-ONLY COPY).

The authoritative reference and input builder live on the scoring server;
editing this copy changes nothing except your own understanding.
"""

import jax, jax.numpy as jnp
import numpy as np

B, S, TOPK, VOCAB = 16, 16, 4096, 50257


def setup_inputs(seed: int = 0) -> dict:
    key = jax.random.key(seed)
    k1, k2 = jax.random.split(key)
    topk_values = jax.random.uniform(k1, (B, S, TOPK), dtype=jnp.float32)
    topk_indices = jax.random.randint(k2, (B, S, TOPK), 0, VOCAB, dtype=jnp.int32)
    return {"topk_values": topk_values, "topk_indices": topk_indices}


def reference(topk_values, topk_indices):
    # Faithful jax port of ModelClient.decode_topk: reconstruct full-vocab
    # logits from a topk-encoded response tensor.
    # (the original packs values and indices along the last dim; here they
    # arrive as two tensors, equivalent to encoded[..., :topk] and
    # encoded[..., topk:].long())
    topk_pmass = topk_values.sum(axis=-1)                      # [B, S]
    remainder_pmass = jnp.clip(1.0 - topk_pmass, 1e-40, 1.0)   # [B, S]
    remainder_floor = remainder_pmass / (VOCAB - TOPK)         # [B, S]
    logits = jnp.ones((B, S, VOCAB), dtype=topk_values.dtype)
    logits = logits * jnp.log(remainder_floor)[:, :, None]     # fill floor
    b = jnp.arange(B)[:, None, None]
    s = jnp.arange(S)[None, :, None]
    # scatter-overwrite along vocab dim (torch scatter_ on dim=-1)
    logits = logits.at[b, s, topk_indices].set(jnp.log(topk_values + 1e-40))
    return logits

if __name__ == "__main__":
    import jax
    _d = setup_inputs()
    print(jax.jit(kernel)(*tuple(_d.values())))

</pallas_src>

<mosaic_0001>
#map = affine_map<(d0, d1) -> (0, 0, 0)>
module attributes {stable_mosaic.version = 14 : i64} {
  func.func @_sc_scatter(%arg0: i32, %arg1: i32, %arg2: memref<1024x8x128xf32, #tpu.memory_space<hbm>>, %arg3: memref<1024x8x128xi32, #tpu.memory_space<hbm>>, %arg4: memref<32x8x128xf32, #tpu.memory_space<hbm>>, %arg5: memref<16x16x50257xf32, #tpu.memory_space<hbm>>, %arg6: memref<32x8x128xf32, #tpu.memory_space<hbm>>, %arg7: memref<51200xf32, #tpu.memory_space<vmem>>, %arg8: memref<51200xf32, #tpu.memory_space<vmem>>, %arg9: memref<4x4x8x128xi32, #tpu.memory_space<vmem>>, %arg10: memref<2x4x8x128xf32, #tpu.memory_space<vmem>>, %arg11: memref<8x128xf32, #tpu.memory_space<vmem>>, %arg12: memref<8x128xf32, #tpu.memory_space<vmem>>, %arg13: memref<!tpu.dma_semaphore, #tpu.memory_space<semaphore_mem>>, %arg14: memref<!tpu.dma_semaphore, #tpu.memory_space<semaphore_mem>>, %arg15: memref<4x!tpu.dma_semaphore, #tpu.memory_space<semaphore_mem>>, %arg16: memref<2x!tpu.dma_semaphore, #tpu.memory_space<semaphore_mem>>) attributes {dimension_semantics = [#tpu.dimension_semantics<core_parallel>, #tpu.dimension_semantics<subcore_parallel>], iteration_bounds = array<i64: 2, 16>, scalar_prefetch = 0 : i64, scratch_operands = 10 : i64, tpu.core_type = #tpu.core_type<sc_vector_subcore>, window_params = [{transform_indices = #map}, {transform_indices = #map}, {transform_indices = #map}, {transform_indices = #map}, {transform_indices = #map}]} {
    %mul3A = arith.constant 2 : i32
    %mul3A_0 = arith.muli %arg1, %mul3A : i32
    %add3A = arith.addi %mul3A_0, %arg0 : i32
    %mul3A_1 = arith.constant 8 : i32
    %mul3A_2 = arith.muli %add3A, %mul3A_1 : i32
    "tpu.region"() ({
      %run_scoped3A = tpu.sem_alloc : memref<!tpu.dma_semaphore, #tpu.memory_space<semaphore_mem>>
      %dma_start3A_1534 = arith.constant 0 : i32
      %dma_start3A_1535 = arith.constant 0 : i32
      %dma_start3A_1536 = tpu.memref_slice %arg4[%add3A, %dma_start3A_1534, %dma_start3A_1535] : memref<32x8x128xf32, #tpu.memory_space<hbm>> -> memref<1x8x128xf32, #tpu.memory_space<hbm>>
      %dma_start3A_1537 = tpu.memref_squeeze %dma_start3A_1536 : memref<1x8x128xf32, #tpu.memory_space<hbm>> -> memref<8x128xf32, #tpu.memory_space<hbm>>
      %dma_start3A_1538 = arith.constant 0 : i32
      %dma_start3A_1539 = arith.constant 0 : i32
      %dma_start3A_1540 = tpu.memref_slice %arg4[%add3A, %dma_start3A_1538, %dma_start3A_1539] : memref<32x8x128xf32, #tpu.memory_space<hbm>> -> memref<1x8x128xf32, #tpu.memory_space<hbm>>
      %dma_start3A_1541 = tpu.memref_squeeze %dma_start3A_1540 : memref<1x8x128xf32, #tpu.memory_space<hbm>> -> memref<8x128xf32, #tpu.memory_space<hbm>>
      tpu.enqueue_dma source(%dma_start3A_1541 : memref<8x128xf32, #tpu.memory_space<hbm>>) target(%arg11 : memref<8x128xf32, #tpu.memory_space<vmem>>) target_semaphore(%run_scoped3A : memref<!tpu.dma_semaphore, #tpu.memory_space<semaphore_mem>>)
      %dma_wait3A_1542 = arith.constant 0 : i32
      %dma_wait3A_1543 = arith.constant 0 : i32
      %dma_wait3A_1544 = tpu.memref_slice %arg4[%add3A, %dma_wait3A_1542, %dma_wait3A_1543] : memref<32x8x128xf32, #tpu.memory_space<hbm>> -> memref<1x8x128xf32, #tpu.memory_space<hbm>>
      %dma_wait3A_1545 = tpu.memref_squeeze %dma_wait3A_1544 : memref<1x8x128xf32, #tpu.memory_space<hbm>> -> memref<8x128xf32, #tpu.memory_space<hbm>>
      %dma_wait3A_1546 = arith.constant 0 : i32
      %dma_wait3A_1547 = arith.constant 0 : i32
      %dma_wait3A_1548 = tpu.memref_slice %arg4[%add3A, %dma_wait3A_1546, %dma_wait3A_1547] : memref<32x8x128xf32, #tpu.memory_space<hbm>> -> memref<1x8x128xf32, #tpu.memory_space<hbm>>
      %dma_wait3A_1549 = tpu.memref_squeeze %dma_wait3A_1548 : memref<1x8x128xf32, #tpu.memory_space<hbm>> -> memref<8x128xf32, #tpu.memory_space<hbm>>
      tpu.wait_dma2 semaphore(%run_scoped3A : memref<!tpu.dma_semaphore, #tpu.memory_space<semaphore_mem>>) src(%dma_wait3A_1549 : memref<8x128xf32, #tpu.memory_space<hbm>>) dst(%arg11 : memref<8x128xf32, #tpu.memory_space<vmem>>)
      tpu.yield
    }) : () -> ()
    %add3A_3 = arith.constant 0 : i32
    %add3A_4 = arith.addi %mul3A_2, %add3A_3 : i32
    %mul3A_5 = arith.constant 4 : i32
    %mul3A_6 = arith.muli %add3A_4, %mul3A_5 : i32
    %dma_start3A = arith.constant 0 : i32
    %dma_start3A_7 = arith.constant 0 : i32
    %dma_start3A_8 = arith.constant 0 : i32
    %dma_start3A_9 = arith.constant 0 : i32
    %dma_start3A_10 = arith.constant 0 : i32
    %dma_start3A_11 = tpu.memref_slice %arg9[%dma_start3A, %dma_start3A_8, %dma_start3A_9, %dma_start3A_10] : memref<4x4x8x128xi32, #tpu.memory_space<vmem>> -> memref<1x4x8x128xi32, #tpu.memory_space<vmem>>
    %dma_start3A_12 = tpu.memref_squeeze %dma_start3A_11 : memref<1x4x8x128xi32, #tpu.memory_space<vmem>> -> memref<4x8x128xi32, #tpu.memory_space<vmem>>
    %dma_start3A_13 = arith.constant 0 : i32
    %dma_start3A_14 = arith.constant 0 : i32
    %dma_start3A_15 = tpu.memref_slice %arg3[%mul3A_6, %dma_start3A_13, %dma_start3A_14] : memref<1024x8x128xi32, #tpu.memory_space<hbm>> -> memref<4x8x128xi32, #tpu.memory_space<hbm>>
    %dma_start3A_16 = tpu.memref_slice %arg15[%dma_start3A_7] : memref<4x!tpu.dma_semaphore, #tpu.memory_space<semaphore_mem>> -> memref<1x!tpu.dma_semaphore, #tpu.memory_space<semaphore_mem>>
    %dma_start3A_17 = tpu.memref_squeeze %dma_start3A_16 : memref<1x!tpu.dma_semaphore, #tpu.memory_space<semaphore_mem>> -> memref<!tpu.dma_semaphore, #tpu.memory_space<semaphore_mem>>
    %dma_start3A_18 = arith.constant 0 : i32
    %dma_start3A_19 = arith.constant 0 : i32
    %dma_start3A_20 = arith.constant 0 : i32
    %dma_start3A_21 = tpu.memref_slice %arg9[%dma_start3A, %dma_start3A_18, %dma_start3A_19, %dma_start3A_20] : memref<4x4x8x128xi32, #tpu.memory_space<vmem>> -> memref<1x4x8x128xi32, #tpu.memory_space<vmem>>
    %dma_start3A_22 = tpu.memref_squeeze %dma_start3A_21 : memref<1x4x8x128xi32, #tpu.memory_space<vmem>> -> memref<4x8x128xi32, #tpu.memory_space<vmem>>
    %dma_start3A_23 = arith.constant 0 : i32
    %dma_start3A_24 = arith.constant 0 : i32
    %dma_start3A_25 = tpu.memref_slice %arg3[%mul3A_6, %dma_start3A_23, %dma_start3A_24] : memref<1024x8x128xi32, #tpu.memory_space<hbm>> -> memref<4x8x128xi32, #tpu.memory_space<hbm>>
    tpu.enqueue_dma source(%dma_start3A_25 : memref<4x8x128xi32, #tpu.memory_space<hbm>>) target(%dma_start3A_22 : memref<4x8x128xi32, #tpu.memory_space<vmem>>) target_semaphore(%dma_start3A_17 : memref<!tpu.dma_semaphore, #tpu.memory_space<semaphore_mem>>)
    %add3A_26 = arith.constant 0 : i32
    %add3A_27 = arith.addi %mul3A_2, %add3A_26 : i32
    %mul3A_28 = arith.constant 4 : i32
    %mul3A_29 = arith.muli %add3A_27, %mul3A_28 : i32
    %dma_start3A_30 = arith.constant 0 : i32
    %dma_start3A_31 = arith.constant 0 : i32
    %dma_start3A_32 = arith.constant 0 : i32
    %dma_start3A_33 = arith.constant 0 : i32
    %dma_start3A_34 = arith.constant 0 : i32
    %dma_start3A_35 = tpu.memref_slice %arg10[%dma_start3A_30, %dma_start3A_32, %dma_start3A_33, %dma_start3A_34] : memref<2x4x8x128xf32, #tpu.memory_space<vmem>> -> memref<1x4x8x128xf32, #tpu.memory_space<vmem>>
    %dma_start3A_36 = tpu.memref_squeeze %dma_start3A_35 : memref<1x4x8x128xf32, #tpu.memory_space<vmem>> -> memref<4x8x128xf32, #tpu.memory_space<vmem>>
    %dma_start3A_37 = arith.constant 0 : i32
    %dma_start3A_38 = arith.constant 0 : i32
    %dma_start3A_39 = tpu.memref_slice %arg2[%mul3A_29, %dma_start3A_37, %dma_start3A_38] : memref<1024x8x128xf32, #tpu.memory_space<hbm>> -> memref<4x8x128xf32, #tpu.memory_space<hbm>>
    %dma_start3A_40 = tpu.memref_slice %arg16[%dma_start3A_31] : memref<2x!tpu.dma_semaphore, #tpu.memory_space<semaphore_mem>> -> memref<1x!tpu.dma_semaphore, #tpu.memory_space<semaphore_mem>>
    %dma_start3A_41 = tpu.memref_squeeze %dma_start3A_40 : memref<1x!tpu.dma_semaphore, #tpu.memory_space<semaphore_mem>> -> memref<!tpu.dma_semaphore, #tpu.memory_space<semaphore_mem>>
    %dma_start3A_42 = arith.constant 0 : i32
    %dma_start3A_43 = arith.constant 0 : i32
    %dma_start3A_44 = arith.constant 0 : i32
    %dma_start3A_45 = tpu.memref_slice %arg10[%dma_start3A_30, %dma_start3A_42, %dma_start3A_43, %dma_start3A_44] : memref<2x4x8x128xf32, #tpu.memory_space<vmem>> -> memref<1x4x8x128xf32, #tpu.memory_space<vmem>>
    %dma_start3A_46 = tpu.memref_squeeze %dma_start3A_45 : memref<1x4x8x128xf32, #tpu.memory_space<vmem>> -> memref<4x8x128xf32, #tpu.memory_space<vmem>>
    %dma_start3A_47 = arith.constant 0 : i32
    %dma_start3A_48 = arith.constant 0 : i32
    %dma_start3A_49 = tpu.memref_slice %arg2[%mul3A_29, %dma_start3A_47, %dma_start3A_48] : memref<1024x8x128xf32, #tpu.memory_space<hbm>> -> memref<4x8x128xf32, #tpu.memory_space<hbm>>
    tpu.enqueue_dma source(%dma_start3A_49 : memref<4x8x128xf32, #tpu.memory_space<hbm>>) target(%dma_start3A_46 : memref<4x8x128xf32, #tpu.memory_space<vmem>>) target_semaphore(%dma_start3A_41 : memref<!tpu.dma_semaphore, #tpu.memory_space<semaphore_mem>>)
    %add3A_50 = arith.constant 1 : i32
    %add3A_51 = arith.addi %mul3A_2, %add3A_50 : i32
    %mul3A_52 = arith.constant 4 : i32
    %mul3A_53 = arith.muli %add3A_51, %mul3A_52 : i32
    %dma_start3A_54 = arith.constant 1 : i32
    %dma_start3A_55 = arith.constant 1 : i32
    %dma_start3A_56 = arith.constant 0 : i32
    %dma_start3A_57 = arith.constant 0 : i32
    %dma_start3A_58 = arith.constant 0 : i32
    %dma_start3A_59 = tpu.memref_slice %arg9[%dma_start3A_54, %dma_start3A_56, %dma_start3A_57, %dma_start3A_58] : memref<4x4x8x128xi32, #tpu.memory_space<vmem>> -> memref<1x4x8x128xi32, #tpu.memory_space<vmem>>
    %dma_start3A_60 = tpu.memref_squeeze %dma_start3A_59 : memref<1x4x8x128xi32, #tpu.memory_space<vmem>> -> memref<4x8x128xi32, #tpu.memory_space<vmem>>
    %dma_start3A_61 = arith.constant 0 : i32
    %dma_start3A_62 = arith.constant 0 : i32
    %dma_start3A_63 = tpu.memref_slice %arg3[%mul3A_53, %dma_start3A_61, %dma_start3A_62] : memref<1024x8x128xi32, #tpu.memory_space<hbm>> -> memref<4x8x128xi32, #tpu.memory_space<hbm>>
    %dma_start3A_64 = tpu.memref_slice %arg15[%dma_start3A_55] : memref<4x!tpu.dma_semaphore, #tpu.memory_space<semaphore_mem>> -> memref<1x!tpu.dma_semaphore, #tpu.memory_space<semaphore_mem>>
    %dma_start3A_65 = tpu.memref_squeeze %dma_start3A_64 : memref<1x!tpu.dma_semaphore, #tpu.memory_space<semaphore_mem>> -> memref<!tpu.dma_semaphore, #tpu.memory_space<semaphore_mem>>
    %dma_start3A_66 = arith.constant 0 : i32
    %dma_start3A_67 = arith.constant 0 : i32
    %dma_start3A_68 = arith.constant 0 : i32
    %dma_start3A_69 = tpu.memref_slice %arg9[%dma_start3A_54, %dma_start3A_66, %dma_start3A_67, %dma_start3A_68] : memref<4x4x8x128xi32, #tpu.memory_space<vmem>> -> memref<1x4x8x128xi32, #tpu.memory_space<vmem>>
    %dma_start3A_70 = tpu.memref_squeeze %dma_start3A_69 : memref<1x4x8x128xi32, #tpu.memory_space<vmem>> -> memref<4x8x128xi32, #tpu.memory_space<vmem>>
    %dma_start3A_71 = arith.constant 0 : i32
    %dma_start3A_72 = arith.constant 0 : i32
    %dma_start3A_73 = tpu.memref_slice %arg3[%mul3A_53, %dma_start3A_71, %dma_start3A_72] : memref<1024x8x128xi32, #tpu.memory_space<hbm>> -> memref<4x8x128xi32, #tpu.memory_space<hbm>>
    tpu.enqueue_dma source(%dma_start3A_73 : memref<4x8x128xi32, #tpu.memory_space<hbm>>) target(%dma_start3A_70 : memref<4x8x128xi32, #tpu.memory_space<vmem>>) target_semaphore(%dma_start3A_65 : memref<!tpu.dma_semaphore, #tpu.memory_space<semaphore_mem>>)
    %add3A_74 = arith.constant 1 : i32
    %add3A_75 = arith.addi %mul3A_2, %add3A_74 : i32
    %mul3A_76 = arith.constant 4 : i32
    %mul3A_77 = arith.muli %add3A_75, %mul3A_76 : i32
    %dma_start3A_78 = arith.constant 1 : i32
    %dma_start3A_79 = arith.constant 1 : i32
    %dma_start3A_80 = arith.constant 0 : i32
    %dma_start3A_81 = arith.constant 0 : i32
    %dma_start3A_82 = arith.constant 0 : i32
    %dma_start3A_83 = tpu.memref_slice %arg10[%dma_start3A_78, %dma_start3A_80, %dma_start3A_81, %dma_start3A_82] : memref<2x4x8x128xf32, #tpu.memory_space<vmem>> -> memref<1x4x8x128xf32, #tpu.memory_space<vmem>>
    %dma_start3A_84 = tpu.memref_squeeze %dma_start3A_83 : memref<1x4x8x128xf32, #tpu.memory_space<vmem>> -> memref<4x8x128xf32, #tpu.memory_space<vmem>>
    %dma_start3A_85 = arith.constant 0 : i32
    %dma_start3A_86 = arith.constant 0 : i32
    %dma_start3A_87 = tpu.memref_slice %arg2[%mul3A_77, %dma_start3A_85, %dma_start3A_86] : memref<1024x8x128xf32, #tpu.memory_space<hbm>> -> memref<4x8x128xf32, #tpu.memory_space<hbm>>
    %dma_start3A_88 = tpu.memref_slice %arg16[%dma_start3A_79] : memref<2x!tpu.dma_semaphore, #tpu.memory_space<semaphore_mem>> -> memref<1x!tpu.dma_semaphore, #tpu.memory_space<semaphore_mem>>
    %dma_start3A_89 = tpu.memref_squeeze %dma_start3A_88 : memref<1x!tpu.dma_semaphore, #tpu.memory_space<semaphore_mem>> -> memref<!tpu.dma_semaphore, #tpu.memory_space<semaphore_mem>>
    %dma_start3A_90 = arith.constant 0 : i32
    %dma_start3A_91 = arith.constant 0 : i32
    %dma_start3A_92 = arith.constant 0 : i32
    %dma_start3A_93 = tpu.memref_slice %arg10[%dma_start3A_78, %dma_start3A_90, %dma_start3A_91, %dma_start3A_92] : memref<2x4x8x128xf32, #tpu.memory_space<vmem>> -> memref<1x4x8x128xf32, #tpu.memory_space<vmem>>
    %dma_start3A_94 = tpu.memref_squeeze %dma_start3A_93 : memref<1x4x8x128xf32, #tpu.memory_space<vmem>> -> memref<4x8x128xf32, #tpu.memory_space<vmem>>
    %dma_start3A_95 = arith.constant 0 : i32
    %dma_start3A_96 = arith.constant 0 : i32
    %dma_start3A_97 = tpu.memref_slice %arg2[%mul3A_77, %dma_start3A_95, %dma_start3A_96] : memref<1024x8x128xf32, #tpu.memory_space<hbm>> -> memref<4x8x128xf32, #tpu.memory_space<hbm>>
    tpu.enqueue_dma source(%dma_start3A_97 : memref<4x8x128xf32, #tpu.memory_space<hbm>>) target(%dma_start3A_94 : memref<4x8x128xf32, #tpu.memory_space<vmem>>) target_semaphore(%dma_start3A_89 : memref<!tpu.dma_semaphore, #tpu.memory_space<semaphore_mem>>)
    %add3A_98 = arith.constant 0 : i32
    %add3A_99 = arith.addi %mul3A_2, %add3A_98 : i32
    %shift_right_arithmetic3A = arith.constant 4 : i32
    %shift_right_arithmetic3A_100 = arith.shrsi %add3A_99, %shift_right_arithmetic3A : i32
    %and3A = arith.constant 15 : i32
    %and3A_101 = arith.andi %add3A_99, %and3A : i32
    %get3A = arith.constant 0 : i32
    %get3A_102 = arith.index_cast %get3A : i32 to index
    %get3A_103 = arith.constant 0 : index
    %get3A_104 = tpu.vector_load %arg11[%get3A_102, %get3A_103] {strides = array<i32>} : memref<8x128xf32, #tpu.memory_space<vmem>>, vector<16xf32>,
    %scan3A = arith.constant 0 : i32
    %scan3A_105 = arith.constant 3144 : i32
    %scan3A_106 = arith.addi %scan3A, %scan3A_105 : i32
    %scan3A_107 = arith.constant 8 : i32
    scf.for %scan3A_1534 = %scan3A to %scan3A_106 step %scan3A_107  : i32 {
      %mul3A_1535 = arith.constant 16 : i32
      %mul3A_1536 = arith.muli %scan3A_1534, %mul3A_1535 : i32
      %swap3A_1537 = arith.index_cast %mul3A_1536 : i32 to index
      %swap3A_1538 = tpu.vector_load %arg7[%swap3A_1537] {strides = array<i32>} : memref<51200xf32, #tpu.memory_space<vmem>>, vector<16xf32>,
      tpu.vector_store %arg7[%swap3A_1537], %get3A_104 {strides = array<i32>} : memref<51200xf32, #tpu.memory_space<vmem>>, vector<16xf32>,
      %scan3A_1539 = arith.constant 1 : i32
      %scan3A_1540 = arith.addi %scan3A_1534, %scan3A_1539 : i32
      %mul3A_1541 = arith.constant 16 : i32
      %mul3A_1542 = arith.muli %scan3A_1540, %mul3A_1541 : i32
      %swap3A_1543 = arith.index_cast %mul3A_1542 : i32 to index
      %swap3A_1544 = tpu.vector_load %arg7[%swap3A_1543] {strides = array<i32>} : memref<51200xf32, #tpu.memory_space<vmem>>, vector<16xf32>,
      tpu.vector_store %arg7[%swap3A_1543], %get3A_104 {strides = array<i32>} : memref<51200xf32, #tpu.memory_space<vmem>>, vector<16xf32>,
      %scan3A_1545 = arith.constant 2 : i32
      %scan3A_1546 = arith.addi %scan3A_1534, %scan3A_1545 : i32
      %mul3A_1547 = arith.constant 16 : i32
      %mul3A_1548 = arith.muli %scan3A_1546, %mul3A_1547 : i32
      %swap3A_1549 = arith.index_cast %mul3A_1548 : i32 to index
      %swap3A_1550 = tpu.vector_load %arg7[%swap3A_1549] {strides = array<i32>} : memref<51200xf32, #tpu.memory_space<vmem>>, vector<16xf32>,
      tpu.vector_store %arg7[%swap3A_1549], %get3A_104 {strides = array<i32>} : memref<51200xf32, #tpu.memory_space<vmem>>, vector<16xf32>,
      %scan3A_1551 = arith.constant 3 : i32
      %scan3A_1552 = arith.addi %scan3A_1534, %scan3A_1551 : i32
      %mul3A_1553 = arith.constant 16 : i32
      %mul3A_1554 = arith.muli %scan3A_1552, %mul3A_1553 : i32
      %swap3A_1555 = arith.index_cast %mul3A_1554 : i32 to index
      %swap3A_1556 = tpu.vector_load %arg7[%swap3A_1555] {strides = array<i32>} : memref<51200xf32, #tpu.memory_space<vmem>>, vector<16xf32>,
      tpu.vector_store %arg7[%swap3A_1555], %get3A_104 {strides = array<i32>} : memref<51200xf32, #tpu.memory_space<vmem>>, vector<16xf32>,
      %scan3A_1557 = arith.constant 4 : i32
      %scan3A_1558 = arith.addi %scan3A_1534, %scan3A_1557 : i32
      %mul3A_1559 = arith.constant 16 : i32
      %mul3A_1560 = arith.muli %scan3A_1558, %mul3A_1559 : i32
      %swap3A_1561 = arith.index_cast %mul3A_1560 : i32 to index
      %swap3A_1562 = tpu.vector_load %arg7[%swap3A_1561] {strides = array<i32>} : memref<51200xf32, #tpu.memory_space<vmem>>, vector<16xf32>,
      tpu.vector_store %arg7[%swap3A_1561], %get3A_104 {strides = array<i32>} : memref<51200xf32, #tpu.memory_space<vmem>>, vector<16xf32>,
      %scan3A_1563 = arith.constant 5 : i32
      %scan3A_1564 = arith.addi %scan3A_1534, %scan3A_1563 : i32
      %mul3A_1565 = arith.constant 16 : i32
      %mul3A_1566 = arith.muli %scan3A_1564, %mul3A_1565 : i32
      %swap3A_1567 = arith.index_cast %mul3A_1566 : i32 to index
      %swap3A_1568 = tpu.vector_load %arg7[%swap3A_1567] {strides = array<i32>} : memref<51200xf32, #tpu.memory_space<vmem>>, vector<16xf32>,
      tpu.vector_store %arg7[%swap3A_1567], %get3A_104 {strides = array<i32>} : memref<51200xf32, #tpu.memory_space<vmem>>, vector<16xf32>,
      %scan3A_1569 = arith.constant 6 : i32
      %scan3A_1570 = arith.addi %scan3A_1534, %scan3A_1569 : i32
      %mul3A_1571 = arith.constant 16 : i32
      %mul3A_1572 = arith.muli %scan3A_1570, %mul3A_1571 : i32
      %swap3A_1573 = arith.index_cast %mul3A_1572 : i32 to index
      %swap3A_1574 = tpu.vector_load %arg7[%swap3A_1573] {strides = array<i32>} : memref<51200xf32, #tpu.memory_space<vmem>>, vector<16xf32>,
      tpu.vector_store %arg7[%swap3A_1573], %get3A_104 {strides = array<i32>} : memref<51200xf32, #tpu.memory_space<vmem>>, vector<16xf32>,
      %scan3A_1575 = arith.constant 7 : i32
      %scan3A_1576 = arith.addi %scan3A_1534, %scan3A_1575 : i32
      %mul3A_1577 = arith.constant 16 : i32
      %mul3A_1578 = arith.muli %scan3A_1576, %mul3A_1577 : i32
      %swap3A_1579 = arith.index_cast %mul3A_1578 : i32 to index
      %swap3A_1580 = tpu.vector_load %arg7[%swap3A_1579] {strides = array<i32>} : memref<51200xf32, #tpu.memory_space<vmem>>, vector<16xf32>,
      tpu.vector_store %arg7[%swap3A_1579], %get3A_104 {strides = array<i32>} : memref<51200xf32, #tpu.memory_space<vmem>>, vector<16xf32>,
    }
    %scan3A_108 = arith.constant 3144 : i32
    %add3A_109 = arith.constant 0 : i32
    %add3A_110 = arith.addi %mul3A_2, %add3A_109 : i32
    %add3A_111 = arith.constant 1 : i32
    %add3A_112 = arith.addi %add3A_110, %add3A_111 : i32
    %mul3A_113 = arith.constant 4 : i32
    %mul3A_114 = arith.muli %add3A_112, %mul3A_113 : i32
    %dma_start3A_115 = arith.constant 1 : i32
    %dma_start3A_116 = arith.constant 1 : i32
    %dma_start3A_117 = arith.constant 0 : i32
    %dma_start3A_118 = arith.constant 0 : i32
    %dma_start3A_119 = arith.constant 0 : i32
    %dma_start3A_120 = tpu.memref_slice %arg9[%dma_start3A_115, %dma_start3A_117, %dma_start3A_118, %dma_start3A_119] : memref<4x4x8x128xi32, #tpu.memory_space<vmem>> -> memref<1x4x8x128xi32, #tpu.memory_space<vmem>>
    %dma_start3A_121 = tpu.memref_squeeze %dma_start3A_120 : memref<1x4x8x128xi32, #tpu.memory_space<vmem>> -> memref<4x8x128xi32, #tpu.memory_space<vmem>>
    %dma_start3A_122 = arith.constant 0 : i32
    %dma_start3A_123 = arith.constant 0 : i32
    %dma_start3A_124 = tpu.memref_slice %arg3[%mul3A_114, %dma_start3A_122, %dma_start3A_123] : memref<1024x8x128xi32, #tpu.memory_space<hbm>> -> memref<4x8x128xi32, #tpu.memory_space<hbm>>
    %dma_start3A_125 = tpu.memref_slice %arg15[%dma_start3A_116] : memref<4x!tpu.dma_semaphore, #tpu.memory_space<semaphore_mem>> -> memref<1x!tpu.dma_semaphore, #tpu.memory_space<semaphore_mem>>
    %dma_start3A_126 = tpu.memref_squeeze %dma_start3A_125 : memref<1x!tpu.dma_semaphore, #tpu.memory_space<semaphore_mem>> -> memref<!tpu.dma_semaphore, #tpu.memory_space<semaphore_mem>>
    %dma_start3A_127 = arith.constant 0 : i32
    %dma_start3A_128 = arith.constant 0 : i32
    %dma_start3A_129 = arith.constant 0 : i32
    %dma_start3A_130 = tpu.memref_slice %arg9[%dma_start3A_115, %dma_start3A_127, %dma_start3A_128, %dma_start3A_129] : memref<4x4x8x128xi32, #tpu.memory_space<vmem>> -> memref<1x4x8x128xi32, #tpu.memory_space<vmem>>
    %dma_start3A_131 = tpu.memref_squeeze %dma_start3A_130 : memref<1x4x8x128xi32, #tpu.memory_space<vmem>> -> memref<4x8x128xi32, #tpu.memory_space<vmem>>
    %dma_start3A_132 = arith.constant 0 : i32
    %dma_start3A_133 = arith.constant 0 : i32
    %dma_start3A_134 = tpu.memref_slice %arg3[%mul3A_114, %dma_start3A_132, %dma_start3A_133] : memref<1024x8x128xi32, #tpu.memory_space<hbm>> -> memref<4x8x128xi32, #tpu.memory_space<hbm>>
    tpu.enqueue_dma source(%dma_start3A_134 : memref<4x8x128xi32, #tpu.memory_space<hbm>>) target(%dma_start3A_131 : memref<4x8x128xi32, #tpu.memory_space<vmem>>) target_semaphore(%dma_start3A_126 : memref<!tpu.dma_semaphore, #tpu.memory_space<semaphore_mem>>)
    %add3A_135 = arith.constant 0 : i32
    %add3A_136 = arith.addi %mul3A_2, %add3A_135 : i32
    %add3A_137 = arith.constant 1 : i32
    %add3A_138 = arith.addi %add3A_136, %add3A_137 : i32
    %mul3A_139 = arith.constant 4 : i32
    %mul3A_140 = arith.muli %add3A_138, %mul3A_139 : i32
    %dma_start3A_141 = arith.constant 1 : i32
    %dma_start3A_142 = arith.constant 1 : i32
    %dma_start3A_143 = arith.constant 0 : i32
    %dma_start3A_144 = arith.constant 0 : i32
    %dma_start3A_145 = arith.constant 0 : i32
    %dma_start3A_146 = tpu.memref_slice %arg10[%dma_start3A_141, %dma_start3A_143, %dma_start3A_144, %dma_start3A_145] : memref<2x4x8x128xf32, #tpu.memory_space<vmem>> -> memref<1x4x8x128xf32, #tpu.memory_space<vmem>>
    %dma_start3A_147 = tpu.memref_squeeze %dma_start3A_146 : memref<1x4x8x128xf32, #tpu.memory_space<vmem>> -> memref<4x8x128xf32, #tpu.memory_space<vmem>>
    %dma_start3A_148 = arith.constant 0 : i32
    %dma_start3A_149 = arith.constant 0 : i32
    %dma_start3A_150 = tpu.memref_slice %arg2[%mul3A_140, %dma_start3A_148, %dma_start3A_149] : memref<1024x8x128xf32, #tpu.memory_space<hbm>> -> memref<4x8x128xf32, #tpu.memory_space<hbm>>
    %dma_start3A_151 = tpu.memref_slice %arg16[%dma_start3A_142] : memref<2x!tpu.dma_semaphore, #tpu.memory_space<semaphore_mem>> -> memref<1x!tpu.dma_semaphore, #tpu.memory_space<semaphore_mem>>
    %dma_start3A_152 = tpu.memref_squeeze %dma_start3A_151 : memref<1x!tpu.dma_semaphore, #tpu.memory_space<semaphore_mem>> -> memref<!tpu.dma_semaphore, #tpu.memory_space<semaphore_mem>>
    %dma_start3A_153 = arith.constant 0 : i32
    %dma_start3A_154 = arith.constant 0 : i32
    %dma_start3A_155 = arith.constant 0 : i32
    %dma_start3A_156 = tpu.memref_slice %arg10[%dma_start3A_141, %dma_start3A_153, %dma_start3A_154, %dma_start3A_155] : memref<2x4x8x128xf32, #tpu.memory_space<vmem>> -> memref<1x4x8x128xf32, #tpu.memory_space<vmem>>
    %dma_start3A_157 = tpu.memref_squeeze %dma_start3A_156 : memref<1x4x8x128xf32, #tpu.memory_space<vmem>> -> memref<4x8x128xf32, #tpu.memory_space<vmem>>
    %dma_start3A_158 = arith.constant 0 : i32
    %dma_start3A_159 = arith.constant 0 : i32
    %dma_start3A_160 = tpu.memref_slice %arg2[%mul3A_140, %dma_start3A_158, %dma_start3A_159] : memref<1024x8x128xf32, #tpu.memory_space<hbm>> -> memref<4x8x128xf32, #tpu.memory_space<hbm>>
    tpu.enqueue_dma source(%dma_start3A_160 : memref<4x8x128xf32, #tpu.memory_space<hbm>>) target(%dma_start3A_157 : memref<4x8x128xf32, #tpu.memory_space<vmem>>) target_semaphore(%dma_start3A_152 : memref<!tpu.dma_semaphore, #tpu.memory_space<semaphore_mem>>)
    %dma_wait3A = arith.constant 0 : i32
    %dma_wait3A_161 = arith.constant 0 : i32
    %dma_wait3A_162 = arith.constant 0 : i32
    %dma_wait3A_163 = arith.constant 0 : i32
    %dma_wait3A_164 = arith.constant 0 : i32
    %dma_wait3A_165 = tpu.memref_slice %arg9[%dma_wait3A, %dma_wait3A_162, %dma_wait3A_163, %dma_wait3A_164] : memref<4x4x8x128xi32, #tpu.memory_space<vmem>> -> memref<1x4x8x128xi32, #tpu.memory_space<vmem>>
    %dma_wait3A_166 = tpu.memref_squeeze %dma_wait3A_165 : memref<1x4x8x128xi32, #tpu.memory_space<vmem>> -> memref<4x8x128xi32, #tpu.memory_space<vmem>>
    %dma_wait3A_167 = arith.constant 0 : i32
    %dma_wait3A_168 = arith.constant 0 : i32
    %dma_wait3A_169 = tpu.memref_slice %arg3[%mul3A_6, %dma_wait3A_167, %dma_wait3A_168] : memref<1024x8x128xi32, #tpu.memory_space<hbm>> -> memref<4x8x128xi32, #tpu.memory_space<hbm>>
    %dma_wait3A_170 = tpu.memref_slice %arg15[%dma_wait3A_161] : memref<4x!tpu.dma_semaphore, #tpu.memory_space<semaphore_mem>> -> memref<1x!tpu.dma_semaphore, #tpu.memory_space<semaphore_mem>>
    %dma_wait3A_171 = tpu.memref_squeeze %dma_wait3A_170 : memref<1x!tpu.dma_semaphore, #tpu.memory_space<semaphore_mem>> -> memref<!tpu.dma_semaphore, #tpu.memory_space<semaphore_mem>>
    %dma_wait3A_172 = arith.constant 0 : i32
    %dma_wait3A_173 = arith.constant 0 : i32
    %dma_wait3A_174 = arith.constant 0 : i32
    %dma_wait3A_175 = tpu.memref_slice %arg9[%dma_wait3A, %dma_wait3A_172, %dma_wait3A_173, %dma_wait3A_174] : memref<4x4x8x128xi32, #tpu.memory_space<vmem>> -> memref<1x4x8x128xi32, #tpu.memory_space<vmem>>
    %dma_wait3A_176 = tpu.memref_squeeze %dma_wait3A_175 : memref<1x4x8x128xi32, #tpu.memory_space<vmem>> -> memref<4x8x128xi32, #tpu.memory_space<vmem>>
    %dma_wait3A_177 = arith.constant 0 : i32
    %dma_wait3A_178 = arith.constant 0 : i32
    %dma_wait3A_179 = tpu.memref_slice %arg3[%mul3A_6, %dma_wait3A_177, %dma_wait3A_178] : memref<1024x8x128xi32, #tpu.memory_space<hbm>> -> memref<4x8x128xi32, #tpu.memory_space<hbm>>
    tpu.wait_dma2 semaphore(%dma_wait3A_171 : memref<!tpu.dma_semaphore, #tpu.memory_space<semaphore_mem>>) src(%dma_wait3A_179 : memref<4x8x128xi32, #tpu.memory_space<hbm>>) dst(%dma_wait3A_176 : memref<4x8x128xi32, #tpu.memory_space<vmem>>)
    %dma_wait3A_180 = arith.constant 0 : i32
    %dma_wait3A_181 = arith.constant 0 : i32
    %dma_wait3A_182 = arith.constant 0 : i32
    %dma_wait3A_183 = arith.constant 0 : i32
    %dma_wait3A_184 = arith.constant 0 : i32
    %dma_wait3A_185 = tpu.memref_slice %arg10[%dma_wait3A_180, %dma_wait3A_182, %dma_wait3A_183, %dma_wait3A_184] : memref<2x4x8x128xf32, #tpu.memory_space<vmem>> -> memref<1x4x8x128xf32, #tpu.memory_space<vmem>>
    %dma_wait3A_186 = tpu.memref_squeeze %dma_wait3A_185 : memref<1x4x8x128xf32, #tpu.memory_space<vmem>> -> memref<4x8x128xf32, #tpu.memory_space<vmem>>
    %dma_wait3A_187 = arith.constant 0 : i32
    %dma_wait3A_188 = arith.constant 0 : i32
    %dma_wait3A_189 = tpu.memref_slice %arg2[%mul3A_29, %dma_wait3A_187, %dma_wait3A_188] : memref<1024x8x128xf32, #tpu.memory_space<hbm>> -> memref<4x8x128xf32, #tpu.memory_space<hbm>>
    %dma_wait3A_190 = tpu.memref_slice %arg16[%dma_wait3A_181] : memref<2x!tpu.dma_semaphore, #tpu.memory_space<semaphore_mem>> -> memref<1x!tpu.dma_semaphore, #tpu.memory_space<semaphore_mem>>
    %dma_wait3A_191 = tpu.memref_squeeze %dma_wait3A_190 : memref<1x!tpu.dma_semaphore, #tpu.memory_space<semaphore_mem>> -> memref<!tpu.dma_semaphore, #tpu.memory_space<semaphore_mem>>
    %dma_wait3A_192 = arith.constant 0 : i32
    %dma_wait3A_193 = arith.constant 0 : i32
    %dma_wait3A_194 = arith.constant 0 : i32
    %dma_wait3A_195 = tpu.memref_slice %arg10[%dma_wait3A_180, %dma_wait3A_192, %dma_wait3A_193, %dma_wait3A_194] : memref<2x4x8x128xf32, #tpu.memory_space<vmem>> -> memref<1x4x8x128xf32, #tpu.memory_space<vmem>>
    %dma_wait3A_196 = tpu.memref_squeeze %dma_wait3A_195 : memref<1x4x8x128xf32, #tpu.memory_space<vmem>> -> memref<4x8x128xf32, #tpu.memory_space<vmem>>
    %dma_wait3A_197 = arith.constant 0 : i32
    %dma_wait3A_198 = arith.constant 0 : i32
    %dma_wait3A_199 = tpu.memref_slice %arg2[%mul3A_29, %dma_wait3A_197, %dma_wait3A_198] : memref<1024x8x128xf32, #tpu.memory_space<hbm>> -> memref<4x8x128xf32, #tpu.memory_space<hbm>>
    tpu.wait_dma2 semaphore(%dma_wait3A_191 : memref<!tpu.dma_semaphore, #tpu.memory_space<semaphore_mem>>) src(%dma_wait3A_199 : memref<4x8x128xf32, #tpu.memory_space<hbm>>) dst(%dma_wait3A_196 : memref<4x8x128xf32, #tpu.memory_space<vmem>>)
    %scan3A_200 = arith.constant 0 : i32
    %scan3A_201 = arith.constant 256 : i32
    %scan3A_202 = arith.addi %scan3A_200, %scan3A_201 : i32
    %scan3A_203 = arith.constant 8 : i32
    scf.for %scan3A_1534 = %scan3A_200 to %scan3A_202 step %scan3A_203  : i32 {
      %shift_right_arithmetic3A_1535 = arith.constant 6 : i32
      %shift_right_arithmetic3A_1536 = arith.shrsi %scan3A_1534, %shift_right_arithmetic3A_1535 : i32
      %shift_right_arithmetic3A_1537 = arith.constant 3 : i32
      %shift_right_arithmetic3A_1538 = arith.shrsi %scan3A_1534, %shift_right_arithmetic3A_1537 : i32
      %and3A_1539 = arith.constant 7 : i32
      %and3A_1540 = arith.andi %shift_right_arithmetic3A_1538, %and3A_1539 : i32
      %and3A_1541 = arith.constant 7 : i32
      %and3A_1542 = arith.andi %scan3A_1534, %and3A_1541 : i32
      %mul3A_1543 = arith.constant 16 : i32
      %mul3A_1544 = arith.muli %and3A_1542, %mul3A_1543 : i32
      %get3A_1545 = arith.constant 0 : i32
      %get3A_1546 = arith.index_cast %get3A_1545 : i32 to index
      %get3A_1547 = arith.index_cast %shift_right_arithmetic3A_1536 : i32 to index
      %get3A_1548 = arith.index_cast %and3A_1540 : i32 to index
      %get3A_1549 = arith.index_cast %mul3A_1544 : i32 to index
      %get3A_1550 = tpu.vector_load %arg9[%get3A_1546, %get3A_1547, %get3A_1548, %get3A_1549] {strides = array<i32>} : memref<4x4x8x128xi32, #tpu.memory_space<vmem>>, vector<16xi32>,
      %get3A_1551 = arith.constant 0 : i32
      %get3A_1552 = arith.index_cast %get3A_1551 : i32 to index
      %get3A_1553 = arith.index_cast %shift_right_arithmetic3A_1536 : i32 to index
      %get3A_1554 = arith.index_cast %and3A_1540 : i32 to index
      %get3A_1555 = arith.index_cast %mul3A_1544 : i32 to index
      %get3A_1556 = tpu.vector_load %arg10[%get3A_1552, %get3A_1553, %get3A_1554, %get3A_1555] {strides = array<i32>} : memref<2x4x8x128xf32, #tpu.memory_space<vmem>>, vector<16xf32>,
      tpu.vector_store_idx %arg7[%get3A_1550], %get3A_1556 : memref<51200xf32, #tpu.memory_space<vmem>>[vector<16xi32>], vector<16xf32>,
      %scan3A_1557 = arith.constant 1 : i32
      %scan3A_1558 = arith.addi %scan3A_1534, %scan3A_1557 : i32
      %shift_right_arithmetic3A_1559 = arith.constant 6 : i32
      %shift_right_arithmetic3A_1560 = arith.shrsi %scan3A_1558, %shift_right_arithmetic3A_1559 : i32
      %shift_right_arithmetic3A_1561 = arith.constant 3 : i32
      %shift_right_arithmetic3A_1562 = arith.shrsi %scan3A_1558, %shift_right_arithmetic3A_1561 : i32
      %and3A_1563 = arith.constant 7 : i32
      %and3A_1564 = arith.andi %shift_right_arithmetic3A_1562, %and3A_1563 : i32
      %and3A_1565 = arith.constant 7 : i32
      %and3A_1566 = arith.andi %scan3A_1558, %and3A_1565 : i32
      %mul3A_1567 = arith.constant 16 : i32
      %mul3A_1568 = arith.muli %and3A_1566, %mul3A_1567 : i32
      %get3A_1569 = arith.constant 0 : i32
      %get3A_1570 = arith.index_cast %get3A_1569 : i32 to index
      %get3A_1571 = arith.index_cast %shift_right_arithmetic3A_1560 : i32 to index
      %get3A_1572 = arith.index_cast %and3A_1564 : i32 to index
      %get3A_1573 = arith.index_cast %mul3A_1568 : i32 to index
      %get3A_1574 = tpu.vector_load %arg9[%get3A_1570, %get3A_1571, %get3A_1572, %get3A_1573] {strides = array<i32>} : memref<4x4x8x128xi32, #tpu.memory_space<vmem>>, vector<16xi32>,
      %get3A_1575 = arith.constant 0 : i32
      %get3A_1576 = arith.index_cast %get3A_1575 : i32 to index
      %get3A_1577 = arith.index_cast %shift_right_arithmetic3A_1560 : i32 to index
      %get3A_1578 = arith.index_cast %and3A_1564 : i32 to index
      %get3A_1579 = arith.index_cast %mul3A_1568 : i32 to index
      %get3A_1580 = tpu.vector_load %arg10[%get3A_1576, %get3A_1577, %get3A_1578, %get3A_1579] {strides = array<i32>} : memref<2x4x8x128xf32, #tpu.memory_space<vmem>>, vector<16xf32>,
      tpu.vector_store_idx %arg7[%get3A_1574], %get3A_1580 : memref<51200xf32, #tpu.memory_space<vmem>>[vector<16xi32>], vector<16xf32>,
      %scan3A_1581 = arith.constant 2 : i32
      %scan3A_1582 = arith.addi %scan3A_1534, %scan3A_1581 : i32
      %shift_right_arithmetic3A_1583 = arith.constant 6 : i32
      %shift_right_arithmetic3A_1584 = arith.shrsi %scan3A_1582, %shift_right_arithmetic3A_1583 : i32
      %shift_right_arithmetic3A_1585 = arith.constant 3 : i32
      %shift_right_arithmetic3A_1586 = arith.shrsi %scan3A_1582, %shift_right_arithmetic3A_1585 : i32
      %and3A_1587 = arith.constant 7 : i32
      %and3A_1588 = arith.andi %shift_right_arithmetic3A_1586, %and3A_1587 : i32
      %and3A_1589 = arith.constant 7 : i32
      %and3A_1590 = arith.andi %scan3A_1582, %and3A_1589 : i32
      %mul3A_1591 = arith.constant 16 : i32
      %mul3A_1592 = arith.muli %and3A_1590, %mul3A_1591 : i32
      %get3A_1593 = arith.constant 0 : i32
      %get3A_1594 = arith.index_cast %get3A_1593 : i32 to index
      %get3A_1595 = arith.index_cast %shift_right_arithmetic3A_1584 : i32 to index
      %get3A_1596 = arith.index_cast %and3A_1588 : i32 to index
      %get3A_1597 = arith.index_cast %mul3A_1592 : i32 to index
      %get3A_1598 = tpu.vector_load %arg9[%get3A_1594, %get3A_1595, %get3A_1596, %get3A_1597] {strides = array<i32>} : memref<4x4x8x128xi32, #tpu.memory_space<vmem>>, vector<16xi32>,
      %get3A_1599 = arith.constant 0 : i32
      %get3A_1600 = arith.index_cast %get3A_1599 : i32 to index
      %get3A_1601 = arith.index_cast %shift_right_arithmetic3A_1584 : i32 to index
      %get3A_1602 = arith.index_cast %and3A_1588 : i32 to index
      %get3A_1603 = arith.index_cast %mul3A_1592 : i32 to index
      %get3A_1604 = tpu.vector_load %arg10[%get3A_1600, %get3A_1601, %get3A_1602, %get3A_1603] {strides = array<i32>} : memref<2x4x8x128xf32, #tpu.memory_space<vmem>>, vector<16xf32>,
      tpu.vector_store_idx %arg7[%get3A_1598], %get3A_1604 : memref<51200xf32, #tpu.memory_space<vmem>>[vector<16xi32>], vector<16xf32>,
      %scan3A_1605 = arith.constant 3 : i32
      %scan3A_1606 = arith.addi %scan3A_1534, %scan3A_1605 : i32
      %shift_right_arithmetic3A_1607 = arith.constant 6 : i32
      %shift_right_arithmetic3A_1608 = arith.shrsi %scan3A_1606, %shift_right_arithmetic3A_1607 : i32
      %shift_right_arithmetic3A_1609 = arith.constant 3 : i32
      %shift_right_arithmetic3A_1610 = arith.shrsi %scan3A_1606, %shift_right_arithmetic3A_1609 : i32
      %and3A_1611 = arith.constant 7 : i32
      %and3A_1612 = arith.andi %shift_right_arithmetic3A_1610, %and3A_1611 : i32
      %and3A_1613 = arith.constant 7 : i32
      %and3A_1614 = arith.andi %scan3A_1606, %and3A_1613 : i32
      %mul3A_1615 = arith.constant 16 : i32
      %mul3A_1616 = arith.muli %and3A_1614, %mul3A_1615 : i32
      %get3A_1617 = arith.constant 0 : i32
      %get3A_1618 = arith.index_cast %get3A_1617 : i32 to index
      %get3A_1619 = arith.index_cast %shift_right_arithmetic3A_1608 : i32 to index
      %get3A_1620 = arith.index_cast %and3A_1612 : i32 to index
      %get3A_1621 = arith.index_cast %mul3A_1616 : i32 to index
      %get3A_1622 = tpu.vector_load %arg9[%get3A_1618, %get3A_1619, %get3A_1620, %get3A_1621] {strides = array<i32>} : memref<4x4x8x128xi32, #tpu.memory_space<vmem>>, vector<16xi32>,
      %get3A_1623 = arith.constant 0 : i32
      %get3A_1624 = arith.index_cast %get3A_1623 : i32 to index
      %get3A_1625 = arith.index_cast %shift_right_arithmetic3A_1608 : i32 to index
      %get3A_1626 = arith.index_cast %and3A_1612 : i32 to index
      %get3A_1627 = arith.index_cast %mul3A_1616 : i32 to index
      %get3A_1628 = tpu.vector_load %arg10[%get3A_1624, %get3A_1625, %get3A_1626, %get3A_1627] {strides = array<i32>} : memref<2x4x8x128xf32, #tpu.memory_space<vmem>>, vector<16xf32>,
      tpu.vector_store_idx %arg7[%get3A_1622], %get3A_1628 : memref<51200xf32, #tpu.memory_space<vmem>>[vector<16xi32>], vector<16xf32>,
      %scan3A_1629 = arith.constant 4 : i32
      %scan3A_1630 = arith.addi %scan3A_1534, %scan3A_1629 : i32
      %shift_right_arithmetic3A_1631 = arith.constant 6 : i32
      %shift_right_arithmetic3A_1632 = arith.shrsi %scan3A_1630, %shift_right_arithmetic3A_1631 : i32
      %shift_right_arithmetic3A_1633 = arith.constant 3 : i32
      %shift_right_arithmetic3A_1634 = arith.shrsi %scan3A_1630, %shift_right_arithmetic3A_1633 : i32
      %and3A_1635 = arith.constant 7 : i32
      %and3A_1636 = arith.andi %shift_right_arithmetic3A_1634, %and3A_1635 : i32
      %and3A_1637 = arith.constant 7 : i32
      %and3A_1638 = arith.andi %scan3A_1630, %and3A_1637 : i32
      %mul3A_1639 = arith.constant 16 : i32
      %mul3A_1640 = arith.muli %and3A_1638, %mul3A_1639 : i32
      %get3A_1641 = arith.constant 0 : i32
      %get3A_1642 = arith.index_cast %get3A_1641 : i32 to index
      %get3A_1643 = arith.index_cast %shift_right_arithmetic3A_1632 : i32 to index
      %get3A_1644 = arith.index_cast %and3A_1636 : i32 to index
      %get3A_1645 = arith.index_cast %mul3A_1640 : i32 to index
      %get3A_1646 = tpu.vector_load %arg9[%get3A_1642, %get3A_1643, %get3A_1644, %get3A_1645] {strides = array<i32>} : memref<4x4x8x128xi32, #tpu.memory_space<vmem>>, vector<16xi32>,
      %get3A_1647 = arith.constant 0 : i32
      %get3A_1648 = arith.index_cast %get3A_1647 : i32 to index
      %get3A_1649 = arith.index_cast %shift_right_arithmetic3A_1632 : i32 to index
      %get3A_1650 = arith.index_cast %and3A_1636 : i32 to index
      %get3A_1651 = arith.index_cast %mul3A_1640 : i32 to index
      %get3A_1652 = tpu.vector_load %arg10[%get3A_1648, %get3A_1649, %get3A_1650, %get3A_1651] {strides = array<i32>} : memref<2x4x8x128xf32, #tpu.memory_space<vmem>>, vector<16xf32>,
      tpu.vector_store_idx %arg7[%get3A_1646], %get3A_1652 : memref<51200xf32, #tpu.memory_space<vmem>>[vector<16xi32>], vector<16xf32>,
      %scan3A_1653 = arith.constant 5 : i32
      %scan3A_1654 = arith.addi %scan3A_1534, %scan3A_1653 : i32
      %shift_right_arithmetic3A_1655 = arith.constant 6 : i32
      %shift_right_arithmetic3A_1656 = arith.shrsi %scan3A_1654, %shift_right_arithmetic3A_1655 : i32
      %shift_right_arithmetic3A_1657 = arith.constant 3 : i32
      %shift_right_arithmetic3A_1658 = arith.shrsi %scan3A_1654, %shift_right_arithmetic3A_1657 : i32
      %and3A_1659 = arith.constant 7 : i32
      %and3A_1660 = arith.andi %shift_right_arithmetic3A_1658, %and3A_1659 : i32
      %and3A_1661 = arith.constant 7 : i32
      %and3A_1662 = arith.andi %scan3A_1654, %and3A_1661 : i32
      %mul3A_1663 = arith.constant 16 : i32
      %mul3A_1664 = arith.muli %and3A_1662, %mul3A_1663 : i32
      %get3A_1665 = arith.constant 0 : i32
      %get3A_1666 = arith.index_cast %get3A_1665 : i32 to index
      %get3A_1667 = arith.index_cast %shift_right_arithmetic3A_1656 : i32 to index
      %get3A_1668 = arith.index_cast %and3A_1660 : i32 to index
      %get3A_1669 = arith.index_cast %mul3A_1664 : i32 to index
      %get3A_1670 = tpu.vector_load %arg9[%get3A_1666, %get3A_1667, %get3A_1668, %get3A_1669] {strides = array<i32>} : memref<4x4x8x128xi32, #tpu.memory_space<vmem>>, vector<16xi32>,
      %get3A_1671 = arith.constant 0 : i32
      %get3A_1672 = arith.index_cast %get3A_1671 : i32 to index
      %get3A_1673 = arith.index_cast %shift_right_arithmetic3A_1656 : i32 to index
      %get3A_1674 = arith.index_cast %and3A_1660 : i32 to index
      %get3A_1675 = arith.index_cast %mul3A_1664 : i32 to index
      %get3A_1676 = tpu.vector_load %arg10[%get3A_1672, %get3A_1673, %get3A_1674, %get3A_1675] {strides = array<i32>} : memref<2x4x8x128xf32, #tpu.memory_space<vmem>>, vector<16xf32>,
      tpu.vector_store_idx %arg7[%get3A_1670], %get3A_1676 : memref<51200xf32, #tpu.memory_space<vmem>>[vector<16xi32>], vector<16xf32>,
      %scan3A_1677 = arith.constant 6 : i32
      %scan3A_1678 = arith.addi %scan3A_1534, %scan3A_1677 : i32
      %shift_right_arithmetic3A_1679 = arith.constant 6 : i32
      %shift_right_arithmetic3A_1680 = arith.shrsi %scan3A_1678, %shift_right_arithmetic3A_1679 : i32
      %shift_right_arithmetic3A_1681 = arith.constant 3 : i32
      %shift_right_arithmetic3A_1682 = arith.shrsi %scan3A_1678, %shift_right_arithmetic3A_1681 : i32
      %and3A_1683 = arith.constant 7 : i32
      %and3A_1684 = arith.andi %shift_right_arithmetic3A_1682, %and3A_1683 : i32
      %and3A_1685 = arith.constant 7 : i32
      %and3A_1686 = arith.andi %scan3A_1678, %and3A_1685 : i32
      %mul3A_1687 = arith.constant 16 : i32
      %mul3A_1688 = arith.muli %and3A_1686, %mul3A_1687 : i32
      %get3A_1689 = arith.constant 0 : i32
      %get3A_1690 = arith.index_cast %get3A_1689 : i32 to index
      %get3A_1691 = arith.index_cast %shift_right_arithmetic3A_1680 : i32 to index
      %get3A_1692 = arith.index_cast %and3A_1684 : i32 to index
      %get3A_1693 = arith.index_cast %mul3A_1688 : i32 to index
      %get3A_1694 = tpu.vector_load %arg9[%get3A_1690, %get3A_1691, %get3A_1692, %get3A_1693] {strides = array<i32>} : memref<4x4x8x128xi32, #tpu.memory_space<vmem>>, vector<16xi32>,
      %get3A_1695 = arith.constant 0 : i32
      %get3A_1696 = arith.index_cast %get3A_1695 : i32 to index
      %get3A_1697 = arith.index_cast %shift_right_arithmetic3A_1680 : i32 to index
      %get3A_1698 = arith.index_cast %and3A_1684 : i32 to index
      %get3A_1699 = arith.index_cast %mul3A_1688 : i32 to index
      %get3A_1700 = tpu.vector_load %arg10[%get3A_1696, %get3A_1697, %get3A_1698, %get3A_1699] {strides = array<i32>} : memref<2x4x8x128xf32, #tpu.memory_space<vmem>>, vector<16xf32>,
      tpu.vector_store_idx %arg7[%get3A_1694], %get3A_1700 : memref<51200xf32, #tpu.memory_space<vmem>>[vector<16xi32>], vector<16xf32>,
      %scan3A_1701 = arith.constant 7 : i32
      %scan3A_1702 = arith.addi %scan3A_1534, %scan3A_1701 : i32
      %shift_right_arithmetic3A_1703 = arith.constant 6 : i32
      %shift_right_arithmetic3A_1704 = arith.shrsi %scan3A_1702, %shift_right_arithmetic3A_1703 : i32
      %shift_right_arithmetic3A_1705 = arith.constant 3 : i32
      %shift_right_arithmetic3A_1706 = arith.shrsi %scan3A_1702, %shift_right_arithmetic3A_1705 : i32
      %and3A_1707 = arith.constant 7 : i32
      %and3A_1708 = arith.andi %shift_right_arithmetic3A_1706, %and3A_1707 : i32
      %and3A_1709 = arith.constant 7 : i32
      %and3A_1710 = arith.andi %scan3A_1702, %and3A_1709 : i32
      %mul3A_1711 = arith.constant 16 : i32
      %mul3A_1712 = arith.muli %and3A_1710, %mul3A_1711 : i32
      %get3A_1713 = arith.constant 0 : i32
      %get3A_1714 = arith.index_cast %get3A_1713 : i32 to index
      %get3A_1715 = arith.index_cast %shift_right_arithmetic3A_1704 : i32 to index
      %get3A_1716 = arith.index_cast %and3A_1708 : i32 to index
      %get3A_1717 = arith.index_cast %mul3A_1712 : i32 to index
      %get3A_1718 = tpu.vector_load %arg9[%get3A_1714, %get3A_1715, %get3A_1716, %get3A_1717] {strides = array<i32>} : memref<4x4x8x128xi32, #tpu.memory_space<vmem>>, vector<16xi32>,
      %get3A_1719 = arith.constant 0 : i32
      %get3A_1720 = arith.index_cast %get3A_1719 : i32 to index
      %get3A_1721 = arith.index_cast %shift_right_arithmetic3A_1704 : i32 to index
      %get3A_1722 = arith.index_cast %and3A_1708 : i32 to index
      %get3A_1723 = arith.index_cast %mul3A_1712 : i32 to index
      %get3A_1724 = tpu.vector_load %arg10[%get3A_1720, %get3A_1721, %get3A_1722, %get3A_1723] {strides = array<i32>} : memref<2x4x8x128xf32, #tpu.memory_space<vmem>>, vector<16xf32>,
      tpu.vector_store_idx %arg7[%get3A_1718], %get3A_1724 : memref<51200xf32, #tpu.memory_space<vmem>>[vector<16xi32>], vector<16xf32>,
    }
    %scan3A_204 = arith.constant 256 : i32
    %dma_start3A_205 = arith.constant 0 : i32
    %dma_start3A_206 = tpu.memref_slice %arg7[%dma_start3A_205] : memref<51200xf32, #tpu.memory_space<vmem>> -> memref<50176xf32, #tpu.memory_space<vmem>>
    %dma_start3A_207 = arith.constant 0 : i32
    %dma_start3A_208 = tpu.memref_slice %arg5[%shift_right_arithmetic3A_100, %and3A_101, %dma_start3A_207] : memref<16x16x50257xf32, #tpu.memory_space<hbm>> -> memref<1x1x50176xf32, #tpu.memory_space<hbm>>
    %dma_start3A_209 = tpu.memref_squeeze %dma_start3A_208 : memref<1x1x50176xf32, #tpu.memory_space<hbm>> -> memref<50176xf32, #tpu.memory_space<hbm>>
    %dma_start3A_210 = arith.constant 0 : i32
    %dma_start3A_211 = tpu.memref_slice %arg5[%shift_right_arithmetic3A_100, %and3A_101, %dma_start3A_210] : memref<16x16x50257xf32, #tpu.memory_space<hbm>> -> memref<1x1x50176xf32, #tpu.memory_space<hbm>>
    %dma_start3A_212 = tpu.memref_squeeze %dma_start3A_211 : memref<1x1x50176xf32, #tpu.memory_space<hbm>> -> memref<50176xf32, #tpu.memory_space<hbm>>
    %dma_start3A_213 = arith.constant 0 : i32
    %dma_start3A_214 = tpu.memref_slice %arg7[%dma_start3A_213] : memref<51200xf32, #tpu.memory_space<vmem>> -> memref<50176xf32, #tpu.memory_space<vmem>>
    tpu.enqueue_dma source(%dma_start3A_214 : memref<50176xf32, #tpu.memory_space<vmem>>) target(%dma_start3A_212 : memref<50176xf32, #tpu.memory_space<hbm>>) target_semaphore(%arg13 : memref<!tpu.dma_semaphore, #tpu.memory_space<semaphore_mem>>)
    %get3A_215 = arith.constant 50176 : index
    %get3A_216 = tpu.vector_load %arg7[%get3A_215] {strides = array<i32>} : memref<51200xf32, #tpu.memory_space<vmem>>, vector<16xf32>,
    %swap3A = arith.constant 0 : i32
    %swap3A_217 = arith.index_cast %swap3A : i32 to index
    %swap3A_218 = arith.constant 0 : index
    %swap3A_219 = tpu.vector_load %arg12[%swap3A_217, %swap3A_218] {strides = array<i32>} : memref<8x128xf32, #tpu.memory_space<vmem>>, vector<16xf32>,
    tpu.vector_store %arg12[%swap3A_217, %swap3A_218], %get3A_216 {strides = array<i32>} : memref<8x128xf32, #tpu.memory_space<vmem>>, vector<16xf32>,
    %get3A_220 = arith.constant 50192 : index
    %get3A_221 = tpu.vector_load %arg7[%get3A_220] {strides = array<i32>} : memref<51200xf32, #tpu.memory_space<vmem>>, vector<16xf32>,
    %swap3A_222 = arith.constant 0 : i32
    %swap3A_223 = arith.index_cast %swap3A_222 : i32 to index
    %swap3A_224 = arith.constant 16 : index
    %swap3A_225 = tpu.vector_load %arg12[%swap3A_223, %swap3A_224] {strides = array<i32>} : memref<8x128xf32, #tpu.memory_space<vmem>>, vector<16xf32>,
    tpu.vector_store %arg12[%swap3A_223, %swap3A_224], %get3A_221 {strides = array<i32>} : memref<8x128xf32, #tpu.memory_space<vmem>>, vector<16xf32>,
    %get3A_226 = arith.constant 50208 : index
    %get3A_227 = tpu.vector_load %arg7[%get3A_226] {strides = array<i32>} : memref<51200xf32, #tpu.memory_space<vmem>>, vector<16xf32>,
    %swap3A_228 = arith.constant 0 : i32
    %swap3A_229 = arith.index_cast %swap3A_228 : i32 to index
    %swap3A_230 = arith.constant 32 : index
    %swap3A_231 = tpu.vector_load %arg12[%swap3A_229, %swap3A_230] {strides = array<i32>} : memref<8x128xf32, #tpu.memory_space<vmem>>, vector<16xf32>,
    tpu.vector_store %arg12[%swap3A_229, %swap3A_230], %get3A_227 {strides = array<i32>} : memref<8x128xf32, #tpu.memory_space<vmem>>, vector<16xf32>,
    %get3A_232 = arith.constant 50224 : index
    %get3A_233 = tpu.vector_load %arg7[%get3A_232] {strides = array<i32>} : memref<51200xf32, #tpu.memory_space<vmem>>, vector<16xf32>,
    %swap3A_234 = arith.constant 0 : i32
    %swap3A_235 = arith.index_cast %swap3A_234 : i32 to index
    %swap3A_236 = arith.constant 48 : index
    %swap3A_237 = tpu.vector_load %arg12[%swap3A_235, %swap3A_236] {strides = array<i32>} : memref<8x128xf32, #tpu.memory_space<vmem>>, vector<16xf32>,
    tpu.vector_store %arg12[%swap3A_235, %swap3A_236], %get3A_233 {strides = array<i32>} : memref<8x128xf32, #tpu.memory_space<vmem>>, vector<16xf32>,
    %get3A_238 = arith.constant 50240 : index
    %get3A_239 = tpu.vector_load %arg7[%get3A_238] {strides = array<i32>} : memref<51200xf32, #tpu.memory_space<vmem>>, vector<16xf32>,
    %swap3A_240 = arith.constant 0 : i32
    %swap3A_241 = arith.index_cast %swap3A_240 : i32 to index
    %swap3A_242 = arith.constant 64 : index
    %swap3A_243 = tpu.vector_load %arg12[%swap3A_241, %swap3A_242] {strides = array<i32>} : memref<8x128xf32, #tpu.memory_space<vmem>>, vector<16xf32>,
    tpu.vector_store %arg12[%swap3A_241, %swap3A_242], %get3A_239 {strides = array<i32>} : memref<8x128xf32, #tpu.memory_space<vmem>>, vector<16xf32>,
    %get3A_244 = arith.constant 50256 : index
    %get3A_245 = tpu.vector_load %arg7[%get3A_244] {strides = array<i32>} : memref<51200xf32, #tpu.memory_space<vmem>>, vector<16xf32>,
    %swap3A_246 = arith.constant 0 : i32
    %swap3A_247 = arith.index_cast %swap3A_246 : i32 to index
    %swap3A_248 = arith.constant 80 : index
    %swap3A_249 = tpu.vector_load %arg12[%swap3A_247, %swap3A_248] {strides = array<i32>} : memref<8x128xf32, #tpu.memory_space<vmem>>, vector<16xf32>,
    tpu.vector_store %arg12[%swap3A_247, %swap3A_248], %get3A_245 {strides = array<i32>} : memref<8x128xf32, #tpu.memory_space<vmem>>, vector<16xf32>,
    %get3A_250 = arith.constant 50272 : index
    %get3A_251 = tpu.vector_load %arg7[%get3A_250] {strides = array<i32>} : memref<51200xf32, #tpu.memory_space<vmem>>, vector<16xf32>,
    %swap3A_252 = arith.constant 0 : i32
    %swap3A_253 = arith.index_cast %swap3A_252 : i32 to index
    %swap3A_254 = arith.constant 96 : index
    %swap3A_255 = tpu.vector_load %arg12[%swap3A_253, %swap3A_254] {strides = array<i32>} : memref<8x128xf32, #tpu.memory_space<vmem>>, vector<16xf32>,
    tpu.vector_store %arg12[%swap3A_253, %swap3A_254], %get3A_251 {strides = array<i32>} : memref<8x128xf32, #tpu.memory_space<vmem>>, vector<16xf32>,
    %get3A_256 = arith.constant 50288 : index
    %get3A_257 = tpu.vector_load %arg7[%get3A_256] {strides = array<i32>} : memref<51200xf32, #tpu.memory_space<vmem>>, vector<16xf32>,
    %swap3A_258 = arith.constant 0 : i32
    %swap3A_259 = arith.index_cast %swap3A_258 : i32 to index
    %swap3A_260 = arith.constant 112 : index
    %swap3A_261 = tpu.vector_load %arg12[%swap3A_259, %swap3A_260] {strides = array<i32>} : memref<8x128xf32, #tpu.memory_space<vmem>>, vector<16xf32>,
    tpu.vector_store %arg12[%swap3A_259, %swap3A_260], %get3A_257 {strides = array<i32>} : memref<8x128xf32, #tpu.memory_space<vmem>>, vector<16xf32>,
    %add3A_262 = arith.constant 1 : i32
    %add3A_263 = arith.addi %mul3A_2, %add3A_262 : i32
    %shift_right_arithmetic3A_264 = arith.constant 4 : i32
    %shift_right_arithmetic3A_265 = arith.shrsi %add3A_263, %shift_right_arithmetic3A_264 : i32
    %and3A_266 = arith.constant 15 : i32
    %and3A_267 = arith.andi %add3A_263, %and3A_266 : i32
    %get3A_268 = arith.constant 1 : i32
    %get3A_269 = arith.index_cast %get3A_268 : i32 to index
    %get3A_270 = arith.constant 0 : index
    %get3A_271 = tpu.vector_load %arg11[%get3A_269, %get3A_270] {strides = array<i32>} : memref<8x128xf32, #tpu.memory_space<vmem>>, vector<16xf32>,
    %scan3A_272 = arith.constant 0 : i32
    %scan3A_273 = arith.constant 3144 : i32
    %scan3A_274 = arith.addi %scan3A_272, %scan3A_273 : i32
    %scan3A_275 = arith.constant 8 : i32
    scf.for %scan3A_1534 = %scan3A_272 to %scan3A_274 step %scan3A_275  : i32 {
      %mul3A_1535 = arith.constant 16 : i32
      %mul3A_1536 = arith.muli %scan3A_1534, %mul3A_1535 : i32
      %swap3A_1537 = arith.index_cast %mul3A_1536 : i32 to index
      %swap3A_1538 = tpu.vector_load %arg8[%swap3A_1537] {strides = array<i32>} : memref<51200xf32, #tpu.memory_space<vmem>>, vector<16xf32>,
      tpu.vector_store %arg8[%swap3A_1537], %get3A_271 {strides = array<i32>} : memref<51200xf32, #tpu.memory_space<vmem>>, vector<16xf32>,
      %scan3A_1539 = arith.constant 1 : i32
      %scan3A_1540 = arith.addi %scan3A_1534, %scan3A_1539 : i32
      %mul3A_1541 = arith.constant 16 : i32
      %mul3A_1542 = arith.muli %scan3A_1540, %mul3A_1541 : i32
      %swap3A_1543 = arith.index_cast %mul3A_1542 : i32 to index
      %swap3A_1544 = tpu.vector_load %arg8[%swap3A_1543] {strides = array<i32>} : memref<51200xf32, #tpu.memory_space<vmem>>, vector<16xf32>,
      tpu.vector_store %arg8[%swap3A_1543], %get3A_271 {strides = array<i32>} : memref<51200xf32, #tpu.memory_space<vmem>>, vector<16xf32>,
      %scan3A_1545 = arith.constant 2 : i32
      %scan3A_1546 = arith.addi %scan3A_1534, %scan3A_1545 : i32
      %mul3A_1547 = arith.constant 16 : i32
      %mul3A_1548 = arith.muli %scan3A_1546, %mul3A_1547 : i32
      %swap3A_1549 = arith.index_cast %mul3A_1548 : i32 to index
      %swap3A_1550 = tpu.vector_load %arg8[%swap3A_1549] {strides = array<i32>} : memref<51200xf32, #tpu.memory_space<vmem>>, vector<16xf32>,
      tpu.vector_store %arg8[%swap3A_1549], %get3A_271 {strides = array<i32>} : memref<51200xf32, #tpu.memory_space<vmem>>, vector<16xf32>,
      %scan3A_1551 = arith.constant 3 : i32
      %scan3A_1552 = arith.addi %scan3A_1534, %scan3A_1551 : i32
      %mul3A_1553 = arith.constant 16 : i32
      %mul3A_1554 = arith.muli %scan3A_1552, %mul3A_1553 : i32
      %swap3A_1555 = arith.index_cast %mul3A_1554 : i32 to index
      %swap3A_1556 = tpu.vector_load %arg8[%swap3A_1555] {strides = array<i32>} : memref<51200xf32, #tpu.memory_space<vmem>>, vector<16xf32>,
      tpu.vector_store %arg8[%swap3A_1555], %get3A_271 {strides = array<i32>} : memref<51200xf32, #tpu.memory_space<vmem>>, vector<16xf32>,
      %scan3A_1557 = arith.constant 4 : i32
      %scan3A_1558 = arith.addi %scan3A_1534, %scan3A_1557 : i32
      %mul3A_1559 = arith.constant 16 : i32
      %mul3A_1560 = arith.muli %scan3A_1558, %mul3A_1559 : i32
      %swap3A_1561 = arith.index_cast %mul3A_1560 : i32 to index
      %swap3A_1562 = tpu.vector_load %arg8[%swap3A_1561] {strides = array<i32>} : memref<51200xf32, #tpu.memory_space<vmem>>, vector<16xf32>,
      tpu.vector_store %arg8[%swap3A_1561], %get3A_271 {strides = array<i32>} : memref<51200xf32, #tpu.memory_space<vmem>>, vector<16xf32>,
      %scan3A_1563 = arith.constant 5 : i32
      %scan3A_1564 = arith.addi %scan3A_1534, %scan3A_1563 : i32
      %mul3A_1565 = arith.constant 16 : i32
      %mul3A_1566 = arith.muli %scan3A_1564, %mul3A_1565 : i32
      %swap3A_1567 = arith.index_cast %mul3A_1566 : i32 to index
      %swap3A_1568 = tpu.vector_load %arg8[%swap3A_1567] {strides = array<i32>} : memref<51200xf32, #tpu.memory_space<vmem>>, vector<16xf32>,
      tpu.vector_store %arg8[%swap3A_1567], %get3A_271 {strides = array<i32>} : memref<51200xf32, #tpu.memory_space<vmem>>, vector<16xf32>,
      %scan3A_1569 = arith.constant 6 : i32
      %scan3A_1570 = arith.addi %scan3A_1534, %scan3A_1569 : i32
      %mul3A_1571 = arith.constant 16 : i32
      %mul3A_1572 = arith.muli %scan3A_1570, %mul3A_1571 : i32
      %swap3A_1573 = arith.index_cast %mul3A_1572 : i32 to index
      %swap3A_1574 = tpu.vector_load %arg8[%swap3A_1573] {strides = array<i32>} : memref<51200xf32, #tpu.memory_space<vmem>>, vector<16xf32>,
      tpu.vector_store %arg8[%swap3A_1573], %get3A_271 {strides = array<i32>} : memref<51200xf32, #tpu.memory_space<vmem>>, vector<16xf32>,
      %scan3A_1575 = arith.constant 7 : i32
      %scan3A_1576 = arith.addi %scan3A_1534, %scan3A_1575 : i32
      %mul3A_1577 = arith.constant 16 : i32
      %mul3A_1578 = arith.muli %scan3A_1576, %mul3A_1577 : i32
      %swap3A_1579 = arith.index_cast %mul3A_1578 : i32 to index
      %swap3A_1580 = tpu.vector_load %arg8[%swap3A_1579] {strides = array<i32>} : memref<51200xf32, #tpu.memory_space<vmem>>, vector<16xf32>,
      tpu.vector_store %arg8[%swap3A_1579], %get3A_271 {strides = array<i32>} : memref<51200xf32, #tpu.memory_space<vmem>>, vector<16xf32>,
    }
    %scan3A_276 = arith.constant 3144 : i32
    %add3A_277 = arith.constant 1 : i32
    %add3A_278 = arith.addi %mul3A_2, %add3A_277 : i32
    %add3A_279 = arith.constant 1 : i32
    %add3A_280 = arith.addi %add3A_278, %add3A_279 : i32
    %mul3A_281 = arith.constant 4 : i32
    %mul3A_282 = arith.muli %add3A_280, %mul3A_281 : i32
    %dma_start3A_283 = arith.constant 2 : i32
    %dma_start3A_284 = arith.constant 2 : i32
    %dma_start3A_285 = arith.constant 0 : i32
    %dma_start3A_286 = arith.constant 0 : i32
    %dma_start3A_287 = arith.constant 0 : i32
    %dma_start3A_288 = tpu.memref_slice %arg9[%dma_start3A_283, %dma_start3A_285, %dma_start3A_286, %dma_start3A_287] : memref<4x4x8x128xi32, #tpu.memory_space<vmem>> -> memref<1x4x8x128xi32, #tpu.memory_space<vmem>>
    %dma_start3A_289 = tpu.memref_squeeze %dma_start3A_288 : memref<1x4x8x128xi32, #tpu.memory_space<vmem>> -> memref<4x8x128xi32, #tpu.memory_space<vmem>>
    %dma_start3A_290 = arith.constant 0 : i32
    %dma_start3A_291 = arith.constant 0 : i32
    %dma_start3A_292 = tpu.memref_slice %arg3[%mul3A_282, %dma_start3A_290, %dma_start3A_291] : memref<1024x8x128xi32, #tpu.memory_space<hbm>> -> memref<4x8x128xi32, #tpu.memory_space<hbm>>
    %dma_start3A_293 = tpu.memref_slice %arg15[%dma_start3A_284] : memref<4x!tpu.dma_semaphore, #tpu.memory_space<semaphore_mem>> -> memref<1x!tpu.dma_semaphore, #tpu.memory_space<semaphore_mem>>
    %dma_start3A_294 = tpu.memref_squeeze %dma_start3A_293 : memref<1x!tpu.dma_semaphore, #tpu.memory_space<semaphore_mem>> -> memref<!tpu.dma_semaphore, #tpu.memory_space<semaphore_mem>>
    %dma_start3A_295 = arith.constant 0 : i32
    %dma_start3A_296 = arith.constant 0 : i32
    %dma_start3A_297 = arith.constant 0 : i32
    %dma_start3A_298 = tpu.memref_slice %arg9[%dma_start3A_283, %dma_start3A_295, %dma_start3A_296, %dma_start3A_297] : memref<4x4x8x128xi32, #tpu.memory_space<vmem>> -> memref<1x4x8x128xi32, #tpu.memory_space<vmem>>
    %dma_start3A_299 = tpu.memref_squeeze %dma_start3A_298 : memref<1x4x8x128xi32, #tpu.memory_space<vmem>> -> memref<4x8x128xi32, #tpu.memory_space<vmem>>
    %dma_start3A_300 = arith.constant 0 : i32
    %dma_start3A_301 = arith.constant 0 : i32
    %dma_start3A_302 = tpu.memref_slice %arg3[%mul3A_282, %dma_start3A_300, %dma_start3A_301] : memref<1024x8x128xi32, #tpu.memory_space<hbm>> -> memref<4x8x128xi32, #tpu.memory_space<hbm>>
    tpu.enqueue_dma source(%dma_start3A_302 : memref<4x8x128xi32, #tpu.memory_space<hbm>>) target(%dma_start3A_299 : memref<4x8x128xi32, #tpu.memory_space<vmem>>) target_semaphore(%dma_start3A_294 : memref<!tpu.dma_semaphore, #tpu.memory_space<semaphore_mem>>)
    %add3A_303 = arith.constant 1 : i32
    %add3A_304 = arith.addi %mul3A_2, %add3A_303 : i32
    %add3A_305 = arith.constant 1 : i32
    %add3A_306 = arith.addi %add3A_304, %add3A_305 : i32
    %mul3A_307 = arith.constant 4 : i32
    %mul3A_308 = arith.muli %add3A_306, %mul3A_307 : i32
    %dma_start3A_309 = arith.constant 0 : i32
    %dma_start3A_310 = arith.constant 0 : i32
    %dma_start3A_311 = arith.constant 0 : i32
    %dma_start3A_312 = arith.constant 0 : i32
    %dma_start3A_313 = arith.constant 0 : i32
    %dma_start3A_314 = tpu.memref_slice %arg10[%dma_start3A_309, %dma_start3A_311, %dma_start3A_312, %dma_start3A_313] : memref<2x4x8x128xf32, #tpu.memory_space<vmem>> -> memref<1x4x8x128xf32, #tpu.memory_space<vmem>>
    %dma_start3A_315 = tpu.memref_squeeze %dma_start3A_314 : memref<1x4x8x128xf32, #tpu.memory_space<vmem>> -> memref<4x8x128xf32, #tpu.memory_space<vmem>>
    %dma_start3A_316 = arith.constant 0 : i32
    %dma_start3A_317 = arith.constant 0 : i32
    %dma_start3A_318 = tpu.memref_slice %arg2[%mul3A_308, %dma_start3A_316, %dma_start3A_317] : memref<1024x8x128xf32, #tpu.memory_space<hbm>> -> memref<4x8x128xf32, #tpu.memory_space<hbm>>
    %dma_start3A_319 = tpu.memref_slice %arg16[%dma_start3A_310] : memref<2x!tpu.dma_semaphore, #tpu.memory_space<semaphore_mem>> -> memref<1x!tpu.dma_semaphore, #tpu.memory_space<semaphore_mem>>
    %dma_start3A_320 = tpu.memref_squeeze %dma_start3A_319 : memref<1x!tpu.dma_semaphore, #tpu.memory_space<semaphore_mem>> -> memref<!tpu.dma_semaphore, #tpu.memory_space<semaphore_mem>>
    %dma_start3A_321 = arith.constant 0 : i32
    %dma_start3A_322 = arith.constant 0 : i32
    %dma_start3A_323 = arith.constant 0 : i32
    %dma_start3A_324 = tpu.memref_slice %arg10[%dma_start3A_309, %dma_start3A_321, %dma_start3A_322, %dma_start3A_323] : memref<2x4x8x128xf32, #tpu.memory_space<vmem>> -> memref<1x4x8x128xf32, #tpu.memory_space<vmem>>
    %dma_start3A_325 = tpu.memref_squeeze %dma_start3A_324 : memref<1x4x8x128xf32, #tpu.memory_space<vmem>> -> memref<4x8x128xf32, #tpu.memory_space<vmem>>
    %dma_start3A_326 = arith.constant 0 : i32
    %dma_start3A_327 = arith.constant 0 : i32
    %dma_start3A_328 = tpu.memref_slice %arg2[%mul3A_308, %dma_start3A_326, %dma_start3A_327] : memref<1024x8x128xf32, #tpu.memory_space<hbm>> -> memref<4x8x128xf32, #tpu.memory_space<hbm>>
    tpu.enqueue_dma source(%dma_start3A_328 : memref<4x8x128xf32, #tpu.memory_space<hbm>>) target(%dma_start3A_325 : memref<4x8x128xf32, #tpu.memory_space<vmem>>) target_semaphore(%dma_start3A_320 : memref<!tpu.dma_semaphore, #tpu.memory_space<semaphore_mem>>)
    %dma_wait3A_329 = arith.constant 1 : i32
    %dma_wait3A_330 = arith.constant 1 : i32
    %dma_wait3A_331 = arith.constant 0 : i32
    %dma_wait3A_332 = arith.constant 0 : i32
    %dma_wait3A_333 = arith.constant 0 : i32
    %dma_wait3A_334 = tpu.memref_slice %arg9[%dma_wait3A_329, %dma_wait3A_331, %dma_wait3A_332, %dma_wait3A_333] : memref<4x4x8x128xi32, #tpu.memory_space<vmem>> -> memref<1x4x8x128xi32, #tpu.memory_space<vmem>>
    %dma_wait3A_335 = tpu.memref_squeeze %dma_wait3A_334 : memref<1x4x8x128xi32, #tpu.memory_space<vmem>> -> memref<4x8x128xi32, #tpu.memory_space<vmem>>
    %dma_wait3A_336 = arith.constant 0 : i32
    %dma_wait3A_337 = arith.constant 0 : i32
    %dma_wait3A_338 = tpu.memref_slice %arg3[%mul3A_114, %dma_wait3A_336, %dma_wait3A_337] : memref<1024x8x128xi32, #tpu.memory_space<hbm>> -> memref<4x8x128xi32, #tpu.memory_space<hbm>>
    %dma_wait3A_339 = tpu.memref_slice %arg15[%dma_wait3A_330] : memref<4x!tpu.dma_semaphore, #tpu.memory_space<semaphore_mem>> -> memref<1x!tpu.dma_semaphore, #tpu.memory_space<semaphore_mem>>
    %dma_wait3A_340 = tpu.memref_squeeze %dma_wait3A_339 : memref<1x!tpu.dma_semaphore, #tpu.memory_space<semaphore_mem>> -> memref<!tpu.dma_semaphore, #tpu.memory_space<semaphore_mem>>
    %dma_wait3A_341 = arith.constant 0 : i32
    %dma_wait3A_342 = arith.constant 0 : i32
    %dma_wait3A_343 = arith.constant 0 : i32
    %dma_wait3A_344 = tpu.memref_slice %arg9[%dma_wait3A_329, %dma_wait3A_341, %dma_wait3A_342, %dma_wait3A_343] : memref<4x4x8x128xi32, #tpu.memory_space<vmem>> -> memref<1x4x8x128xi32, #tpu.memory_space<vmem>>
    %dma_wait3A_345 = tpu.memref_squeeze %dma_wait3A_344 : memref<1x4x8x128xi32, #tpu.memory_space<vmem>> -> memref<4x8x128xi32, #tpu.memory_space<vmem>>
    %dma_wait3A_346 = arith.constant 0 : i32
    %dma_wait3A_347 = arith.constant 0 : i32
    %dma_wait3A_348 = tpu.memref_slice %arg3[%mul3A_114, %dma_wait3A_346, %dma_wait3A_347] : memref<1024x8x128xi32, #tpu.memory_space<hbm>> -> memref<4x8x128xi32, #tpu.memory_space<hbm>>
    tpu.wait_dma2 semaphore(%dma_wait3A_340 : memref<!tpu.dma_semaphore, #tpu.memory_space<semaphore_mem>>) src(%dma_wait3A_348 : memref<4x8x128xi32, #tpu.memory_space<hbm>>) dst(%dma_wait3A_345 : memref<4x8x128xi32, #tpu.memory_space<vmem>>)
    %dma_wait3A_349 = arith.constant 1 : i32
    %dma_wait3A_350 = arith.constant 1 : i32
    %dma_wait3A_351 = arith.constant 0 : i32
    %dma_wait3A_352 = arith.constant 0 : i32
    %dma_wait3A_353 = arith.constant 0 : i32
    %dma_wait3A_354 = tpu.memref_slice %arg10[%dma_wait3A_349, %dma_wait3A_351, %dma_wait3A_352, %dma_wait3A_353] : memref<2x4x8x128xf32, #tpu.memory_space<vmem>> -> memref<1x4x8x128xf32, #tpu.memory_space<vmem>>
    %dma_wait3A_355 = tpu.memref_squeeze %dma_wait3A_354 : memref<1x4x8x128xf32, #tpu.memory_space<vmem>> -> memref<4x8x128xf32, #tpu.memory_space<vmem>>
    %dma_wait3A_356 = arith.constant 0 : i32
    %dma_wait3A_357 = arith.constant 0 : i32
    %dma_wait3A_358 = tpu.memref_slice %arg2[%mul3A_140, %dma_wait3A_356, %dma_wait3A_357] : memref<1024x8x128xf32, #tpu.memory_space<hbm>> -> memref<4x8x128xf32, #tpu.memory_space<hbm>>
    %dma_wait3A_359 = tpu.memref_slice %arg16[%dma_wait3A_350] : memref<2x!tpu.dma_semaphore, #tpu.memory_space<semaphore_mem>> -> memref<1x!tpu.dma_semaphore, #tpu.memory_space<semaphore_mem>>
    %dma_wait3A_360 = tpu.memref_squeeze %dma_wait3A_359 : memref<1x!tpu.dma_semaphore, #tpu.memory_space<semaphore_mem>> -> memref<!tpu.dma_semaphore, #tpu.memory_space<semaphore_mem>>
    %dma_wait3A_361 = arith.constant 0 : i32
    %dma_wait3A_362 = arith.constant 0 : i32
    %dma_wait3A_363 = arith.constant 0 : i32
    %dma_wait3A_364 = tpu.memref_slice %arg10[%dma_wait3A_349, %dma_wait3A_361, %dma_wait3A_362, %dma_wait3A_363] : memref<2x4x8x128xf32, #tpu.memory_space<vmem>> -> memref<1x4x8x128xf32, #tpu.memory_space<vmem>>
    %dma_wait3A_365 = tpu.memref_squeeze %dma_wait3A_364 : memref<1x4x8x128xf32, #tpu.memory_space<vmem>> -> memref<4x8x128xf32, #tpu.memory_space<vmem>>
    %dma_wait3A_366 = arith.constant 0 : i32
    %dma_wait3A_367 = arith.constant 0 : i32
    %dma_wait3A_368 = tpu.memref_slice %arg2[%mul3A_140, %dma_wait3A_366, %dma_wait3A_367] : memref<1024x8x128xf32, #tpu.memory_space<hbm>> -> memref<4x8x128xf32, #tpu.memory_space<hbm>>
    tpu.wait_dma2 semaphore(%dma_wait3A_360 : memref<!tpu.dma_semaphore, #tpu.memory_space<semaphore_mem>>) src(%dma_wait3A_368 : memref<4x8x128xf32, #tpu.memory_space<hbm>>) dst(%dma_wait3A_365 : memref<4x8x128xf32, #tpu.memory_space<vmem>>)
    %scan3A_369 = arith.constant 0 : i32
    %scan3A_370 = arith.constant 256 : i32
    %scan3A_371 = arith.addi %scan3A_369, %scan3A_370 : i32
    %scan3A_372 = arith.constant 8 : i32
    scf.for %scan3A_1534 = %scan3A_369 to %scan3A_371 step %scan3A_372  : i32 {
      %shift_right_arithmetic3A_1535 = arith.constant 6 : i32
      %shift_right_arithmetic3A_1536 = arith.shrsi %scan3A_1534, %shift_right_arithmetic3A_1535 : i32
      %shift_right_arithmetic3A_1537 = arith.constant 3 : i32
      %shift_right_arithmetic3A_1538 = arith.shrsi %scan3A_1534, %shift_right_arithmetic3A_1537 : i32
      %and3A_1539 = arith.constant 7 : i32
      %and3A_1540 = arith.andi %shift_right_arithmetic3A_1538, %and3A_1539 : i32
      %and3A_1541 = arith.constant 7 : i32
      %and3A_1542 = arith.andi %scan3A_1534, %and3A_1541 : i32
      %mul3A_1543 = arith.constant 16 : i32
      %mul3A_1544 = arith.muli %and3A_1542, %mul3A_1543 : i32
      %get3A_1545 = arith.constant 1 : i32
      %get3A_1546 = arith.index_cast %get3A_1545 : i32 to index
      %get3A_1547 = arith.index_cast %shift_right_arithmetic3A_1536 : i32 to index
      %get3A_1548 = arith.index_cast %and3A_1540 : i32 to index
      %get3A_1549 = arith.index_cast %mul3A_1544 : i32 to index
      %get3A_1550 = tpu.vector_load %arg9[%get3A_1546, %get3A_1547, %get3A_1548, %get3A_1549] {strides = array<i32>} : memref<4x4x8x128xi32, #tpu.memory_space<vmem>>, vector<16xi32>,
      %get3A_1551 = arith.constant 1 : i32
      %get3A_1552 = arith.index_cast %get3A_1551 : i32 to index
      %get3A_1553 = arith.index_cast %shift_right_arithmetic3A_1536 : i32 to index
      %get3A_1554 = arith.index_cast %and3A_1540 : i32 to index
      %get3A_1555 = arith.index_cast %mul3A_1544 : i32 to index
      %get3A_1556 = tpu.vector_load %arg10[%get3A_1552, %get3A_1553, %get3A_1554, %get3A_1555] {strides = array<i32>} : memref<2x4x8x128xf32, #tpu.memory_space<vmem>>, vector<16xf32>,
      tpu.vector_store_idx %arg8[%get3A_1550], %get3A_1556 : memref<51200xf32, #tpu.memory_space<vmem>>[vector<16xi32>], vector<16xf32>,
      %scan3A_1557 = arith.constant 1 : i32
      %scan3A_1558 = arith.addi %scan3A_1534, %scan3A_1557 : i32
      %shift_right_arithmetic3A_1559 = arith.constant 6 : i32
      %shift_right_arithmetic3A_1560 = arith.shrsi %scan3A_1558, %shift_right_arithmetic3A_1559 : i32
      %shift_right_arithmetic3A_1561 = arith.constant 3 : i32
      %shift_right_arithmetic3A_1562 = arith.shrsi %scan3A_1558, %shift_right_arithmetic3A_1561 : i32
      %and3A_1563 = arith.constant 7 : i32
      %and3A_1564 = arith.andi %shift_right_arithmetic3A_1562, %and3A_1563 : i32
      %and3A_1565 = arith.constant 7 : i32
      %and3A_1566 = arith.andi %scan3A_1558, %and3A_1565 : i32
      %mul3A_1567 = arith.constant 16 : i32
      %mul3A_1568 = arith.muli %and3A_1566, %mul3A_1567 : i32
      %get3A_1569 = arith.constant 1 : i32
      %get3A_1570 = arith.index_cast %get3A_1569 : i32 to index
      %get3A_1571 = arith.index_cast %shift_right_arithmetic3A_1560 : i32 to index
      %get3A_1572 = arith.index_cast %and3A_1564 : i32 to index
      %get3A_1573 = arith.index_cast %mul3A_1568 : i32 to index
      %get3A_1574 = tpu.vector_load %arg9[%get3A_1570, %get3A_1571, %get3A_1572, %get3A_1573] {strides = array<i32>} : memref<4x4x8x128xi32, #tpu.memory_space<vmem>>, vector<16xi32>,
      %get3A_1575 = arith.constant 1 : i32
      %get3A_1576 = arith.index_cast %get3A_1575 : i32 to index
      %get3A_1577 = arith.index_cast %shift_right_arithmetic3A_1560 : i32 to index
      %get3A_1578 = arith.index_cast %and3A_1564 : i32 to index
      %get3A_1579 = arith.index_cast %mul3A_1568 : i32 to index
      %get3A_1580 = tpu.vector_load %arg10[%get3A_1576, %get3A_1577, %get3A_1578, %get3A_1579] {strides = array<i32>} : memref<2x4x8x128xf32, #tpu.memory_space<vmem>>, vector<16xf32>,
      tpu.vector_store_idx %arg8[%get3A_1574], %get3A_1580 : memref<51200xf32, #tpu.memory_space<vmem>>[vector<16xi32>], vector<16xf32>,
      %scan3A_1581 = arith.constant 2 : i32
      %scan3A_1582 = arith.addi %scan3A_1534, %scan3A_1581 : i32
      %shift_right_arithmetic3A_1583 = arith.constant 6 : i32
      %shift_right_arithmetic3A_1584 = arith.shrsi %scan3A_1582, %shift_right_arithmetic3A_1583 : i32
      %shift_right_arithmetic3A_1585 = arith.constant 3 : i32
      %shift_right_arithmetic3A_1586 = arith.shrsi %scan3A_1582, %shift_right_arithmetic3A_1585 : i32
      %and3A_1587 = arith.constant 7 : i32
      %and3A_1588 = arith.andi %shift_right_arithmetic3A_1586, %and3A_1587 : i32
      %and3A_1589 = arith.constant 7 : i32
      %and3A_1590 = arith.andi %scan3A_1582, %and3A_1589 : i32
      %mul3A_1591 = arith.constant 16 : i32
      %mul3A_1592 = arith.muli %and3A_1590, %mul3A_1591 : i32
      %get3A_1593 = arith.constant 1 : i32
      %get3A_1594 = arith.index_cast %get3A_1593 : i32 to index
      %get3A_1595 = arith.index_cast %shift_right_arithmetic3A_1584 : i32 to index
      %get3A_1596 = arith.index_cast %and3A_1588 : i32 to index
      %get3A_1597 = arith.index_cast %mul3A_1592 : i32 to index
      %get3A_1598 = tpu.vector_load %arg9[%get3A_1594, %get3A_1595, %get3A_1596, %get3A_1597] {strides = array<i32>} : memref<4x4x8x128xi32, #tpu.memory_space<vmem>>, vector<16xi32>,
      %get3A_1599 = arith.constant 1 : i32
      %get3A_1600 = arith.index_cast %get3A_1599 : i32 to index
      %get3A_1601 = arith.index_cast %shift_right_arithmetic3A_1584 : i32 to index
      %get3A_1602 = arith.index_cast %and3A_1588 : i32 to index
      %get3A_1603 = arith.index_cast %mul3A_1592 : i32 to index
      %get3A_1604 = tpu.vector_load %arg10[%get3A_1600, %get3A_1601, %get3A_1602, %get3A_1603] {strides = array<i32>} : memref<2x4x8x128xf32, #tpu.memory_space<vmem>>, vector<16xf32>,
      tpu.vector_store_idx %arg8[%get3A_1598], %get3A_1604 : memref<51200xf32, #tpu.memory_space<vmem>>[vector<16xi32>], vector<16xf32>,
      %scan3A_1605 = arith.constant 3 : i32
      %scan3A_1606 = arith.addi %scan3A_1534, %scan3A_1605 : i32
      %shift_right_arithmetic3A_1607 = arith.constant 6 : i32
      %shift_right_arithmetic3A_1608 = arith.shrsi %scan3A_1606, %shift_right_arithmetic3A_1607 : i32
      %shift_right_arithmetic3A_1609 = arith.constant 3 : i32
      %shift_right_arithmetic3A_1610 = arith.shrsi %scan3A_1606, %shift_right_arithmetic3A_1609 : i32
      %and3A_1611 = arith.constant 7 : i32
      %and3A_1612 = arith.andi %shift_right_arithmetic3A_1610, %and3A_1611 : i32
      %and3A_1613 = arith.constant 7 : i32
      %and3A_1614 = arith.andi %scan3A_1606, %and3A_1613 : i32
      %mul3A_1615 = arith.constant 16 : i32
      %mul3A_1616 = arith.muli %and3A_1614, %mul3A_1615 : i32
      %get3A_1617 = arith.constant 1 : i32
      %get3A_1618 = arith.index_cast %get3A_1617 : i32 to index
      %get3A_1619 = arith.index_cast %shift_right_arithmetic3A_1608 : i32 to index
      %get3A_1620 = arith.index_cast %and3A_1612 : i32 to index
      %get3A_1621 = arith.index_cast %mul3A_1616 : i32 to index
      %get3A_1622 = tpu.vector_load %arg9[%get3A_1618, %get3A_1619, %get3A_1620, %get3A_1621] {strides = array<i32>} : memref<4x4x8x128xi32, #tpu.memory_space<vmem>>, vector<16xi32>,
      %get3A_1623 = arith.constant 1 : i32
      %get3A_1624 = arith.index_cast %get3A_1623 : i32 to index
      %get3A_1625 = arith.index_cast %shift_right_arithmetic3A_1608 : i32 to index
      %get3A_1626 = arith.index_cast %and3A_1612 : i32 to index
      %get3A_1627 = arith.index_cast %mul3A_1616 : i32 to index
      %get3A_1628 = tpu.vector_load %arg10[%get3A_1624, %get3A_1625, %get3A_1626, %get3A_1627] {strides = array<i32>} : memref<2x4x8x128xf32, #tpu.memory_space<vmem>>, vector<16xf32>,
      tpu.vector_store_idx %arg8[%get3A_1622], %get3A_1628 : memref<51200xf32, #tpu.memory_space<vmem>>[vector<16xi32>], vector<16xf32>,
      %scan3A_1629 = arith.constant 4 : i32
      %scan3A_1630 = arith.addi %scan3A_1534, %scan3A_1629 : i32
      %shift_right_arithmetic3A_1631 = arith.constant 6 : i32
      %shift_right_arithmetic3A_1632 = arith.shrsi %scan3A_1630, %shift_right_arithmetic3A_1631 : i32
      %shift_right_arithmetic3A_1633 = arith.constant 3 : i32
      %shift_right_arithmetic3A_1634 = arith.shrsi %scan3A_1630, %shift_right_arithmetic3A_1633 : i32
      %and3A_1635 = arith.constant 7 : i32
      %and3A_1636 = arith.andi %shift_right_arithmetic3A_1634, %and3A_1635 : i32
      %and3A_1637 = arith.constant 7 : i32
      %and3A_1638 = arith.andi %scan3A_1630, %and3A_1637 : i32
      %mul3A_1639 = arith.constant 16 : i32
      %mul3A_1640 = arith.muli %and3A_1638, %mul3A_1639 : i32
      %get3A_1641 = arith.constant 1 : i32
      %get3A_1642 = arith.index_cast %get3A_1641 : i32 to index
      %get3A_1643 = arith.index_cast %shift_right_arithmetic3A_1632 : i32 to index
      %get3A_1644 = arith.index_cast %and3A_1636 : i32 to index
      %get3A_1645 = arith.index_cast %mul3A_1640 : i32 to index
      %get3A_1646 = tpu.vector_load %arg9[%get3A_1642, %get3A_1643, %get3A_1644, %get3A_1645] {strides = array<i32>} : memref<4x4x8x128xi32, #tpu.memory_space<vmem>>, vector<16xi32>,
      %get3A_1647 = arith.constant 1 : i32
      %get3A_1648 = arith.index_cast %get3A_1647 : i32 to index
      %get3A_1649 = arith.index_cast %shift_right_arithmetic3A_1632 : i32 to index
      %get3A_1650 = arith.index_cast %and3A_1636 : i32 to index
      %get3A_1651 = arith.index_cast %mul3A_1640 : i32 to index
      %get3A_1652 = tpu.vector_load %arg10[%get3A_1648, %get3A_1649, %get3A_1650, %get3A_1651] {strides = array<i32>} : memref<2x4x8x128xf32, #tpu.memory_space<vmem>>, vector<16xf32>,
      tpu.vector_store_idx %arg8[%get3A_1646], %get3A_1652 : memref<51200xf32, #tpu.memory_space<vmem>>[vector<16xi32>], vector<16xf32>,
      %scan3A_1653 = arith.constant 5 : i32
      %scan3A_1654 = arith.addi %scan3A_1534, %scan3A_1653 : i32
      %shift_right_arithmetic3A_1655 = arith.constant 6 : i32
      %shift_right_arithmetic3A_1656 = arith.shrsi %scan3A_1654, %shift_right_arithmetic3A_1655 : i32
      %shift_right_arithmetic3A_1657 = arith.constant 3 : i32
      %shift_right_arithmetic3A_1658 = arith.shrsi %scan3A_1654, %shift_right_arithmetic3A_1657 : i32
      %and3A_1659 = arith.constant 7 : i32
      %and3A_1660 = arith.andi %shift_right_arithmetic3A_1658, %and3A_1659 : i32
      %and3A_1661 = arith.constant 7 : i32
      %and3A_1662 = arith.andi %scan3A_1654, %and3A_1661 : i32
      %mul3A_1663 = arith.constant 16 : i32
      %mul3A_1664 = arith.muli %and3A_1662, %mul3A_1663 : i32
      %get3A_1665 = arith.constant 1 : i32
      %get3A_1666 = arith.index_cast %get3A_1665 : i32 to index
      %get3A_1667 = arith.index_cast %shift_right_arithmetic3A_1656 : i32 to index
      %get3A_1668 = arith.index_cast %and3A_1660 : i32 to index
      %get3A_1669 = arith.index_cast %mul3A_1664 : i32 to index
      %get3A_1670 = tpu.vector_load %arg9[%get3A_1666, %get3A_1667, %get3A_1668, %get3A_1669] {strides = array<i32>} : memref<4x4x8x128xi32, #tpu.memory_space<vmem>>, vector<16xi32>,
      %get3A_1671 = arith.constant 1 : i32
      %get3A_1672 = arith.index_cast %get3A_1671 : i32 to index
      %get3A_1673 = arith.index_cast %shift_right_arithmetic3A_1656 : i32 to index
      %get3A_1674 = arith.index_cast %and3A_1660 : i32 to index
      %get3A_1675 = arith.index_cast %mul3A_1664 : i32 to index
      %get3A_1676 = tpu.vector_load %arg10[%get3A_1672, %get3A_1673, %get3A_1674, %get3A_1675] {strides = array<i32>} : memref<2x4x8x128xf32, #tpu.memory_space<vmem>>, vector<16xf32>,
      tpu.vector_store_idx %arg8[%get3A_1670], %get3A_1676 : memref<51200xf32, #tpu.memory_space<vmem>>[vector<16xi32>], vector<16xf32>,
      %scan3A_1677 = arith.constant 6 : i32
      %scan3A_1678 = arith.addi %scan3A_1534, %scan3A_1677 : i32
      %shift_right_arithmetic3A_1679 = arith.constant 6 : i32
      %shift_right_arithmetic3A_1680 = arith.shrsi %scan3A_1678, %shift_right_arithmetic3A_1679 : i32
      %shift_right_arithmetic3A_1681 = arith.constant 3 : i32
      %shift_right_arithmetic3A_1682 = arith.shrsi %scan3A_1678, %shift_right_arithmetic3A_1681 : i32
      %and3A_1683 = arith.constant 7 : i32
      %and3A_1684 = arith.andi %shift_right_arithmetic3A_1682, %and3A_1683 : i32
      %and3A_1685 = arith.constant 7 : i32
      %and3A_1686 = arith.andi %scan3A_1678, %and3A_1685 : i32
      %mul3A_1687 = arith.constant 16 : i32
      %mul3A_1688 = arith.muli %and3A_1686, %mul3A_1687 : i32
      %get3A_1689 = arith.constant 1 : i32
      %get3A_1690 = arith.index_cast %get3A_1689 : i32 to index
      %get3A_1691 = arith.index_cast %shift_right_arithmetic3A_1680 : i32 to index
      %get3A_1692 = arith.index_cast %and3A_1684 : i32 to index
      %get3A_1693 = arith.index_cast %mul3A_1688 : i32 to index
      %get3A_1694 = tpu.vector_load %arg9[%get3A_1690, %get3A_1691, %get3A_1692, %get3A_1693] {strides = array<i32>} : memref<4x4x8x128xi32, #tpu.memory_space<vmem>>, vector<16xi32>,
      %get3A_1695 = arith.constant 1 : i32
      %get3A_1696 = arith.index_cast %get3A_1695 : i32 to index
      %get3A_1697 = arith.index_cast %shift_right_arithmetic3A_1680 : i32 to index
      %get3A_1698 = arith.index_cast %and3A_1684 : i32 to index
      %get3A_1699 = arith.index_cast %mul3A_1688 : i32 to index
      %get3A_1700 = tpu.vector_load %arg10[%get3A_1696, %get3A_1697, %get3A_1698, %get3A_1699] {strides = array<i32>} : memref<2x4x8x128xf32, #tpu.memory_space<vmem>>, vector<16xf32>,
      tpu.vector_store_idx %arg8[%get3A_1694], %get3A_1700 : memref<51200xf32, #tpu.memory_space<vmem>>[vector<16xi32>], vector<16xf32>,
      %scan3A_1701 = arith.constant 7 : i32
      %scan3A_1702 = arith.addi %scan3A_1534, %scan3A_1701 : i32
      %shift_right_arithmetic3A_1703 = arith.constant 6 : i32
      %shift_right_arithmetic3A_1704 = arith.shrsi %scan3A_1702, %shift_right_arithmetic3A_1703 : i32
      %shift_right_arithmetic3A_1705 = arith.constant 3 : i32
      %shift_right_arithmetic3A_1706 = arith.shrsi %scan3A_1702, %shift_right_arithmetic3A_1705 : i32
      %and3A_1707 = arith.constant 7 : i32
      %and3A_1708 = arith.andi %shift_right_arithmetic3A_1706, %and3A_1707 : i32
      %and3A_1709 = arith.constant 7 : i32
      %and3A_1710 = arith.andi %scan3A_1702, %and3A_1709 : i32
      %mul3A_1711 = arith.constant 16 : i32
      %mul3A_1712 = arith.muli %and3A_1710, %mul3A_1711 : i32
      %get3A_1713 = arith.constant 1 : i32
      %get3A_1714 = arith.index_cast %get3A_1713 : i32 to index
      %get3A_1715 = arith.index_cast %shift_right_arithmetic3A_1704 : i32 to index
      %get3A_1716 = arith.index_cast %and3A_1708 : i32 to index
      %get3A_1717 = arith.index_cast %mul3A_1712 : i32 to index
      %get3A_1718 = tpu.vector_load %arg9[%get3A_1714, %get3A_1715, %get3A_1716, %get3A_1717] {strides = array<i32>} : memref<4x4x8x128xi32, #tpu.memory_space<vmem>>, vector<16xi32>,
      %get3A_1719 = arith.constant 1 : i32
      %get3A_1720 = arith.index_cast %get3A_1719 : i32 to index
      %get3A_1721 = arith.index_cast %shift_right_arithmetic3A_1704 : i32 to index
      %get3A_1722 = arith.index_cast %and3A_1708 : i32 to index
      %get3A_1723 = arith.index_cast %mul3A_1712 : i32 to index
      %get3A_1724 = tpu.vector_load %arg10[%get3A_1720, %get3A_1721, %get3A_1722, %get3A_1723] {strides = array<i32>} : memref<2x4x8x128xf32, #tpu.memory_space<vmem>>, vector<16xf32>,
      tpu.vector_store_idx %arg8[%get3A_1718], %get3A_1724 : memref<51200xf32, #tpu.memory_space<vmem>>[vector<16xi32>], vector<16xf32>,
    }
    %scan3A_373 = arith.constant 256 : i32
    %dma_start3A_374 = arith.constant 0 : i32
    %dma_start3A_375 = tpu.memref_slice %arg8[%dma_start3A_374] : memref<51200xf32, #tpu.memory_space<vmem>> -> memref<50176xf32, #tpu.memory_space<vmem>>
    %dma_start3A_376 = arith.constant 0 : i32
    %dma_start3A_377 = tpu.memref_slice %arg5[%shift_right_arithmetic3A_265, %and3A_267, %dma_start3A_376] : memref<16x16x50257xf32, #tpu.memory_space<hbm>> -> memref<1x1x50176xf32, #tpu.memory_space<hbm>>
    %dma_start3A_378 = tpu.memref_squeeze %dma_start3A_377 : memref<1x1x50176xf32, #tpu.memory_space<hbm>> -> memref<50176xf32, #tpu.memory_space<hbm>>
    %dma_start3A_379 = arith.constant 0 : i32
    %dma_start3A_380 = tpu.memref_slice %arg5[%shift_right_arithmetic3A_265, %and3A_267, %dma_start3A_379] : memref<16x16x50257xf32, #tpu.memory_space<hbm>> -> memref<1x1x50176xf32, #tpu.memory_space<hbm>>
    %dma_start3A_381 = tpu.memref_squeeze %dma_start3A_380 : memref<1x1x50176xf32, #tpu.memory_space<hbm>> -> memref<50176xf32, #tpu.memory_space<hbm>>
    %dma_start3A_382 = arith.constant 0 : i32
    %dma_start3A_383 = tpu.memref_slice %arg8[%dma_start3A_382] : memref<51200xf32, #tpu.memory_space<vmem>> -> memref<50176xf32, #tpu.memory_space<vmem>>
    tpu.enqueue_dma source(%dma_start3A_383 : memref<50176xf32, #tpu.memory_space<vmem>>) target(%dma_start3A_381 : memref<50176xf32, #tpu.memory_space<hbm>>) target_semaphore(%arg14 : memref<!tpu.dma_semaphore, #tpu.memory_space<semaphore_mem>>)
    %get3A_384 = arith.constant 50176 : index
    %get3A_385 = tpu.vector_load %arg8[%get3A_384] {strides = array<i32>} : memref<51200xf32, #tpu.memory_space<vmem>>, vector<16xf32>,
    %swap3A_386 = arith.constant 1 : i32
    %swap3A_387 = arith.index_cast %swap3A_386 : i32 to index
    %swap3A_388 = arith.constant 0 : index
    %swap3A_389 = tpu.vector_load %arg12[%swap3A_387, %swap3A_388] {strides = array<i32>} : memref<8x128xf32, #tpu.memory_space<vmem>>, vector<16xf32>,
    tpu.vector_store %arg12[%swap3A_387, %swap3A_388], %get3A_385 {strides = array<i32>} : memref<8x128xf32, #tpu.memory_space<vmem>>, vector<16xf32>,
    %get3A_390 = arith.constant 50192 : index
    %get3A_391 = tpu.vector_load %arg8[%get3A_390] {strides = array<i32>} : memref<51200xf32, #tpu.memory_space<vmem>>, vector<16xf32>,
    %swap3A_392 = arith.constant 1 : i32
    %swap3A_393 = arith.index_cast %swap3A_392 : i32 to index
    %swap3A_394 = arith.constant 16 : index
    %swap3A_395 = tpu.vector_load %arg12[%swap3A_393, %swap3A_394] {strides = array<i32>} : memref<8x128xf32, #tpu.memory_space<vmem>>, vector<16xf32>,
    tpu.vector_store %arg12[%swap3A_393, %swap3A_394], %get3A_391 {strides = array<i32>} : memref<8x128xf32, #tpu.memory_space<vmem>>, vector<16xf32>,
    %get3A_396 = arith.constant 50208 : index
    %get3A_397 = tpu.vector_load %arg8[%get3A_396] {strides = array<i32>} : memref<51200xf32, #tpu.memory_space<vmem>>, vector<16xf32>,
    %swap3A_398 = arith.constant 1 : i32
    %swap3A_399 = arith.index_cast %swap3A_398 : i32 to index
    %swap3A_400 = arith.constant 32 : index
    %swap3A_401 = tpu.vector_load %arg12[%swap3A_399, %swap3A_400] {strides = array<i32>} : memref<8x128xf32, #tpu.memory_space<vmem>>, vector<16xf32>,
    tpu.vector_store %arg12[%swap3A_399, %swap3A_400], %get3A_397 {strides = array<i32>} : memref<8x128xf32, #tpu.memory_space<vmem>>, vector<16xf32>,
    %get3A_402 = arith.constant 50224 : index
    %get3A_403 = tpu.vector_load %arg8[%get3A_402] {strides = array<i32>} : memref<51200xf32, #tpu.memory_space<vmem>>, vector<16xf32>,
    %swap3A_404 = arith.constant 1 : i32
    %swap3A_405 = arith.index_cast %swap3A_404 : i32 to index
    %swap3A_406 = arith.constant 48 : index
    %swap3A_407 = tpu.vector_load %arg12[%swap3A_405, %swap3A_406] {strides = array<i32>} : memref<8x128xf32, #tpu.memory_space<vmem>>, vector<16xf32>,
    tpu.vector_store %arg12[%swap3A_405, %swap3A_406], %get3A_403 {strides = array<i32>} : memref<8x128xf32, #tpu.memory_space<vmem>>, vector<16xf32>,
    %get3A_408 = arith.constant 50240 : index
    %get3A_409 = tpu.vector_load %arg8[%get3A_408] {strides = array<i32>} : memref<51200xf32, #tpu.memory_space<vmem>>, vector<16xf32>,
    %swap3A_410 = arith.constant 1 : i32
    %swap3A_411 = arith.index_cast %swap3A_410 : i32 to index
    %swap3A_412 = arith.constant 64 : index
    %swap3A_413 = tpu.vector_load %arg12[%swap3A_411, %swap3A_412] {strides = array<i32>} : memref<8x128xf32, #tpu.memory_space<vmem>>, vector<16xf32>,
    tpu.vector_store %arg12[%swap3A_411, %swap3A_412], %get3A_409 {strides = array<i32>} : memref<8x128xf32, #tpu.memory_space<vmem>>, vector<16xf32>,
    %get3A_414 = arith.constant 50256 : index
    %get3A_415 = tpu.vector_load %arg8[%get3A_414] {strides = array<i32>} : memref<51200xf32, #tpu.memory_space<vmem>>, vector<16xf32>,
    %swap3A_416 = arith.constant 1 : i32
    %swap3A_417 = arith.index_cast %swap3A_416 : i32 to index
    %swap3A_418 = arith.constant 80 : index
    %swap3A_419 = tpu.vector_load %arg12[%swap3A_417, %swap3A_418] {strides = array<i32>} : memref<8x128xf32, #tpu.memory_space<vmem>>, vector<16xf32>,
    tpu.vector_store %arg12[%swap3A_417, %swap3A_418], %get3A_415 {strides = array<i32>} : memref<8x128xf32, #tpu.memory_space<vmem>>, vector<16xf32>,
    %get3A_420 = arith.constant 50272 : index
    %get3A_421 = tpu.vector_load %arg8[%get3A_420] {strides = array<i32>} : memref<51200xf32, #tpu.memory_space<vmem>>, vector<16xf32>,
    %swap3A_422 = arith.constant 1 : i32
    %swap3A_423 = arith.index_cast %swap3A_422 : i32 to index
    %swap3A_424 = arith.constant 96 : index
    %swap3A_425 = tpu.vector_load %arg12[%swap3A_423, %swap3A_424] {strides = array<i32>} : memref<8x128xf32, #tpu.memory_space<vmem>>, vector<16xf32>,
    tpu.vector_store %arg12[%swap3A_423, %swap3A_424], %get3A_421 {strides = array<i32>} : memref<8x128xf32, #tpu.memory_space<vmem>>, vector<16xf32>,
    %get3A_426 = arith.constant 50288 : index
    %get3A_427 = tpu.vector_load %arg8[%get3A_426] {strides = array<i32>} : memref<51200xf32, #tpu.memory_space<vmem>>, vector<16xf32>,
    %swap3A_428 = arith.constant 1 : i32
    %swap3A_429 = arith.index_cast %swap3A_428 : i32 to index
    %swap3A_430 = arith.constant 112 : index
    %swap3A_431 = tpu.vector_load %arg12[%swap3A_429, %swap3A_430] {strides = array<i32>} : memref<8x128xf32, #tpu.memory_space<vmem>>, vector<16xf32>,
    tpu.vector_store %arg12[%swap3A_429, %swap3A_430], %get3A_427 {strides = array<i32>} : memref<8x128xf32, #tpu.memory_space<vmem>>, vector<16xf32>,
    %add3A_432 = arith.constant 2 : i32
    %add3A_433 = arith.addi %mul3A_2, %add3A_432 : i32
    %shift_right_arithmetic3A_434 = arith.constant 4 : i32
    %shift_right_arithmetic3A_435 = arith.shrsi %add3A_433, %shift_right_arithmetic3A_434 : i32
    %and3A_436 = arith.constant 15 : i32
    %and3A_437 = arith.andi %add3A_433, %and3A_436 : i32
    %get3A_438 = arith.constant 2 : i32
    %get3A_439 = arith.index_cast %get3A_438 : i32 to index
    %get3A_440 = arith.constant 0 : index
    %get3A_441 = tpu.vector_load %arg11[%get3A_439, %get3A_440] {strides = array<i32>} : memref<8x128xf32, #tpu.memory_space<vmem>>, vector<16xf32>,
    %dma_wait3A_442 = arith.constant 0 : i32
    %dma_wait3A_443 = tpu.memref_slice %arg7[%dma_wait3A_442] : memref<51200xf32, #tpu.memory_space<vmem>> -> memref<50176xf32, #tpu.memory_space<vmem>>
    %dma_wait3A_444 = arith.constant 0 : i32
    %dma_wait3A_445 = tpu.memref_slice %arg5[%shift_right_arithmetic3A_100, %and3A_101, %dma_wait3A_444] : memref<16x16x50257xf32, #tpu.memory_space<hbm>> -> memref<1x1x50176xf32, #tpu.memory_space<hbm>>
    %dma_wait3A_446 = tpu.memref_squeeze %dma_wait3A_445 : memref<1x1x50176xf32, #tpu.memory_space<hbm>> -> memref<50176xf32, #tpu.memory_space<hbm>>
    %dma_wait3A_447 = arith.constant 0 : i32
    %dma_wait3A_448 = tpu.memref_slice %arg5[%shift_right_arithmetic3A_100, %and3A_101, %dma_wait3A_447] : memref<16x16x50257xf32, #tpu.memory_space<hbm>> -> memref<1x1x50176xf32, #tpu.memory_space<hbm>>
    %dma_wait3A_449 = tpu.memref_squeeze %dma_wait3A_448 : memref<1x1x50176xf32, #tpu.memory_space<hbm>> -> memref<50176xf32, #tpu.memory_space<hbm>>
    %dma_wait3A_450 = arith.constant 0 : i32
    %dma_wait3A_451 = tpu.memref_slice %arg7[%dma_wait3A_450] : memref<51200xf32, #tpu.memory_space<vmem>> -> memref<50176xf32, #tpu.memory_space<vmem>>
    tpu.wait_dma2 semaphore(%arg13 : memref<!tpu.dma_semaphore, #tpu.memory_space<semaphore_mem>>) src(%dma_wait3A_451 : memref<50176xf32, #tpu.memory_space<vmem>>) dst(%dma_wait3A_449 : memref<50176xf32, #tpu.memory_space<hbm>>)
    %get3A_452 = arith.constant 0 : i32
    %get3A_453 = arith.index_cast %get3A_452 : i32 to index
    %get3A_454 = arith.constant 0 : index
    %get3A_455 = tpu.vector_load %arg11[%get3A_453, %get3A_454] {strides = array<i32>} : memref<8x128xf32, #tpu.memory_space<vmem>>, vector<16xf32>,
    %sub3A = arith.subf %get3A_441, %get3A_455 : vector<16xf32>
    %abs3A = math.absf %sub3A : vector<16xf32>
    %reduce_max3A = arith.constant true
    %reduce_max3A_456 = vector.broadcast %reduce_max3A : i1 to vector<16xi1>
    %reduce_max3A_457 = tpu.scan <max>, %abs3A masked %reduce_max3A_456 : vector<16xf32>, vector<16xi1> -> vector<16xf32>
    %reduce_max3A_458 = vector.extract %reduce_max3A_457[15] : f32 from vector<16xf32>
    %eq3A = arith.constant 0.000000e+00 : f32
    %eq3A_459 = arith.cmpf oeq, %reduce_max3A_458, %eq3A : f32
    %convert_element_type3A = arith.extui %eq3A_459 : i1 to i32
    %cond3A = arith.constant 0 : i32
    %cond3A_460 = arith.cmpi ne, %convert_element_type3A, %cond3A : i32
    scf.if %cond3A_460 {
      %scan3A_1534 = arith.constant 0 : i32
      %scan3A_1535 = arith.constant 256 : i32
      %scan3A_1536 = arith.addi %scan3A_1534, %scan3A_1535 : i32
      %scan3A_1537 = arith.constant 8 : i32
      scf.for %scan3A_1539 = %scan3A_1534 to %scan3A_1536 step %scan3A_1537  : i32 {
        %shift_right_arithmetic3A_1540 = arith.constant 6 : i32
        %shift_right_arithmetic3A_1541 = arith.shrsi %scan3A_1539, %shift_right_arithmetic3A_1540 : i32
        %shift_right_arithmetic3A_1542 = arith.constant 3 : i32
        %shift_right_arithmetic3A_1543 = arith.shrsi %scan3A_1539, %shift_right_arithmetic3A_1542 : i32
        %and3A_1544 = arith.constant 7 : i32
        %and3A_1545 = arith.andi %shift_right_arithmetic3A_1543, %and3A_1544 : i32
        %and3A_1546 = arith.constant 7 : i32
        %and3A_1547 = arith.andi %scan3A_1539, %and3A_1546 : i32
        %mul3A_1548 = arith.constant 16 : i32
        %mul3A_1549 = arith.muli %and3A_1547, %mul3A_1548 : i32
        %get3A_1550 = arith.constant 0 : i32
        %get3A_1551 = arith.index_cast %get3A_1550 : i32 to index
        %get3A_1552 = arith.index_cast %shift_right_arithmetic3A_1541 : i32 to index
        %get3A_1553 = arith.index_cast %and3A_1545 : i32 to index
        %get3A_1554 = arith.index_cast %mul3A_1549 : i32 to index
        %get3A_1555 = tpu.vector_load %arg9[%get3A_1551, %get3A_1552, %get3A_1553, %get3A_1554] {strides = array<i32>} : memref<4x4x8x128xi32, #tpu.memory_space<vmem>>, vector<16xi32>,
        tpu.vector_store_idx %arg7[%get3A_1555], %get3A_441 : memref<51200xf32, #tpu.memory_space<vmem>>[vector<16xi32>], vector<16xf32>,
        %scan3A_1556 = arith.constant 1 : i32
        %scan3A_1557 = arith.addi %scan3A_1539, %scan3A_1556 : i32
        %shift_right_arithmetic3A_1558 = arith.constant 6 : i32
        %shift_right_arithmetic3A_1559 = arith.shrsi %scan3A_1557, %shift_right_arithmetic3A_1558 : i32
        %shift_right_arithmetic3A_1560 = arith.constant 3 : i32
        %shift_right_arithmetic3A_1561 = arith.shrsi %scan3A_1557, %shift_right_arithmetic3A_1560 : i32
        %and3A_1562 = arith.constant 7 : i32
        %and3A_1563 = arith.andi %shift_right_arithmetic3A_1561, %and3A_1562 : i32
        %and3A_1564 = arith.constant 7 : i32
        %and3A_1565 = arith.andi %scan3A_1557, %and3A_1564 : i32
        %mul3A_1566 = arith.constant 16 : i32
        %mul3A_1567 = arith.muli %and3A_1565, %mul3A_1566 : i32
        %get3A_1568 = arith.constant 0 : i32
        %get3A_1569 = arith.index_cast %get3A_1568 : i32 to index
        %get3A_1570 = arith.index_cast %shift_right_arithmetic3A_1559 : i32 to index
        %get3A_1571 = arith.index_cast %and3A_1563 : i32 to index
        %get3A_1572 = arith.index_cast %mul3A_1567 : i32 to index
        %get3A_1573 = tpu.vector_load %arg9[%get3A_1569, %get3A_1570, %get3A_1571, %get3A_1572] {strides = array<i32>} : memref<4x4x8x128xi32, #tpu.memory_space<vmem>>, vector<16xi32>,
        tpu.vector_store_idx %arg7[%get3A_1573], %get3A_441 : memref<51200xf32, #tpu.memory_space<vmem>>[vector<16xi32>], vector<16xf32>,
        %scan3A_1574 = arith.constant 2 : i32
        %scan3A_1575 = arith.addi %scan3A_1539, %scan3A_1574 : i32
        %shift_right_arithmetic3A_1576 = arith.constant 6 : i32
        %shift_right_arithmetic3A_1577 = arith.shrsi %scan3A_1575, %shift_right_arithmetic3A_1576 : i32
        %shift_right_arithmetic3A_1578 = arith.constant 3 : i32
        %shift_right_arithmetic3A_1579 = arith.shrsi %scan3A_1575, %shift_right_arithmetic3A_1578 : i32
        %and3A_1580 = arith.constant 7 : i32
        %and3A_1581 = arith.andi %shift_right_arithmetic3A_1579, %and3A_1580 : i32
        %and3A_1582 = arith.constant 7 : i32
        %and3A_1583 = arith.andi %scan3A_1575, %and3A_1582 : i32
        %mul3A_1584 = arith.constant 16 : i32
        %mul3A_1585 = arith.muli %and3A_1583, %mul3A_1584 : i32
        %get3A_1586 = arith.constant 0 : i32
        %get3A_1587 = arith.index_cast %get3A_1586 : i32 to index
        %get3A_1588 = arith.index_cast %shift_right_arithmetic3A_1577 : i32 to index
        %get3A_1589 = arith.index_cast %and3A_1581 : i32 to index
        %get3A_1590 = arith.index_cast %mul3A_1585 : i32 to index
        %get3A_1591 = tpu.vector_load %arg9[%get3A_1587, %get3A_1588, %get3A_1589, %get3A_1590] {strides = array<i32>} : memref<4x4x8x128xi32, #tpu.memory_space<vmem>>, vector<16xi32>,
        tpu.vector_store_idx %arg7[%get3A_1591], %get3A_441 : memref<51200xf32, #tpu.memory_space<vmem>>[vector<16xi32>], vector<16xf32>,
        %scan3A_1592 = arith.constant 3 : i32
        %scan3A_1593 = arith.addi %scan3A_1539, %scan3A_1592 : i32
        %shift_right_arithmetic3A_1594 = arith.constant 6 : i32
        %shift_right_arithmetic3A_1595 = arith.shrsi %scan3A_1593, %shift_right_arithmetic3A_1594 : i32
        %shift_right_arithmetic3A_1596 = arith.constant 3 : i32
        %shift_right_arithmetic3A_1597 = arith.shrsi %scan3A_1593, %shift_right_arithmetic3A_1596 : i32
        %and3A_1598 = arith.constant 7 : i32
        %and3A_1599 = arith.andi %shift_right_arithmetic3A_1597, %and3A_1598 : i32
        %and3A_1600 = arith.constant 7 : i32
        %and3A_1601 = arith.andi %scan3A_1593, %and3A_1600 : i32
        %mul3A_1602 = arith.constant 16 : i32
        %mul3A_1603 = arith.muli %and3A_1601, %mul3A_1602 : i32
        %get3A_1604 = arith.constant 0 : i32
        %get3A_1605 = arith.index_cast %get3A_1604 : i32 to index
        %get3A_1606 = arith.index_cast %shift_right_arithmetic3A_1595 : i32 to index
        %get3A_1607 = arith.index_cast %and3A_1599 : i32 to index
        %get3A_1608 = arith.index_cast %mul3A_1603 : i32 to index
        %get3A_1609 = tpu.vector_load %arg9[%get3A_1605, %get3A_1606, %get3A_1607, %get3A_1608] {strides = array<i32>} : memref<4x4x8x128xi32, #tpu.memory_space<vmem>>, vector<16xi32>,
        tpu.vector_store_idx %arg7[%get3A_1609], %get3A_441 : memref<51200xf32, #tpu.memory_space<vmem>>[vector<16xi32>], vector<16xf32>,
        %scan3A_1610 = arith.constant 4 : i32
        %scan3A_1611 = arith.addi %scan3A_1539, %scan3A_1610 : i32
        %shift_right_arithmetic3A_1612 = arith.constant 6 : i32
        %shift_right_arithmetic3A_1613 = arith.shrsi %scan3A_1611, %shift_right_arithmetic3A_1612 : i32
        %shift_right_arithmetic3A_1614 = arith.constant 3 : i32
        %shift_right_arithmetic3A_1615 = arith.shrsi %scan3A_1611, %shift_right_arithmetic3A_1614 : i32
        %and3A_1616 = arith.constant 7 : i32
        %and3A_1617 = arith.andi %shift_right_arithmetic3A_1615, %and3A_1616 : i32
        %and3A_1618 = arith.constant 7 : i32
        %and3A_1619 = arith.andi %scan3A_1611, %and3A_1618 : i32
        %mul3A_1620 = arith.constant 16 : i32
        %mul3A_1621 = arith.muli %and3A_1619, %mul3A_1620 : i32
        %get3A_1622 = arith.constant 0 : i32
        %get3A_1623 = arith.index_cast %get3A_1622 : i32 to index
        %get3A_1624 = arith.index_cast %shift_right_arithmetic3A_1613 : i32 to index
        %get3A_1625 = arith.index_cast %and3A_1617 : i32 to index
        %get3A_1626 = arith.index_cast %mul3A_1621 : i32 to index
        %get3A_1627 = tpu.vector_load %arg9[%get3A_1623, %get3A_1624, %get3A_1625, %get3A_1626] {strides = array<i32>} : memref<4x4x8x128xi32, #tpu.memory_space<vmem>>, vector<16xi32>,
        tpu.vector_store_idx %arg7[%get3A_1627], %get3A_441 : memref<51200xf32, #tpu.memory_space<vmem>>[vector<16xi32>], vector<16xf32>,
        %scan3A_1628 = arith.constant 5 : i32
        %scan3A_1629 = arith.addi %scan3A_1539, %scan3A_1628 : i32
        %shift_right_arithmetic3A_1630 = arith.constant 6 : i32
        %shift_right_arithmetic3A_1631 = arith.shrsi %scan3A_1629, %shift_right_arithmetic3A_1630 : i32
        %shift_right_arithmetic3A_1632 = arith.constant 3 : i32
        %shift_right_arithmetic3A_1633 = arith.shrsi %scan3A_1629, %shift_right_arithmetic3A_1632 : i32
        %and3A_1634 = arith.constant 7 : i32
        %and3A_1635 = arith.andi %shift_right_arithmetic3A_1633, %and3A_1634 : i32
        %and3A_1636 = arith.constant 7 : i32
        %and3A_1637 = arith.andi %scan3A_1629, %and3A_1636 : i32
        %mul3A_1638 = arith.constant 16 : i32
        %mul3A_1639 = arith.muli %and3A_1637, %mul3A_1638 : i32
        %get3A_1640 = arith.constant 0 : i32
        %get3A_1641 = arith.index_cast %get3A_1640 : i32 to index
        %get3A_1642 = arith.index_cast %shift_right_arithmetic3A_1631 : i32 to index
        %get3A_1643 = arith.index_cast %and3A_1635 : i32 to index
        %get3A_1644 = arith.index_cast %mul3A_1639 : i32 to index
        %get3A_1645 = tpu.vector_load %arg9[%get3A_1641, %get3A_1642, %get3A_1643, %get3A_1644] {strides = array<i32>} : memref<4x4x8x128xi32, #tpu.memory_space<vmem>>, vector<16xi32>,
        tpu.vector_store_idx %arg7[%get3A_1645], %get3A_441 : memref<51200xf32, #tpu.memory_space<vmem>>[vector<16xi32>], vector<16xf32>,
        %scan3A_1646 = arith.constant 6 : i32
        %scan3A_1647 = arith.addi %scan3A_1539, %scan3A_1646 : i32
        %shift_right_arithmetic3A_1648 = arith.constant 6 : i32
        %shift_right_arithmetic3A_1649 = arith.shrsi %scan3A_1647, %shift_right_arithmetic3A_1648 : i32
        %shift_right_arithmetic3A_1650 = arith.constant 3 : i32
        %shift_right_arithmetic3A_1651 = arith.shrsi %scan3A_1647, %shift_right_arithmetic3A_1650 : i32
        %and3A_1652 = arith.constant 7 : i32
        %and3A_1653 = arith.andi %shift_right_arithmetic3A_1651, %and3A_1652 : i32
        %and3A_1654 = arith.constant 7 : i32
        %and3A_1655 = arith.andi %scan3A_1647, %and3A_1654 : i32
        %mul3A_1656 = arith.constant 16 : i32
        %mul3A_1657 = arith.muli %and3A_1655, %mul3A_1656 : i32
        %get3A_1658 = arith.constant 0 : i32
        %get3A_1659 = arith.index_cast %get3A_1658 : i32 to index
        %get3A_1660 = arith.index_cast %shift_right_arithmetic3A_1649 : i32 to index
        %get3A_1661 = arith.index_cast %and3A_1653 : i32 to index
        %get3A_1662 = arith.index_cast %mul3A_1657 : i32 to index
        %get3A_1663 = tpu.vector_load %arg9[%get3A_1659, %get3A_1660, %get3A_1661, %get3A_1662] {strides = array<i32>} : memref<4x4x8x128xi32, #tpu.memory_space<vmem>>, vector<16xi32>,
        tpu.vector_store_idx %arg7[%get3A_1663], %get3A_441 : memref<51200xf32, #tpu.memory_space<vmem>>[vector<16xi32>], vector<16xf32>,
        %scan3A_1664 = arith.constant 7 : i32
        %scan3A_1665 = arith.addi %scan3A_1539, %scan3A_1664 : i32
        %shift_right_arithmetic3A_1666 = arith.constant 6 : i32
        %shift_right_arithmetic3A_1667 = arith.shrsi %scan3A_1665, %shift_right_arithmetic3A_1666 : i32
        %shift_right_arithmetic3A_1668 = arith.constant 3 : i32
        %shift_right_arithmetic3A_1669 = arith.shrsi %scan3A_1665, %shift_right_arithmetic3A_1668 : i32
        %and3A_1670 = arith.constant 7 : i32
        %and3A_1671 = arith.andi %shift_right_arithmetic3A_1669, %and3A_1670 : i32
        %and3A_1672 = arith.constant 7 : i32
        %and3A_1673 = arith.andi %scan3A_1665, %and3A_1672 : i32
        %mul3A_1674 = arith.constant 16 : i32
        %mul3A_1675 = arith.muli %and3A_1673, %mul3A_1674 : i32
        %get3A_1676 = arith.constant 0 : i32
        %get3A_1677 = arith.index_cast %get3A_1676 : i32 to index
        %get3A_1678 = arith.index_cast %shift_right_arithmetic3A_1667 : i32 to index
        %get3A_1679 = arith.index_cast %and3A_1671 : i32 to index
        %get3A_1680 = arith.index_cast %mul3A_1675 : i32 to index
        %get3A_1681 = tpu.vector_load %arg9[%get3A_1677, %get3A_1678, %get3A_1679, %get3A_1680] {strides = array<i32>} : memref<4x4x8x128xi32, #tpu.memory_space<vmem>>, vector<16xi32>,
        tpu.vector_store_idx %arg7[%get3A_1681], %get3A_441 : memref<51200xf32, #tpu.memory_space<vmem>>[vector<16xi32>], vector<16xf32>,
      }
      %scan3A_1538 = arith.constant 256 : i32
    } else {
      %scan3A_1534 = arith.constant 0 : i32
      %scan3A_1535 = arith.constant 3144 : i32
      %scan3A_1536 = arith.addi %scan3A_1534, %scan3A_1535 : i32
      %scan3A_1537 = arith.constant 8 : i32
      scf.for %scan3A_1539 = %scan3A_1534 to %scan3A_1536 step %scan3A_1537  : i32 {
        %mul3A_1540 = arith.constant 16 : i32
        %mul3A_1541 = arith.muli %scan3A_1539, %mul3A_1540 : i32
        %swap3A_1542 = arith.index_cast %mul3A_1541 : i32 to index
        %swap3A_1543 = tpu.vector_load %arg7[%swap3A_1542] {strides = array<i32>} : memref<51200xf32, #tpu.memory_space<vmem>>, vector<16xf32>,
        tpu.vector_store %arg7[%swap3A_1542], %get3A_441 {strides = array<i32>} : memref<51200xf32, #tpu.memory_space<vmem>>, vector<16xf32>,
        %scan3A_1544 = arith.constant 1 : i32
        %scan3A_1545 = arith.addi %scan3A_1539, %scan3A_1544 : i32
        %mul3A_1546 = arith.constant 16 : i32
        %mul3A_1547 = arith.muli %scan3A_1545, %mul3A_1546 : i32
        %swap3A_1548 = arith.index_cast %mul3A_1547 : i32 to index
        %swap3A_1549 = tpu.vector_load %arg7[%swap3A_1548] {strides = array<i32>} : memref<51200xf32, #tpu.memory_space<vmem>>, vector<16xf32>,
        tpu.vector_store %arg7[%swap3A_1548], %get3A_441 {strides = array<i32>} : memref<51200xf32, #tpu.memory_space<vmem>>, vector<16xf32>,
        %scan3A_1550 = arith.constant 2 : i32
        %scan3A_1551 = arith.addi %scan3A_1539, %scan3A_1550 : i32
        %mul3A_1552 = arith.constant 16 : i32
        %mul3A_1553 = arith.muli %scan3A_1551, %mul3A_1552 : i32
        %swap3A_1554 = arith.index_cast %mul3A_1553 : i32 to index
        %swap3A_1555 = tpu.vector_load %arg7[%swap3A_1554] {strides = array<i32>} : memref<51200xf32, #tpu.memory_space<vmem>>, vector<16xf32>,
        tpu.vector_store %arg7[%swap3A_1554], %get3A_441 {strides = array<i32>} : memref<51200xf32, #tpu.memory_space<vmem>>, vector<16xf32>,
        %scan3A_1556 = arith.constant 3 : i32
        %scan3A_1557 = arith.addi %scan3A_1539, %scan3A_1556 : i32
        %mul3A_1558 = arith.constant 16 : i32
        %mul3A_1559 = arith.muli %scan3A_1557, %mul3A_1558 : i32
        %swap3A_1560 = arith.index_cast %mul3A_1559 : i32 to index
        %swap3A_1561 = tpu.vector_load %arg7[%swap3A_1560] {strides = array<i32>} : memref<51200xf32, #tpu.memory_space<vmem>>, vector<16xf32>,
        tpu.vector_store %arg7[%swap3A_1560], %get3A_441 {strides = array<i32>} : memref<51200xf32, #tpu.memory_space<vmem>>, vector<16xf32>,
        %scan3A_1562 = arith.constant 4 : i32
        %scan3A_1563 = arith.addi %scan3A_1539, %scan3A_1562 : i32
        %mul3A_1564 = arith.constant 16 : i32
        %mul3A_1565 = arith.muli %scan3A_1563, %mul3A_1564 : i32
        %swap3A_1566 = arith.index_cast %mul3A_1565 : i32 to index
        %swap3A_1567 = tpu.vector_load %arg7[%swap3A_1566] {strides = array<i32>} : memref<51200xf32, #tpu.memory_space<vmem>>, vector<16xf32>,
        tpu.vector_store %arg7[%swap3A_1566], %get3A_441 {strides = array<i32>} : memref<51200xf32, #tpu.memory_space<vmem>>, vector<16xf32>,
        %scan3A_1568 = arith.constant 5 : i32
        %scan3A_1569 = arith.addi %scan3A_1539, %scan3A_1568 : i32
        %mul3A_1570 = arith.constant 16 : i32
        %mul3A_1571 = arith.muli %scan3A_1569, %mul3A_1570 : i32
        %swap3A_1572 = arith.index_cast %mul3A_1571 : i32 to index
        %swap3A_1573 = tpu.vector_load %arg7[%swap3A_1572] {strides = array<i32>} : memref<51200xf32, #tpu.memory_space<vmem>>, vector<16xf32>,
        tpu.vector_store %arg7[%swap3A_1572], %get3A_441 {strides = array<i32>} : memref<51200xf32, #tpu.memory_space<vmem>>, vector<16xf32>,
        %scan3A_1574 = arith.constant 6 : i32
        %scan3A_1575 = arith.addi %scan3A_1539, %scan3A_1574 : i32
        %mul3A_1576 = arith.constant 16 : i32
        %mul3A_1577 = arith.muli %scan3A_1575, %mul3A_1576 : i32
        %swap3A_1578 = arith.index_cast %mul3A_1577 : i32 to index
        %swap3A_1579 = tpu.vector_load %arg7[%swap3A_1578] {strides = array<i32>} : memref<51200xf32, #tpu.memory_space<vmem>>, vector<16xf32>,
        tpu.vector_store %arg7[%swap3A_1578], %get3A_441 {strides = array<i32>} : memref<51200xf32, #tpu.memory_space<vmem>>, vector<16xf32>,
        %scan3A_1580 = arith.constant 7 : i32
        %scan3A_1581 = arith.addi %scan3A_1539, %scan3A_1580 : i32
        %mul3A_1582 = arith.constant 16 : i32
        %mul3A_1583 = arith.muli %scan3A_1581, %mul3A_1582 : i32
        %swap3A_1584 = arith.index_cast %mul3A_1583 : i32 to index
        %swap3A_1585 = tpu.vector_load %arg7[%swap3A_1584] {strides = array<i32>} : memref<51200xf32, #tpu.memory_space<vmem>>, vector<16xf32>,
        tpu.vector_store %arg7[%swap3A_1584], %get3A_441 {strides = array<i32>} : memref<51200xf32, #tpu.memory_space<vmem>>, vector<16xf32>,
      }
      %scan3A_1538 = arith.constant 3144 : i32
    }
    %add3A_461 = arith.constant 2 : i32
    %add3A_462 = arith.addi %mul3A_2, %add3A_461 : i32
    %add3A_463 = arith.constant 1 : i32
    %add3A_464 = arith.addi %add3A_462, %add3A_463 : i32
    %mul3A_465 = arith.constant 4 : i32
    %mul3A_466 = arith.muli %add3A_464, %mul3A_465 : i32
    %dma_start3A_467 = arith.constant 3 : i32
    %dma_start3A_468 = arith.constant 3 : i32
    %dma_start3A_469 = arith.constant 0 : i32
    %dma_start3A_470 = arith.constant 0 : i32
    %dma_start3A_471 = arith.constant 0 : i32
    %dma_start3A_472 = tpu.memref_slice %arg9[%dma_start3A_467, %dma_start3A_469, %dma_start3A_470, %dma_start3A_471] : memref<4x4x8x128xi32, #tpu.memory_space<vmem>> -> memref<1x4x8x128xi32, #tpu.memory_space<vmem>>
    %dma_start3A_473 = tpu.memref_squeeze %dma_start3A_472 : memref<1x4x8x128xi32, #tpu.memory_space<vmem>> -> memref<4x8x128xi32, #tpu.memory_space<vmem>>
    %dma_start3A_474 = arith.constant 0 : i32
    %dma_start3A_475 = arith.constant 0 : i32
    %dma_start3A_476 = tpu.memref_slice %arg3[%mul3A_466, %dma_start3A_474, %dma_start3A_475] : memref<1024x8x128xi32, #tpu.memory_space<hbm>> -> memref<4x8x128xi32, #tpu.memory_space<hbm>>
    %dma_start3A_477 = tpu.memref_slice %arg15[%dma_start3A_468] : memref<4x!tpu.dma_semaphore, #tpu.memory_space<semaphore_mem>> -> memref<1x!tpu.dma_semaphore, #tpu.memory_space<semaphore_mem>>
    %dma_start3A_478 = tpu.memref_squeeze %dma_start3A_477 : memref<1x!tpu.dma_semaphore, #tpu.memory_space<semaphore_mem>> -> memref<!tpu.dma_semaphore, #tpu.memory_space<semaphore_mem>>
    %dma_start3A_479 = arith.constant 0 : i32
    %dma_start3A_480 = arith.constant 0 : i32
    %dma_start3A_481 = arith.constant 0 : i32
    %dma_start3A_482 = tpu.memref_slice %arg9[%dma_start3A_467, %dma_start3A_479, %dma_start3A_480, %dma_start3A_481] : memref<4x4x8x128xi32, #tpu.memory_space<vmem>> -> memref<1x4x8x128xi32, #tpu.memory_space<vmem>>
    %dma_start3A_483 = tpu.memref_squeeze %dma_start3A_482 : memref<1x4x8x128xi32, #tpu.memory_space<vmem>> -> memref<4x8x128xi32, #tpu.memory_space<vmem>>
    %dma_start3A_484 = arith.constant 0 : i32
    %dma_start3A_485 = arith.constant 0 : i32
    %dma_start3A_486 = tpu.memref_slice %arg3[%mul3A_466, %dma_start3A_484, %dma_start3A_485] : memref<1024x8x128xi32, #tpu.memory_space<hbm>> -> memref<4x8x128xi32, #tpu.memory_space<hbm>>
    tpu.enqueue_dma source(%dma_start3A_486 : memref<4x8x128xi32, #tpu.memory_space<hbm>>) target(%dma_start3A_483 : memref<4x8x128xi32, #tpu.memory_space<vmem>>) target_semaphore(%dma_start3A_478 : memref<!tpu.dma_semaphore, #tpu.memory_space<semaphore_mem>>)
    %add3A_487 = arith.constant 2 : i32
    %add3A_488 = arith.addi %mul3A_2, %add3A_487 : i32
    %add3A_489 = arith.constant 1 : i32
    %add3A_490 = arith.addi %add3A_488, %add3A_489 : i32
    %mul3A_491 = arith.constant 4 : i32
    %mul3A_492 = arith.muli %add3A_490, %mul3A_491 : i32
    %dma_start3A_493 = arith.constant 1 : i32
    %dma_start3A_494 = arith.constant 1 : i32
    %dma_start3A_495 = arith.constant 0 : i32
    %dma_start3A_496 = arith.constant 0 : i32
    %dma_start3A_497 = arith.constant 0 : i32
    %dma_start3A_498 = tpu.memref_slice %arg10[%dma_start3A_493, %dma_start3A_495, %dma_start3A_496, %dma_start3A_497] : memref<2x4x8x128xf32, #tpu.memory_space<vmem>> -> memref<1x4x8x128xf32, #tpu.memory_space<vmem>>
    %dma_start3A_499 = tpu.memref_squeeze %dma_start3A_498 : memref<1x4x8x128xf32, #tpu.memory_space<vmem>> -> memref<4x8x128xf32, #tpu.memory_space<vmem>>
    %dma_start3A_500 = arith.constant 0 : i32
    %dma_start3A_501 = arith.constant 0 : i32
    %dma_start3A_502 = tpu.memref_slice %arg2[%mul3A_492, %dma_start3A_500, %dma_start3A_501] : memref<1024x8x128xf32, #tpu.memory_space<hbm>> -> memref<4x8x128xf32, #tpu.memory_space<hbm>>
    %dma_start3A_503 = tpu.memref_slice %arg16[%dma_start3A_494] : memref<2x!tpu.dma_semaphore, #tpu.memory_space<semaphore_mem>> -> memref<1x!tpu.dma_semaphore, #tpu.memory_space<semaphore_mem>>
    %dma_start3A_504 = tpu.memref_squeeze %dma_start3A_503 : memref<1x!tpu.dma_semaphore, #tpu.memory_space<semaphore_mem>> -> memref<!tpu.dma_semaphore, #tpu.memory_space<semaphore_mem>>
    %dma_start3A_505 = arith.constant 0 : i32
    %dma_start3A_506 = arith.constant 0 : i32
    %dma_start3A_507 = arith.constant 0 : i32
    %dma_start3A_508 = tpu.memref_slice %arg10[%dma_start3A_493, %dma_start3A_505, %dma_start3A_506, %dma_start3A_507] : memref<2x4x8x128xf32, #tpu.memory_space<vmem>> -> memref<1x4x8x128xf32, #tpu.memory_space<vmem>>
    %dma_start3A_509 = tpu.memref_squeeze %dma_start3A_508 : memref<1x4x8x128xf32, #tpu.memory_space<vmem>> -> memref<4x8x128xf32, #tpu.memory_space<vmem>>
    %dma_start3A_510 = arith.constant 0 : i32
    %dma_start3A_511 = arith.constant 0 : i32
    %dma_start3A_512 = tpu.memref_slice %arg2[%mul3A_492, %dma_start3A_510, %dma_start3A_511] : memref<1024x8x128xf32, #tpu.memory_space<hbm>> -> memref<4x8x128xf32, #tpu.memory_space<hbm>>
    tpu.enqueue_dma source(%dma_start3A_512 : memref<4x8x128xf32, #tpu.memory_space<hbm>>) target(%dma_start3A_509 : memref<4x8x128xf32, #tpu.memory_space<vmem>>) target_semaphore(%dma_start3A_504 : memref<!tpu.dma_semaphore, #tpu.memory_space<semaphore_mem>>)
    %dma_wait3A_513 = arith.constant 2 : i32
    %dma_wait3A_514 = arith.constant 2 : i32
    %dma_wait3A_515 = arith.constant 0 : i32
    %dma_wait3A_516 = arith.constant 0 : i32
    %dma_wait3A_517 = arith.constant 0 : i32
    %dma_wait3A_518 = tpu.memref_slice %arg9[%dma_wait3A_513, %dma_wait3A_515, %dma_wait3A_516, %dma_wait3A_517] : memref<4x4x8x128xi32, #tpu.memory_space<vmem>> -> memref<1x4x8x128xi32, #tpu.memory_space<vmem>>
    %dma_wait3A_519 = tpu.memref_squeeze %dma_wait3A_518 : memref<1x4x8x128xi32, #tpu.memory_space<vmem>> -> memref<4x8x128xi32, #tpu.memory_space<vmem>>
    %dma_wait3A_520 = arith.constant 0 : i32
    %dma_wait3A_521 = arith.constant 0 : i32
    %dma_wait3A_522 = tpu.memref_slice %arg3[%mul3A_282, %dma_wait3A_520, %dma_wait3A_521] : memref<1024x8x128xi32, #tpu.memory_space<hbm>> -> memref<4x8x128xi32, #tpu.memory_space<hbm>>
    %dma_wait3A_523 = tpu.memref_slice %arg15[%dma_wait3A_514] : memref<4x!tpu.dma_semaphore, #tpu.memory_space<semaphore_mem>> -> memref<1x!tpu.dma_semaphore, #tpu.memory_space<semaphore_mem>>
    %dma_wait3A_524 = tpu.memref_squeeze %dma_wait3A_523 : memref<1x!tpu.dma_semaphore, #tpu.memory_space<semaphore_mem>> -> memref<!tpu.dma_semaphore, #tpu.memory_space<semaphore_mem>>
    %dma_wait3A_525 = arith.constant 0 : i32
    %dma_wait3A_526 = arith.constant 0 : i32
    %dma_wait3A_527 = arith.constant 0 : i32
    %dma_wait3A_528 = tpu.memref_slice %arg9[%dma_wait3A_513, %dma_wait3A_525, %dma_wait3A_526, %dma_wait3A_527] : memref<4x4x8x128xi32, #tpu.memory_space<vmem>> -> memref<1x4x8x128xi32, #tpu.memory_space<vmem>>
    %dma_wait3A_529 = tpu.memref_squeeze %dma_wait3A_528 : memref<1x4x8x128xi32, #tpu.memory_space<vmem>> -> memref<4x8x128xi32, #tpu.memory_space<vmem>>
    %dma_wait3A_530 = arith.constant 0 : i32
    %dma_wait3A_531 = arith.constant 0 : i32
    %dma_wait3A_532 = tpu.memref_slice %arg3[%mul3A_282, %dma_wait3A_530, %dma_wait3A_531] : memref<1024x8x128xi32, #tpu.memory_space<hbm>> -> memref<4x8x128xi32, #tpu.memory_space<hbm>>
    tpu.wait_dma2 semaphore(%dma_wait3A_524 : memref<!tpu.dma_semaphore, #tpu.memory_space<semaphore_mem>>) src(%dma_wait3A_532 : memref<4x8x128xi32, #tpu.memory_space<hbm>>) dst(%dma_wait3A_529 : memref<4x8x128xi32, #tpu.memory_space<vmem>>)
    %dma_wait3A_533 = arith.constant 0 : i32
    %dma_wait3A_534 = arith.constant 0 : i32
    %dma_wait3A_535 = arith.constant 0 : i32
    %dma_wait3A_536 = arith.constant 0 : i32
    %dma_wait3A_537 = arith.constant 0 : i32
    %dma_wait3A_538 = tpu.memref_slice %arg10[%dma_wait3A_533, %dma_wait3A_535, %dma_wait3A_536, %dma_wait3A_537] : memref<2x4x8x128xf32, #tpu.memory_space<vmem>> -> memref<1x4x8x128xf32, #tpu.memory_space<vmem>>
    %dma_wait3A_539 = tpu.memref_squeeze %dma_wait3A_538 : memref<1x4x8x128xf32, #tpu.memory_space<vmem>> -> memref<4x8x128xf32, #tpu.memory_space<vmem>>
    %dma_wait3A_540 = arith.constant 0 : i32
    %dma_wait3A_541 = arith.constant 0 : i32
    %dma_wait3A_542 = tpu.memref_slice %arg2[%mul3A_308, %dma_wait3A_540, %dma_wait3A_541] : memref<1024x8x128xf32, #tpu.memory_space<hbm>> -> memref<4x8x128xf32, #tpu.memory_space<hbm>>
    %dma_wait3A_543 = tpu.memref_slice %arg16[%dma_wait3A_534] : memref<2x!tpu.dma_semaphore, #tpu.memory_space<semaphore_mem>> -> memref<1x!tpu.dma_semaphore, #tpu.memory_space<semaphore_mem>>
    %dma_wait3A_544 = tpu.memref_squeeze %dma_wait3A_543 : memref<1x!tpu.dma_semaphore, #tpu.memory_space<semaphore_mem>> -> memref<!tpu.dma_semaphore, #tpu.memory_space<semaphore_mem>>
    %dma_wait3A_545 = arith.constant 0 : i32
    %dma_wait3A_546 = arith.constant 0 : i32
    %dma_wait3A_547 = arith.constant 0 : i32
    %dma_wait3A_548 = tpu.memref_slice %arg10[%dma_wait3A_533, %dma_wait3A_545, %dma_wait3A_546, %dma_wait3A_547] : memref<2x4x8x128xf32, #tpu.memory_space<vmem>> -> memref<1x4x8x128xf32, #tpu.memory_space<vmem>>
    %dma_wait3A_549 = tpu.memref_squeeze %dma_wait3A_548 : memref<1x4x8x128xf32, #tpu.memory_space<vmem>> -> memref<4x8x128xf32, #tpu.memory_space<vmem>>
    %dma_wait3A_550 = arith.constant 0 : i32
    %dma_wait3A_551 = arith.constant 0 : i32
    %dma_wait3A_552 = tpu.memref_slice %arg2[%mul3A_308, %dma_wait3A_550, %dma_wait3A_551] : memref<1024x8x128xf32, #tpu.memory_space<hbm>> -> memref<4x8x128xf32, #tpu.memory_space<hbm>>
    tpu.wait_dma2 semaphore(%dma_wait3A_544 : memref<!tpu.dma_semaphore, #tpu.memory_space<semaphore_mem>>) src(%dma_wait3A_552 : memref<4x8x128xf32, #tpu.memory_space<hbm>>) dst(%dma_wait3A_549 : memref<4x8x128xf32, #tpu.memory_space<vmem>>)
    %scan3A_553 = arith.constant 0 : i32
    %scan3A_554 = arith.constant 256 : i32
    %scan3A_555 = arith.addi %scan3A_553, %scan3A_554 : i32
    %scan3A_556 = arith.constant 8 : i32
    scf.for %scan3A_1534 = %scan3A_553 to %scan3A_555 step %scan3A_556  : i32 {
      %shift_right_arithmetic3A_1535 = arith.constant 6 : i32
      %shift_right_arithmetic3A_1536 = arith.shrsi %scan3A_1534, %shift_right_arithmetic3A_1535 : i32
      %shift_right_arithmetic3A_1537 = arith.constant 3 : i32
      %shift_right_arithmetic3A_1538 = arith.shrsi %scan3A_1534, %shift_right_arithmetic3A_1537 : i32
      %and3A_1539 = arith.constant 7 : i32
      %and3A_1540 = arith.andi %shift_right_arithmetic3A_1538, %and3A_1539 : i32
      %and3A_1541 = arith.constant 7 : i32
      %and3A_1542 = arith.andi %scan3A_1534, %and3A_1541 : i32
      %mul3A_1543 = arith.constant 16 : i32
      %mul3A_1544 = arith.muli %and3A_1542, %mul3A_1543 : i32
      %get3A_1545 = arith.constant 2 : i32
      %get3A_1546 = arith.index_cast %get3A_1545 : i32 to index
      %get3A_1547 = arith.index_cast %shift_right_arithmetic3A_1536 : i32 to index
      %get3A_1548 = arith.index_cast %and3A_1540 : i32 to index
      %get3A_1549 = arith.index_cast %mul3A_1544 : i32 to index
      %get3A_1550 = tpu.vector_load %arg9[%get3A_1546, %get3A_1547, %get3A_1548, %get3A_1549] {strides = array<i32>} : memref<4x4x8x128xi32, #tpu.memory_space<vmem>>, vector<16xi32>,
      %get3A_1551 = arith.constant 0 : i32
      %get3A_1552 = arith.index_cast %get3A_1551 : i32 to index
      %get3A_1553 = arith.index_cast %shift_right_arithmetic3A_1536 : i32 to index
      %get3A_1554 = arith.index_cast %and3A_1540 : i32 to index
      %get3A_1555 = arith.index_cast %mul3A_1544 : i32 to index
      %get3A_1556 = tpu.vector_load %arg10[%get3A_1552, %get3A_1553, %get3A_1554, %get3A_1555] {strides = array<i32>} : memref<2x4x8x128xf32, #tpu.memory_space<vmem>>, vector<16xf32>,
      tpu.vector_store_idx %arg7[%get3A_1550], %get3A_1556 : memref<51200xf32, #tpu.memory_space<vmem>>[vector<16xi32>], vector<16xf32>,
      %scan3A_1557 = arith.constant 1 : i32
      %scan3A_1558 = arith.addi %scan3A_1534, %scan3A_1557 : i32
      %shift_right_arithmetic3A_1559 = arith.constant 6 : i32
      %shift_right_arithmetic3A_1560 = arith.shrsi %scan3A_1558, %shift_right_arithmetic3A_1559 : i32
      %shift_right_arithmetic3A_1561 = arith.constant 3 : i32
      %shift_right_arithmetic3A_1562 = arith.shrsi %scan3A_1558, %shift_right_arithmetic3A_1561 : i32
      %and3A_1563 = arith.constant 7 : i32
      %and3A_1564 = arith.andi %shift_right_arithmetic3A_1562, %and3A_1563 : i32
      %and3A_1565 = arith.constant 7 : i32
      %and3A_1566 = arith.andi %scan3A_1558, %and3A_1565 : i32
      %mul3A_1567 = arith.constant 16 : i32
      %mul3A_1568 = arith.muli %and3A_1566, %mul3A_1567 : i32
      %get3A_1569 = arith.constant 2 : i32
      %get3A_1570 = arith.index_cast %get3A_1569 : i32 to index
      %get3A_1571 = arith.index_cast %shift_right_arithmetic3A_1560 : i32 to index
      %get3A_1572 = arith.index_cast %and3A_1564 : i32 to index
      %get3A_1573 = arith.index_cast %mul3A_1568 : i32 to index
      %get3A_1574 = tpu.vector_load %arg9[%get3A_1570, %get3A_1571, %get3A_1572, %get3A_1573] {strides = array<i32>} : memref<4x4x8x128xi32, #tpu.memory_space<vmem>>, vector<16xi32>,
      %get3A_1575 = arith.constant 0 : i32
      %get3A_1576 = arith.index_cast %get3A_1575 : i32 to index
      %get3A_1577 = arith.index_cast %shift_right_arithmetic3A_1560 : i32 to index
      %get3A_1578 = arith.index_cast %and3A_1564 : i32 to index
      %get3A_1579 = arith.index_cast %mul3A_1568 : i32 to index
      %get3A_1580 = tpu.vector_load %arg10[%get3A_1576, %get3A_1577, %get3A_1578, %get3A_1579] {strides = array<i32>} : memref<2x4x8x128xf32, #tpu.memory_space<vmem>>, vector<16xf32>,
      tpu.vector_store_idx %arg7[%get3A_1574], %get3A_1580 : memref<51200xf32, #tpu.memory_space<vmem>>[vector<16xi32>], vector<16xf32>,
      %scan3A_1581 = arith.constant 2 : i32
      %scan3A_1582 = arith.addi %scan3A_1534, %scan3A_1581 : i32
      %shift_right_arithmetic3A_1583 = arith.constant 6 : i32
      %shift_right_arithmetic3A_1584 = arith.shrsi %scan3A_1582, %shift_right_arithmetic3A_1583 : i32
      %shift_right_arithmetic3A_1585 = arith.constant 3 : i32
      %shift_right_arithmetic3A_1586 = arith.shrsi %scan3A_1582, %shift_right_arithmetic3A_1585 : i32
      %and3A_1587 = arith.constant 7 : i32
      %and3A_1588 = arith.andi %shift_right_arithmetic3A_1586, %and3A_1587 : i32
      %and3A_1589 = arith.constant 7 : i32
      %and3A_1590 = arith.andi %scan3A_1582, %and3A_1589 : i32
      %mul3A_1591 = arith.constant 16 : i32
      %mul3A_1592 = arith.muli %and3A_1590, %mul3A_1591 : i32
      %get3A_1593 = arith.constant 2 : i32
      %get3A_1594 = arith.index_cast %get3A_1593 : i32 to index
      %get3A_1595 = arith.index_cast %shift_right_arithmetic3A_1584 : i32 to index
      %get3A_1596 = arith.index_cast %and3A_1588 : i32 to index
      %get3A_1597 = arith.index_cast %mul3A_1592 : i32 to index
      %get3A_1598 = tpu.vector_load %arg9[%get3A_1594, %get3A_1595, %get3A_1596, %get3A_1597] {strides = array<i32>} : memref<4x4x8x128xi32, #tpu.memory_space<vmem>>, vector<16xi32>,
      %get3A_1599 = arith.constant 0 : i32
      %get3A_1600 = arith.index_cast %get3A_1599 : i32 to index
      %get3A_1601 = arith.index_cast %shift_right_arithmetic3A_1584 : i32 to index
      %get3A_1602 = arith.index_cast %and3A_1588 : i32 to index
      %get3A_1603 = arith.index_cast %mul3A_1592 : i32 to index
      %get3A_1604 = tpu.vector_load %arg10[%get3A_1600, %get3A_1601, %get3A_1602, %get3A_1603] {strides = array<i32>} : memref<2x4x8x128xf32, #tpu.memory_space<vmem>>, vector<16xf32>,
      tpu.vector_store_idx %arg7[%get3A_1598], %get3A_1604 : memref<51200xf32, #tpu.memory_space<vmem>>[vector<16xi32>], vector<16xf32>,
      %scan3A_1605 = arith.constant 3 : i32
      %scan3A_1606 = arith.addi %scan3A_1534, %scan3A_1605 : i32
      %shift_right_arithmetic3A_1607 = arith.constant 6 : i32
      %shift_right_arithmetic3A_1608 = arith.shrsi %scan3A_1606, %shift_right_arithmetic3A_1607 : i32
      %shift_right_arithmetic3A_1609 = arith.constant 3 : i32
      %shift_right_arithmetic3A_1610 = arith.shrsi %scan3A_1606, %shift_right_arithmetic3A_1609 : i32
      %and3A_1611 = arith.constant 7 : i32
      %and3A_1612 = arith.andi %shift_right_arithmetic3A_1610, %and3A_1611 : i32
      %and3A_1613 = arith.constant 7 : i32
      %and3A_1614 = arith.andi %scan3A_1606, %and3A_1613 : i32
      %mul3A_1615 = arith.constant 16 : i32
      %mul3A_1616 = arith.muli %and3A_1614, %mul3A_1615 : i32
      %get3A_1617 = arith.constant 2 : i32
      %get3A_1618 = arith.index_cast %get3A_1617 : i32 to index
      %get3A_1619 = arith.index_cast %shift_right_arithmetic3A_1608 : i32 to index
      %get3A_1620 = arith.index_cast %and3A_1612 : i32 to index
      %get3A_1621 = arith.index_cast %mul3A_1616 : i32 to index
      %get3A_1622 = tpu.vector_load %arg9[%get3A_1618, %get3A_1619, %get3A_1620, %get3A_1621] {strides = array<i32>} : memref<4x4x8x128xi32, #tpu.memory_space<vmem>>, vector<16xi32>,
      %get3A_1623 = arith.constant 0 : i32
      %get3A_1624 = arith.index_cast %get3A_1623 : i32 to index
      %get3A_1625 = arith.index_cast %shift_right_arithmetic3A_1608 : i32 to index
      %get3A_1626 = arith.index_cast %and3A_1612 : i32 to index
      %get3A_1627 = arith.index_cast %mul3A_1616 : i32 to index
      %get3A_1628 = tpu.vector_load %arg10[%get3A_1624, %get3A_1625, %get3A_1626, %get3A_1627] {strides = array<i32>} : memref<2x4x8x128xf32, #tpu.memory_space<vmem>>, vector<16xf32>,
      tpu.vector_store_idx %arg7[%get3A_1622], %get3A_1628 : memref<51200xf32, #tpu.memory_space<vmem>>[vector<16xi32>], vector<16xf32>,
      %scan3A_1629 = arith.constant 4 : i32
      %scan3A_1630 = arith.addi %scan3A_1534, %scan3A_1629 : i32
      %shift_right_arithmetic3A_1631 = arith.constant 6 : i32
      %shift_right_arithmetic3A_1632 = arith.shrsi %scan3A_1630, %shift_right_arithmetic3A_1631 : i32
      %shift_right_arithmetic3A_1633 = arith.constant 3 : i32
      %shift_right_arithmetic3A_1634 = arith.shrsi %scan3A_1630, %shift_right_arithmetic3A_1633 : i32
      %and3A_1635 = arith.constant 7 : i32
      %and3A_1636 = arith.andi %shift_right_arithmetic3A_1634, %and3A_1635 : i32
      %and3A_1637 = arith.constant 7 : i32
      %and3A_1638 = arith.andi %scan3A_1630, %and3A_1637 : i32
      %mul3A_1639 = arith.constant 16 : i32
      %mul3A_1640 = arith.muli %and3A_1638, %mul3A_1639 : i32
      %get3A_1641 = arith.constant 2 : i32
      %get3A_1642 = arith.index_cast %get3A_1641 : i32 to index
      %get3A_1643 = arith.index_cast %shift_right_arithmetic3A_1632 : i32 to index
      %get3A_1644 = arith.index_cast %and3A_1636 : i32 to index
      %get3A_1645 = arith.index_cast %mul3A_1640 : i32 to index
      %get3A_1646 = tpu.vector_load %arg9[%get3A_1642, %get3A_1643, %get3A_1644, %get3A_1645] {strides = array<i32>} : memref<4x4x8x128xi32, #tpu.memory_space<vmem>>, vector<16xi32>,
      %get3A_1647 = arith.constant 0 : i32
      %get3A_1648 = arith.index_cast %get3A_1647 : i32 to index
      %get3A_1649 = arith.index_cast %shift_right_arithmetic3A_1632 : i32 to index
      %get3A_1650 = arith.index_cast %and3A_1636 : i32 to index
      %get3A_1651 = arith.index_cast %mul3A_1640 : i32 to index
      %get3A_1652 = tpu.vector_load %arg10[%get3A_1648, %get3A_1649, %get3A_1650, %get3A_1651] {strides = array<i32>} : memref<2x4x8x128xf32, #tpu.memory_space<vmem>>, vector<16xf32>,
      tpu.vector_store_idx %arg7[%get3A_1646], %get3A_1652 : memref<51200xf32, #tpu.memory_space<vmem>>[vector<16xi32>], vector<16xf32>,
      %scan3A_1653 = arith.constant 5 : i32
      %scan3A_1654 = arith.addi %scan3A_1534, %scan3A_1653 : i32
      %shift_right_arithmetic3A_1655 = arith.constant 6 : i32
      %shift_right_arithmetic3A_1656 = arith.shrsi %scan3A_1654, %shift_right_arithmetic3A_1655 : i32
      %shift_right_arithmetic3A_1657 = arith.constant 3 : i32
      %shift_right_arithmetic3A_1658 = arith.shrsi %scan3A_1654, %shift_right_arithmetic3A_1657 : i32
      %and3A_1659 = arith.constant 7 : i32
      %and3A_1660 = arith.andi %shift_right_arithmetic3A_1658, %and3A_1659 : i32
      %and3A_1661 = arith.constant 7 : i32
      %and3A_1662 = arith.andi %scan3A_1654, %and3A_1661 : i32
      %mul3A_1663 = arith.constant 16 : i32
      %mul3A_1664 = arith.muli %and3A_1662, %mul3A_1663 : i32
      %get3A_1665 = arith.constant 2 : i32
      %get3A_1666 = arith.index_cast %get3A_1665 : i32 to index
      %get3A_1667 = arith.index_cast %shift_right_arithmetic3A_1656 : i32 to index
      %get3A_1668 = arith.index_cast %and3A_1660 : i32 to index
      %get3A_1669 = arith.index_cast %mul3A_1664 : i32 to index
      %get3A_1670 = tpu.vector_load %arg9[%get3A_1666, %get3A_1667, %get3A_1668, %get3A_1669] {strides = array<i32>} : memref<4x4x8x128xi32, #tpu.memory_space<vmem>>, vector<16xi32>,
      %get3A_1671 = arith.constant 0 : i32
      %get3A_1672 = arith.index_cast %get3A_1671 : i32 to index
      %get3A_1673 = arith.index_cast %shift_right_arithmetic3A_1656 : i32 to index
      %get3A_1674 = arith.index_cast %and3A_1660 : i32 to index
      %get3A_1675 = arith.index_cast %mul3A_1664 : i32 to index
      %get3A_1676 = tpu.vector_load %arg10[%get3A_1672, %get3A_1673, %get3A_1674, %get3A_1675] {strides = array<i32>} : memref<2x4x8x128xf32, #tpu.memory_space<vmem>>, vector<16xf32>,
      tpu.vector_store_idx %arg7[%get3A_1670], %get3A_1676 : memref<51200xf32, #tpu.memory_space<vmem>>[vector<16xi32>], vector<16xf32>,
      %scan3A_1677 = arith.constant 6 : i32
      %scan3A_1678 = arith.addi %scan3A_1534, %scan3A_1677 : i32
      %shift_right_arithmetic3A_1679 = arith.constant 6 : i32
      %shift_right_arithmetic3A_1680 = arith.shrsi %scan3A_1678, %shift_right_arithmetic3A_1679 : i32
      %shift_right_arithmetic3A_1681 = arith.constant 3 : i32
      %shift_right_arithmetic3A_1682 = arith.shrsi %scan3A_1678, %shift_right_arithmetic3A_1681 : i32
      %and3A_1683 = arith.constant 7 : i32
      %and3A_1684 = arith.andi %shift_right_arithmetic3A_1682, %and3A_1683 : i32
      %and3A_1685 = arith.constant 7 : i32
      %and3A_1686 = arith.andi %scan3A_1678, %and3A_1685 : i32
      %mul3A_1687 = arith.constant 16 : i32
      %mul3A_1688 = arith.muli %and3A_1686, %mul3A_1687 : i32
      %get3A_1689 = arith.constant 2 : i32
      %get3A_1690 = arith.index_cast %get3A_1689 : i32 to index
      %get3A_1691 = arith.index_cast %shift_right_arithmetic3A_1680 : i32 to index
      %get3A_1692 = arith.index_cast %and3A_1684 : i32 to index
      %get3A_1693 = arith.index_cast %mul3A_1688 : i32 to index
      %get3A_1694 = tpu.vector_load %arg9[%get3A_1690, %get3A_1691, %get3A_1692, %get3A_1693] {strides = array<i32>} : memref<4x4x8x128xi32, #tpu.memory_space<vmem>>, vector<16xi32>,
      %get3A_1695 = arith.constant 0 : i32
      %get3A_1696 = arith.index_cast %get3A_1695 : i32 to index
      %get3A_1697 = arith.index_cast %shift_right_arithmetic3A_1680 : i32 to index
      %get3A_1698 = arith.index_cast %and3A_1684 : i32 to index
      %get3A_1699 = arith.index_cast %mul3A_1688 : i32 to index
      %get3A_1700 = tpu.vector_load %arg10[%get3A_1696, %get3A_1697, %get3A_1698, %get3A_1699] {strides = array<i32>} : memref<2x4x8x128xf32, #tpu.memory_space<vmem>>, vector<16xf32>,
      tpu.vector_store_idx %arg7[%get3A_1694], %get3A_1700 : memref<51200xf32, #tpu.memory_space<vmem>>[vector<16xi32>], vector<16xf32>,
      %scan3A_1701 = arith.constant 7 : i32
      %scan3A_1702 = arith.addi %scan3A_1534, %scan3A_1701 : i32
      %shift_right_arithmetic3A_1703 = arith.constant 6 : i32
      %shift_right_arithmetic3A_1704 = arith.shrsi %scan3A_1702, %shift_right_arithmetic3A_1703 : i32
      %shift_right_arithmetic3A_1705 = arith.constant 3 : i32
      %shift_right_arithmetic3A_1706 = arith.shrsi %scan3A_1702, %shift_right_arithmetic3A_1705 : i32
      %and3A_1707 = arith.constant 7 : i32
      %and3A_1708 = arith.andi %shift_right_arithmetic3A_1706, %and3A_1707 : i32
      %and3A_1709 = arith.constant 7 : i32
      %and3A_1710 = arith.andi %scan3A_1702, %and3A_1709 : i32
      %mul3A_1711 = arith.constant 16 : i32
      %mul3A_1712 = arith.muli %and3A_1710, %mul3A_1711 : i32
      %get3A_1713 = arith.constant 2 : i32
      %get3A_1714 = arith.index_cast %get3A_1713 : i32 to index
      %get3A_1715 = arith.index_cast %shift_right_arithmetic3A_1704 : i32 to index
      %get3A_1716 = arith.index_cast %and3A_1708 : i32 to index
      %get3A_1717 = arith.index_cast %mul3A_1712 : i32 to index
      %get3A_1718 = tpu.vector_load %arg9[%get3A_1714, %get3A_1715, %get3A_1716, %get3A_1717] {strides = array<i32>} : memref<4x4x8x128xi32, #tpu.memory_space<vmem>>, vector<16xi32>,
      %get3A_1719 = arith.constant 0 : i32
      %get3A_1720 = arith.index_cast %get3A_1719 : i32 to index
      %get3A_1721 = arith.index_cast %shift_right_arithmetic3A_1704 : i32 to index
      %get3A_1722 = arith.index_cast %and3A_1708 : i32 to index
      %get3A_1723 = arith.index_cast %mul3A_1712 : i32 to index
      %get3A_1724 = tpu.vector_load %arg10[%get3A_1720, %get3A_1721, %get3A_1722, %get3A_1723] {strides = array<i32>} : memref<2x4x8x128xf32, #tpu.memory_space<vmem>>, vector<16xf32>,
      tpu.vector_store_idx %arg7[%get3A_1718], %get3A_1724 : memref<51200xf32, #tpu.memory_space<vmem>>[vector<16xi32>], vector<16xf32>,
    }
    %scan3A_557 = arith.constant 256 : i32
    %dma_start3A_558 = arith.constant 0 : i32
    %dma_start3A_559 = tpu.memref_slice %arg7[%dma_start3A_558] : memref<51200xf32, #tpu.memory_space<vmem>> -> memref<50176xf32, #tpu.memory_space<vmem>>
    %dma_start3A_560 = arith.constant 0 : i32
    %dma_start3A_561 = tpu.memref_slice %arg5[%shift_right_arithmetic3A_435, %and3A_437, %dma_start3A_560] : memref<16x16x50257xf32, #tpu.memory_space<hbm>> -> memref<1x1x50176xf32, #tpu.memory_space<hbm>>
    %dma_start3A_562 = tpu.memref_squeeze %dma_start3A_561 : memref<1x1x50176xf32, #tpu.memory_space<hbm>> -> memref<50176xf32, #tpu.memory_space<hbm>>
    %dma_start3A_563 = arith.constant 0 : i32
    %dma_start3A_564 = tpu.memref_slice %arg5[%shift_right_arithmetic3A_435, %and3A_437, %dma_start3A_563] : memref<16x16x50257xf32, #tpu.memory_space<hbm>> -> memref<1x1x50176xf32, #tpu.memory_space<hbm>>
    %dma_start3A_565 = tpu.memref_squeeze %dma_start3A_564 : memref<1x1x50176xf32, #tpu.memory_space<hbm>> -> memref<50176xf32, #tpu.memory_space<hbm>>
    %dma_start3A_566 = arith.constant 0 : i32
    %dma_start3A_567 = tpu.memref_slice %arg7[%dma_start3A_566] : memref<51200xf32, #tpu.memory_space<vmem>> -> memref<50176xf32, #tpu.memory_space<vmem>>
    tpu.enqueue_dma source(%dma_start3A_567 : memref<50176xf32, #tpu.memory_space<vmem>>) target(%dma_start3A_565 : memref<50176xf32, #tpu.memory_space<hbm>>) target_semaphore(%arg13 : memref<!tpu.dma_semaphore, #tpu.memory_space<semaphore_mem>>)
    %get3A_568 = arith.constant 50176 : index
    %get3A_569 = tpu.vector_load %arg7[%get3A_568] {strides = array<i32>} : memref<51200xf32, #tpu.memory_space<vmem>>, vector<16xf32>,
    %swap3A_570 = arith.constant 2 : i32
    %swap3A_571 = arith.index_cast %swap3A_570 : i32 to index
    %swap3A_572 = arith.constant 0 : index
    %swap3A_573 = tpu.vector_load %arg12[%swap3A_571, %swap3A_572] {strides = array<i32>} : memref<8x128xf32, #tpu.memory_space<vmem>>, vector<16xf32>,
    tpu.vector_store %arg12[%swap3A_571, %swap3A_572], %get3A_569 {strides = array<i32>} : memref<8x128xf32, #tpu.memory_space<vmem>>, vector<16xf32>,
    %get3A_574 = arith.constant 50192 : index
    %get3A_575 = tpu.vector_load %arg7[%get3A_574] {strides = array<i32>} : memref<51200xf32, #tpu.memory_space<vmem>>, vector<16xf32>,
    %swap3A_576 = arith.constant 2 : i32
    %swap3A_577 = arith.index_cast %swap3A_576 : i32 to index
    %swap3A_578 = arith.constant 16 : index
    %swap3A_579 = tpu.vector_load %arg12[%swap3A_577, %swap3A_578] {strides = array<i32>} : memref<8x128xf32, #tpu.memory_space<vmem>>, vector<16xf32>,
    tpu.vector_store %arg12[%swap3A_577, %swap3A_578], %get3A_575 {strides = array<i32>} : memref<8x128xf32, #tpu.memory_space<vmem>>, vector<16xf32>,
    %get3A_580 = arith.constant 50208 : index
    %get3A_581 = tpu.vector_load %arg7[%get3A_580] {strides = array<i32>} : memref<51200xf32, #tpu.memory_space<vmem>>, vector<16xf32>,
    %swap3A_582 = arith.constant 2 : i32
    %swap3A_583 = arith.index_cast %swap3A_582 : i32 to index
    %swap3A_584 = arith.constant 32 : index
    %swap3A_585 = tpu.vector_load %arg12[%swap3A_583, %swap3A_584] {strides = array<i32>} : memref<8x128xf32, #tpu.memory_space<vmem>>, vector<16xf32>,
    tpu.vector_store %arg12[%swap3A_583, %swap3A_584], %get3A_581 {strides = array<i32>} : memref<8x128xf32, #tpu.memory_space<vmem>>, vector<16xf32>,
    %get3A_586 = arith.constant 50224 : index
    %get3A_587 = tpu.vector_load %arg7[%get3A_586] {strides = array<i32>} : memref<51200xf32, #tpu.memory_space<vmem>>, vector<16xf32>,
    %swap3A_588 = arith.constant 2 : i32
    %swap3A_589 = arith.index_cast %swap3A_588 : i32 to index
    %swap3A_590 = arith.constant 48 : index
    %swap3A_591 = tpu.vector_load %arg12[%swap3A_589, %swap3A_590] {strides = array<i32>} : memref<8x128xf32, #tpu.memory_space<vmem>>, vector<16xf32>,
    tpu.vector_store %arg12[%swap3A_589, %swap3A_590], %get3A_587 {strides = array<i32>} : memref<8x128xf32, #tpu.memory_space<vmem>>, vector<16xf32>,
    %get3A_592 = arith.constant 50240 : index
    %get3A_593 = tpu.vector_load %arg7[%get3A_592] {strides = array<i32>} : memref<51200xf32, #tpu.memory_space<vmem>>, vector<16xf32>,
    %swap3A_594 = arith.constant 2 : i32
    %swap3A_595 = arith.index_cast %swap3A_594 : i32 to index
    %swap3A_596 = arith.constant 64 : index
    %swap3A_597 = tpu.vector_load %arg12[%swap3A_595, %swap3A_596] {strides = array<i32>} : memref<8x128xf32, #tpu.memory_space<vmem>>, vector<16xf32>,
    tpu.vector_store %arg12[%swap3A_595, %swap3A_596], %get3A_593 {strides = array<i32>} : memref<8x128xf32, #tpu.memory_space<vmem>>, vector<16xf32>,
    %get3A_598 = arith.constant 50256 : index
    %get3A_599 = tpu.vector_load %arg7[%get3A_598] {strides = array<i32>} : memref<51200xf32, #tpu.memory_space<vmem>>, vector<16xf32>,
    %swap3A_600 = arith.constant 2 : i32
    %swap3A_601 = arith.index_cast %swap3A_600 : i32 to index
    %swap3A_602 = arith.constant 80 : index
    %swap3A_603 = tpu.vector_load %arg12[%swap3A_601, %swap3A_602] {strides = array<i32>} : memref<8x128xf32, #tpu.memory_space<vmem>>, vector<16xf32>,
    tpu.vector_store %arg12[%swap3A_601, %swap3A_602], %get3A_599 {strides = array<i32>} : memref<8x128xf32, #tpu.memory_space<vmem>>, vector<16xf32>,
    %get3A_604 = arith.constant 50272 : index
    %get3A_605 = tpu.vector_load %arg7[%get3A_604] {strides = array<i32>} : memref<51200xf32, #tpu.memory_space<vmem>>, vector<16xf32>,
    %swap3A_606 = arith.constant 2 : i32
    %swap3A_607 = arith.index_cast %swap3A_606 : i32 to index
    %swap3A_608 = arith.constant 96 : index
    %swap3A_609 = tpu.vector_load %arg12[%swap3A_607, %swap3A_608] {strides = array<i32>} : memref<8x128xf32, #tpu.memory_space<vmem>>, vector<16xf32>,
    tpu.vector_store %arg12[%swap3A_607, %swap3A_608], %get3A_605 {strides = array<i32>} : memref<8x128xf32, #tpu.memory_space<vmem>>, vector<16xf32>,
    %get3A_610 = arith.constant 50288 : index
    %get3A_611 = tpu.vector_load %arg7[%get3A_610] {strides = array<i32>} : memref<51200xf32, #tpu.memory_space<vmem>>, vector<16xf32>,
    %swap3A_612 = arith.constant 2 : i32
    %swap3A_613 = arith.index_cast %swap3A_612 : i32 to index
    %swap3A_614 = arith.constant 112 : index
    %swap3A_615 = tpu.vector_load %arg12[%swap3A_613, %swap3A_614] {strides = array<i32>} : memref<8x128xf32, #tpu.memory_space<vmem>>, vector<16xf32>,
    tpu.vector_store %arg12[%swap3A_613, %swap3A_614], %get3A_611 {strides = array<i32>} : memref<8x128xf32, #tpu.memory_space<vmem>>, vector<16xf32>,
    %add3A_616 = arith.constant 3 : i32
    %add3A_617 = arith.addi %mul3A_2, %add3A_616 : i32
    %shift_right_arithmetic3A_618 = arith.constant 4 : i32
    %shift_right_arithmetic3A_619 = arith.shrsi %add3A_617, %shift_right_arithmetic3A_618 : i32
    %and3A_620 = arith.constant 15 : i32
    %and3A_621 = arith.andi %add3A_617, %and3A_620 : i32
    %get3A_622 = arith.constant 3 : i32
    %get3A_623 = arith.index_cast %get3A_622 : i32 to index
    %get3A_624 = arith.constant 0 : index
    %get3A_625 = tpu.vector_load %arg11[%get3A_623, %get3A_624] {strides = array<i32>} : memref<8x128xf32, #tpu.memory_space<vmem>>, vector<16xf32>,
    %dma_wait3A_626 = arith.constant 0 : i32
    %dma_wait3A_627 = tpu.memref_slice %arg8[%dma_wait3A_626] : memref<51200xf32, #tpu.memory_space<vmem>> -> memref<50176xf32, #tpu.memory_space<vmem>>
    %dma_wait3A_628 = arith.constant 0 : i32
    %dma_wait3A_629 = tpu.memref_slice %arg5[%shift_right_arithmetic3A_265, %and3A_267, %dma_wait3A_628] : memref<16x16x50257xf32, #tpu.memory_space<hbm>> -> memref<1x1x50176xf32, #tpu.memory_space<hbm>>
    %dma_wait3A_630 = tpu.memref_squeeze %dma_wait3A_629 : memref<1x1x50176xf32, #tpu.memory_space<hbm>> -> memref<50176xf32, #tpu.memory_space<hbm>>
    %dma_wait3A_631 = arith.constant 0 : i32
    %dma_wait3A_632 = tpu.memref_slice %arg5[%shift_right_arithmetic3A_265, %and3A_267, %dma_wait3A_631] : memref<16x16x50257xf32, #tpu.memory_space<hbm>> -> memref<1x1x50176xf32, #tpu.memory_space<hbm>>
    %dma_wait3A_633 = tpu.memref_squeeze %dma_wait3A_632 : memref<1x1x50176xf32, #tpu.memory_space<hbm>> -> memref<50176xf32, #tpu.memory_space<hbm>>
    %dma_wait3A_634 = arith.constant 0 : i32
    %dma_wait3A_635 = tpu.memref_slice %arg8[%dma_wait3A_634] : memref<51200xf32, #tpu.memory_space<vmem>> -> memref<50176xf32, #tpu.memory_space<vmem>>
    tpu.wait_dma2 semaphore(%arg14 : memref<!tpu.dma_semaphore, #tpu.memory_space<semaphore_mem>>) src(%dma_wait3A_635 : memref<50176xf32, #tpu.memory_space<vmem>>) dst(%dma_wait3A_633 : memref<50176xf32, #tpu.memory_space<hbm>>)
    %get3A_636 = arith.constant 1 : i32
    %get3A_637 = arith.index_cast %get3A_636 : i32 to index
    %get3A_638 = arith.constant 0 : index
    %get3A_639 = tpu.vector_load %arg11[%get3A_637, %get3A_638] {strides = array<i32>} : memref<8x128xf32, #tpu.memory_space<vmem>>, vector<16xf32>,
    %sub3A_640 = arith.subf %get3A_625, %get3A_639 : vector<16xf32>
    %abs3A_641 = math.absf %sub3A_640 : vector<16xf32>
    %reduce_max3A_642 = arith.constant true
    %reduce_max3A_643 = vector.broadcast %reduce_max3A_642 : i1 to vector<16xi1>
    %reduce_max3A_644 = tpu.scan <max>, %abs3A_641 masked %reduce_max3A_643 : vector<16xf32>, vector<16xi1> -> vector<16xf32>
    %reduce_max3A_645 = vector.extract %reduce_max3A_644[15] : f32 from vector<16xf32>
    %eq3A_646 = arith.constant 0.000000e+00 : f32
    %eq3A_647 = arith.cmpf oeq, %reduce_max3A_645, %eq3A_646 : f32
    %convert_element_type3A_648 = arith.extui %eq3A_647 : i1 to i32
    %cond3A_649 = arith.constant 0 : i32
    %cond3A_650 = arith.cmpi ne, %convert_element_type3A_648, %cond3A_649 : i32
    scf.if %cond3A_650 {
      %scan3A_1534 = arith.constant 0 : i32
      %scan3A_1535 = arith.constant 256 : i32
      %scan3A_1536 = arith.addi %scan3A_1534, %scan3A_1535 : i32
      %scan3A_1537 = arith.constant 8 : i32
      scf.for %scan3A_1539 = %scan3A_1534 to %scan3A_1536 step %scan3A_1537  : i32 {
        %shift_right_arithmetic3A_1540 = arith.constant 6 : i32
        %shift_right_arithmetic3A_1541 = arith.shrsi %scan3A_1539, %shift_right_arithmetic3A_1540 : i32
        %shift_right_arithmetic3A_1542 = arith.constant 3 : i32
        %shift_right_arithmetic3A_1543 = arith.shrsi %scan3A_1539, %shift_right_arithmetic3A_1542 : i32
        %and3A_1544 = arith.constant 7 : i32
        %and3A_1545 = arith.andi %shift_right_arithmetic3A_1543, %and3A_1544 : i32
        %and3A_1546 = arith.constant 7 : i32
        %and3A_1547 = arith.andi %scan3A_1539, %and3A_1546 : i32
        %mul3A_1548 = arith.constant 16 : i32
        %mul3A_1549 = arith.muli %and3A_1547, %mul3A_1548 : i32
        %get3A_1550 = arith.constant 1 : i32
        %get3A_1551 = arith.index_cast %get3A_1550 : i32 to index
        %get3A_1552 = arith.index_cast %shift_right_arithmetic3A_1541 : i32 to index
        %get3A_1553 = arith.index_cast %and3A_1545 : i32 to index
        %get3A_1554 = arith.index_cast %mul3A_1549 : i32 to index
        %get3A_1555 = tpu.vector_load %arg9[%get3A_1551, %get3A_1552, %get3A_1553, %get3A_1554] {strides = array<i32>} : memref<4x4x8x128xi32, #tpu.memory_space<vmem>>, vector<16xi32>,
        tpu.vector_store_idx %arg8[%get3A_1555], %get3A_625 : memref<51200xf32, #tpu.memory_space<vmem>>[vector<16xi32>], vector<16xf32>,
        %scan3A_1556 = arith.constant 1 : i32
        %scan3A_1557 = arith.addi %scan3A_1539, %scan3A_1556 : i32
        %shift_right_arithmetic3A_1558 = arith.constant 6 : i32
        %shift_right_arithmetic3A_1559 = arith.shrsi %scan3A_1557, %shift_right_arithmetic3A_1558 : i32
        %shift_right_arithmetic3A_1560 = arith.constant 3 : i32
        %shift_right_arithmetic3A_1561 = arith.shrsi %scan3A_1557, %shift_right_arithmetic3A_1560 : i32
        %and3A_1562 = arith.constant 7 : i32
        %and3A_1563 = arith.andi %shift_right_arithmetic3A_1561, %and3A_1562 : i32
        %and3A_1564 = arith.constant 7 : i32
        %and3A_1565 = arith.andi %scan3A_1557, %and3A_1564 : i32
        %mul3A_1566 = arith.constant 16 : i32
        %mul3A_1567 = arith.muli %and3A_1565, %mul3A_1566 : i32
        %get3A_1568 = arith.constant 1 : i32
        %get3A_1569 = arith.index_cast %get3A_1568 : i32 to index
        %get3A_1570 = arith.index_cast %shift_right_arithmetic3A_1559 : i32 to index
        %get3A_1571 = arith.index_cast %and3A_1563 : i32 to index
        %get3A_1572 = arith.index_cast %mul3A_1567 : i32 to index
        %get3A_1573 = tpu.vector_load %arg9[%get3A_1569, %get3A_1570, %get3A_1571, %get3A_1572] {strides = array<i32>} : memref<4x4x8x128xi32, #tpu.memory_space<vmem>>, vector<16xi32>,
        tpu.vector_store_idx %arg8[%get3A_1573], %get3A_625 : memref<51200xf32, #tpu.memory_space<vmem>>[vector<16xi32>], vector<16xf32>,
        %scan3A_1574 = arith.constant 2 : i32
        %scan3A_1575 = arith.addi %scan3A_1539, %scan3A_1574 : i32
        %shift_right_arithmetic3A_1576 = arith.constant 6 : i32
        %shift_right_arithmetic3A_1577 = arith.shrsi %scan3A_1575, %shift_right_arithmetic3A_1576 : i32
        %shift_right_arithmetic3A_1578 = arith.constant 3 : i32
        %shift_right_arithmetic3A_1579 = arith.shrsi %scan3A_1575, %shift_right_arithmetic3A_1578 : i32
        %and3A_1580 = arith.constant 7 : i32
        %and3A_1581 = arith.andi %shift_right_arithmetic3A_1579, %and3A_1580 : i32
        %and3A_1582 = arith.constant 7 : i32
        %and3A_1583 = arith.andi %scan3A_1575, %and3A_1582 : i32
        %mul3A_1584 = arith.constant 16 : i32
        %mul3A_1585 = arith.muli %and3A_1583, %mul3A_1584 : i32
        %get3A_1586 = arith.constant 1 : i32
        %get3A_1587 = arith.index_cast %get3A_1586 : i32 to index
        %get3A_1588 = arith.index_cast %shift_right_arithmetic3A_1577 : i32 to index
        %get3A_1589 = arith.index_cast %and3A_1581 : i32 to index
        %get3A_1590 = arith.index_cast %mul3A_1585 : i32 to index
        %get3A_1591 = tpu.vector_load %arg9[%get3A_1587, %get3A_1588, %get3A_1589, %get3A_1590] {strides = array<i32>} : memref<4x4x8x128xi32, #tpu.memory_space<vmem>>, vector<16xi32>,
        tpu.vector_store_idx %arg8[%get3A_1591], %get3A_625 : memref<51200xf32, #tpu.memory_space<vmem>>[vector<16xi32>], vector<16xf32>,
        %scan3A_1592 = arith.constant 3 : i32
        %scan3A_1593 = arith.addi %scan3A_1539, %scan3A_1592 : i32
        %shift_right_arithmetic3A_1594 = arith.constant 6 : i32
        %shift_right_arithmetic3A_1595 = arith.shrsi %scan3A_1593, %shift_right_arithmetic3A_1594 : i32
        %shift_right_arithmetic3A_1596 = arith.constant 3 : i32
        %shift_right_arithmetic3A_1597 = arith.shrsi %scan3A_1593, %shift_right_arithmetic3A_1596 : i32
        %and3A_1598 = arith.constant 7 : i32
        %and3A_1599 = arith.andi %shift_right_arithmetic3A_1597, %and3A_1598 : i32
        %and3A_1600 = arith.constant 7 : i32
        %and3A_1601 = arith.andi %scan3A_1593, %and3A_1600 : i32
        %mul3A_1602 = arith.constant 16 : i32
        %mul3A_1603 = arith.muli %and3A_1601, %mul3A_1602 : i32
        %get3A_1604 = arith.constant 1 : i32
        %get3A_1605 = arith.index_cast %get3A_1604 : i32 to index
        %get3A_1606 = arith.index_cast %shift_right_arithmetic3A_1595 : i32 to index
        %get3A_1607 = arith.index_cast %and3A_1599 : i32 to index
        %get3A_1608 = arith.index_cast %mul3A_1603 : i32 to index
        %get3A_1609 = tpu.vector_load %arg9[%get3A_1605, %get3A_1606, %get3A_1607, %get3A_1608] {strides = array<i32>} : memref<4x4x8x128xi32, #tpu.memory_space<vmem>>, vector<16xi32>,
        tpu.vector_store_idx %arg8[%get3A_1609], %get3A_625 : memref<51200xf32, #tpu.memory_space<vmem>>[vector<16xi32>], vector<16xf32>,
        %scan3A_1610 = arith.constant 4 : i32
        %scan3A_1611 = arith.addi %scan3A_1539, %scan3A_1610 : i32
        %shift_right_arithmetic3A_1612 = arith.constant 6 : i32
        %shift_right_arithmetic3A_1613 = arith.shrsi %scan3A_1611, %shift_right_arithmetic3A_1612 : i32
        %shift_right_arithmetic3A_1614 = arith.constant 3 : i32
        %shift_right_arithmetic3A_1615 = arith.shrsi %scan3A_1611, %shift_right_arithmetic3A_1614 : i32
        %and3A_1616 = arith.constant 7 : i32
        %and3A_1617 = arith.andi %shift_right_arithmetic3A_1615, %and3A_1616 : i32
        %and3A_1618 = arith.constant 7 : i32
        %and3A_1619 = arith.andi %scan3A_1611, %and3A_1618 : i32
        %mul3A_1620 = arith.constant 16 : i32
        %mul3A_1621 = arith.muli %and3A_1619, %mul3A_1620 : i32
        %get3A_1622 = arith.constant 1 : i32
        %get3A_1623 = arith.index_cast %get3A_1622 : i32 to index
        %get3A_1624 = arith.index_cast %shift_right_arithmetic3A_1613 : i32 to index
        %get3A_1625 = arith.index_cast %and3A_1617 : i32 to index
        %get3A_1626 = arith.index_cast %mul3A_1621 : i32 to index
        %get3A_1627 = tpu.vector_load %arg9[%get3A_1623, %get3A_1624, %get3A_1625, %get3A_1626] {strides = array<i32>} : memref<4x4x8x128xi32, #tpu.memory_space<vmem>>, vector<16xi32>,
        tpu.vector_store_idx %arg8[%get3A_1627], %get3A_625 : memref<51200xf32, #tpu.memory_space<vmem>>[vector<16xi32>], vector<16xf32>,
        %scan3A_1628 = arith.constant 5 : i32
        %scan3A_1629 = arith.addi %scan3A_1539, %scan3A_1628 : i32
        %shift_right_arithmetic3A_1630 = arith.constant 6 : i32
        %shift_right_arithmetic3A_1631 = arith.shrsi %scan3A_1629, %shift_right_arithmetic3A_1630 : i32
        %shift_right_arithmetic3A_1632 = arith.constant 3 : i32
        %shift_right_arithmetic3A_1633 = arith.shrsi %scan3A_1629, %shift_right_arithmetic3A_1632 : i32
        %and3A_1634 = arith.constant 7 : i32
        %and3A_1635 = arith.andi %shift_right_arithmetic3A_1633, %and3A_1634 : i32
        %and3A_1636 = arith.constant 7 : i32
        %and3A_1637 = arith.andi %scan3A_1629, %and3A_1636 : i32
        %mul3A_1638 = arith.constant 16 : i32
        %mul3A_1639 = arith.muli %and3A_1637, %mul3A_1638 : i32
        %get3A_1640 = arith.constant 1 : i32
        %get3A_1641 = arith.index_cast %get3A_1640 : i32 to index
        %get3A_1642 = arith.index_cast %shift_right_arithmetic3A_1631 : i32 to index
        %get3A_1643 = arith.index_cast %and3A_1635 : i32 to index
        %get3A_1644 = arith.index_cast %mul3A_1639 : i32 to index
        %get3A_1645 = tpu.vector_load %arg9[%get3A_1641, %get3A_1642, %get3A_1643, %get3A_1644] {strides = array<i32>} : memref<4x4x8x128xi32, #tpu.memory_space<vmem>>, vector<16xi32>,
        tpu.vector_store_idx %arg8[%get3A_1645], %get3A_625 : memref<51200xf32, #tpu.memory_space<vmem>>[vector<16xi32>], vector<16xf32>,
        %scan3A_1646 = arith.constant 6 : i32
        %scan3A_1647 = arith.addi %scan3A_1539, %scan3A_1646 : i32
        %shift_right_arithmetic3A_1648 = arith.constant 6 : i32
        %shift_right_arithmetic3A_1649 = arith.shrsi %scan3A_1647, %shift_right_arithmetic3A_1648 : i32
        %shift_right_arithmetic3A_1650 = arith.constant 3 : i32
        %shift_right_arithmetic3A_1651 = arith.shrsi %scan3A_1647, %shift_right_arithmetic3A_1650 : i32
        %and3A_1652 = arith.constant 7 : i32
        %and3A_1653 = arith.andi %shift_right_arithmetic3A_1651, %and3A_1652 : i32
        %and3A_1654 = arith.constant 7 : i32
        %and3A_1655 = arith.andi %scan3A_1647, %and3A_1654 : i32
        %mul3A_1656 = arith.constant 16 : i32
        %mul3A_1657 = arith.muli %and3A_1655, %mul3A_1656 : i32
        %get3A_1658 = arith.constant 1 : i32
        %get3A_1659 = arith.index_cast %get3A_1658 : i32 to index
        %get3A_1660 = arith.index_cast %shift_right_arithmetic3A_1649 : i32 to index
        %get3A_1661 = arith.index_cast %and3A_1653 : i32 to index
        %get3A_1662 = arith.index_cast %mul3A_1657 : i32 to index
        %get3A_1663 = tpu.vector_load %arg9[%get3A_1659, %get3A_1660, %get3A_1661, %get3A_1662] {strides = array<i32>} : memref<4x4x8x128xi32, #tpu.memory_space<vmem>>, vector<16xi32>,
        tpu.vector_store_idx %arg8[%get3A_1663], %get3A_625 : memref<51200xf32, #tpu.memory_space<vmem>>[vector<16xi32>], vector<16xf32>,
        %scan3A_1664 = arith.constant 7 : i32
        %scan3A_1665 = arith.addi %scan3A_1539, %scan3A_1664 : i32
        %shift_right_arithmetic3A_1666 = arith.constant 6 : i32
        %shift_right_arithmetic3A_1667 = arith.shrsi %scan3A_1665, %shift_right_arithmetic3A_1666 : i32
        %shift_right_arithmetic3A_1668 = arith.constant 3 : i32
        %shift_right_arithmetic3A_1669 = arith.shrsi %scan3A_1665, %shift_right_arithmetic3A_1668 : i32
        %and3A_1670 = arith.constant 7 : i32
        %and3A_1671 = arith.andi %shift_right_arithmetic3A_1669, %and3A_1670 : i32
        %and3A_1672 = arith.constant 7 : i32
        %and3A_1673 = arith.andi %scan3A_1665, %and3A_1672 : i32
        %mul3A_1674 = arith.constant 16 : i32
        %mul3A_1675 = arith.muli %and3A_1673, %mul3A_1674 : i32
        %get3A_1676 = arith.constant 1 : i32
        %get3A_1677 = arith.index_cast %get3A_1676 : i32 to index
        %get3A_1678 = arith.index_cast %shift_right_arithmetic3A_1667 : i32 to index
        %get3A_1679 = arith.index_cast %and3A_1671 : i32 to index
        %get3A_1680 = arith.index_cast %mul3A_1675 : i32 to index
        %get3A_1681 = tpu.vector_load %arg9[%get3A_1677, %get3A_1678, %get3A_1679, %get3A_1680] {strides = array<i32>} : memref<4x4x8x128xi32, #tpu.memory_space<vmem>>, vector<16xi32>,
        tpu.vector_store_idx %arg8[%get3A_1681], %get3A_625 : memref<51200xf32, #tpu.memory_space<vmem>>[vector<16xi32>], vector<16xf32>,
      }
      %scan3A_1538 = arith.constant 256 : i32
    } else {
      %scan3A_1534 = arith.constant 0 : i32
      %scan3A_1535 = arith.constant 3144 : i32
      %scan3A_1536 = arith.addi %scan3A_1534, %scan3A_1535 : i32
      %scan3A_1537 = arith.constant 8 : i32
      scf.for %scan3A_1539 = %scan3A_1534 to %scan3A_1536 step %scan3A_1537  : i32 {
        %mul3A_1540 = arith.constant 16 : i32
        %mul3A_1541 = arith.muli %scan3A_1539, %mul3A_1540 : i32
        %swap3A_1542 = arith.index_cast %mul3A_1541 : i32 to index
        %swap3A_1543 = tpu.vector_load %arg8[%swap3A_1542] {strides = array<i32>} : memref<51200xf32, #tpu.memory_space<vmem>>, vector<16xf32>,
        tpu.vector_store %arg8[%swap3A_1542], %get3A_625 {strides = array<i32>} : memref<51200xf32, #tpu.memory_space<vmem>>, vector<16xf32>,
        %scan3A_1544 = arith.constant 1 : i32
        %scan3A_1545 = arith.addi %scan3A_1539, %scan3A_1544 : i32
        %mul3A_1546 = arith.constant 16 : i32
        %mul3A_1547 = arith.muli %scan3A_1545, %mul3A_1546 : i32
        %swap3A_1548 = arith.index_cast %mul3A_1547 : i32 to index
        %swap3A_1549 = tpu.vector_load %arg8[%swap3A_1548] {strides = array<i32>} : memref<51200xf32, #tpu.memory_space<vmem>>, vector<16xf32>,
        tpu.vector_store %arg8[%swap3A_1548], %get3A_625 {strides = array<i32>} : memref<51200xf32, #tpu.memory_space<vmem>>, vector<16xf32>,
        %scan3A_1550 = arith.constant 2 : i32
        %scan3A_1551 = arith.addi %scan3A_1539, %scan3A_1550 : i32
        %mul3A_1552 = arith.constant 16 : i32
        %mul3A_1553 = arith.muli %scan3A_1551, %mul3A_1552 : i32
        %swap3A_1554 = arith.index_cast %mul3A_1553 : i32 to index
        %swap3A_1555 = tpu.vector_load %arg8[%swap3A_1554] {strides = array<i32>} : memref<51200xf32, #tpu.memory_space<vmem>>, vector<16xf32>,
        tpu.vector_store %arg8[%swap3A_1554], %get3A_625 {strides = array<i32>} : memref<51200xf32, #tpu.memory_space<vmem>>, vector<16xf32>,
        %scan3A_1556 = arith.constant 3 : i32
        %scan3A_1557 = arith.addi %scan3A_1539, %scan3A_1556 : i32
        %mul3A_1558 = arith.constant 16 : i32
        %mul3A_1559 = arith.muli %scan3A_1557, %mul3A_1558 : i32
        %swap3A_1560 = arith.index_cast %mul3A_1559 : i32 to index
        %swap3A_1561 = tpu.vector_load %arg8[%swap3A_1560] {strides = array<i32>} : memref<51200xf32, #tpu.memory_space<vmem>>, vector<16xf32>,
        tpu.vector_store %arg8[%swap3A_1560], %get3A_625 {strides = array<i32>} : memref<51200xf32, #tpu.memory_space<vmem>>, vector<16xf32>,
        %scan3A_1562 = arith.constant 4 : i32
        %scan3A_1563 = arith.addi %scan3A_1539, %scan3A_1562 : i32
        %mul3A_1564 = arith.constant 16 : i32
        %mul3A_1565 = arith.muli %scan3A_1563, %mul3A_1564 : i32
        %swap3A_1566 = arith.index_cast %mul3A_1565 : i32 to index
        %swap3A_1567 = tpu.vector_load %arg8[%swap3A_1566] {strides = array<i32>} : memref<51200xf32, #tpu.memory_space<vmem>>, vector<16xf32>,
        tpu.vector_store %arg8[%swap3A_1566], %get3A_625 {strides = array<i32>} : memref<51200xf32, #tpu.memory_space<vmem>>, vector<16xf32>,
        %scan3A_1568 = arith.constant 5 : i32
        %scan3A_1569 = arith.addi %scan3A_1539, %scan3A_1568 : i32
        %mul3A_1570 = arith.constant 16 : i32
        %mul3A_1571 = arith.muli %scan3A_1569, %mul3A_1570 : i32
        %swap3A_1572 = arith.index_cast %mul3A_1571 : i32 to index
        %swap3A_1573 = tpu.vector_load %arg8[%swap3A_1572] {strides = array<i32>} : memref<51200xf32, #tpu.memory_space<vmem>>, vector<16xf32>,
        tpu.vector_store %arg8[%swap3A_1572], %get3A_625 {strides = array<i32>} : memref<51200xf32, #tpu.memory_space<vmem>>, vector<16xf32>,
        %scan3A_1574 = arith.constant 6 : i32
        %scan3A_1575 = arith.addi %scan3A_1539, %scan3A_1574 : i32
        %mul3A_1576 = arith.constant 16 : i32
        %mul3A_1577 = arith.muli %scan3A_1575, %mul3A_1576 : i32
        %swap3A_1578 = arith.index_cast %mul3A_1577 : i32 to index
        %swap3A_1579 = tpu.vector_load %arg8[%swap3A_1578] {strides = array<i32>} : memref<51200xf32, #tpu.memory_space<vmem>>, vector<16xf32>,
        tpu.vector_store %arg8[%swap3A_1578], %get3A_625 {strides = array<i32>} : memref<51200xf32, #tpu.memory_space<vmem>>, vector<16xf32>,
        %scan3A_1580 = arith.constant 7 : i32
        %scan3A_1581 = arith.addi %scan3A_1539, %scan3A_1580 : i32
        %mul3A_1582 = arith.constant 16 : i32
        %mul3A_1583 = arith.muli %scan3A_1581, %mul3A_1582 : i32
        %swap3A_1584 = arith.index_cast %mul3A_1583 : i32 to index
        %swap3A_1585 = tpu.vector_load %arg8[%swap3A_1584] {strides = array<i32>} : memref<51200xf32, #tpu.memory_space<vmem>>, vector<16xf32>,
        tpu.vector_store %arg8[%swap3A_1584], %get3A_625 {strides = array<i32>} : memref<51200xf32, #tpu.memory_space<vmem>>, vector<16xf32>,
      }
      %scan3A_1538 = arith.constant 3144 : i32
    }
    %add3A_651 = arith.constant 3 : i32
    %add3A_652 = arith.addi %mul3A_2, %add3A_651 : i32
    %add3A_653 = arith.constant 1 : i32
    %add3A_654 = arith.addi %add3A_652, %add3A_653 : i32
    %mul3A_655 = arith.constant 4 : i32
    %mul3A_656 = arith.muli %add3A_654, %mul3A_655 : i32
    %dma_start3A_657 = arith.constant 0 : i32
    %dma_start3A_658 = arith.constant 0 : i32
    %dma_start3A_659 = arith.constant 0 : i32
    %dma_start3A_660 = arith.constant 0 : i32
    %dma_start3A_661 = arith.constant 0 : i32
    %dma_start3A_662 = tpu.memref_slice %arg9[%dma_start3A_657, %dma_start3A_659, %dma_start3A_660, %dma_start3A_661] : memref<4x4x8x128xi32, #tpu.memory_space<vmem>> -> memref<1x4x8x128xi32, #tpu.memory_space<vmem>>
    %dma_start3A_663 = tpu.memref_squeeze %dma_start3A_662 : memref<1x4x8x128xi32, #tpu.memory_space<vmem>> -> memref<4x8x128xi32, #tpu.memory_space<vmem>>
    %dma_start3A_664 = arith.constant 0 : i32
    %dma_start3A_665 = arith.constant 0 : i32
    %dma_start3A_666 = tpu.memref_slice %arg3[%mul3A_656, %dma_start3A_664, %dma_start3A_665] : memref<1024x8x128xi32, #tpu.memory_space<hbm>> -> memref<4x8x128xi32, #tpu.memory_space<hbm>>
    %dma_start3A_667 = tpu.memref_slice %arg15[%dma_start3A_658] : memref<4x!tpu.dma_semaphore, #tpu.memory_space<semaphore_mem>> -> memref<1x!tpu.dma_semaphore, #tpu.memory_space<semaphore_mem>>
    %dma_start3A_668 = tpu.memref_squeeze %dma_start3A_667 : memref<1x!tpu.dma_semaphore, #tpu.memory_space<semaphore_mem>> -> memref<!tpu.dma_semaphore, #tpu.memory_space<semaphore_mem>>
    %dma_start3A_669 = arith.constant 0 : i32
    %dma_start3A_670 = arith.constant 0 : i32
    %dma_start3A_671 = arith.constant 0 : i32
    %dma_start3A_672 = tpu.memref_slice %arg9[%dma_start3A_657, %dma_start3A_669, %dma_start3A_670, %dma_start3A_671] : memref<4x4x8x128xi32, #tpu.memory_space<vmem>> -> memref<1x4x8x128xi32, #tpu.memory_space<vmem>>
    %dma_start3A_673 = tpu.memref_squeeze %dma_start3A_672 : memref<1x4x8x128xi32, #tpu.memory_space<vmem>> -> memref<4x8x128xi32, #tpu.memory_space<vmem>>
    %dma_start3A_674 = arith.constant 0 : i32
    %dma_start3A_675 = arith.constant 0 : i32
    %dma_start3A_676 = tpu.memref_slice %arg3[%mul3A_656, %dma_start3A_674, %dma_start3A_675] : memref<1024x8x128xi32, #tpu.memory_space<hbm>> -> memref<4x8x128xi32, #tpu.memory_space<hbm>>
    tpu.enqueue_dma source(%dma_start3A_676 : memref<4x8x128xi32, #tpu.memory_space<hbm>>) target(%dma_start3A_673 : memref<4x8x128xi32, #tpu.memory_space<vmem>>) target_semaphore(%dma_start3A_668 : memref<!tpu.dma_semaphore, #tpu.memory_space<semaphore_mem>>)
    %add3A_677 = arith.constant 3 : i32
    %add3A_678 = arith.addi %mul3A_2, %add3A_677 : i32
    %add3A_679 = arith.constant 1 : i32
    %add3A_680 = arith.addi %add3A_678, %add3A_679 : i32
    %mul3A_681 = arith.constant 4 : i32
    %mul3A_682 = arith.muli %add3A_680, %mul3A_681 : i32
    %dma_start3A_683 = arith.constant 0 : i32
    %dma_start3A_684 = arith.constant 0 : i32
    %dma_start3A_685 = arith.constant 0 : i32
    %dma_start3A_686 = arith.constant 0 : i32
    %dma_start3A_687 = arith.constant 0 : i32
    %dma_start3A_688 = tpu.memref_slice %arg10[%dma_start3A_683, %dma_start3A_685, %dma_start3A_686, %dma_start3A_687] : memref<2x4x8x128xf32, #tpu.memory_space<vmem>> -> memref<1x4x8x128xf32, #tpu.memory_space<vmem>>
    %dma_start3A_689 = tpu.memref_squeeze %dma_start3A_688 : memref<1x4x8x128xf32, #tpu.memory_space<vmem>> -> memref<4x8x128xf32, #tpu.memory_space<vmem>>
    %dma_start3A_690 = arith.constant 0 : i32
    %dma_start3A_691 = arith.constant 0 : i32
    %dma_start3A_692 = tpu.memref_slice %arg2[%mul3A_682, %dma_start3A_690, %dma_start3A_691] : memref<1024x8x128xf32, #tpu.memory_space<hbm>> -> memref<4x8x128xf32, #tpu.memory_space<hbm>>
    %dma_start3A_693 = tpu.memref_slice %arg16[%dma_start3A_684] : memref<2x!tpu.dma_semaphore, #tpu.memory_space<semaphore_mem>> -> memref<1x!tpu.dma_semaphore, #tpu.memory_space<semaphore_mem>>
    %dma_start3A_694 = tpu.memref_squeeze %dma_start3A_693 : memref<1x!tpu.dma_semaphore, #tpu.memory_space<semaphore_mem>> -> memref<!tpu.dma_semaphore, #tpu.memory_space<semaphore_mem>>
    %dma_start3A_695 = arith.constant 0 : i32
    %dma_start3A_696 = arith.constant 0 : i32
    %dma_start3A_697 = arith.constant 0 : i32
    %dma_start3A_698 = tpu.memref_slice %arg10[%dma_start3A_683, %dma_start3A_695, %dma_start3A_696, %dma_start3A_697] : memref<2x4x8x128xf32, #tpu.memory_space<vmem>> -> memref<1x4x8x128xf32, #tpu.memory_space<vmem>>
    %dma_start3A_699 = tpu.memref_squeeze %dma_start3A_698 : memref<1x4x8x128xf32, #tpu.memory_space<vmem>> -> memref<4x8x128xf32, #tpu.memory_space<vmem>>
    %dma_start3A_700 = arith.constant 0 : i32
    %dma_start3A_701 = arith.constant 0 : i32
    %dma_start3A_702 = tpu.memref_slice %arg2[%mul3A_682, %dma_start3A_700, %dma_start3A_701] : memref<1024x8x128xf32, #tpu.memory_space<hbm>> -> memref<4x8x128xf32, #tpu.memory_space<hbm>>
    tpu.enqueue_dma source(%dma_start3A_702 : memref<4x8x128xf32, #tpu.memory_space<hbm>>) target(%dma_start3A_699 : memref<4x8x128xf32, #tpu.memory_space<vmem>>) target_semaphore(%dma_start3A_694 : memref<!tpu.dma_semaphore, #tpu.memory_space<semaphore_mem>>)
    %dma_wait3A_703 = arith.constant 3 : i32
    %dma_wait3A_704 = arith.constant 3 : i32
    %dma_wait3A_705 = arith.constant 0 : i32
    %dma_wait3A_706 = arith.constant 0 : i32
    %dma_wait3A_707 = arith.constant 0 : i32
    %dma_wait3A_708 = tpu.memref_slice %arg9[%dma_wait3A_703, %dma_wait3A_705, %dma_wait3A_706, %dma_wait3A_707] : memref<4x4x8x128xi32, #tpu.memory_space<vmem>> -> memref<1x4x8x128xi32, #tpu.memory_space<vmem>>
    %dma_wait3A_709 = tpu.memref_squeeze %dma_wait3A_708 : memref<1x4x8x128xi32, #tpu.memory_space<vmem>> -> memref<4x8x128xi32, #tpu.memory_space<vmem>>
    %dma_wait3A_710 = arith.constant 0 : i32
    %dma_wait3A_711 = arith.constant 0 : i32
    %dma_wait3A_712 = tpu.memref_slice %arg3[%mul3A_466, %dma_wait3A_710, %dma_wait3A_711] : memref<1024x8x128xi32, #tpu.memory_space<hbm>> -> memref<4x8x128xi32, #tpu.memory_space<hbm>>
    %dma_wait3A_713 = tpu.memref_slice %arg15[%dma_wait3A_704] : memref<4x!tpu.dma_semaphore, #tpu.memory_space<semaphore_mem>> -> memref<1x!tpu.dma_semaphore, #tpu.memory_space<semaphore_mem>>
    %dma_wait3A_714 = tpu.memref_squeeze %dma_wait3A_713 : memref<1x!tpu.dma_semaphore, #tpu.memory_space<semaphore_mem>> -> memref<!tpu.dma_semaphore, #tpu.memory_space<semaphore_mem>>
    %dma_wait3A_715 = arith.constant 0 : i32
    %dma_wait3A_716 = arith.constant 0 : i32
    %dma_wait3A_717 = arith.constant 0 : i32
    %dma_wait3A_718 = tpu.memref_slice %arg9[%dma_wait3A_703, %dma_wait3A_715, %dma_wait3A_716, %dma_wait3A_717] : memref<4x4x8x128xi32, #tpu.memory_space<vmem>> -> memref<1x4x8x128xi32, #tpu.memory_space<vmem>>
    %dma_wait3A_719 = tpu.memref_squeeze %dma_wait3A_718 : memref<1x4x8x128xi32, #tpu.memory_space<vmem>> -> memref<4x8x128xi32, #tpu.memory_space<vmem>>
    %dma_wait3A_720 = arith.constant 0 : i32
    %dma_wait3A_721 = arith.constant 0 : i32
    %dma_wait3A_722 = tpu.memref_slice %arg3[%mul3A_466, %dma_wait3A_720, %dma_wait3A_721] : memref<1024x8x128xi32, #tpu.memory_space<hbm>> -> memref<4x8x128xi32, #tpu.memory_space<hbm>>
    tpu.wait_dma2 semaphore(%dma_wait3A_714 : memref<!tpu.dma_semaphore, #tpu.memory_space<semaphore_mem>>) src(%dma_wait3A_722 : memref<4x8x128xi32, #tpu.memory_space<hbm>>) dst(%dma_wait3A_719 : memref<4x8x128xi32, #tpu.memory_space<vmem>>)
    %dma_wait3A_723 = arith.constant 1 : i32
    %dma_wait3A_724 = arith.constant 1 : i32
    %dma_wait3A_725 = arith.constant 0 : i32
    %dma_wait3A_726 = arith.constant 0 : i32
    %dma_wait3A_727 = arith.constant 0 : i32
    %dma_wait3A_728 = tpu.memref_slice %arg10[%dma_wait3A_723, %dma_wait3A_725, %dma_wait3A_726, %dma_wait3A_727] : memref<2x4x8x128xf32, #tpu.memory_space<vmem>> -> memref<1x4x8x128xf32, #tpu.memory_space<vmem>>
    %dma_wait3A_729 = tpu.memref_squeeze %dma_wait3A_728 : memref<1x4x8x128xf32, #tpu.memory_space<vmem>> -> memref<4x8x128xf32, #tpu.memory_space<vmem>>
    %dma_wait3A_730 = arith.constant 0 : i32
    %dma_wait3A_731 = arith.constant 0 : i32
    %dma_wait3A_732 = tpu.memref_slice %arg2[%mul3A_492, %dma_wait3A_730, %dma_wait3A_731] : memref<1024x8x128xf32, #tpu.memory_space<hbm>> -> memref<4x8x128xf32, #tpu.memory_space<hbm>>
    %dma_wait3A_733 = tpu.memref_slice %arg16[%dma_wait3A_724] : memref<2x!tpu.dma_semaphore, #tpu.memory_space<semaphore_mem>> -> memref<1x!tpu.dma_semaphore, #tpu.memory_space<semaphore_mem>>
    %dma_wait3A_734 = tpu.memref_squeeze %dma_wait3A_733 : memref<1x!tpu.dma_semaphore, #tpu.memory_space<semaphore_mem>> -> memref<!tpu.dma_semaphore, #tpu.memory_space<semaphore_mem>>
    %dma_wait3A_735 = arith.constant 0 : i32
    %dma_wait3A_736 = arith.constant 0 : i32
    %dma_wait3A_737 = arith.constant 0 : i32
    %dma_wait3A_738 = tpu.memref_slice %arg10[%dma_wait3A_723, %dma_wait3A_735, %dma_wait3A_736, %dma_wait3A_737] : memref<2x4x8x128xf32, #tpu.memory_space<vmem>> -> memref<1x4x8x128xf32, #tpu.memory_space<vmem>>
    %dma_wait3A_739 = tpu.memref_squeeze %dma_wait3A_738 : memref<1x4x8x128xf32, #tpu.memory_space<vmem>> -> memref<4x8x128xf32, #tpu.memory_space<vmem>>
    %dma_wait3A_740 = arith.constant 0 : i32
    %dma_wait3A_741 = arith.constant 0 : i32
    %dma_wait3A_742 = tpu.memref_slice %arg2[%mul3A_492, %dma_wait3A_740, %dma_wait3A_741] : memref<1024x8x128xf32, #tpu.memory_space<hbm>> -> memref<4x8x128xf32, #tpu.memory_space<hbm>>
    tpu.wait_dma2 semaphore(%dma_wait3A_734 : memref<!tpu.dma_semaphore, #tpu.memory_space<semaphore_mem>>) src(%dma_wait3A_742 : memref<4x8x128xf32, #tpu.memory_space<hbm>>) dst(%dma_wait3A_739 : memref<4x8x128xf32, #tpu.memory_space<vmem>>)
    %scan3A_743 = arith.constant 0 : i32
    %scan3A_744 = arith.constant 256 : i32
    %scan3A_745 = arith.addi %scan3A_743, %scan3A_744 : i32
    %scan3A_746 = arith.constant 8 : i32
    scf.for %scan3A_1534 = %scan3A_743 to %scan3A_745 step %scan3A_746  : i32 {
      %shift_right_arithmetic3A_1535 = arith.constant 6 : i32
      %shift_right_arithmetic3A_1536 = arith.shrsi %scan3A_1534, %shift_right_arithmetic3A_1535 : i32
      %shift_right_arithmetic3A_1537 = arith.constant 3 : i32
      %shift_right_arithmetic3A_1538 = arith.shrsi %scan3A_1534, %shift_right_arithmetic3A_1537 : i32
      %and3A_1539 = arith.constant 7 : i32
      %and3A_1540 = arith.andi %shift_right_arithmetic3A_1538, %and3A_1539 : i32
      %and3A_1541 = arith.constant 7 : i32
      %and3A_1542 = arith.andi %scan3A_1534, %and3A_1541 : i32
      %mul3A_1543 = arith.constant 16 : i32
      %mul3A_1544 = arith.muli %and3A_1542, %mul3A_1543 : i32
      %get3A_1545 = arith.constant 3 : i32
      %get3A_1546 = arith.index_cast %get3A_1545 : i32 to index
      %get3A_1547 = arith.index_cast %shift_right_arithmetic3A_1536 : i32 to index
      %get3A_1548 = arith.index_cast %and3A_1540 : i32 to index
      %get3A_1549 = arith.index_cast %mul3A_1544 : i32 to index
      %get3A_1550 = tpu.vector_load %arg9[%get3A_1546, %get3A_1547, %get3A_1548, %get3A_1549] {strides = array<i32>} : memref<4x4x8x128xi32, #tpu.memory_space<vmem>>, vector<16xi32>,
      %get3A_1551 = arith.constant 1 : i32
      %get3A_1552 = arith.index_cast %get3A_1551 : i32 to index
      %get3A_1553 = arith.index_cast %shift_right_arithmetic3A_1536 : i32 to index
      %get3A_1554 = arith.index_cast %and3A_1540 : i32 to index
      %get3A_1555 = arith.index_cast %mul3A_1544 : i32 to index
      %get3A_1556 = tpu.vector_load %arg10[%get3A_1552, %get3A_1553, %get3A_1554, %get3A_1555] {strides = array<i32>} : memref<2x4x8x128xf32, #tpu.memory_space<vmem>>, vector<16xf32>,
      tpu.vector_store_idx %arg8[%get3A_1550], %get3A_1556 : memref<51200xf32, #tpu.memory_space<vmem>>[vector<16xi32>], vector<16xf32>,
      %scan3A_1557 = arith.constant 1 : i32
      %scan3A_1558 = arith.addi %scan3A_1534, %scan3A_1557 : i32
      %shift_right_arithmetic3A_1559 = arith.constant 6 : i32
      %shift_right_arithmetic3A_1560 = arith.shrsi %scan3A_1558, %shift_right_arithmetic3A_1559 : i32
      %shift_right_arithmetic3A_1561 = arith.constant 3 : i32
      %shift_right_arithmetic3A_1562 = arith.shrsi %scan3A_1558, %shift_right_arithmetic3A_1561 : i32
      %and3A_1563 = arith.constant 7 : i32
      %and3A_1564 = arith.andi %shift_right_arithmetic3A_1562, %and3A_1563 : i32
      %and3A_1565 = arith.constant 7 : i32
      %and3A_1566 = arith.andi %scan3A_1558, %and3A_1565 : i32
      %mul3A_1567 = arith.constant 16 : i32
      %mul3A_1568 = arith.muli %and3A_1566, %mul3A_1567 : i32
      %get3A_1569 = arith.constant 3 : i32
      %get3A_1570 = arith.index_cast %get3A_1569 : i32 to index
      %get3A_1571 = arith.index_cast %shift_right_arithmetic3A_1560 : i32 to index
      %get3A_1572 = arith.index_cast %and3A_1564 : i32 to index
      %get3A_1573 = arith.index_cast %mul3A_1568 : i32 to index
      %get3A_1574 = tpu.vector_load %arg9[%get3A_1570, %get3A_1571, %get3A_1572, %get3A_1573] {strides = array<i32>} : memref<4x4x8x128xi32, #tpu.memory_space<vmem>>, vector<16xi32>,
      %get3A_1575 = arith.constant 1 : i32
      %get3A_1576 = arith.index_cast %get3A_1575 : i32 to index
      %get3A_1577 = arith.index_cast %shift_right_arithmetic3A_1560 : i32 to index
      %get3A_1578 = arith.index_cast %and3A_1564 : i32 to index
      %get3A_1579 = arith.index_cast %mul3A_1568 : i32 to index
      %get3A_1580 = tpu.vector_load %arg10[%get3A_1576, %get3A_1577, %get3A_1578, %get3A_1579] {strides = array<i32>} : memref<2x4x8x128xf32, #tpu.memory_space<vmem>>, vector<16xf32>,
      tpu.vector_store_idx %arg8[%get3A_1574], %get3A_1580 : memref<51200xf32, #tpu.memory_space<vmem>>[vector<16xi32>], vector<16xf32>,
      %scan3A_1581 = arith.constant 2 : i32
      %scan3A_1582 = arith.addi %scan3A_1534, %scan3A_1581 : i32
      %shift_right_arithmetic3A_1583 = arith.constant 6 : i32
      %shift_right_arithmetic3A_1584 = arith.shrsi %scan3A_1582, %shift_right_arithmetic3A_1583 : i32
      %shift_right_arithmetic3A_1585 = arith.constant 3 : i32
      %shift_right_arithmetic3A_1586 = arith.shrsi %scan3A_1582, %shift_right_arithmetic3A_1585 : i32
      %and3A_1587 = arith.constant 7 : i32
      %and3A_1588 = arith.andi %shift_right_arithmetic3A_1586, %and3A_1587 : i32
      %and3A_1589 = arith.constant 7 : i32
      %and3A_1590 = arith.andi %scan3A_1582, %and3A_1589 : i32
      %mul3A_1591 = arith.constant 16 : i32
      %mul3A_1592 = arith.muli %and3A_1590, %mul3A_1591 : i32
      %get3A_1593 = arith.constant 3 : i32
      %get3A_1594 = arith.index_cast %get3A_1593 : i32 to index
      %get3A_1595 = arith.index_cast %shift_right_arithmetic3A_1584 : i32 to index
      %get3A_1596 = arith.index_cast %and3A_1588 : i32 to index
      %get3A_1597 = arith.index_cast %mul3A_1592 : i32 to index
      %get3A_1598 = tpu.vector_load %arg9[%get3A_1594, %get3A_1595, %get3A_1596, %get3A_1597] {strides = array<i32>} : memref<4x4x8x128xi32, #tpu.memory_space<vmem>>, vector<16xi32>,
      %get3A_1599 = arith.constant 1 : i32
      %get3A_1600 = arith.index_cast %get3A_1599 : i32 to index
      %get3A_1601 = arith.index_cast %shift_right_arithmetic3A_1584 : i32 to index
      %get3A_1602 = arith.index_cast %and3A_1588 : i32 to index
      %get3A_1603 = arith.index_cast %mul3A_1592 : i32 to index
      %get3A_1604 = tpu.vector_load %arg10[%get3A_1600, %get3A_1601, %get3A_1602, %get3A_1603] {strides = array<i32>} : memref<2x4x8x128xf32, #tpu.memory_space<vmem>>, vector<16xf32>,
      tpu.vector_store_idx %arg8[%get3A_1598], %get3A_1604 : memref<51200xf32, #tpu.memory_space<vmem>>[vector<16xi32>], vector<16xf32>,
      %scan3A_1605 = arith.constant 3 : i32
      %scan3A_1606 = arith.addi %scan3A_1534, %scan3A_1605 : i32
      %shift_right_arithmetic3A_1607 = arith.constant 6 : i32
      %shift_right_arithmetic3A_1608 = arith.shrsi %scan3A_1606, %shift_right_arithmetic3A_1607 : i32
      %shift_right_arithmetic3A_1609 = arith.constant 3 : i32
      %shift_right_arithmetic3A_1610 = arith.shrsi %scan3A_1606, %shift_right_arithmetic3A_1609 : i32
      %and3A_1611 = arith.constant 7 : i32
      %and3A_1612 = arith.andi %shift_right_arithmetic3A_1610, %and3A_1611 : i32
      %and3A_1613 = arith.constant 7 : i32
      %and3A_1614 = arith.andi %scan3A_1606, %and3A_1613 : i32
      %mul3A_1615 = arith.constant 16 : i32
      %mul3A_1616 = arith.muli %and3A_1614, %mul3A_1615 : i32
      %get3A_1617 = arith.constant 3 : i32
      %get3A_1618 = arith.index_cast %get3A_1617 : i32 to index
      %get3A_1619 = arith.index_cast %shift_right_arithmetic3A_1608 : i32 to index
      %get3A_1620 = arith.index_cast %and3A_1612 : i32 to index
      %get3A_1621 = arith.index_cast %mul3A_1616 : i32 to index
      %get3A_1622 = tpu.vector_load %arg9[%get3A_1618, %get3A_1619, %get3A_1620, %get3A_1621] {strides = array<i32>} : memref<4x4x8x128xi32, #tpu.memory_space<vmem>>, vector<16xi32>,
      %get3A_1623 = arith.constant 1 : i32
      %get3A_1624 = arith.index_cast %get3A_1623 : i32 to index
      %get3A_1625 = arith.index_cast %shift_right_arithmetic3A_1608 : i32 to index
      %get3A_1626 = arith.index_cast %and3A_1612 : i32 to index
      %get3A_1627 = arith.index_cast %mul3A_1616 : i32 to index
      %get3A_1628 = tpu.vector_load %arg10[%get3A_1624, %get3A_1625, %get3A_1626, %get3A_1627] {strides = array<i32>} : memref<2x4x8x128xf32, #tpu.memory_space<vmem>>, vector<16xf32>,
      tpu.vector_store_idx %arg8[%get3A_1622], %get3A_1628 : memref<51200xf32, #tpu.memory_space<vmem>>[vector<16xi32>], vector<16xf32>,
      %scan3A_1629 = arith.constant 4 : i32
      %scan3A_1630 = arith.addi %scan3A_1534, %scan3A_1629 : i32
      %shift_right_arithmetic3A_1631 = arith.constant 6 : i32
      %shift_right_arithmetic3A_1632 = arith.shrsi %scan3A_1630, %shift_right_arithmetic3A_1631 : i32
      %shift_right_arithmetic3A_1633 = arith.constant 3 : i32
      %shift_right_arithmetic3A_1634 = arith.shrsi %scan3A_1630, %shift_right_arithmetic3A_1633 : i32
      %and3A_1635 = arith.constant 7 : i32
      %and3A_1636 = arith.andi %shift_right_arithmetic3A_1634, %and3A_1635 : i32
      %and3A_1637 = arith.constant 7 : i32
      %and3A_1638 = arith.andi %scan3A_1630, %and3A_1637 : i32
      %mul3A_1639 = arith.constant 16 : i32
      %mul3A_1640 = arith.muli %and3A_1638, %mul3A_1639 : i32
      %get3A_1641 = arith.constant 3 : i32
      %get3A_1642 = arith.index_cast %get3A_1641 : i32 to index
      %get3A_1643 = arith.index_cast %shift_right_arithmetic3A_1632 : i32 to index
      %get3A_1644 = arith.index_cast %and3A_1636 : i32 to index
      %get3A_1645 = arith.index_cast %mul3A_1640 : i32 to index
      %get3A_1646 = tpu.vector_load %arg9[%get3A_1642, %get3A_1643, %get3A_1644, %get3A_1645] {strides = array<i32>} : memref<4x4x8x128xi32, #tpu.memory_space<vmem>>, vector<16xi32>,
      %get3A_1647 = arith.constant 1 : i32
      %get3A_1648 = arith.index_cast %get3A_1647 : i32 to index
      %get3A_1649 = arith.index_cast %shift_right_arithmetic3A_1632 : i32 to index
      %get3A_1650 = arith.index_cast %and3A_1636 : i32 to index
      %get3A_1651 = arith.index_cast %mul3A_1640 : i32 to index
      %get3A_1652 = tpu.vector_load %arg10[%get3A_1648, %get3A_1649, %get3A_1650, %get3A_1651] {strides = array<i32>} : memref<2x4x8x128xf32, #tpu.memory_space<vmem>>, vector<16xf32>,
      tpu.vector_store_idx %arg8[%get3A_1646], %get3A_1652 : memref<51200xf32, #tpu.memory_space<vmem>>[vector<16xi32>], vector<16xf32>,
      %scan3A_1653 = arith.constant 5 : i32
      %scan3A_1654 = arith.addi %scan3A_1534, %scan3A_1653 : i32
      %shift_right_arithmetic3A_1655 = arith.constant 6 : i32
      %shift_right_arithmetic3A_1656 = arith.shrsi %scan3A_1654, %shift_right_arithmetic3A_1655 : i32
      %shift_right_arithmetic3A_1657 = arith.constant 3 : i32
      %shift_right_arithmetic3A_1658 = arith.shrsi %scan3A_1654, %shift_right_arithmetic3A_1657 : i32
      %and3A_1659 = arith.constant 7 : i32
      %and3A_1660 = arith.andi %shift_right_arithmetic3A_1658, %and3A_1659 : i32
      %and3A_1661 = arith.constant 7 : i32
      %and3A_1662 = arith.andi %scan3A_1654, %and3A_1661 : i32
      %mul3A_1663 = arith.constant 16 : i32
      %mul3A_1664 = arith.muli %and3A_1662, %mul3A_1663 : i32
      %get3A_1665 = arith.constant 3 : i32
      %get3A_1666 = arith.index_cast %get3A_1665 : i32 to index
      %get3A_1667 = arith.index_cast %shift_right_arithmetic3A_1656 : i32 to index
      %get3A_1668 = arith.index_cast %and3A_1660 : i32 to index
      %get3A_1669 = arith.index_cast %mul3A_1664 : i32 to index
      %get3A_1670 = tpu.vector_load %arg9[%get3A_1666, %get3A_1667, %get3A_1668, %get3A_1669] {strides = array<i32>} : memref<4x4x8x128xi32, #tpu.memory_space<vmem>>, vector<16xi32>,
      %get3A_1671 = arith.constant 1 : i32
      %get3A_1672 = arith.index_cast %get3A_1671 : i32 to index
      %get3A_1673 = arith.index_cast %shift_right_arithmetic3A_1656 : i32 to index
      %get3A_1674 = arith.index_cast %and3A_1660 : i32 to index
      %get3A_1675 = arith.index_cast %mul3A_1664 : i32 to index
      %get3A_1676 = tpu.vector_load %arg10[%get3A_1672, %get3A_1673, %get3A_1674, %get3A_1675] {strides = array<i32>} : memref<2x4x8x128xf32, #tpu.memory_space<vmem>>, vector<16xf32>,
      tpu.vector_store_idx %arg8[%get3A_1670], %get3A_1676 : memref<51200xf32, #tpu.memory_space<vmem>>[vector<16xi32>], vector<16xf32>,
      %scan3A_1677 = arith.constant 6 : i32
      %scan3A_1678 = arith.addi %scan3A_1534, %scan3A_1677 : i32
      %shift_right_arithmetic3A_1679 = arith.constant 6 : i32
      %shift_right_arithmetic3A_1680 = arith.shrsi %scan3A_1678, %shift_right_arithmetic3A_1679 : i32
      %shift_right_arithmetic3A_1681 = arith.constant 3 : i32
      %shift_right_arithmetic3A_1682 = arith.shrsi %scan3A_1678, %shift_right_arithmetic3A_1681 : i32
      %and3A_1683 = arith.constant 7 : i32
      %and3A_1684 = arith.andi %shift_right_arithmetic3A_1682, %and3A_1683 : i32
      %and3A_1685 = arith.constant 7 : i32
      %and3A_1686 = arith.andi %scan3A_1678, %and3A_1685 : i32
      %mul3A_1687 = arith.constant 16 : i32
      %mul3A_1688 = arith.muli %and3A_1686, %mul3A_1687 : i32
      %get3A_1689 = arith.constant 3 : i32
      %get3A_1690 = arith.index_cast %get3A_1689 : i32 to index
      %get3A_1691 = arith.index_cast %shift_right_arithmetic3A_1680 : i32 to index
      %get3A_1692 = arith.index_cast %and3A_1684 : i32 to index
      %get3A_1693 = arith.index_cast %mul3A_1688 : i32 to index
      %get3A_1694 = tpu.vector_load %arg9[%get3A_1690, %get3A_1691, %get3A_1692, %get3A_1693] {strides = array<i32>} : memref<4x4x8x128xi32, #tpu.memory_space<vmem>>, vector<16xi32>,
      %get3A_1695 = arith.constant 1 : i32
      %get3A_1696 = arith.index_cast %get3A_1695 : i32 to index
      %get3A_1697 = arith.index_cast %shift_right_arithmetic3A_1680 : i32 to index
      %get3A_1698 = arith.index_cast %and3A_1684 : i32 to index
      %get3A_1699 = arith.index_cast %mul3A_1688 : i32 to index
      %get3A_1700 = tpu.vector_load %arg10[%get3A_1696, %get3A_1697, %get3A_1698, %get3A_1699] {strides = array<i32>} : memref<2x4x8x128xf32, #tpu.memory_space<vmem>>, vector<16xf32>,
      tpu.vector_store_idx %arg8[%get3A_1694], %get3A_1700 : memref<51200xf32, #tpu.memory_space<vmem>>[vector<16xi32>], vector<16xf32>,
      %scan3A_1701 = arith.constant 7 : i32
      %scan3A_1702 = arith.addi %scan3A_1534, %scan3A_1701 : i32
      %shift_right_arithmetic3A_1703 = arith.constant 6 : i32
      %shift_right_arithmetic3A_1704 = arith.shrsi %scan3A_1702, %shift_right_arithmetic3A_1703 : i32
      %shift_right_arithmetic3A_1705 = arith.constant 3 : i32
      %shift_right_arithmetic3A_1706 = arith.shrsi %scan3A_1702, %shift_right_arithmetic3A_1705 : i32
      %and3A_1707 = arith.constant 7 : i32
      %and3A_1708 = arith.andi %shift_right_arithmetic3A_1706, %and3A_1707 : i32
      %and3A_1709 = arith.constant 7 : i32
      %and3A_1710 = arith.andi %scan3A_1702, %and3A_1709 : i32
      %mul3A_1711 = arith.constant 16 : i32
      %mul3A_1712 = arith.muli %and3A_1710, %mul3A_1711 : i32
      %get3A_1713 = arith.constant 3 : i32
      %get3A_1714 = arith.index_cast %get3A_1713 : i32 to index
      %get3A_1715 = arith.index_cast %shift_right_arithmetic3A_1704 : i32 to index
      %get3A_1716 = arith.index_cast %and3A_1708 : i32 to index
      %get3A_1717 = arith.index_cast %mul3A_1712 : i32 to index
      %get3A_1718 = tpu.vector_load %arg9[%get3A_1714, %get3A_1715, %get3A_1716, %get3A_1717] {strides = array<i32>} : memref<4x4x8x128xi32, #tpu.memory_space<vmem>>, vector<16xi32>,
      %get3A_1719 = arith.constant 1 : i32
      %get3A_1720 = arith.index_cast %get3A_1719 : i32 to index
      %get3A_1721 = arith.index_cast %shift_right_arithmetic3A_1704 : i32 to index
      %get3A_1722 = arith.index_cast %and3A_1708 : i32 to index
      %get3A_1723 = arith.index_cast %mul3A_1712 : i32 to index
      %get3A_1724 = tpu.vector_load %arg10[%get3A_1720, %get3A_1721, %get3A_1722, %get3A_1723] {strides = array<i32>} : memref<2x4x8x128xf32, #tpu.memory_space<vmem>>, vector<16xf32>,
      tpu.vector_store_idx %arg8[%get3A_1718], %get3A_1724 : memref<51200xf32, #tpu.memory_space<vmem>>[vector<16xi32>], vector<16xf32>,
    }
    %scan3A_747 = arith.constant 256 : i32
    %dma_start3A_748 = arith.constant 0 : i32
    %dma_start3A_749 = tpu.memref_slice %arg8[%dma_start3A_748] : memref<51200xf32, #tpu.memory_space<vmem>> -> memref<50176xf32, #tpu.memory_space<vmem>>
    %dma_start3A_750 = arith.constant 0 : i32
    %dma_start3A_751 = tpu.memref_slice %arg5[%shift_right_arithmetic3A_619, %and3A_621, %dma_start3A_750] : memref<16x16x50257xf32, #tpu.memory_space<hbm>> -> memref<1x1x50176xf32, #tpu.memory_space<hbm>>
    %dma_start3A_752 = tpu.memref_squeeze %dma_start3A_751 : memref<1x1x50176xf32, #tpu.memory_space<hbm>> -> memref<50176xf32, #tpu.memory_space<hbm>>
    %dma_start3A_753 = arith.constant 0 : i32
    %dma_start3A_754 = tpu.memref_slice %arg5[%shift_right_arithmetic3A_619, %and3A_621, %dma_start3A_753] : memref<16x16x50257xf32, #tpu.memory_space<hbm>> -> memref<1x1x50176xf32, #tpu.memory_space<hbm>>
    %dma_start3A_755 = tpu.memref_squeeze %dma_start3A_754 : memref<1x1x50176xf32, #tpu.memory_space<hbm>> -> memref<50176xf32, #tpu.memory_space<hbm>>
    %dma_start3A_756 = arith.constant 0 : i32
    %dma_start3A_757 = tpu.memref_slice %arg8[%dma_start3A_756] : memref<51200xf32, #tpu.memory_space<vmem>> -> memref<50176xf32, #tpu.memory_space<vmem>>
    tpu.enqueue_dma source(%dma_start3A_757 : memref<50176xf32, #tpu.memory_space<vmem>>) target(%dma_start3A_755 : memref<50176xf32, #tpu.memory_space<hbm>>) target_semaphore(%arg14 : memref<!tpu.dma_semaphore, #tpu.memory_space<semaphore_mem>>)
    %get3A_758 = arith.constant 50176 : index
    %get3A_759 = tpu.vector_load %arg8[%get3A_758] {strides = array<i32>} : memref<51200xf32, #tpu.memory_space<vmem>>, vector<16xf32>,
    %swap3A_760 = arith.constant 3 : i32
    %swap3A_761 = arith.index_cast %swap3A_760 : i32 to index
    %swap3A_762 = arith.constant 0 : index
    %swap3A_763 = tpu.vector_load %arg12[%swap3A_761, %swap3A_762] {strides = array<i32>} : memref<8x128xf32, #tpu.memory_space<vmem>>, vector<16xf32>,
    tpu.vector_store %arg12[%swap3A_761, %swap3A_762], %get3A_759 {strides = array<i32>} : memref<8x128xf32, #tpu.memory_space<vmem>>, vector<16xf32>,
    %get3A_764 = arith.constant 50192 : index
    %get3A_765 = tpu.vector_load %arg8[%get3A_764] {strides = array<i32>} : memref<51200xf32, #tpu.memory_space<vmem>>, vector<16xf32>,
    %swap3A_766 = arith.constant 3 : i32
    %swap3A_767 = arith.index_cast %swap3A_766 : i32 to index
    %swap3A_768 = arith.constant 16 : index
    %swap3A_769 = tpu.vector_load %arg12[%swap3A_767, %swap3A_768] {strides = array<i32>} : memref<8x128xf32, #tpu.memory_space<vmem>>, vector<16xf32>,
    tpu.vector_store %arg12[%swap3A_767, %swap3A_768], %get3A_765 {strides = array<i32>} : memref<8x128xf32, #tpu.memory_space<vmem>>, vector<16xf32>,
    %get3A_770 = arith.constant 50208 : index
    %get3A_771 = tpu.vector_load %arg8[%get3A_770] {strides = array<i32>} : memref<51200xf32, #tpu.memory_space<vmem>>, vector<16xf32>,
    %swap3A_772 = arith.constant 3 : i32
    %swap3A_773 = arith.index_cast %swap3A_772 : i32 to index
    %swap3A_774 = arith.constant 32 : index
    %swap3A_775 = tpu.vector_load %arg12[%swap3A_773, %swap3A_774] {strides = array<i32>} : memref<8x128xf32, #tpu.memory_space<vmem>>, vector<16xf32>,
    tpu.vector_store %arg12[%swap3A_773, %swap3A_774], %get3A_771 {strides = array<i32>} : memref<8x128xf32, #tpu.memory_space<vmem>>, vector<16xf32>,
    %get3A_776 = arith.constant 50224 : index
    %get3A_777 = tpu.vector_load %arg8[%get3A_776] {strides = array<i32>} : memref<51200xf32, #tpu.memory_space<vmem>>, vector<16xf32>,
    %swap3A_778 = arith.constant 3 : i32
    %swap3A_779 = arith.index_cast %swap3A_778 : i32 to index
    %swap3A_780 = arith.constant 48 : index
    %swap3A_781 = tpu.vector_load %arg12[%swap3A_779, %swap3A_780] {strides = array<i32>} : memref<8x128xf32, #tpu.memory_space<vmem>>, vector<16xf32>,
    tpu.vector_store %arg12[%swap3A_779, %swap3A_780], %get3A_777 {strides = array<i32>} : memref<8x128xf32, #tpu.memory_space<vmem>>, vector<16xf32>,
    %get3A_782 = arith.constant 50240 : index
    %get3A_783 = tpu.vector_load %arg8[%get3A_782] {strides = array<i32>} : memref<51200xf32, #tpu.memory_space<vmem>>, vector<16xf32>,
    %swap3A_784 = arith.constant 3 : i32
    %swap3A_785 = arith.index_cast %swap3A_784 : i32 to index
    %swap3A_786 = arith.constant 64 : index
    %swap3A_787 = tpu.vector_load %arg12[%swap3A_785, %swap3A_786] {strides = array<i32>} : memref<8x128xf32, #tpu.memory_space<vmem>>, vector<16xf32>,
    tpu.vector_store %arg12[%swap3A_785, %swap3A_786], %get3A_783 {strides = array<i32>} : memref<8x128xf32, #tpu.memory_space<vmem>>, vector<16xf32>,
    %get3A_788 = arith.constant 50256 : index
    %get3A_789 = tpu.vector_load %arg8[%get3A_788] {strides = array<i32>} : memref<51200xf32, #tpu.memory_space<vmem>>, vector<16xf32>,
    %swap3A_790 = arith.constant 3 : i32
    %swap3A_791 = arith.index_cast %swap3A_790 : i32 to index
    %swap3A_792 = arith.constant 80 : index
    %swap3A_793 = tpu.vector_load %arg12[%swap3A_791, %swap3A_792] {strides = array<i32>} : memref<8x128xf32, #tpu.memory_space<vmem>>, vector<16xf32>,
    tpu.vector_store %arg12[%swap3A_791, %swap3A_792], %get3A_789 {strides = array<i32>} : memref<8x128xf32, #tpu.memory_space<vmem>>, vector<16xf32>,
    %get3A_794 = arith.constant 50272 : index
    %get3A_795 = tpu.vector_load %arg8[%get3A_794] {strides = array<i32>} : memref<51200xf32, #tpu.memory_space<vmem>>, vector<16xf32>,
    %swap3A_796 = arith.constant 3 : i32
    %swap3A_797 = arith.index_cast %swap3A_796 : i32 to index
    %swap3A_798 = arith.constant 96 : index
    %swap3A_799 = tpu.vector_load %arg12[%swap3A_797, %swap3A_798] {strides = array<i32>} : memref<8x128xf32, #tpu.memory_space<vmem>>, vector<16xf32>,
    tpu.vector_store %arg12[%swap3A_797, %swap3A_798], %get3A_795 {strides = array<i32>} : memref<8x128xf32, #tpu.memory_space<vmem>>, vector<16xf32>,
    %get3A_800 = arith.constant 50288 : index
    %get3A_801 = tpu.vector_load %arg8[%get3A_800] {strides = array<i32>} : memref<51200xf32, #tpu.memory_space<vmem>>, vector<16xf32>,
    %swap3A_802 = arith.constant 3 : i32
    %swap3A_803 = arith.index_cast %swap3A_802 : i32 to index
    %swap3A_804 = arith.constant 112 : index
    %swap3A_805 = tpu.vector_load %arg12[%swap3A_803, %swap3A_804] {strides = array<i32>} : memref<8x128xf32, #tpu.memory_space<vmem>>, vector<16xf32>,
    tpu.vector_store %arg12[%swap3A_803, %swap3A_804], %get3A_801 {strides = array<i32>} : memref<8x128xf32, #tpu.memory_space<vmem>>, vector<16xf32>,
    %add3A_806 = arith.constant 4 : i32
    %add3A_807 = arith.addi %mul3A_2, %add3A_806 : i32
    %shift_right_arithmetic3A_808 = arith.constant 4 : i32
    %shift_right_arithmetic3A_809 = arith.shrsi %add3A_807, %shift_right_arithmetic3A_808 : i32
    %and3A_810 = arith.constant 15 : i32
    %and3A_811 = arith.andi %add3A_807, %and3A_810 : i32
    %get3A_812 = arith.constant 4 : i32
    %get3A_813 = arith.index_cast %get3A_812 : i32 to index
    %get3A_814 = arith.constant 0 : index
    %get3A_815 = tpu.vector_load %arg11[%get3A_813, %get3A_814] {strides = array<i32>} : memref<8x128xf32, #tpu.memory_space<vmem>>, vector<16xf32>,
    %dma_wait3A_816 = arith.constant 0 : i32
    %dma_wait3A_817 = tpu.memref_slice %arg7[%dma_wait3A_816] : memref<51200xf32, #tpu.memory_space<vmem>> -> memref<50176xf32, #tpu.memory_space<vmem>>
    %dma_wait3A_818 = arith.constant 0 : i32
    %dma_wait3A_819 = tpu.memref_slice %arg5[%shift_right_arithmetic3A_435, %and3A_437, %dma_wait3A_818] : memref<16x16x50257xf32, #tpu.memory_space<hbm>> -> memref<1x1x50176xf32, #tpu.memory_space<hbm>>
    %dma_wait3A_820 = tpu.memref_squeeze %dma_wait3A_819 : memref<1x1x50176xf32, #tpu.memory_space<hbm>> -> memref<50176xf32, #tpu.memory_space<hbm>>
    %dma_wait3A_821 = arith.constant 0 : i32
    %dma_wait3A_822 = tpu.memref_slice %arg5[%shift_right_arithmetic3A_435, %and3A_437, %dma_wait3A_821] : memref<16x16x50257xf32, #tpu.memory_space<hbm>> -> memref<1x1x50176xf32, #tpu.memory_space<hbm>>
    %dma_wait3A_823 = tpu.memref_squeeze %dma_wait3A_822 : memref<1x1x50176xf32, #tpu.memory_space<hbm>> -> memref<50176xf32, #tpu.memory_space<hbm>>
    %dma_wait3A_824 = arith.constant 0 : i32
    %dma_wait3A_825 = tpu.memref_slice %arg7[%dma_wait3A_824] : memref<51200xf32, #tpu.memory_space<vmem>> -> memref<50176xf32, #tpu.memory_space<vmem>>
    tpu.wait_dma2 semaphore(%arg13 : memref<!tpu.dma_semaphore, #tpu.memory_space<semaphore_mem>>) src(%dma_wait3A_825 : memref<50176xf32, #tpu.memory_space<vmem>>) dst(%dma_wait3A_823 : memref<50176xf32, #tpu.memory_space<hbm>>)
    %get3A_826 = arith.constant 2 : i32
    %get3A_827 = arith.index_cast %get3A_826 : i32 to index
    %get3A_828 = arith.constant 0 : index
    %get3A_829 = tpu.vector_load %arg11[%get3A_827, %get3A_828] {strides = array<i32>} : memref<8x128xf32, #tpu.memory_space<vmem>>, vector<16xf32>,
    %sub3A_830 = arith.subf %get3A_815, %get3A_829 : vector<16xf32>
    %abs3A_831 = math.absf %sub3A_830 : vector<16xf32>
    %reduce_max3A_832 = arith.constant true
    %reduce_max3A_833 = vector.broadcast %reduce_max3A_832 : i1 to vector<16xi1>
    %reduce_max3A_834 = tpu.scan <max>, %abs3A_831 masked %reduce_max3A_833 : vector<16xf32>, vector<16xi1> -> vector<16xf32>
    %reduce_max3A_835 = vector.extract %reduce_max3A_834[15] : f32 from vector<16xf32>
    %eq3A_836 = arith.constant 0.000000e+00 : f32
    %eq3A_837 = arith.cmpf oeq, %reduce_max3A_835, %eq3A_836 : f32
    %convert_element_type3A_838 = arith.extui %eq3A_837 : i1 to i32
    %cond3A_839 = arith.constant 0 : i32
    %cond3A_840 = arith.cmpi ne, %convert_element_type3A_838, %cond3A_839 : i32
    scf.if %cond3A_840 {
      %scan3A_1534 = arith.constant 0 : i32
      %scan3A_1535 = arith.constant 256 : i32
      %scan3A_1536 = arith.addi %scan3A_1534, %scan3A_1535 : i32
      %scan3A_1537 = arith.constant 8 : i32
      scf.for %scan3A_1539 = %scan3A_1534 to %scan3A_1536 step %scan3A_1537  : i32 {
        %shift_right_arithmetic3A_1540 = arith.constant 6 : i32
        %shift_right_arithmetic3A_1541 = arith.shrsi %scan3A_1539, %shift_right_arithmetic3A_1540 : i32
        %shift_right_arithmetic3A_1542 = arith.constant 3 : i32
        %shift_right_arithmetic3A_1543 = arith.shrsi %scan3A_1539, %shift_right_arithmetic3A_1542 : i32
        %and3A_1544 = arith.constant 7 : i32
        %and3A_1545 = arith.andi %shift_right_arithmetic3A_1543, %and3A_1544 : i32
        %and3A_1546 = arith.constant 7 : i32
        %and3A_1547 = arith.andi %scan3A_1539, %and3A_1546 : i32
        %mul3A_1548 = arith.constant 16 : i32
        %mul3A_1549 = arith.muli %and3A_1547, %mul3A_1548 : i32
        %get3A_1550 = arith.constant 2 : i32
        %get3A_1551 = arith.index_cast %get3A_1550 : i32 to index
        %get3A_1552 = arith.index_cast %shift_right_arithmetic3A_1541 : i32 to index
        %get3A_1553 = arith.index_cast %and3A_1545 : i32 to index
        %get3A_1554 = arith.index_cast %mul3A_1549 : i32 to index
        %get3A_1555 = tpu.vector_load %arg9[%get3A_1551, %get3A_1552, %get3A_1553, %get3A_1554] {strides = array<i32>} : memref<4x4x8x128xi32, #tpu.memory_space<vmem>>, vector<16xi32>,
        tpu.vector_store_idx %arg7[%get3A_1555], %get3A_815 : memref<51200xf32, #tpu.memory_space<vmem>>[vector<16xi32>], vector<16xf32>,
        %scan3A_1556 = arith.constant 1 : i32
        %scan3A_1557 = arith.addi %scan3A_1539, %scan3A_1556 : i32
        %shift_right_arithmetic3A_1558 = arith.constant 6 : i32
        %shift_right_arithmetic3A_1559 = arith.shrsi %scan3A_1557, %shift_right_arithmetic3A_1558 : i32
        %shift_right_arithmetic3A_1560 = arith.constant 3 : i32
        %shift_right_arithmetic3A_1561 = arith.shrsi %scan3A_1557, %shift_right_arithmetic3A_1560 : i32
        %and3A_1562 = arith.constant 7 : i32
        %and3A_1563 = arith.andi %shift_right_arithmetic3A_1561, %and3A_1562 : i32
        %and3A_1564 = arith.constant 7 : i32
        %and3A_1565 = arith.andi %scan3A_1557, %and3A_1564 : i32
        %mul3A_1566 = arith.constant 16 : i32
        %mul3A_1567 = arith.muli %and3A_1565, %mul3A_1566 : i32
        %get3A_1568 = arith.constant 2 : i32
        %get3A_1569 = arith.index_cast %get3A_1568 : i32 to index
        %get3A_1570 = arith.index_cast %shift_right_arithmetic3A_1559 : i32 to index
        %get3A_1571 = arith.index_cast %and3A_1563 : i32 to index
        %get3A_1572 = arith.index_cast %mul3A_1567 : i32 to index
        %get3A_1573 = tpu.vector_load %arg9[%get3A_1569, %get3A_1570, %get3A_1571, %get3A_1572] {strides = array<i32>} : memref<4x4x8x128xi32, #tpu.memory_space<vmem>>, vector<16xi32>,
        tpu.vector_store_idx %arg7[%get3A_1573], %get3A_815 : memref<51200xf32, #tpu.memory_space<vmem>>[vector<16xi32>], vector<16xf32>,
        %scan3A_1574 = arith.constant 2 : i32
        %scan3A_1575 = arith.addi %scan3A_1539, %scan3A_1574 : i32
        %shift_right_arithmetic3A_1576 = arith.constant 6 : i32
        %shift_right_arithmetic3A_1577 = arith.shrsi %scan3A_1575, %shift_right_arithmetic3A_1576 : i32
        %shift_right_arithmetic3A_1578 = arith.constant 3 : i32
        %shift_right_arithmetic3A_1579 = arith.shrsi %scan3A_1575, %shift_right_arithmetic3A_1578 : i32
        %and3A_1580 = arith.constant 7 : i32
        %and3A_1581 = arith.andi %shift_right_arithmetic3A_1579, %and3A_1580 : i32
        %and3A_1582 = arith.constant 7 : i32
        %and3A_1583 = arith.andi %scan3A_1575, %and3A_1582 : i32
        %mul3A_1584 = arith.constant 16 : i32
        %mul3A_1585 = arith.muli %and3A_1583, %mul3A_1584 : i32
        %get3A_1586 = arith.constant 2 : i32
        %get3A_1587 = arith.index_cast %get3A_1586 : i32 to index
        %get3A_1588 = arith.index_cast %shift_right_arithmetic3A_1577 : i32 to index
        %get3A_1589 = arith.index_cast %and3A_1581 : i32 to index
        %get3A_1590 = arith.index_cast %mul3A_1585 : i32 to index
        %get3A_1591 = tpu.vector_load %arg9[%get3A_1587, %get3A_1588, %get3A_1589, %get3A_1590] {strides = array<i32>} : memref<4x4x8x128xi32, #tpu.memory_space<vmem>>, vector<16xi32>,
        tpu.vector_store_idx %arg7[%get3A_1591], %get3A_815 : memref<51200xf32, #tpu.memory_space<vmem>>[vector<16xi32>], vector<16xf32>,
        %scan3A_1592 = arith.constant 3 : i32
        %scan3A_1593 = arith.addi %scan3A_1539, %scan3A_1592 : i32
        %shift_right_arithmetic3A_1594 = arith.constant 6 : i32
        %shift_right_arithmetic3A_1595 = arith.shrsi %scan3A_1593, %shift_right_arithmetic3A_1594 : i32
        %shift_right_arithmetic3A_1596 = arith.constant 3 : i32
        %shift_right_arithmetic3A_1597 = arith.shrsi %scan3A_1593, %shift_right_arithmetic3A_1596 : i32
        %and3A_1598 = arith.constant 7 : i32
        %and3A_1599 = arith.andi %shift_right_arithmetic3A_1597, %and3A_1598 : i32
        %and3A_1600 = arith.constant 7 : i32
        %and3A_1601 = arith.andi %scan3A_1593, %and3A_1600 : i32
        %mul3A_1602 = arith.constant 16 : i32
        %mul3A_1603 = arith.muli %and3A_1601, %mul3A_1602 : i32
        %get3A_1604 = arith.constant 2 : i32
        %get3A_1605 = arith.index_cast %get3A_1604 : i32 to index
        %get3A_1606 = arith.index_cast %shift_right_arithmetic3A_1595 : i32 to index
        %get3A_1607 = arith.index_cast %and3A_1599 : i32 to index
        %get3A_1608 = arith.index_cast %mul3A_1603 : i32 to index
        %get3A_1609 = tpu.vector_load %arg9[%get3A_1605, %get3A_1606, %get3A_1607, %get3A_1608] {strides = array<i32>} : memref<4x4x8x128xi32, #tpu.memory_space<vmem>>, vector<16xi32>,
        tpu.vector_store_idx %arg7[%get3A_1609], %get3A_815 : memref<51200xf32, #tpu.memory_space<vmem>>[vector<16xi32>], vector<16xf32>,
        %scan3A_1610 = arith.constant 4 : i32
        %scan3A_1611 = arith.addi %scan3A_1539, %scan3A_1610 : i32
        %shift_right_arithmetic3A_1612 = arith.constant 6 : i32
        %shift_right_arithmetic3A_1613 = arith.shrsi %scan3A_1611, %shift_right_arithmetic3A_1612 : i32
        %shift_right_arithmetic3A_1614 = arith.constant 3 : i32
        %shift_right_arithmetic3A_1615 = arith.shrsi %scan3A_1611, %shift_right_arithmetic3A_1614 : i32
        %and3A_1616 = arith.constant 7 : i32
        %and3A_1617 = arith.andi %shift_right_arithmetic3A_1615, %and3A_1616 : i32
        %and3A_1618 = arith.constant 7 : i32
        %and3A_1619 = arith.andi %scan3A_1611, %and3A_1618 : i32
        %mul3A_1620 = arith.constant 16 : i32
        %mul3A_1621 = arith.muli %and3A_1619, %mul3A_1620 : i32
        %get3A_1622 = arith.constant 2 : i32
        %get3A_1623 = arith.index_cast %get3A_1622 : i32 to index
        %get3A_1624 = arith.index_cast %shift_right_arithmetic3A_1613 : i32 to index
        %get3A_1625 = arith.index_cast %and3A_1617 : i32 to index
        %get3A_1626 = arith.index_cast %mul3A_1621 : i32 to index
        %get3A_1627 = tpu.vector_load %arg9[%get3A_1623, %get3A_1624, %get3A_1625, %get3A_1626] {strides = array<i32>} : memref<4x4x8x128xi32, #tpu.memory_space<vmem>>, vector<16xi32>,
        tpu.vector_store_idx %arg7[%get3A_1627], %get3A_815 : memref<51200xf32, #tpu.memory_space<vmem>>[vector<16xi32>], vector<16xf32>,
        %scan3A_1628 = arith.constant 5 : i32
        %scan3A_1629 = arith.addi %scan3A_1539, %scan3A_1628 : i32
        %shift_right_arithmetic3A_1630 = arith.constant 6 : i32
        %shift_right_arithmetic3A_1631 = arith.shrsi %scan3A_1629, %shift_right_arithmetic3A_1630 : i32
        %shift_right_arithmetic3A_1632 = arith.constant 3 : i32
        %shift_right_arithmetic3A_1633 = arith.shrsi %scan3A_1629, %shift_right_arithmetic3A_1632 : i32
        %and3A_1634 = arith.constant 7 : i32
        %and3A_1635 = arith.andi %shift_right_arithmetic3A_1633, %and3A_1634 : i32
        %and3A_1636 = arith.constant 7 : i32
        %and3A_1637 = arith.andi %scan3A_1629, %and3A_1636 : i32
        %mul3A_1638 = arith.constant 16 : i32
        %mul3A_1639 = arith.muli %and3A_1637, %mul3A_1638 : i32
        %get3A_1640 = arith.constant 2 : i32
        %get3A_1641 = arith.index_cast %get3A_1640 : i32 to index
        %get3A_1642 = arith.index_cast %shift_right_arithmetic3A_1631 : i32 to index
        %get3A_1643 = arith.index_cast %and3A_1635 : i32 to index
        %get3A_1644 = arith.index_cast %mul3A_1639 : i32 to index
        %get3A_1645 = tpu.vector_load %arg9[%get3A_1641, %get3A_1642, %get3A_1643, %get3A_1644] {strides = array<i32>} : memref<4x4x8x128xi32, #tpu.memory_space<vmem>>, vector<16xi32>,
        tpu.vector_store_idx %arg7[%get3A_1645], %get3A_815 : memref<51200xf32, #tpu.memory_space<vmem>>[vector<16xi32>], vector<16xf32>,
        %scan3A_1646 = arith.constant 6 : i32
        %scan3A_1647 = arith.addi %scan3A_1539, %scan3A_1646 : i32
        %shift_right_arithmetic3A_1648 = arith.constant 6 : i32
        %shift_right_arithmetic3A_1649 = arith.shrsi %scan3A_1647, %shift_right_arithmetic3A_1648 : i32
        %shift_right_arithmetic3A_1650 = arith.constant 3 : i32
        %shift_right_arithmetic3A_1651 = arith.shrsi %scan3A_1647, %shift_right_arithmetic3A_1650 : i32
        %and3A_1652 = arith.constant 7 : i32
        %and3A_1653 = arith.andi %shift_right_arithmetic3A_1651, %and3A_1652 : i32
        %and3A_1654 = arith.constant 7 : i32
        %and3A_1655 = arith.andi %scan3A_1647, %and3A_1654 : i32
        %mul3A_1656 = arith.constant 16 : i32
        %mul3A_1657 = arith.muli %and3A_1655, %mul3A_1656 : i32
        %get3A_1658 = arith.constant 2 : i32
        %get3A_1659 = arith.index_cast %get3A_1658 : i32 to index
        %get3A_1660 = arith.index_cast %shift_right_arithmetic3A_1649 : i32 to index
        %get3A_1661 = arith.index_cast %and3A_1653 : i32 to index
        %get3A_1662 = arith.index_cast %mul3A_1657 : i32 to index
        %get3A_1663 = tpu.vector_load %arg9[%get3A_1659, %get3A_1660, %get3A_1661, %get3A_1662] {strides = array<i32>} : memref<4x4x8x128xi32, #tpu.memory_space<vmem>>, vector<16xi32>,
        tpu.vector_store_idx %arg7[%get3A_1663], %get3A_815 : memref<51200xf32, #tpu.memory_space<vmem>>[vector<16xi32>], vector<16xf32>,
        %scan3A_1664 = arith.constant 7 : i32
        %scan3A_1665 = arith.addi %scan3A_1539, %scan3A_1664 : i32
        %shift_right_arithmetic3A_1666 = arith.constant 6 : i32
        %shift_right_arithmetic3A_1667 = arith.shrsi %scan3A_1665, %shift_right_arithmetic3A_1666 : i32
        %shift_right_arithmetic3A_1668 = arith.constant 3 : i32
        %shift_right_arithmetic3A_1669 = arith.shrsi %scan3A_1665, %shift_right_arithmetic3A_1668 : i32
        %and3A_1670 = arith.constant 7 : i32
        %and3A_1671 = arith.andi %shift_right_arithmetic3A_1669, %and3A_1670 : i32
        %and3A_1672 = arith.constant 7 : i32
        %and3A_1673 = arith.andi %scan3A_1665, %and3A_1672 : i32
        %mul3A_1674 = arith.constant 16 : i32
        %mul3A_1675 = arith.muli %and3A_1673, %mul3A_1674 : i32
        %get3A_1676 = arith.constant 2 : i32
        %get3A_1677 = arith.index_cast %get3A_1676 : i32 to index
        %get3A_1678 = arith.index_cast %shift_right_arithmetic3A_1667 : i32 to index
        %get3A_1679 = arith.index_cast %and3A_1671 : i32 to index
        %get3A_1680 = arith.index_cast %mul3A_1675 : i32 to index
        %get3A_1681 = tpu.vector_load %arg9[%get3A_1677, %get3A_1678, %get3A_1679, %get3A_1680] {strides = array<i32>} : memref<4x4x8x128xi32, #tpu.memory_space<vmem>>, vector<16xi32>,
        tpu.vector_store_idx %arg7[%get3A_1681], %get3A_815 : memref<51200xf32, #tpu.memory_space<vmem>>[vector<16xi32>], vector<16xf32>,
      }
      %scan3A_1538 = arith.constant 256 : i32
    } else {
      %scan3A_1534 = arith.constant 0 : i32
      %scan3A_1535 = arith.constant 3144 : i32
      %scan3A_1536 = arith.addi %scan3A_1534, %scan3A_1535 : i32
      %scan3A_1537 = arith.constant 8 : i32
      scf.for %scan3A_1539 = %scan3A_1534 to %scan3A_1536 step %scan3A_1537  : i32 {
        %mul3A_1540 = arith.constant 16 : i32
        %mul3A_1541 = arith.muli %scan3A_1539, %mul3A_1540 : i32
        %swap3A_1542 = arith.index_cast %mul3A_1541 : i32 to index
        %swap3A_1543 = tpu.vector_load %arg7[%swap3A_1542] {strides = array<i32>} : memref<51200xf32, #tpu.memory_space<vmem>>, vector<16xf32>,
        tpu.vector_store %arg7[%swap3A_1542], %get3A_815 {strides = array<i32>} : memref<51200xf32, #tpu.memory_space<vmem>>, vector<16xf32>,
        %scan3A_1544 = arith.constant 1 : i32
        %scan3A_1545 = arith.addi %scan3A_1539, %scan3A_1544 : i32
        %mul3A_1546 = arith.constant 16 : i32
        %mul3A_1547 = arith.muli %scan3A_1545, %mul3A_1546 : i32
        %swap3A_1548 = arith.index_cast %mul3A_1547 : i32 to index
        %swap3A_1549 = tpu.vector_load %arg7[%swap3A_1548] {strides = array<i32>} : memref<51200xf32, #tpu.memory_space<vmem>>, vector<16xf32>,
        tpu.vector_store %arg7[%swap3A_1548], %get3A_815 {strides = array<i32>} : memref<51200xf32, #tpu.memory_space<vmem>>, vector<16xf32>,
        %scan3A_1550 = arith.constant 2 : i32
        %scan3A_1551 = arith.addi %scan3A_1539, %scan3A_1550 : i32
        %mul3A_1552 = arith.constant 16 : i32
        %mul3A_1553 = arith.muli %scan3A_1551, %mul3A_1552 : i32
        %swap3A_1554 = arith.index_cast %mul3A_1553 : i32 to index
        %swap3A_1555 = tpu.vector_load %arg7[%swap3A_1554] {strides = array<i32>} : memref<51200xf32, #tpu.memory_space<vmem>>, vector<16xf32>,
        tpu.vector_store %arg7[%swap3A_1554], %get3A_815 {strides = array<i32>} : memref<51200xf32, #tpu.memory_space<vmem>>, vector<16xf32>,
        %scan3A_1556 = arith.constant 3 : i32
        %scan3A_1557 = arith.addi %scan3A_1539, %scan3A_1556 : i32
        %mul3A_1558 = arith.constant 16 : i32
        %mul3A_1559 = arith.muli %scan3A_1557, %mul3A_1558 : i32
        %swap3A_1560 = arith.index_cast %mul3A_1559 : i32 to index
        %swap3A_1561 = tpu.vector_load %arg7[%swap3A_1560] {strides = array<i32>} : memref<51200xf32, #tpu.memory_space<vmem>>, vector<16xf32>,
        tpu.vector_store %arg7[%swap3A_1560], %get3A_815 {strides = array<i32>} : memref<51200xf32, #tpu.memory_space<vmem>>, vector<16xf32>,
        %scan3A_1562 = arith.constant 4 : i32
        %scan3A_1563 = arith.addi %scan3A_1539, %scan3A_1562 : i32
        %mul3A_1564 = arith.constant 16 : i32
        %mul3A_1565 = arith.muli %scan3A_1563, %mul3A_1564 : i32
        %swap3A_1566 = arith.index_cast %mul3A_1565 : i32 to index
        %swap3A_1567 = tpu.vector_load %arg7[%swap3A_1566] {strides = array<i32>} : memref<51200xf32, #tpu.memory_space<vmem>>, vector<16xf32>,
        tpu.vector_store %arg7[%swap3A_1566], %get3A_815 {strides = array<i32>} : memref<51200xf32, #tpu.memory_space<vmem>>, vector<16xf32>,
        %scan3A_1568 = arith.constant 5 : i32
        %scan3A_1569 = arith.addi %scan3A_1539, %scan3A_1568 : i32
        %mul3A_1570 = arith.constant 16 : i32
        %mul3A_1571 = arith.muli %scan3A_1569, %mul3A_1570 : i32
        %swap3A_1572 = arith.index_cast %mul3A_1571 : i32 to index
        %swap3A_1573 = tpu.vector_load %arg7[%swap3A_1572] {strides = array<i32>} : memref<51200xf32, #tpu.memory_space<vmem>>, vector<16xf32>,
        tpu.vector_store %arg7[%swap3A_1572], %get3A_815 {strides = array<i32>} : memref<51200xf32, #tpu.memory_space<vmem>>, vector<16xf32>,
        %scan3A_1574 = arith.constant 6 : i32
        %scan3A_1575 = arith.addi %scan3A_1539, %scan3A_1574 : i32
        %mul3A_1576 = arith.constant 16 : i32
        %mul3A_1577 = arith.muli %scan3A_1575, %mul3A_1576 : i32
        %swap3A_1578 = arith.index_cast %mul3A_1577 : i32 to index
        %swap3A_1579 = tpu.vector_load %arg7[%swap3A_1578] {strides = array<i32>} : memref<51200xf32, #tpu.memory_space<vmem>>, vector<16xf32>,
        tpu.vector_store %arg7[%swap3A_1578], %get3A_815 {strides = array<i32>} : memref<51200xf32, #tpu.memory_space<vmem>>, vector<16xf32>,
        %scan3A_1580 = arith.constant 7 : i32
        %scan3A_1581 = arith.addi %scan3A_1539, %scan3A_1580 : i32
        %mul3A_1582 = arith.constant 16 : i32
        %mul3A_1583 = arith.muli %scan3A_1581, %mul3A_1582 : i32
        %swap3A_1584 = arith.index_cast %mul3A_1583 : i32 to index
        %swap3A_1585 = tpu.vector_load %arg7[%swap3A_1584] {strides = array<i32>} : memref<51200xf32, #tpu.memory_space<vmem>>, vector<16xf32>,
        tpu.vector_store %arg7[%swap3A_1584], %get3A_815 {strides = array<i32>} : memref<51200xf32, #tpu.memory_space<vmem>>, vector<16xf32>,
      }
      %scan3A_1538 = arith.constant 3144 : i32
    }
    %add3A_841 = arith.constant 4 : i32
    %add3A_842 = arith.addi %mul3A_2, %add3A_841 : i32
    %add3A_843 = arith.constant 1 : i32
    %add3A_844 = arith.addi %add3A_842, %add3A_843 : i32
    %mul3A_845 = arith.constant 4 : i32
    %mul3A_846 = arith.muli %add3A_844, %mul3A_845 : i32
    %dma_start3A_847 = arith.constant 1 : i32
    %dma_start3A_848 = arith.constant 1 : i32
    %dma_start3A_849 = arith.constant 0 : i32
    %dma_start3A_850 = arith.constant 0 : i32
    %dma_start3A_851 = arith.constant 0 : i32
    %dma_start3A_852 = tpu.memref_slice %arg9[%dma_start3A_847, %dma_start3A_849, %dma_start3A_850, %dma_start3A_851] : memref<4x4x8x128xi32, #tpu.memory_space<vmem>> -> memref<1x4x8x128xi32, #tpu.memory_space<vmem>>
    %dma_start3A_853 = tpu.memref_squeeze %dma_start3A_852 : memref<1x4x8x128xi32, #tpu.memory_space<vmem>> -> memref<4x8x128xi32, #tpu.memory_space<vmem>>
    %dma_start3A_854 = arith.constant 0 : i32
    %dma_start3A_855 = arith.constant 0 : i32
    %dma_start3A_856 = tpu.memref_slice %arg3[%mul3A_846, %dma_start3A_854, %dma_start3A_855] : memref<1024x8x128xi32, #tpu.memory_space<hbm>> -> memref<4x8x128xi32, #tpu.memory_space<hbm>>
    %dma_start3A_857 = tpu.memref_slice %arg15[%dma_start3A_848] : memref<4x!tpu.dma_semaphore, #tpu.memory_space<semaphore_mem>> -> memref<1x!tpu.dma_semaphore, #tpu.memory_space<semaphore_mem>>
    %dma_start3A_858 = tpu.memref_squeeze %dma_start3A_857 : memref<1x!tpu.dma_semaphore, #tpu.memory_space<semaphore_mem>> -> memref<!tpu.dma_semaphore, #tpu.memory_space<semaphore_mem>>
    %dma_start3A_859 = arith.constant 0 : i32
    %dma_start3A_860 = arith.constant 0 : i32
    %dma_start3A_861 = arith.constant 0 : i32
    %dma_start3A_862 = tpu.memref_slice %arg9[%dma_start3A_847, %dma_start3A_859, %dma_start3A_860, %dma_start3A_861] : memref<4x4x8x128xi32, #tpu.memory_space<vmem>> -> memref<1x4x8x128xi32, #tpu.memory_space<vmem>>
    %dma_start3A_863 = tpu.memref_squeeze %dma_start3A_862 : memref<1x4x8x128xi32, #tpu.memory_space<vmem>> -> memref<4x8x128xi32, #tpu.memory_space<vmem>>
    %dma_start3A_864 = arith.constant 0 : i32
    %dma_start3A_865 = arith.constant 0 : i32
    %dma_start3A_866 = tpu.memref_slice %arg3[%mul3A_846, %dma_start3A_864, %dma_start3A_865] : memref<1024x8x128xi32, #tpu.memory_space<hbm>> -> memref<4x8x128xi32, #tpu.memory_space<hbm>>
    tpu.enqueue_dma source(%dma_start3A_866 : memref<4x8x128xi32, #tpu.memory_space<hbm>>) target(%dma_start3A_863 : memref<4x8x128xi32, #tpu.memory_space<vmem>>) target_semaphore(%dma_start3A_858 : memref<!tpu.dma_semaphore, #tpu.memory_space<semaphore_mem>>)
    %add3A_867 = arith.constant 4 : i32
    %add3A_868 = arith.addi %mul3A_2, %add3A_867 : i32
    %add3A_869 = arith.constant 1 : i32
    %add3A_870 = arith.addi %add3A_868, %add3A_869 : i32
    %mul3A_871 = arith.constant 4 : i32
    %mul3A_872 = arith.muli %add3A_870, %mul3A_871 : i32
    %dma_start3A_873 = arith.constant 1 : i32
    %dma_start3A_874 = arith.constant 1 : i32
    %dma_start3A_875 = arith.constant 0 : i32
    %dma_start3A_876 = arith.constant 0 : i32
    %dma_start3A_877 = arith.constant 0 : i32
    %dma_start3A_878 = tpu.memref_slice %arg10[%dma_start3A_873, %dma_start3A_875, %dma_start3A_876, %dma_start3A_877] : memref<2x4x8x128xf32, #tpu.memory_space<vmem>> -> memref<1x4x8x128xf32, #tpu.memory_space<vmem>>
    %dma_start3A_879 = tpu.memref_squeeze %dma_start3A_878 : memref<1x4x8x128xf32, #tpu.memory_space<vmem>> -> memref<4x8x128xf32, #tpu.memory_space<vmem>>
    %dma_start3A_880 = arith.constant 0 : i32
    %dma_start3A_881 = arith.constant 0 : i32
    %dma_start3A_882 = tpu.memref_slice %arg2[%mul3A_872, %dma_start3A_880, %dma_start3A_881] : memref<1024x8x128xf32, #tpu.memory_space<hbm>> -> memref<4x8x128xf32, #tpu.memory_space<hbm>>
    %dma_start3A_883 = tpu.memref_slice %arg16[%dma_start3A_874] : memref<2x!tpu.dma_semaphore, #tpu.memory_space<semaphore_mem>> -> memref<1x!tpu.dma_semaphore, #tpu.memory_space<semaphore_mem>>
    %dma_start3A_884 = tpu.memref_squeeze %dma_start3A_883 : memref<1x!tpu.dma_semaphore, #tpu.memory_space<semaphore_mem>> -> memref<!tpu.dma_semaphore, #tpu.memory_space<semaphore_mem>>
    %dma_start3A_885 = arith.constant 0 : i32
    %dma_start3A_886 = arith.constant 0 : i32
    %dma_start3A_887 = arith.constant 0 : i32
    %dma_start3A_888 = tpu.memref_slice %arg10[%dma_start3A_873, %dma_start3A_885, %dma_start3A_886, %dma_start3A_887] : memref<2x4x8x128xf32, #tpu.memory_space<vmem>> -> memref<1x4x8x128xf32, #tpu.memory_space<vmem>>
    %dma_start3A_889 = tpu.memref_squeeze %dma_start3A_888 : memref<1x4x8x128xf32, #tpu.memory_space<vmem>> -> memref<4x8x128xf32, #tpu.memory_space<vmem>>
    %dma_start3A_890 = arith.constant 0 : i32
    %dma_start3A_891 = arith.constant 0 : i32
    %dma_start3A_892 = tpu.memref_slice %arg2[%mul3A_872, %dma_start3A_890, %dma_start3A_891] : memref<1024x8x128xf32, #tpu.memory_space<hbm>> -> memref<4x8x128xf32, #tpu.memory_space<hbm>>
    tpu.enqueue_dma source(%dma_start3A_892 : memref<4x8x128xf32, #tpu.memory_space<hbm>>) target(%dma_start3A_889 : memref<4x8x128xf32, #tpu.memory_space<vmem>>) target_semaphore(%dma_start3A_884 : memref<!tpu.dma_semaphore, #tpu.memory_space<semaphore_mem>>)
    %dma_wait3A_893 = arith.constant 0 : i32
    %dma_wait3A_894 = arith.constant 0 : i32
    %dma_wait3A_895 = arith.constant 0 : i32
    %dma_wait3A_896 = arith.constant 0 : i32
    %dma_wait3A_897 = arith.constant 0 : i32
    %dma_wait3A_898 = tpu.memref_slice %arg9[%dma_wait3A_893, %dma_wait3A_895, %dma_wait3A_896, %dma_wait3A_897] : memref<4x4x8x128xi32, #tpu.memory_space<vmem>> -> memref<1x4x8x128xi32, #tpu.memory_space<vmem>>
    %dma_wait3A_899 = tpu.memref_squeeze %dma_wait3A_898 : memref<1x4x8x128xi32, #tpu.memory_space<vmem>> -> memref<4x8x128xi32, #tpu.memory_space<vmem>>
    %dma_wait3A_900 = arith.constant 0 : i32
    %dma_wait3A_901 = arith.constant 0 : i32
    %dma_wait3A_902 = tpu.memref_slice %arg3[%mul3A_656, %dma_wait3A_900, %dma_wait3A_901] : memref<1024x8x128xi32, #tpu.memory_space<hbm>> -> memref<4x8x128xi32, #tpu.memory_space<hbm>>
    %dma_wait3A_903 = tpu.memref_slice %arg15[%dma_wait3A_894] : memref<4x!tpu.dma_semaphore, #tpu.memory_space<semaphore_mem>> -> memref<1x!tpu.dma_semaphore, #tpu.memory_space<semaphore_mem>>
    %dma_wait3A_904 = tpu.memref_squeeze %dma_wait3A_903 : memref<1x!tpu.dma_semaphore, #tpu.memory_space<semaphore_mem>> -> memref<!tpu.dma_semaphore, #tpu.memory_space<semaphore_mem>>
    %dma_wait3A_905 = arith.constant 0 : i32
    %dma_wait3A_906 = arith.constant 0 : i32
    %dma_wait3A_907 = arith.constant 0 : i32
    %dma_wait3A_908 = tpu.memref_slice %arg9[%dma_wait3A_893, %dma_wait3A_905, %dma_wait3A_906, %dma_wait3A_907] : memref<4x4x8x128xi32, #tpu.memory_space<vmem>> -> memref<1x4x8x128xi32, #tpu.memory_space<vmem>>
    %dma_wait3A_909 = tpu.memref_squeeze %dma_wait3A_908 : memref<1x4x8x128xi32, #tpu.memory_space<vmem>> -> memref<4x8x128xi32, #tpu.memory_space<vmem>>
    %dma_wait3A_910 = arith.constant 0 : i32
    %dma_wait3A_911 = arith.constant 0 : i32
    %dma_wait3A_912 = tpu.memref_slice %arg3[%mul3A_656, %dma_wait3A_910, %dma_wait3A_911] : memref<1024x8x128xi32, #tpu.memory_space<hbm>> -> memref<4x8x128xi32, #tpu.memory_space<hbm>>
    tpu.wait_dma2 semaphore(%dma_wait3A_904 : memref<!tpu.dma_semaphore, #tpu.memory_space<semaphore_mem>>) src(%dma_wait3A_912 : memref<4x8x128xi32, #tpu.memory_space<hbm>>) dst(%dma_wait3A_909 : memref<4x8x128xi32, #tpu.memory_space<vmem>>)
    %dma_wait3A_913 = arith.constant 0 : i32
    %dma_wait3A_914 = arith.constant 0 : i32
    %dma_wait3A_915 = arith.constant 0 : i32
    %dma_wait3A_916 = arith.constant 0 : i32
    %dma_wait3A_917 = arith.constant 0 : i32
    %dma_wait3A_918 = tpu.memref_slice %arg10[%dma_wait3A_913, %dma_wait3A_915, %dma_wait3A_916, %dma_wait3A_917] : memref<2x4x8x128xf32, #tpu.memory_space<vmem>> -> memref<1x4x8x128xf32, #tpu.memory_space<vmem>>
    %dma_wait3A_919 = tpu.memref_squeeze %dma_wait3A_918 : memref<1x4x8x128xf32, #tpu.memory_space<vmem>> -> memref<4x8x128xf32, #tpu.memory_space<vmem>>
    %dma_wait3A_920 = arith.constant 0 : i32
    %dma_wait3A_921 = arith.constant 0 : i32
    %dma_wait3A_922 = tpu.memref_slice %arg2[%mul3A_682, %dma_wait3A_920, %dma_wait3A_921] : memref<1024x8x128xf32, #tpu.memory_space<hbm>> -> memref<4x8x128xf32, #tpu.memory_space<hbm>>
    %dma_wait3A_923 = tpu.memref_slice %arg16[%dma_wait3A_914] : memref<2x!tpu.dma_semaphore, #tpu.memory_space<semaphore_mem>> -> memref<1x!tpu.dma_semaphore, #tpu.memory_space<semaphore_mem>>
    %dma_wait3A_924 = tpu.memref_squeeze %dma_wait3A_923 : memref<1x!tpu.dma_semaphore, #tpu.memory_space<semaphore_mem>> -> memref<!tpu.dma_semaphore, #tpu.memory_space<semaphore_mem>>
    %dma_wait3A_925 = arith.constant 0 : i32
    %dma_wait3A_926 = arith.constant 0 : i32
    %dma_wait3A_927 = arith.constant 0 : i32
    %dma_wait3A_928 = tpu.memref_slice %arg10[%dma_wait3A_913, %dma_wait3A_925, %dma_wait3A_926, %dma_wait3A_927] : memref<2x4x8x128xf32, #tpu.memory_space<vmem>> -> memref<1x4x8x128xf32, #tpu.memory_space<vmem>>
    %dma_wait3A_929 = tpu.memref_squeeze %dma_wait3A_928 : memref<1x4x8x128xf32, #tpu.memory_space<vmem>> -> memref<4x8x128xf32, #tpu.memory_space<vmem>>
    %dma_wait3A_930 = arith.constant 0 : i32
    %dma_wait3A_931 = arith.constant 0 : i32
    %dma_wait3A_932 = tpu.memref_slice %arg2[%mul3A_682, %dma_wait3A_930, %dma_wait3A_931] : memref<1024x8x128xf32, #tpu.memory_space<hbm>> -> memref<4x8x128xf32, #tpu.memory_space<hbm>>
    tpu.wait_dma2 semaphore(%dma_wait3A_924 : memref<!tpu.dma_semaphore, #tpu.memory_space<semaphore_mem>>) src(%dma_wait3A_932 : memref<4x8x128xf32, #tpu.memory_space<hbm>>) dst(%dma_wait3A_929 : memref<4x8x128xf32, #tpu.memory_space<vmem>>)
    %scan3A_933 = arith.constant 0 : i32
    %scan3A_934 = arith.constant 256 : i32
    %scan3A_935 = arith.addi %scan3A_933, %scan3A_934 : i32
    %scan3A_936 = arith.constant 8 : i32
    scf.for %scan3A_1534 = %scan3A_933 to %scan3A_935 step %scan3A_936  : i32 {
      %shift_right_arithmetic3A_1535 = arith.constant 6 : i32
      %shift_right_arithmetic3A_1536 = arith.shrsi %scan3A_1534, %shift_right_arithmetic3A_1535 : i32
      %shift_right_arithmetic3A_1537 = arith.constant 3 : i32
      %shift_right_arithmetic3A_1538 = arith.shrsi %scan3A_1534, %shift_right_arithmetic3A_1537 : i32
      %and3A_1539 = arith.constant 7 : i32
      %and3A_1540 = arith.andi %shift_right_arithmetic3A_1538, %and3A_1539 : i32
      %and3A_1541 = arith.constant 7 : i32
      %and3A_1542 = arith.andi %scan3A_1534, %and3A_1541 : i32
      %mul3A_1543 = arith.constant 16 : i32
      %mul3A_1544 = arith.muli %and3A_1542, %mul3A_1543 : i32
      %get3A_1545 = arith.constant 0 : i32
      %get3A_1546 = arith.index_cast %get3A_1545 : i32 to index
      %get3A_1547 = arith.index_cast %shift_right_arithmetic3A_1536 : i32 to index
      %get3A_1548 = arith.index_cast %and3A_1540 : i32 to index
      %get3A_1549 = arith.index_cast %mul3A_1544 : i32 to index
      %get3A_1550 = tpu.vector_load %arg9[%get3A_1546, %get3A_1547, %get3A_1548, %get3A_1549] {strides = array<i32>} : memref<4x4x8x128xi32, #tpu.memory_space<vmem>>, vector<16xi32>,
      %get3A_1551 = arith.constant 0 : i32
      %get3A_1552 = arith.index_cast %get3A_1551 : i32 to index
      %get3A_1553 = arith.index_cast %shift_right_arithmetic3A_1536 : i32 to index
      %get3A_1554 = arith.index_cast %and3A_1540 : i32 to index
      %get3A_1555 = arith.index_cast %mul3A_1544 : i32 to index
      %get3A_1556 = tpu.vector_load %arg10[%get3A_1552, %get3A_1553, %get3A_1554, %get3A_1555] {strides = array<i32>} : memref<2x4x8x128xf32, #tpu.memory_space<vmem>>, vector<16xf32>,
      tpu.vector_store_idx %arg7[%get3A_1550], %get3A_1556 : memref<51200xf32, #tpu.memory_space<vmem>>[vector<16xi32>], vector<16xf32>,
      %scan3A_1557 = arith.constant 1 : i32
      %scan3A_1558 = arith.addi %scan3A_1534, %scan3A_1557 : i32
      %shift_right_arithmetic3A_1559 = arith.constant 6 : i32
      %shift_right_arithmetic3A_1560 = arith.shrsi %scan3A_1558, %shift_right_arithmetic3A_1559 : i32
      %shift_right_arithmetic3A_1561 = arith.constant 3 : i32
      %shift_right_arithmetic3A_1562 = arith.shrsi %scan3A_1558, %shift_right_arithmetic3A_1561 : i32
      %and3A_1563 = arith.constant 7 : i32
      %and3A_1564 = arith.andi %shift_right_arithmetic3A_1562, %and3A_1563 : i32
      %and3A_1565 = arith.constant 7 : i32
      %and3A_1566 = arith.andi %scan3A_1558, %and3A_1565 : i32
      %mul3A_1567 = arith.constant 16 : i32
      %mul3A_1568 = arith.muli %and3A_1566, %mul3A_1567 : i32
      %get3A_1569 = arith.constant 0 : i32
      %get3A_1570 = arith.index_cast %get3A_1569 : i32 to index
      %get3A_1571 = arith.index_cast %shift_right_arithmetic3A_1560 : i32 to index
      %get3A_1572 = arith.index_cast %and3A_1564 : i32 to index
      %get3A_1573 = arith.index_cast %mul3A_1568 : i32 to index
      %get3A_1574 = tpu.vector_load %arg9[%get3A_1570, %get3A_1571, %get3A_1572, %get3A_1573] {strides = array<i32>} : memref<4x4x8x128xi32, #tpu.memory_space<vmem>>, vector<16xi32>,
      %get3A_1575 = arith.constant 0 : i32
      %get3A_1576 = arith.index_cast %get3A_1575 : i32 to index
      %get3A_1577 = arith.index_cast %shift_right_arithmetic3A_1560 : i32 to index
      %get3A_1578 = arith.index_cast %and3A_1564 : i32 to index
      %get3A_1579 = arith.index_cast %mul3A_1568 : i32 to index
      %get3A_1580 = tpu.vector_load %arg10[%get3A_1576, %get3A_1577, %get3A_1578, %get3A_1579] {strides = array<i32>} : memref<2x4x8x128xf32, #tpu.memory_space<vmem>>, vector<16xf32>,
      tpu.vector_store_idx %arg7[%get3A_1574], %get3A_1580 : memref<51200xf32, #tpu.memory_space<vmem>>[vector<16xi32>], vector<16xf32>,
      %scan3A_1581 = arith.constant 2 : i32
      %scan3A_1582 = arith.addi %scan3A_1534, %scan3A_1581 : i32
      %shift_right_arithmetic3A_1583 = arith.constant 6 : i32
      %shift_right_arithmetic3A_1584 = arith.shrsi %scan3A_1582, %shift_right_arithmetic3A_1583 : i32
      %shift_right_arithmetic3A_1585 = arith.constant 3 : i32
      %shift_right_arithmetic3A_1586 = arith.shrsi %scan3A_1582, %shift_right_arithmetic3A_1585 : i32
      %and3A_1587 = arith.constant 7 : i32
      %and3A_1588 = arith.andi %shift_right_arithmetic3A_1586, %and3A_1587 : i32
      %and3A_1589 = arith.constant 7 : i32
      %and3A_1590 = arith.andi %scan3A_1582, %and3A_1589 : i32
      %mul3A_1591 = arith.constant 16 : i32
      %mul3A_1592 = arith.muli %and3A_1590, %mul3A_1591 : i32
      %get3A_1593 = arith.constant 0 : i32
      %get3A_1594 = arith.index_cast %get3A_1593 : i32 to index
      %get3A_1595 = arith.index_cast %shift_right_arithmetic3A_1584 : i32 to index
      %get3A_1596 = arith.index_cast %and3A_1588 : i32 to index
      %get3A_1597 = arith.index_cast %mul3A_1592 : i32 to index
      %get3A_1598 = tpu.vector_load %arg9[%get3A_1594, %get3A_1595, %get3A_1596, %get3A_1597] {strides = array<i32>} : memref<4x4x8x128xi32, #tpu.memory_space<vmem>>, vector<16xi32>,
      %get3A_1599 = arith.constant 0 : i32
      %get3A_1600 = arith.index_cast %get3A_1599 : i32 to index
      %get3A_1601 = arith.index_cast %shift_right_arithmetic3A_1584 : i32 to index
      %get3A_1602 = arith.index_cast %and3A_1588 : i32 to index
      %get3A_1603 = arith.index_cast %mul3A_1592 : i32 to index
      %get3A_1604 = tpu.vector_load %arg10[%get3A_1600, %get3A_1601, %get3A_1602, %get3A_1603] {strides = array<i32>} : memref<2x4x8x128xf32, #tpu.memory_space<vmem>>, vector<16xf32>,
      tpu.vector_store_idx %arg7[%get3A_1598], %get3A_1604 : memref<51200xf32, #tpu.memory_space<vmem>>[vector<16xi32>], vector<16xf32>,
      %scan3A_1605 = arith.constant 3 : i32
      %scan3A_1606 = arith.addi %scan3A_1534, %scan3A_1605 : i32
      %shift_right_arithmetic3A_1607 = arith.constant 6 : i32
      %shift_right_arithmetic3A_1608 = arith.shrsi %scan3A_1606, %shift_right_arithmetic3A_1607 : i32
      %shift_right_arithmetic3A_1609 = arith.constant 3 : i32
      %shift_right_arithmetic3A_1610 = arith.shrsi %scan3A_1606, %shift_right_arithmetic3A_1609 : i32
      %and3A_1611 = arith.constant 7 : i32
      %and3A_1612 = arith.andi %shift_right_arithmetic3A_1610, %and3A_1611 : i32
      %and3A_1613 = arith.constant 7 : i32
      %and3A_1614 = arith.andi %scan3A_1606, %and3A_1613 : i32
      %mul3A_1615 = arith.constant 16 : i32
      %mul3A_1616 = arith.muli %and3A_1614, %mul3A_1615 : i32
      %get3A_1617 = arith.constant 0 : i32
      %get3A_1618 = arith.index_cast %get3A_1617 : i32 to index
      %get3A_1619 = arith.index_cast %shift_right_arithmetic3A_1608 : i32 to index
      %get3A_1620 = arith.index_cast %and3A_1612 : i32 to index
      %get3A_1621 = arith.index_cast %mul3A_1616 : i32 to index
      %get3A_1622 = tpu.vector_load %arg9[%get3A_1618, %get3A_1619, %get3A_1620, %get3A_1621] {strides = array<i32>} : memref<4x4x8x128xi32, #tpu.memory_space<vmem>>, vector<16xi32>,
      %get3A_1623 = arith.constant 0 : i32
      %get3A_1624 = arith.index_cast %get3A_1623 : i32 to index
      %get3A_1625 = arith.index_cast %shift_right_arithmetic3A_1608 : i32 to index
      %get3A_1626 = arith.index_cast %and3A_1612 : i32 to index
      %get3A_1627 = arith.index_cast %mul3A_1616 : i32 to index
      %get3A_1628 = tpu.vector_load %arg10[%get3A_1624, %get3A_1625, %get3A_1626, %get3A_1627] {strides = array<i32>} : memref<2x4x8x128xf32, #tpu.memory_space<vmem>>, vector<16xf32>,
      tpu.vector_store_idx %arg7[%get3A_1622], %get3A_1628 : memref<51200xf32, #tpu.memory_space<vmem>>[vector<16xi32>], vector<16xf32>,
      %scan3A_1629 = arith.constant 4 : i32
      %scan3A_1630 = arith.addi %scan3A_1534, %scan3A_1629 : i32
      %shift_right_arithmetic3A_1631 = arith.constant 6 : i32
      %shift_right_arithmetic3A_1632 = arith.shrsi %scan3A_1630, %shift_right_arithmetic3A_1631 : i32
      %shift_right_arithmetic3A_1633 = arith.constant 3 : i32
      %shift_right_arithmetic3A_1634 = arith.shrsi %scan3A_1630, %shift_right_arithmetic3A_1633 : i32
      %and3A_1635 = arith.constant 7 : i32
      %and3A_1636 = arith.andi %shift_right_arithmetic3A_1634, %and3A_1635 : i32
      %and3A_1637 = arith.constant 7 : i32
      %and3A_1638 = arith.andi %scan3A_1630, %and3A_1637 : i32
      %mul3A_1639 = arith.constant 16 : i32
      %mul3A_1640 = arith.muli %and3A_1638, %mul3A_1639 : i32
      %get3A_1641 = arith.constant 0 : i32
      %get3A_1642 = arith.index_cast %get3A_1641 : i32 to index
      %get3A_1643 = arith.index_cast %shift_right_arithmetic3A_1632 : i32 to index
      %get3A_1644 = arith.index_cast %and3A_1636 : i32 to index
      %get3A_1645 = arith.index_cast %mul3A_1640 : i32 to index
      %get3A_1646 = tpu.vector_load %arg9[%get3A_1642, %get3A_1643, %get3A_1644, %get3A_1645] {strides = array<i32>} : memref<4x4x8x128xi32, #tpu.memory_space<vmem>>, vector<16xi32>,
      %get3A_1647 = arith.constant 0 : i32
      %get3A_1648 = arith.index_cast %get3A_1647 : i32 to index
      %get3A_1649 = arith.index_cast %shift_right_arithmetic3A_1632 : i32 to index
      %get3A_1650 = arith.index_cast %and3A_1636 : i32 to index
      %get3A_1651 = arith.index_cast %mul3A_1640 : i32 to index
      %get3A_1652 = tpu.vector_load %arg10[%get3A_1648, %get3A_1649, %get3A_1650, %get3A_1651] {strides = array<i32>} : memref<2x4x8x128xf32, #tpu.memory_space<vmem>>, vector<16xf32>,
      tpu.vector_store_idx %arg7[%get3A_1646], %get3A_1652 : memref<51200xf32, #tpu.memory_space<vmem>>[vector<16xi32>], vector<16xf32>,
      %scan3A_1653 = arith.constant 5 : i32
      %scan3A_1654 = arith.addi %scan3A_1534, %scan3A_1653 : i32
      %shift_right_arithmetic3A_1655 = arith.constant 6 : i32
      %shift_right_arithmetic3A_1656 = arith.shrsi %scan3A_1654, %shift_right_arithmetic3A_1655 : i32
      %shift_right_arithmetic3A_1657 = arith.constant 3 : i32
      %shift_right_arithmetic3A_1658 = arith.shrsi %scan3A_1654, %shift_right_arithmetic3A_1657 : i32
      %and3A_1659 = arith.constant 7 : i32
      %and3A_1660 = arith.andi %shift_right_arithmetic3A_1658, %and3A_1659 : i32
      %and3A_1661 = arith.constant 7 : i32
      %and3A_1662 = arith.andi %scan3A_1654, %and3A_1661 : i32
      %mul3A_1663 = arith.constant 16 : i32
      %mul3A_1664 = arith.muli %and3A_1662, %mul3A_1663 : i32
      %get3A_1665 = arith.constant 0 : i32
      %get3A_1666 = arith.index_cast %get3A_1665 : i32 to index
      %get3A_1667 = arith.index_cast %shift_right_arithmetic3A_1656 : i32 to index
      %get3A_1668 = arith.index_cast %and3A_1660 : i32 to index
      %get3A_1669 = arith.index_cast %mul3A_1664 : i32 to index
      %get3A_1670 = tpu.vector_load %arg9[%get3A_1666, %get3A_1667, %get3A_1668, %get3A_1669] {strides = array<i32>} : memref<4x4x8x128xi32, #tpu.memory_space<vmem>>, vector<16xi32>,
      %get3A_1671 = arith.constant 0 : i32
      %get3A_1672 = arith.index_cast %get3A_1671 : i32 to index
      %get3A_1673 = arith.index_cast %shift_right_arithmetic3A_1656 : i32 to index
      %get3A_1674 = arith.index_cast %and3A_1660 : i32 to index
      %get3A_1675 = arith.index_cast %mul3A_1664 : i32 to index
      %get3A_1676 = tpu.vector_load %arg10[%get3A_1672, %get3A_1673, %get3A_1674, %get3A_1675] {strides = array<i32>} : memref<2x4x8x128xf32, #tpu.memory_space<vmem>>, vector<16xf32>,
      tpu.vector_store_idx %arg7[%get3A_1670], %get3A_1676 : memref<51200xf32, #tpu.memory_space<vmem>>[vector<16xi32>], vector<16xf32>,
      %scan3A_1677 = arith.constant 6 : i32
      %scan3A_1678 = arith.addi %scan3A_1534, %scan3A_1677 : i32
      %shift_right_arithmetic3A_1679 = arith.constant 6 : i32
      %shift_right_arithmetic3A_1680 = arith.shrsi %scan3A_1678, %shift_right_arithmetic3A_1679 : i32
      %shift_right_arithmetic3A_1681 = arith.constant 3 : i32
      %shift_right_arithmetic3A_1682 = arith.shrsi %scan3A_1678, %shift_right_arithmetic3A_1681 : i32
      %and3A_1683 = arith.constant 7 : i32
      %and3A_1684 = arith.andi %shift_right_arithmetic3A_1682, %and3A_1683 : i32
      %and3A_1685 = arith.constant 7 : i32
      %and3A_1686 = arith.andi %scan3A_1678, %and3A_1685 : i32
      %mul3A_1687 = arith.constant 16 : i32
      %mul3A_1688 = arith.muli %and3A_1686, %mul3A_1687 : i32
      %get3A_1689 = arith.constant 0 : i32
      %get3A_1690 = arith.index_cast %get3A_1689 : i32 to index
      %get3A_1691 = arith.index_cast %shift_right_arithmetic3A_1680 : i32 to index
      %get3A_1692 = arith.index_cast %and3A_1684 : i32 to index
      %get3A_1693 = arith.index_cast %mul3A_1688 : i32 to index
      %get3A_1694 = tpu.vector_load %arg9[%get3A_1690, %get3A_1691, %get3A_1692, %get3A_1693] {strides = array<i32>} : memref<4x4x8x128xi32, #tpu.memory_space<vmem>>, vector<16xi32>,
      %get3A_1695 = arith.constant 0 : i32
      %get3A_1696 = arith.index_cast %get3A_1695 : i32 to index
      %get3A_1697 = arith.index_cast %shift_right_arithmetic3A_1680 : i32 to index
      %get3A_1698 = arith.index_cast %and3A_1684 : i32 to index
      %get3A_1699 = arith.index_cast %mul3A_1688 : i32 to index
      %get3A_1700 = tpu.vector_load %arg10[%get3A_1696, %get3A_1697, %get3A_1698, %get3A_1699] {strides = array<i32>} : memref<2x4x8x128xf32, #tpu.memory_space<vmem>>, vector<16xf32>,
      tpu.vector_store_idx %arg7[%get3A_1694], %get3A_1700 : memref<51200xf32, #tpu.memory_space<vmem>>[vector<16xi32>], vector<16xf32>,
      %scan3A_1701 = arith.constant 7 : i32
      %scan3A_1702 = arith.addi %scan3A_1534, %scan3A_1701 : i32
      %shift_right_arithmetic3A_1703 = arith.constant 6 : i32
      %shift_right_arithmetic3A_1704 = arith.shrsi %scan3A_1702, %shift_right_arithmetic3A_1703 : i32
      %shift_right_arithmetic3A_1705 = arith.constant 3 : i32
      %shift_right_arithmetic3A_1706 = arith.shrsi %scan3A_1702, %shift_right_arithmetic3A_1705 : i32
      %and3A_1707 = arith.constant 7 : i32
      %and3A_1708 = arith.andi %shift_right_arithmetic3A_1706, %and3A_1707 : i32
      %and3A_1709 = arith.constant 7 : i32
      %and3A_1710 = arith.andi %scan3A_1702, %and3A_1709 : i32
      %mul3A_1711 = arith.constant 16 : i32
      %mul3A_1712 = arith.muli %and3A_1710, %mul3A_1711 : i32
      %get3A_1713 = arith.constant 0 : i32
      %get3A_1714 = arith.index_cast %get3A_1713 : i32 to index
      %get3A_1715 = arith.index_cast %shift_right_arithmetic3A_1704 : i32 to index
      %get3A_1716 = arith.index_cast %and3A_1708 : i32 to index
      %get3A_1717 = arith.index_cast %mul3A_1712 : i32 to index
      %get3A_1718 = tpu.vector_load %arg9[%get3A_1714, %get3A_1715, %get3A_1716, %get3A_1717] {strides = array<i32>} : memref<4x4x8x128xi32, #tpu.memory_space<vmem>>, vector<16xi32>,
      %get3A_1719 = arith.constant 0 : i32
      %get3A_1720 = arith.index_cast %get3A_1719 : i32 to index
      %get3A_1721 = arith.index_cast %shift_right_arithmetic3A_1704 : i32 to index
      %get3A_1722 = arith.index_cast %and3A_1708 : i32 to index
      %get3A_1723 = arith.index_cast %mul3A_1712 : i32 to index
      %get3A_1724 = tpu.vector_load %arg10[%get3A_1720, %get3A_1721, %get3A_1722, %get3A_1723] {strides = array<i32>} : memref<2x4x8x128xf32, #tpu.memory_space<vmem>>, vector<16xf32>,
      tpu.vector_store_idx %arg7[%get3A_1718], %get3A_1724 : memref<51200xf32, #tpu.memory_space<vmem>>[vector<16xi32>], vector<16xf32>,
    }
    %scan3A_937 = arith.constant 256 : i32
    %dma_start3A_938 = arith.constant 0 : i32
    %dma_start3A_939 = tpu.memref_slice %arg7[%dma_start3A_938] : memref<51200xf32, #tpu.memory_space<vmem>> -> memref<50176xf32, #tpu.memory_space<vmem>>
    %dma_start3A_940 = arith.constant 0 : i32
    %dma_start3A_941 = tpu.memref_slice %arg5[%shift_right_arithmetic3A_809, %and3A_811, %dma_start3A_940] : memref<16x16x50257xf32, #tpu.memory_space<hbm>> -> memref<1x1x50176xf32, #tpu.memory_space<hbm>>
    %dma_start3A_942 = tpu.memref_squeeze %dma_start3A_941 : memref<1x1x50176xf32, #tpu.memory_space<hbm>> -> memref<50176xf32, #tpu.memory_space<hbm>>
    %dma_start3A_943 = arith.constant 0 : i32
    %dma_start3A_944 = tpu.memref_slice %arg5[%shift_right_arithmetic3A_809, %and3A_811, %dma_start3A_943] : memref<16x16x50257xf32, #tpu.memory_space<hbm>> -> memref<1x1x50176xf32, #tpu.memory_space<hbm>>
    %dma_start3A_945 = tpu.memref_squeeze %dma_start3A_944 : memref<1x1x50176xf32, #tpu.memory_space<hbm>> -> memref<50176xf32, #tpu.memory_space<hbm>>
    %dma_start3A_946 = arith.constant 0 : i32
    %dma_start3A_947 = tpu.memref_slice %arg7[%dma_start3A_946] : memref<51200xf32, #tpu.memory_space<vmem>> -> memref<50176xf32, #tpu.memory_space<vmem>>
    tpu.enqueue_dma source(%dma_start3A_947 : memref<50176xf32, #tpu.memory_space<vmem>>) target(%dma_start3A_945 : memref<50176xf32, #tpu.memory_space<hbm>>) target_semaphore(%arg13 : memref<!tpu.dma_semaphore, #tpu.memory_space<semaphore_mem>>)
    %get3A_948 = arith.constant 50176 : index
    %get3A_949 = tpu.vector_load %arg7[%get3A_948] {strides = array<i32>} : memref<51200xf32, #tpu.memory_space<vmem>>, vector<16xf32>,
    %swap3A_950 = arith.constant 4 : i32
    %swap3A_951 = arith.index_cast %swap3A_950 : i32 to index
    %swap3A_952 = arith.constant 0 : index
    %swap3A_953 = tpu.vector_load %arg12[%swap3A_951, %swap3A_952] {strides = array<i32>} : memref<8x128xf32, #tpu.memory_space<vmem>>, vector<16xf32>,
    tpu.vector_store %arg12[%swap3A_951, %swap3A_952], %get3A_949 {strides = array<i32>} : memref<8x128xf32, #tpu.memory_space<vmem>>, vector<16xf32>,
    %get3A_954 = arith.constant 50192 : index
    %get3A_955 = tpu.vector_load %arg7[%get3A_954] {strides = array<i32>} : memref<51200xf32, #tpu.memory_space<vmem>>, vector<16xf32>,
    %swap3A_956 = arith.constant 4 : i32
    %swap3A_957 = arith.index_cast %swap3A_956 : i32 to index
    %swap3A_958 = arith.constant 16 : index
    %swap3A_959 = tpu.vector_load %arg12[%swap3A_957, %swap3A_958] {strides = array<i32>} : memref<8x128xf32, #tpu.memory_space<vmem>>, vector<16xf32>,
    tpu.vector_store %arg12[%swap3A_957, %swap3A_958], %get3A_955 {strides = array<i32>} : memref<8x128xf32, #tpu.memory_space<vmem>>, vector<16xf32>,
    %get3A_960 = arith.constant 50208 : index
    %get3A_961 = tpu.vector_load %arg7[%get3A_960] {strides = array<i32>} : memref<51200xf32, #tpu.memory_space<vmem>>, vector<16xf32>,
    %swap3A_962 = arith.constant 4 : i32
    %swap3A_963 = arith.index_cast %swap3A_962 : i32 to index
    %swap3A_964 = arith.constant 32 : index
    %swap3A_965 = tpu.vector_load %arg12[%swap3A_963, %swap3A_964] {strides = array<i32>} : memref<8x128xf32, #tpu.memory_space<vmem>>, vector<16xf32>,
    tpu.vector_store %arg12[%swap3A_963, %swap3A_964], %get3A_961 {strides = array<i32>} : memref<8x128xf32, #tpu.memory_space<vmem>>, vector<16xf32>,
    %get3A_966 = arith.constant 50224 : index
    %get3A_967 = tpu.vector_load %arg7[%get3A_966] {strides = array<i32>} : memref<51200xf32, #tpu.memory_space<vmem>>, vector<16xf32>,
    %swap3A_968 = arith.constant 4 : i32
    %swap3A_969 = arith.index_cast %swap3A_968 : i32 to index
    %swap3A_970 = arith.constant 48 : index
    %swap3A_971 = tpu.vector_load %arg12[%swap3A_969, %swap3A_970] {strides = array<i32>} : memref<8x128xf32, #tpu.memory_space<vmem>>, vector<16xf32>,
    tpu.vector_store %arg12[%swap3A_969, %swap3A_970], %get3A_967 {strides = array<i32>} : memref<8x128xf32, #tpu.memory_space<vmem>>, vector<16xf32>,
    %get3A_972 = arith.constant 50240 : index
    %get3A_973 = tpu.vector_load %arg7[%get3A_972] {strides = array<i32>} : memref<51200xf32, #tpu.memory_space<vmem>>, vector<16xf32>,
    %swap3A_974 = arith.constant 4 : i32
    %swap3A_975 = arith.index_cast %swap3A_974 : i32 to index
    %swap3A_976 = arith.constant 64 : index
    %swap3A_977 = tpu.vector_load %arg12[%swap3A_975, %swap3A_976] {strides = array<i32>} : memref<8x128xf32, #tpu.memory_space<vmem>>, vector<16xf32>,
    tpu.vector_store %arg12[%swap3A_975, %swap3A_976], %get3A_973 {strides = array<i32>} : memref<8x128xf32, #tpu.memory_space<vmem>>, vector<16xf32>,
    %get3A_978 = arith.constant 50256 : index
    %get3A_979 = tpu.vector_load %arg7[%get3A_978] {strides = array<i32>} : memref<51200xf32, #tpu.memory_space<vmem>>, vector<16xf32>,
    %swap3A_980 = arith.constant 4 : i32
    %swap3A_981 = arith.index_cast %swap3A_980 : i32 to index
    %swap3A_982 = arith.constant 80 : index
    %swap3A_983 = tpu.vector_load %arg12[%swap3A_981, %swap3A_982] {strides = array<i32>} : memref<8x128xf32, #tpu.memory_space<vmem>>, vector<16xf32>,
    tpu.vector_store %arg12[%swap3A_981, %swap3A_982], %get3A_979 {strides = array<i32>} : memref<8x128xf32, #tpu.memory_space<vmem>>, vector<16xf32>,
    %get3A_984 = arith.constant 50272 : index
    %get3A_985 = tpu.vector_load %arg7[%get3A_984] {strides = array<i32>} : memref<51200xf32, #tpu.memory_space<vmem>>, vector<16xf32>,
    %swap3A_986 = arith.constant 4 : i32
    %swap3A_987 = arith.index_cast %swap3A_986 : i32 to index
    %swap3A_988 = arith.constant 96 : index
    %swap3A_989 = tpu.vector_load %arg12[%swap3A_987, %swap3A_988] {strides = array<i32>} : memref<8x128xf32, #tpu.memory_space<vmem>>, vector<16xf32>,
    tpu.vector_store %arg12[%swap3A_987, %swap3A_988], %get3A_985 {strides = array<i32>} : memref<8x128xf32, #tpu.memory_space<vmem>>, vector<16xf32>,
    %get3A_990 = arith.constant 50288 : index
    %get3A_991 = tpu.vector_load %arg7[%get3A_990] {strides = array<i32>} : memref<51200xf32, #tpu.memory_space<vmem>>, vector<16xf32>,
    %swap3A_992 = arith.constant 4 : i32
    %swap3A_993 = arith.index_cast %swap3A_992 : i32 to index
    %swap3A_994 = arith.constant 112 : index
    %swap3A_995 = tpu.vector_load %arg12[%swap3A_993, %swap3A_994] {strides = array<i32>} : memref<8x128xf32, #tpu.memory_space<vmem>>, vector<16xf32>,
    tpu.vector_store %arg12[%swap3A_993, %swap3A_994], %get3A_991 {strides = array<i32>} : memref<8x128xf32, #tpu.memory_space<vmem>>, vector<16xf32>,
    %add3A_996 = arith.constant 5 : i32
    %add3A_997 = arith.addi %mul3A_2, %add3A_996 : i32
    %shift_right_arithmetic3A_998 = arith.constant 4 : i32
    %shift_right_arithmetic3A_999 = arith.shrsi %add3A_997, %shift_right_arithmetic3A_998 : i32
    %and3A_1000 = arith.constant 15 : i32
    %and3A_1001 = arith.andi %add3A_997, %and3A_1000 : i32
    %get3A_1002 = arith.constant 5 : i32
    %get3A_1003 = arith.index_cast %get3A_1002 : i32 to index
    %get3A_1004 = arith.constant 0 : index
    %get3A_1005 = tpu.vector_load %arg11[%get3A_1003, %get3A_1004] {strides = array<i32>} : memref<8x128xf32, #tpu.memory_space<vmem>>, vector<16xf32>,
    %dma_wait3A_1006 = arith.constant 0 : i32
    %dma_wait3A_1007 = tpu.memref_slice %arg8[%dma_wait3A_1006] : memref<51200xf32, #tpu.memory_space<vmem>> -> memref<50176xf32, #tpu.memory_space<vmem>>
    %dma_wait3A_1008 = arith.constant 0 : i32
    %dma_wait3A_1009 = tpu.memref_slice %arg5[%shift_right_arithmetic3A_619, %and3A_621, %dma_wait3A_1008] : memref<16x16x50257xf32, #tpu.memory_space<hbm>> -> memref<1x1x50176xf32, #tpu.memory_space<hbm>>
    %dma_wait3A_1010 = tpu.memref_squeeze %dma_wait3A_1009 : memref<1x1x50176xf32, #tpu.memory_space<hbm>> -> memref<50176xf32, #tpu.memory_space<hbm>>
    %dma_wait3A_1011 = arith.constant 0 : i32
    %dma_wait3A_1012 = tpu.memref_slice %arg5[%shift_right_arithmetic3A_619, %and3A_621, %dma_wait3A_1011] : memref<16x16x50257xf32, #tpu.memory_space<hbm>> -> memref<1x1x50176xf32, #tpu.memory_space<hbm>>
    %dma_wait3A_1013 = tpu.memref_squeeze %dma_wait3A_1012 : memref<1x1x50176xf32, #tpu.memory_space<hbm>> -> memref<50176xf32, #tpu.memory_space<hbm>>
    %dma_wait3A_1014 = arith.constant 0 : i32
    %dma_wait3A_1015 = tpu.memref_slice %arg8[%dma_wait3A_1014] : memref<51200xf32, #tpu.memory_space<vmem>> -> memref<50176xf32, #tpu.memory_space<vmem>>
    tpu.wait_dma2 semaphore(%arg14 : memref<!tpu.dma_semaphore, #tpu.memory_space<semaphore_mem>>) src(%dma_wait3A_1015 : memref<50176xf32, #tpu.memory_space<vmem>>) dst(%dma_wait3A_1013 : memref<50176xf32, #tpu.memory_space<hbm>>)
    %get3A_1016 = arith.constant 3 : i32
    %get3A_1017 = arith.index_cast %get3A_1016 : i32 to index
    %get3A_1018 = arith.constant 0 : index
    %get3A_1019 = tpu.vector_load %arg11[%get3A_1017, %get3A_1018] {strides = array<i32>} : memref<8x128xf32, #tpu.memory_space<vmem>>, vector<16xf32>,
    %sub3A_1020 = arith.subf %get3A_1005, %get3A_1019 : vector<16xf32>
    %abs3A_1021 = math.absf %sub3A_1020 : vector<16xf32>
    %reduce_max3A_1022 = arith.constant true
    %reduce_max3A_1023 = vector.broadcast %reduce_max3A_1022 : i1 to vector<16xi1>
    %reduce_max3A_1024 = tpu.scan <max>, %abs3A_1021 masked %reduce_max3A_1023 : vector<16xf32>, vector<16xi1> -> vector<16xf32>
    %reduce_max3A_1025 = vector.extract %reduce_max3A_1024[15] : f32 from vector<16xf32>
    %eq3A_1026 = arith.constant 0.000000e+00 : f32
    %eq3A_1027 = arith.cmpf oeq, %reduce_max3A_1025, %eq3A_1026 : f32
    %convert_element_type3A_1028 = arith.extui %eq3A_1027 : i1 to i32
    %cond3A_1029 = arith.constant 0 : i32
    %cond3A_1030 = arith.cmpi ne, %convert_element_type3A_1028, %cond3A_1029 : i32
    scf.if %cond3A_1030 {
      %scan3A_1534 = arith.constant 0 : i32
      %scan3A_1535 = arith.constant 256 : i32
      %scan3A_1536 = arith.addi %scan3A_1534, %scan3A_1535 : i32
      %scan3A_1537 = arith.constant 8 : i32
      scf.for %scan3A_1539 = %scan3A_1534 to %scan3A_1536 step %scan3A_1537  : i32 {
        %shift_right_arithmetic3A_1540 = arith.constant 6 : i32
        %shift_right_arithmetic3A_1541 = arith.shrsi %scan3A_1539, %shift_right_arithmetic3A_1540 : i32
        %shift_right_arithmetic3A_1542 = arith.constant 3 : i32
        %shift_right_arithmetic3A_1543 = arith.shrsi %scan3A_1539, %shift_right_arithmetic3A_1542 : i32
        %and3A_1544 = arith.constant 7 : i32
        %and3A_1545 = arith.andi %shift_right_arithmetic3A_1543, %and3A_1544 : i32
        %and3A_1546 = arith.constant 7 : i32
        %and3A_1547 = arith.andi %scan3A_1539, %and3A_1546 : i32
        %mul3A_1548 = arith.constant 16 : i32
        %mul3A_1549 = arith.muli %and3A_1547, %mul3A_1548 : i32
        %get3A_1550 = arith.constant 3 : i32
        %get3A_1551 = arith.index_cast %get3A_1550 : i32 to index
        %get3A_1552 = arith.index_cast %shift_right_arithmetic3A_1541 : i32 to index
        %get3A_1553 = arith.index_cast %and3A_1545 : i32 to index
        %get3A_1554 = arith.index_cast %mul3A_1549 : i32 to index
        %get3A_1555 = tpu.vector_load %arg9[%get3A_1551, %get3A_1552, %get3A_1553, %get3A_1554] {strides = array<i32>} : memref<4x4x8x128xi32, #tpu.memory_space<vmem>>, vector<16xi32>,
        tpu.vector_store_idx %arg8[%get3A_1555], %get3A_1005 : memref<51200xf32, #tpu.memory_space<vmem>>[vector<16xi32>], vector<16xf32>,
        %scan3A_1556 = arith.constant 1 : i32
        %scan3A_1557 = arith.addi %scan3A_1539, %scan3A_1556 : i32
        %shift_right_arithmetic3A_1558 = arith.constant 6 : i32
        %shift_right_arithmetic3A_1559 = arith.shrsi %scan3A_1557, %shift_right_arithmetic3A_1558 : i32
        %shift_right_arithmetic3A_1560 = arith.constant 3 : i32
        %shift_right_arithmetic3A_1561 = arith.shrsi %scan3A_1557, %shift_right_arithmetic3A_1560 : i32
        %and3A_1562 = arith.constant 7 : i32
        %and3A_1563 = arith.andi %shift_right_arithmetic3A_1561, %and3A_1562 : i32
        %and3A_1564 = arith.constant 7 : i32
        %and3A_1565 = arith.andi %scan3A_1557, %and3A_1564 : i32
        %mul3A_1566 = arith.constant 16 : i32
        %mul3A_1567 = arith.muli %and3A_1565, %mul3A_1566 : i32
        %get3A_1568 = arith.constant 3 : i32
        %get3A_1569 = arith.index_cast %get3A_1568 : i32 to index
        %get3A_1570 = arith.index_cast %shift_right_arithmetic3A_1559 : i32 to index
        %get3A_1571 = arith.index_cast %and3A_1563 : i32 to index
        %get3A_1572 = arith.index_cast %mul3A_1567 : i32 to index
        %get3A_1573 = tpu.vector_load %arg9[%get3A_1569, %get3A_1570, %get3A_1571, %get3A_1572] {strides = array<i32>} : memref<4x4x8x128xi32, #tpu.memory_space<vmem>>, vector<16xi32>,
        tpu.vector_store_idx %arg8[%get3A_1573], %get3A_1005 : memref<51200xf32, #tpu.memory_space<vmem>>[vector<16xi32>], vector<16xf32>,
        %scan3A_1574 = arith.constant 2 : i32
        %scan3A_1575 = arith.addi %scan3A_1539, %scan3A_1574 : i32
        %shift_right_arithmetic3A_1576 = arith.constant 6 : i32
        %shift_right_arithmetic3A_1577 = arith.shrsi %scan3A_1575, %shift_right_arithmetic3A_1576 : i32
        %shift_right_arithmetic3A_1578 = arith.constant 3 : i32
        %shift_right_arithmetic3A_1579 = arith.shrsi %scan3A_1575, %shift_right_arithmetic3A_1578 : i32
        %and3A_1580 = arith.constant 7 : i32
        %and3A_1581 = arith.andi %shift_right_arithmetic3A_1579, %and3A_1580 : i32
        %and3A_1582 = arith.constant 7 : i32
        %and3A_1583 = arith.andi %scan3A_1575, %and3A_1582 : i32
        %mul3A_1584 = arith.constant 16 : i32
        %mul3A_1585 = arith.muli %and3A_1583, %mul3A_1584 : i32
        %get3A_1586 = arith.constant 3 : i32
        %get3A_1587 = arith.index_cast %get3A_1586 : i32 to index
        %get3A_1588 = arith.index_cast %shift_right_arithmetic3A_1577 : i32 to index
        %get3A_1589 = arith.index_cast %and3A_1581 : i32 to index
        %get3A_1590 = arith.index_cast %mul3A_1585 : i32 to index
        %get3A_1591 = tpu.vector_load %arg9[%get3A_1587, %get3A_1588, %get3A_1589, %get3A_1590] {strides = array<i32>} : memref<4x4x8x128xi32, #tpu.memory_space<vmem>>, vector<16xi32>,
        tpu.vector_store_idx %arg8[%get3A_1591], %get3A_1005 : memref<51200xf32, #tpu.memory_space<vmem>>[vector<16xi32>], vector<16xf32>,
        %scan3A_1592 = arith.constant 3 : i32
        %scan3A_1593 = arith.addi %scan3A_1539, %scan3A_1592 : i32
        %shift_right_arithmetic3A_1594 = arith.constant 6 : i32
        %shift_right_arithmetic3A_1595 = arith.shrsi %scan3A_1593, %shift_right_arithmetic3A_1594 : i32
        %shift_right_arithmetic3A_1596 = arith.constant 3 : i32
        %shift_right_arithmetic3A_1597 = arith.shrsi %scan3A_1593, %shift_right_arithmetic3A_1596 : i32
        %and3A_1598 = arith.constant 7 : i32
        %and3A_1599 = arith.andi %shift_right_arithmetic3A_1597, %and3A_1598 : i32
        %and3A_1600 = arith.constant 7 : i32
        %and3A_1601 = arith.andi %scan3A_1593, %and3A_1600 : i32
        %mul3A_1602 = arith.constant 16 : i32
        %mul3A_1603 = arith.muli %and3A_1601, %mul3A_1602 : i32
        %get3A_1604 = arith.constant 3 : i32
        %get3A_1605 = arith.index_cast %get3A_1604 : i32 to index
        %get3A_1606 = arith.index_cast %shift_right_arithmetic3A_1595 : i32 to index
        %get3A_1607 = arith.index_cast %and3A_1599 : i32 to index
        %get3A_1608 = arith.index_cast %mul3A_1603 : i32 to index
        %get3A_1609 = tpu.vector_load %arg9[%get3A_1605, %get3A_1606, %get3A_1607, %get3A_1608] {strides = array<i32>} : memref<4x4x8x128xi32, #tpu.memory_space<vmem>>, vector<16xi32>,
        tpu.vector_store_idx %arg8[%get3A_1609], %get3A_1005 : memref<51200xf32, #tpu.memory_space<vmem>>[vector<16xi32>], vector<16xf32>,
        %scan3A_1610 = arith.constant 4 : i32
        %scan3A_1611 = arith.addi %scan3A_1539, %scan3A_1610 : i32
        %shift_right_arithmetic3A_1612 = arith.constant 6 : i32
        %shift_right_arithmetic3A_1613 = arith.shrsi %scan3A_1611, %shift_right_arithmetic3A_1612 : i32
        %shift_right_arithmetic3A_1614 = arith.constant 3 : i32
        %shift_right_arithmetic3A_1615 = arith.shrsi %scan3A_1611, %shift_right_arithmetic3A_1614 : i32
        %and3A_1616 = arith.constant 7 : i32
        %and3A_1617 = arith.andi %shift_right_arithmetic3A_1615, %and3A_1616 : i32
        %and3A_1618 = arith.constant 7 : i32
        %and3A_1619 = arith.andi %scan3A_1611, %and3A_1618 : i32
        %mul3A_1620 = arith.constant 16 : i32
        %mul3A_1621 = arith.muli %and3A_1619, %mul3A_1620 : i32
        %get3A_1622 = arith.constant 3 : i32
        %get3A_1623 = arith.index_cast %get3A_1622 : i32 to index
        %get3A_1624 = arith.index_cast %shift_right_arithmetic3A_1613 : i32 to index
        %get3A_1625 = arith.index_cast %and3A_1617 : i32 to index
        %get3A_1626 = arith.index_cast %mul3A_1621 : i32 to index
        %get3A_1627 = tpu.vector_load %arg9[%get3A_1623, %get3A_1624, %get3A_1625, %get3A_1626] {strides = array<i32>} : memref<4x4x8x128xi32, #tpu.memory_space<vmem>>, vector<16xi32>,
        tpu.vector_store_idx %arg8[%get3A_1627], %get3A_1005 : memref<51200xf32, #tpu.memory_space<vmem>>[vector<16xi32>], vector<16xf32>,
        %scan3A_1628 = arith.constant 5 : i32
        %scan3A_1629 = arith.addi %scan3A_1539, %scan3A_1628 : i32
        %shift_right_arithmetic3A_1630 = arith.constant 6 : i32
        %shift_right_arithmetic3A_1631 = arith.shrsi %scan3A_1629, %shift_right_arithmetic3A_1630 : i32
        %shift_right_arithmetic3A_1632 = arith.constant 3 : i32
        %shift_right_arithmetic3A_1633 = arith.shrsi %scan3A_1629, %shift_right_arithmetic3A_1632 : i32
        %and3A_1634 = arith.constant 7 : i32
        %and3A_1635 = arith.andi %shift_right_arithmetic3A_1633, %and3A_1634 : i32
        %and3A_1636 = arith.constant 7 : i32
        %and3A_1637 = arith.andi %scan3A_1629, %and3A_1636 : i32
        %mul3A_1638 = arith.constant 16 : i32
        %mul3A_1639 = arith.muli %and3A_1637, %mul3A_1638 : i32
        %get3A_1640 = arith.constant 3 : i32
        %get3A_1641 = arith.index_cast %get3A_1640 : i32 to index
        %get3A_1642 = arith.index_cast %shift_right_arithmetic3A_1631 : i32 to index
        %get3A_1643 = arith.index_cast %and3A_1635 : i32 to index
        %get3A_1644 = arith.index_cast %mul3A_1639 : i32 to index
        %get3A_1645 = tpu.vector_load %arg9[%get3A_1641, %get3A_1642, %get3A_1643, %get3A_1644] {strides = array<i32>} : memref<4x4x8x128xi32, #tpu.memory_space<vmem>>, vector<16xi32>,
        tpu.vector_store_idx %arg8[%get3A_1645], %get3A_1005 : memref<51200xf32, #tpu.memory_space<vmem>>[vector<16xi32>], vector<16xf32>,
        %scan3A_1646 = arith.constant 6 : i32
        %scan3A_1647 = arith.addi %scan3A_1539, %scan3A_1646 : i32
        %shift_right_arithmetic3A_1648 = arith.constant 6 : i32
        %shift_right_arithmetic3A_1649 = arith.shrsi %scan3A_1647, %shift_right_arithmetic3A_1648 : i32
        %shift_right_arithmetic3A_1650 = arith.constant 3 : i32
        %shift_right_arithmetic3A_1651 = arith.shrsi %scan3A_1647, %shift_right_arithmetic3A_1650 : i32
        %and3A_1652 = arith.constant 7 : i32
        %and3A_1653 = arith.andi %shift_right_arithmetic3A_1651, %and3A_1652 : i32
        %and3A_1654 = arith.constant 7 : i32
        %and3A_1655 = arith.andi %scan3A_1647, %and3A_1654 : i32
        %mul3A_1656 = arith.constant 16 : i32
        %mul3A_1657 = arith.muli %and3A_1655, %mul3A_1656 : i32
        %get3A_1658 = arith.constant 3 : i32
        %get3A_1659 = arith.index_cast %get3A_1658 : i32 to index
        %get3A_1660 = arith.index_cast %shift_right_arithmetic3A_1649 : i32 to index
        %get3A_1661 = arith.index_cast %and3A_1653 : i32 to index
        %get3A_1662 = arith.index_cast %mul3A_1657 : i32 to index
        %get3A_1663 = tpu.vector_load %arg9[%get3A_1659, %get3A_1660, %get3A_1661, %get3A_1662] {strides = array<i32>} : memref<4x4x8x128xi32, #tpu.memory_space<vmem>>, vector<16xi32>,
        tpu.vector_store_idx %arg8[%get3A_1663], %get3A_1005 : memref<51200xf32, #tpu.memory_space<vmem>>[vector<16xi32>], vector<16xf32>,
        %scan3A_1664 = arith.constant 7 : i32
        %scan3A_1665 = arith.addi %scan3A_1539, %scan3A_1664 : i32
        %shift_right_arithmetic3A_1666 = arith.constant 6 : i32
        %shift_right_arithmetic3A_1667 = arith.shrsi %scan3A_1665, %shift_right_arithmetic3A_1666 : i32
        %shift_right_arithmetic3A_1668 = arith.constant 3 : i32
        %shift_right_arithmetic3A_1669 = arith.shrsi %scan3A_1665, %shift_right_arithmetic3A_1668 : i32
        %and3A_1670 = arith.constant 7 : i32
        %and3A_1671 = arith.andi %shift_right_arithmetic3A_1669, %and3A_1670 : i32
        %and3A_1672 = arith.constant 7 : i32
        %and3A_1673 = arith.andi %scan3A_1665, %and3A_1672 : i32
        %mul3A_1674 = arith.constant 16 : i32
        %mul3A_1675 = arith.muli %and3A_1673, %mul3A_1674 : i32
        %get3A_1676 = arith.constant 3 : i32
        %get3A_1677 = arith.index_cast %get3A_1676 : i32 to index
        %get3A_1678 = arith.index_cast %shift_right_arithmetic3A_1667 : i32 to index
        %get3A_1679 = arith.index_cast %and3A_1671 : i32 to index
        %get3A_1680 = arith.index_cast %mul3A_1675 : i32 to index
        %get3A_1681 = tpu.vector_load %arg9[%get3A_1677, %get3A_1678, %get3A_1679, %get3A_1680] {strides = array<i32>} : memref<4x4x8x128xi32, #tpu.memory_space<vmem>>, vector<16xi32>,
        tpu.vector_store_idx %arg8[%get3A_1681], %get3A_1005 : memref<51200xf32, #tpu.memory_space<vmem>>[vector<16xi32>], vector<16xf32>,
      }
      %scan3A_1538 = arith.constant 256 : i32
    } else {
      %scan3A_1534 = arith.constant 0 : i32
      %scan3A_1535 = arith.constant 3144 : i32
      %scan3A_1536 = arith.addi %scan3A_1534, %scan3A_1535 : i32
      %scan3A_1537 = arith.constant 8 : i32
      scf.for %scan3A_1539 = %scan3A_1534 to %scan3A_1536 step %scan3A_1537  : i32 {
        %mul3A_1540 = arith.constant 16 : i32
        %mul3A_1541 = arith.muli %scan3A_1539, %mul3A_1540 : i32
        %swap3A_1542 = arith.index_cast %mul3A_1541 : i32 to index
        %swap3A_1543 = tpu.vector_load %arg8[%swap3A_1542] {strides = array<i32>} : memref<51200xf32, #tpu.memory_space<vmem>>, vector<16xf32>,
        tpu.vector_store %arg8[%swap3A_1542], %get3A_1005 {strides = array<i32>} : memref<51200xf32, #tpu.memory_space<vmem>>, vector<16xf32>,
        %scan3A_1544 = arith.constant 1 : i32
        %scan3A_1545 = arith.addi %scan3A_1539, %scan3A_1544 : i32
        %mul3A_1546 = arith.constant 16 : i32
        %mul3A_1547 = arith.muli %scan3A_1545, %mul3A_1546 : i32
        %swap3A_1548 = arith.index_cast %mul3A_1547 : i32 to index
        %swap3A_1549 = tpu.vector_load %arg8[%swap3A_1548] {strides = array<i32>} : memref<51200xf32, #tpu.memory_space<vmem>>, vector<16xf32>,
        tpu.vector_store %arg8[%swap3A_1548], %get3A_1005 {strides = array<i32>} : memref<51200xf32, #tpu.memory_space<vmem>>, vector<16xf32>,
        %scan3A_1550 = arith.constant 2 : i32
        %scan3A_1551 = arith.addi %scan3A_1539, %scan3A_1550 : i32
        %mul3A_1552 = arith.constant 16 : i32
        %mul3A_1553 = arith.muli %scan3A_1551, %mul3A_1552 : i32
        %swap3A_1554 = arith.index_cast %mul3A_1553 : i32 to index
        %swap3A_1555 = tpu.vector_load %arg8[%swap3A_1554] {strides = array<i32>} : memref<51200xf32, #tpu.memory_space<vmem>>, vector<16xf32>,
        tpu.vector_store %arg8[%swap3A_1554], %get3A_1005 {strides = array<i32>} : memref<51200xf32, #tpu.memory_space<vmem>>, vector<16xf32>,
        %scan3A_1556 = arith.constant 3 : i32
        %scan3A_1557 = arith.addi %scan3A_1539, %scan3A_1556 : i32
        %mul3A_1558 = arith.constant 16 : i32
        %mul3A_1559 = arith.muli %scan3A_1557, %mul3A_1558 : i32
        %swap3A_1560 = arith.index_cast %mul3A_1559 : i32 to index
        %swap3A_1561 = tpu.vector_load %arg8[%swap3A_1560] {strides = array<i32>} : memref<51200xf32, #tpu.memory_space<vmem>>, vector<16xf32>,
        tpu.vector_store %arg8[%swap3A_1560], %get3A_1005 {strides = array<i32>} : memref<51200xf32, #tpu.memory_space<vmem>>, vector<16xf32>,
        %scan3A_1562 = arith.constant 4 : i32
        %scan3A_1563 = arith.addi %scan3A_1539, %scan3A_1562 : i32
        %mul3A_1564 = arith.constant 16 : i32
        %mul3A_1565 = arith.muli %scan3A_1563, %mul3A_1564 : i32
        %swap3A_1566 = arith.index_cast %mul3A_1565 : i32 to index
        %swap3A_1567 = tpu.vector_load %arg8[%swap3A_1566] {strides = array<i32>} : memref<51200xf32, #tpu.memory_space<vmem>>, vector<16xf32>,
        tpu.vector_store %arg8[%swap3A_1566], %get3A_1005 {strides = array<i32>} : memref<51200xf32, #tpu.memory_space<vmem>>, vector<16xf32>,
        %scan3A_1568 = arith.constant 5 : i32
        %scan3A_1569 = arith.addi %scan3A_1539, %scan3A_1568 : i32
        %mul3A_1570 = arith.constant 16 : i32
        %mul3A_1571 = arith.muli %scan3A_1569, %mul3A_1570 : i32
        %swap3A_1572 = arith.index_cast %mul3A_1571 : i32 to index
        %swap3A_1573 = tpu.vector_load %arg8[%swap3A_1572] {strides = array<i32>} : memref<51200xf32, #tpu.memory_space<vmem>>, vector<16xf32>,
        tpu.vector_store %arg8[%swap3A_1572], %get3A_1005 {strides = array<i32>} : memref<51200xf32, #tpu.memory_space<vmem>>, vector<16xf32>,
        %scan3A_1574 = arith.constant 6 : i32
        %scan3A_1575 = arith.addi %scan3A_1539, %scan3A_1574 : i32
        %mul3A_1576 = arith.constant 16 : i32
        %mul3A_1577 = arith.muli %scan3A_1575, %mul3A_1576 : i32
        %swap3A_1578 = arith.index_cast %mul3A_1577 : i32 to index
        %swap3A_1579 = tpu.vector_load %arg8[%swap3A_1578] {strides = array<i32>} : memref<51200xf32, #tpu.memory_space<vmem>>, vector<16xf32>,
        tpu.vector_store %arg8[%swap3A_1578], %get3A_1005 {strides = array<i32>} : memref<51200xf32, #tpu.memory_space<vmem>>, vector<16xf32>,
        %scan3A_1580 = arith.constant 7 : i32
        %scan3A_1581 = arith.addi %scan3A_1539, %scan3A_1580 : i32
        %mul3A_1582 = arith.constant 16 : i32
        %mul3A_1583 = arith.muli %scan3A_1581, %mul3A_1582 : i32
        %swap3A_1584 = arith.index_cast %mul3A_1583 : i32 to index
        %swap3A_1585 = tpu.vector_load %arg8[%swap3A_1584] {strides = array<i32>} : memref<51200xf32, #tpu.memory_space<vmem>>, vector<16xf32>,
        tpu.vector_store %arg8[%swap3A_1584], %get3A_1005 {strides = array<i32>} : memref<51200xf32, #tpu.memory_space<vmem>>, vector<16xf32>,
      }
      %scan3A_1538 = arith.constant 3144 : i32
    }
    %add3A_1031 = arith.constant 5 : i32
    %add3A_1032 = arith.addi %mul3A_2, %add3A_1031 : i32
    %add3A_1033 = arith.constant 1 : i32
    %add3A_1034 = arith.addi %add3A_1032, %add3A_1033 : i32
    %mul3A_1035 = arith.constant 4 : i32
    %mul3A_1036 = arith.muli %add3A_1034, %mul3A_1035 : i32
    %dma_start3A_1037 = arith.constant 2 : i32
    %dma_start3A_1038 = arith.constant 2 : i32
    %dma_start3A_1039 = arith.constant 0 : i32
    %dma_start3A_1040 = arith.constant 0 : i32
    %dma_start3A_1041 = arith.constant 0 : i32
    %dma_start3A_1042 = tpu.memref_slice %arg9[%dma_start3A_1037, %dma_start3A_1039, %dma_start3A_1040, %dma_start3A_1041] : memref<4x4x8x128xi32, #tpu.memory_space<vmem>> -> memref<1x4x8x128xi32, #tpu.memory_space<vmem>>
    %dma_start3A_1043 = tpu.memref_squeeze %dma_start3A_1042 : memref<1x4x8x128xi32, #tpu.memory_space<vmem>> -> memref<4x8x128xi32, #tpu.memory_space<vmem>>
    %dma_start3A_1044 = arith.constant 0 : i32
    %dma_start3A_1045 = arith.constant 0 : i32
    %dma_start3A_1046 = tpu.memref_slice %arg3[%mul3A_1036, %dma_start3A_1044, %dma_start3A_1045] : memref<1024x8x128xi32, #tpu.memory_space<hbm>> -> memref<4x8x128xi32, #tpu.memory_space<hbm>>
    %dma_start3A_1047 = tpu.memref_slice %arg15[%dma_start3A_1038] : memref<4x!tpu.dma_semaphore, #tpu.memory_space<semaphore_mem>> -> memref<1x!tpu.dma_semaphore, #tpu.memory_space<semaphore_mem>>
    %dma_start3A_1048 = tpu.memref_squeeze %dma_start3A_1047 : memref<1x!tpu.dma_semaphore, #tpu.memory_space<semaphore_mem>> -> memref<!tpu.dma_semaphore, #tpu.memory_space<semaphore_mem>>
    %dma_start3A_1049 = arith.constant 0 : i32
    %dma_start3A_1050 = arith.constant 0 : i32
    %dma_start3A_1051 = arith.constant 0 : i32
    %dma_start3A_1052 = tpu.memref_slice %arg9[%dma_start3A_1037, %dma_start3A_1049, %dma_start3A_1050, %dma_start3A_1051] : memref<4x4x8x128xi32, #tpu.memory_space<vmem>> -> memref<1x4x8x128xi32, #tpu.memory_space<vmem>>
    %dma_start3A_1053 = tpu.memref_squeeze %dma_start3A_1052 : memref<1x4x8x128xi32, #tpu.memory_space<vmem>> -> memref<4x8x128xi32, #tpu.memory_space<vmem>>
    %dma_start3A_1054 = arith.constant 0 : i32
    %dma_start3A_1055 = arith.constant 0 : i32
    %dma_start3A_1056 = tpu.memref_slice %arg3[%mul3A_1036, %dma_start3A_1054, %dma_start3A_1055] : memref<1024x8x128xi32, #tpu.memory_space<hbm>> -> memref<4x8x128xi32, #tpu.memory_space<hbm>>
    tpu.enqueue_dma source(%dma_start3A_1056 : memref<4x8x128xi32, #tpu.memory_space<hbm>>) target(%dma_start3A_1053 : memref<4x8x128xi32, #tpu.memory_space<vmem>>) target_semaphore(%dma_start3A_1048 : memref<!tpu.dma_semaphore, #tpu.memory_space<semaphore_mem>>)
    %add3A_1057 = arith.constant 5 : i32
    %add3A_1058 = arith.addi %mul3A_2, %add3A_1057 : i32
    %add3A_1059 = arith.constant 1 : i32
    %add3A_1060 = arith.addi %add3A_1058, %add3A_1059 : i32
    %mul3A_1061 = arith.constant 4 : i32
    %mul3A_1062 = arith.muli %add3A_1060, %mul3A_1061 : i32
    %dma_start3A_1063 = arith.constant 0 : i32
    %dma_start3A_1064 = arith.constant 0 : i32
    %dma_start3A_1065 = arith.constant 0 : i32
    %dma_start3A_1066 = arith.constant 0 : i32
    %dma_start3A_1067 = arith.constant 0 : i32
    %dma_start3A_1068 = tpu.memref_slice %arg10[%dma_start3A_1063, %dma_start3A_1065, %dma_start3A_1066, %dma_start3A_1067] : memref<2x4x8x128xf32, #tpu.memory_space<vmem>> -> memref<1x4x8x128xf32, #tpu.memory_space<vmem>>
    %dma_start3A_1069 = tpu.memref_squeeze %dma_start3A_1068 : memref<1x4x8x128xf32, #tpu.memory_space<vmem>> -> memref<4x8x128xf32, #tpu.memory_space<vmem>>
    %dma_start3A_1070 = arith.constant 0 : i32
    %dma_start3A_1071 = arith.constant 0 : i32
    %dma_start3A_1072 = tpu.memref_slice %arg2[%mul3A_1062, %dma_start3A_1070, %dma_start3A_1071] : memref<1024x8x128xf32, #tpu.memory_space<hbm>> -> memref<4x8x128xf32, #tpu.memory_space<hbm>>
    %dma_start3A_1073 = tpu.memref_slice %arg16[%dma_start3A_1064] : memref<2x!tpu.dma_semaphore, #tpu.memory_space<semaphore_mem>> -> memref<1x!tpu.dma_semaphore, #tpu.memory_space<semaphore_mem>>
    %dma_start3A_1074 = tpu.memref_squeeze %dma_start3A_1073 : memref<1x!tpu.dma_semaphore, #tpu.memory_space<semaphore_mem>> -> memref<!tpu.dma_semaphore, #tpu.memory_space<semaphore_mem>>
    %dma_start3A_1075 = arith.constant 0 : i32
    %dma_start3A_1076 = arith.constant 0 : i32
    %dma_start3A_1077 = arith.constant 0 : i32
    %dma_start3A_1078 = tpu.memref_slice %arg10[%dma_start3A_1063, %dma_start3A_1075, %dma_start3A_1076, %dma_start3A_1077] : memref<2x4x8x128xf32, #tpu.memory_space<vmem>> -> memref<1x4x8x128xf32, #tpu.memory_space<vmem>>
    %dma_start3A_1079 = tpu.memref_squeeze %dma_start3A_1078 : memref<1x4x8x128xf32, #tpu.memory_space<vmem>> -> memref<4x8x128xf32, #tpu.memory_space<vmem>>
    %dma_start3A_1080 = arith.constant 0 : i32
    %dma_start3A_1081 = arith.constant 0 : i32
    %dma_start3A_1082 = tpu.memref_slice %arg2[%mul3A_1062, %dma_start3A_1080, %dma_start3A_1081] : memref<1024x8x128xf32, #tpu.memory_space<hbm>> -> memref<4x8x128xf32, #tpu.memory_space<hbm>>
    tpu.enqueue_dma source(%dma_start3A_1082 : memref<4x8x128xf32, #tpu.memory_space<hbm>>) target(%dma_start3A_1079 : memref<4x8x128xf32, #tpu.memory_space<vmem>>) target_semaphore(%dma_start3A_1074 : memref<!tpu.dma_semaphore, #tpu.memory_space<semaphore_mem>>)
    %dma_wait3A_1083 = arith.constant 1 : i32
    %dma_wait3A_1084 = arith.constant 1 : i32
    %dma_wait3A_1085 = arith.constant 0 : i32
    %dma_wait3A_1086 = arith.constant 0 : i32
    %dma_wait3A_1087 = arith.constant 0 : i32
    %dma_wait3A_1088 = tpu.memref_slice %arg9[%dma_wait3A_1083, %dma_wait3A_1085, %dma_wait3A_1086, %dma_wait3A_1087] : memref<4x4x8x128xi32, #tpu.memory_space<vmem>> -> memref<1x4x8x128xi32, #tpu.memory_space<vmem>>
    %dma_wait3A_1089 = tpu.memref_squeeze %dma_wait3A_1088 : memref<1x4x8x128xi32, #tpu.memory_space<vmem>> -> memref<4x8x128xi32, #tpu.memory_space<vmem>>
    %dma_wait3A_1090 = arith.constant 0 : i32
    %dma_wait3A_1091 = arith.constant 0 : i32
    %dma_wait3A_1092 = tpu.memref_slice %arg3[%mul3A_846, %dma_wait3A_1090, %dma_wait3A_1091] : memref<1024x8x128xi32, #tpu.memory_space<hbm>> -> memref<4x8x128xi32, #tpu.memory_space<hbm>>
    %dma_wait3A_1093 = tpu.memref_slice %arg15[%dma_wait3A_1084] : memref<4x!tpu.dma_semaphore, #tpu.memory_space<semaphore_mem>> -> memref<1x!tpu.dma_semaphore, #tpu.memory_space<semaphore_mem>>
    %dma_wait3A_1094 = tpu.memref_squeeze %dma_wait3A_1093 : memref<1x!tpu.dma_semaphore, #tpu.memory_space<semaphore_mem>> -> memref<!tpu.dma_semaphore, #tpu.memory_space<semaphore_mem>>
    %dma_wait3A_1095 = arith.constant 0 : i32
    %dma_wait3A_1096 = arith.constant 0 : i32
    %dma_wait3A_1097 = arith.constant 0 : i32
    %dma_wait3A_1098 = tpu.memref_slice %arg9[%dma_wait3A_1083, %dma_wait3A_1095, %dma_wait3A_1096, %dma_wait3A_1097] : memref<4x4x8x128xi32, #tpu.memory_space<vmem>> -> memref<1x4x8x128xi32, #tpu.memory_space<vmem>>
    %dma_wait3A_1099 = tpu.memref_squeeze %dma_wait3A_1098 : memref<1x4x8x128xi32, #tpu.memory_space<vmem>> -> memref<4x8x128xi32, #tpu.memory_space<vmem>>
    %dma_wait3A_1100 = arith.constant 0 : i32
    %dma_wait3A_1101 = arith.constant 0 : i32
    %dma_wait3A_1102 = tpu.memref_slice %arg3[%mul3A_846, %dma_wait3A_1100, %dma_wait3A_1101] : memref<1024x8x128xi32, #tpu.memory_space<hbm>> -> memref<4x8x128xi32, #tpu.memory_space<hbm>>
    tpu.wait_dma2 semaphore(%dma_wait3A_1094 : memref<!tpu.dma_semaphore, #tpu.memory_space<semaphore_mem>>) src(%dma_wait3A_1102 : memref<4x8x128xi32, #tpu.memory_space<hbm>>) dst(%dma_wait3A_1099 : memref<4x8x128xi32, #tpu.memory_space<vmem>>)
    %dma_wait3A_1103 = arith.constant 1 : i32
    %dma_wait3A_1104 = arith.constant 1 : i32
    %dma_wait3A_1105 = arith.constant 0 : i32
    %dma_wait3A_1106 = arith.constant 0 : i32
    %dma_wait3A_1107 = arith.constant 0 : i32
    %dma_wait3A_1108 = tpu.memref_slice %arg10[%dma_wait3A_1103, %dma_wait3A_1105, %dma_wait3A_1106, %dma_wait3A_1107] : memref<2x4x8x128xf32, #tpu.memory_space<vmem>> -> memref<1x4x8x128xf32, #tpu.memory_space<vmem>>
    %dma_wait3A_1109 = tpu.memref_squeeze %dma_wait3A_1108 : memref<1x4x8x128xf32, #tpu.memory_space<vmem>> -> memref<4x8x128xf32, #tpu.memory_space<vmem>>
    %dma_wait3A_1110 = arith.constant 0 : i32
    %dma_wait3A_1111 = arith.constant 0 : i32
    %dma_wait3A_1112 = tpu.memref_slice %arg2[%mul3A_872, %dma_wait3A_1110, %dma_wait3A_1111] : memref<1024x8x128xf32, #tpu.memory_space<hbm>> -> memref<4x8x128xf32, #tpu.memory_space<hbm>>
    %dma_wait3A_1113 = tpu.memref_slice %arg16[%dma_wait3A_1104] : memref<2x!tpu.dma_semaphore, #tpu.memory_space<semaphore_mem>> -> memref<1x!tpu.dma_semaphore, #tpu.memory_space<semaphore_mem>>
    %dma_wait3A_1114 = tpu.memref_squeeze %dma_wait3A_1113 : memref<1x!tpu.dma_semaphore, #tpu.memory_space<semaphore_mem>> -> memref<!tpu.dma_semaphore, #tpu.memory_space<semaphore_mem>>
    %dma_wait3A_1115 = arith.constant 0 : i32
    %dma_wait3A_1116 = arith.constant 0 : i32
    %dma_wait3A_1117 = arith.constant 0 : i32
    %dma_wait3A_1118 = tpu.memref_slice %arg10[%dma_wait3A_1103, %dma_wait3A_1115, %dma_wait3A_1116, %dma_wait3A_1117] : memref<2x4x8x128xf32, #tpu.memory_space<vmem>> -> memref<1x4x8x128xf32, #tpu.memory_space<vmem>>
    %dma_wait3A_1119 = tpu.memref_squeeze %dma_wait3A_1118 : memref<1x4x8x128xf32, #tpu.memory_space<vmem>> -> memref<4x8x128xf32, #tpu.memory_space<vmem>>
    %dma_wait3A_1120 = arith.constant 0 : i32
    %dma_wait3A_1121 = arith.constant 0 : i32
    %dma_wait3A_1122 = tpu.memref_slice %arg2[%mul3A_872, %dma_wait3A_1120, %dma_wait3A_1121] : memref<1024x8x128xf32, #tpu.memory_space<hbm>> -> memref<4x8x128xf32, #tpu.memory_space<hbm>>
    tpu.wait_dma2 semaphore(%dma_wait3A_1114 : memref<!tpu.dma_semaphore, #tpu.memory_space<semaphore_mem>>) src(%dma_wait3A_1122 : memref<4x8x128xf32, #tpu.memory_space<hbm>>) dst(%dma_wait3A_1119 : memref<4x8x128xf32, #tpu.memory_space<vmem>>)
    %scan3A_1123 = arith.constant 0 : i32
    %scan3A_1124 = arith.constant 256 : i32
    %scan3A_1125 = arith.addi %scan3A_1123, %scan3A_1124 : i32
    %scan3A_1126 = arith.constant 8 : i32
    scf.for %scan3A_1534 = %scan3A_1123 to %scan3A_1125 step %scan3A_1126  : i32 {
      %shift_right_arithmetic3A_1535 = arith.constant 6 : i32
      %shift_right_arithmetic3A_1536 = arith.shrsi %scan3A_1534, %shift_right_arithmetic3A_1535 : i32
      %shift_right_arithmetic3A_1537 = arith.constant 3 : i32
      %shift_right_arithmetic3A_1538 = arith.shrsi %scan3A_1534, %shift_right_arithmetic3A_1537 : i32
      %and3A_1539 = arith.constant 7 : i32
      %and3A_1540 = arith.andi %shift_right_arithmetic3A_1538, %and3A_1539 : i32
      %and3A_1541 = arith.constant 7 : i32
      %and3A_1542 = arith.andi %scan3A_1534, %and3A_1541 : i32
      %mul3A_1543 = arith.constant 16 : i32
      %mul3A_1544 = arith.muli %and3A_1542, %mul3A_1543 : i32
      %get3A_1545 = arith.constant 1 : i32
      %get3A_1546 = arith.index_cast %get3A_1545 : i32 to index
      %get3A_1547 = arith.index_cast %shift_right_arithmetic3A_1536 : i32 to index
      %get3A_1548 = arith.index_cast %and3A_1540 : i32 to index
      %get3A_1549 = arith.index_cast %mul3A_1544 : i32 to index
      %get3A_1550 = tpu.vector_load %arg9[%get3A_1546, %get3A_1547, %get3A_1548, %get3A_1549] {strides = array<i32>} : memref<4x4x8x128xi32, #tpu.memory_space<vmem>>, vector<16xi32>,
      %get3A_1551 = arith.constant 1 : i32
      %get3A_1552 = arith.index_cast %get3A_1551 : i32 to index
      %get3A_1553 = arith.index_cast %shift_right_arithmetic3A_1536 : i32 to index
      %get3A_1554 = arith.index_cast %and3A_1540 : i32 to index
      %get3A_1555 = arith.index_cast %mul3A_1544 : i32 to index
      %get3A_1556 = tpu.vector_load %arg10[%get3A_1552, %get3A_1553, %get3A_1554, %get3A_1555] {strides = array<i32>} : memref<2x4x8x128xf32, #tpu.memory_space<vmem>>, vector<16xf32>,
      tpu.vector_store_idx %arg8[%get3A_1550], %get3A_1556 : memref<51200xf32, #tpu.memory_space<vmem>>[vector<16xi32>], vector<16xf32>,
      %scan3A_1557 = arith.constant 1 : i32
      %scan3A_1558 = arith.addi %scan3A_1534, %scan3A_1557 : i32
      %shift_right_arithmetic3A_1559 = arith.constant 6 : i32
      %shift_right_arithmetic3A_1560 = arith.shrsi %scan3A_1558, %shift_right_arithmetic3A_1559 : i32
      %shift_right_arithmetic3A_1561 = arith.constant 3 : i32
      %shift_right_arithmetic3A_1562 = arith.shrsi %scan3A_1558, %shift_right_arithmetic3A_1561 : i32
      %and3A_1563 = arith.constant 7 : i32
      %and3A_1564 = arith.andi %shift_right_arithmetic3A_1562, %and3A_1563 : i32
      %and3A_1565 = arith.constant 7 : i32
      %and3A_1566 = arith.andi %scan3A_1558, %and3A_1565 : i32
      %mul3A_1567 = arith.constant 16 : i32
      %mul3A_1568 = arith.muli %and3A_1566, %mul3A_1567 : i32
      %get3A_1569 = arith.constant 1 : i32
      %get3A_1570 = arith.index_cast %get3A_1569 : i32 to index
      %get3A_1571 = arith.index_cast %shift_right_arithmetic3A_1560 : i32 to index
      %get3A_1572 = arith.index_cast %and3A_1564 : i32 to index
      %get3A_1573 = arith.index_cast %mul3A_1568 : i32 to index
      %get3A_1574 = tpu.vector_load %arg9[%get3A_1570, %get3A_1571, %get3A_1572, %get3A_1573] {strides = array<i32>} : memref<4x4x8x128xi32, #tpu.memory_space<vmem>>, vector<16xi32>,
      %get3A_1575 = arith.constant 1 : i32
      %get3A_1576 = arith.index_cast %get3A_1575 : i32 to index
      %get3A_1577 = arith.index_cast %shift_right_arithmetic3A_1560 : i32 to index
      %get3A_1578 = arith.index_cast %and3A_1564 : i32 to index
      %get3A_1579 = arith.index_cast %mul3A_1568 : i32 to index
      %get3A_1580 = tpu.vector_load %arg10[%get3A_1576, %get3A_1577, %get3A_1578, %get3A_1579] {strides = array<i32>} : memref<2x4x8x128xf32, #tpu.memory_space<vmem>>, vector<16xf32>,
      tpu.vector_store_idx %arg8[%get3A_1574], %get3A_1580 : memref<51200xf32, #tpu.memory_space<vmem>>[vector<16xi32>], vector<16xf32>,
      %scan3A_1581 = arith.constant 2 : i32
      %scan3A_1582 = arith.addi %scan3A_1534, %scan3A_1581 : i32
      %shift_right_arithmetic3A_1583 = arith.constant 6 : i32
      %shift_right_arithmetic3A_1584 = arith.shrsi %scan3A_1582, %shift_right_arithmetic3A_1583 : i32
      %shift_right_arithmetic3A_1585 = arith.constant 3 : i32
      %shift_right_arithmetic3A_1586 = arith.shrsi %scan3A_1582, %shift_right_arithmetic3A_1585 : i32
      %and3A_1587 = arith.constant 7 : i32
      %and3A_1588 = arith.andi %shift_right_arithmetic3A_1586, %and3A_1587 : i32
      %and3A_1589 = arith.constant 7 : i32
      %and3A_1590 = arith.andi %scan3A_1582, %and3A_1589 : i32
      %mul3A_1591 = arith.constant 16 : i32
      %mul3A_1592 = arith.muli %and3A_1590, %mul3A_1591 : i32
      %get3A_1593 = arith.constant 1 : i32
      %get3A_1594 = arith.index_cast %get3A_1593 : i32 to index
      %get3A_1595 = arith.index_cast %shift_right_arithmetic3A_1584 : i32 to index
      %get3A_1596 = arith.index_cast %and3A_1588 : i32 to index
      %get3A_1597 = arith.index_cast %mul3A_1592 : i32 to index
      %get3A_1598 = tpu.vector_load %arg9[%get3A_1594, %get3A_1595, %get3A_1596, %get3A_1597] {strides = array<i32>} : memref<4x4x8x128xi32, #tpu.memory_space<vmem>>, vector<16xi32>,
      %get3A_1599 = arith.constant 1 : i32
      %get3A_1600 = arith.index_cast %get3A_1599 : i32 to index
      %get3A_1601 = arith.index_cast %shift_right_arithmetic3A_1584 : i32 to index
      %get3A_1602 = arith.index_cast %and3A_1588 : i32 to index
      %get3A_1603 = arith.index_cast %mul3A_1592 : i32 to index
      %get3A_1604 = tpu.vector_load %arg10[%get3A_1600, %get3A_1601, %get3A_1602, %get3A_1603] {strides = array<i32>} : memref<2x4x8x128xf32, #tpu.memory_space<vmem>>, vector<16xf32>,
      tpu.vector_store_idx %arg8[%get3A_1598], %get3A_1604 : memref<51200xf32, #tpu.memory_space<vmem>>[vector<16xi32>], vector<16xf32>,
      %scan3A_1605 = arith.constant 3 : i32
      %scan3A_1606 = arith.addi %scan3A_1534, %scan3A_1605 : i32
      %shift_right_arithmetic3A_1607 = arith.constant 6 : i32
      %shift_right_arithmetic3A_1608 = arith.shrsi %scan3A_1606, %shift_right_arithmetic3A_1607 : i32
      %shift_right_arithmetic3A_1609 = arith.constant 3 : i32
      %shift_right_arithmetic3A_1610 = arith.shrsi %scan3A_1606, %shift_right_arithmetic3A_1609 : i32
      %and3A_1611 = arith.constant 7 : i32
      %and3A_1612 = arith.andi %shift_right_arithmetic3A_1610, %and3A_1611 : i32
      %and3A_1613 = arith.constant 7 : i32
      %and3A_1614 = arith.andi %scan3A_1606, %and3A_1613 : i32
      %mul3A_1615 = arith.constant 16 : i32
      %mul3A_1616 = arith.muli %and3A_1614, %mul3A_1615 : i32
      %get3A_1617 = arith.constant 1 : i32
      %get3A_1618 = arith.index_cast %get3A_1617 : i32 to index
      %get3A_1619 = arith.index_cast %shift_right_arithmetic3A_1608 : i32 to index
      %get3A_1620 = arith.index_cast %and3A_1612 : i32 to index
      %get3A_1621 = arith.index_cast %mul3A_1616 : i32 to index
      %get3A_1622 = tpu.vector_load %arg9[%get3A_1618, %get3A_1619, %get3A_1620, %get3A_1621] {strides = array<i32>} : memref<4x4x8x128xi32, #tpu.memory_space<vmem>>, vector<16xi32>,
      %get3A_1623 = arith.constant 1 : i32
      %get3A_1624 = arith.index_cast %get3A_1623 : i32 to index
      %get3A_1625 = arith.index_cast %shift_right_arithmetic3A_1608 : i32 to index
      %get3A_1626 = arith.index_cast %and3A_1612 : i32 to index
      %get3A_1627 = arith.index_cast %mul3A_1616 : i32 to index
      %get3A_1628 = tpu.vector_load %arg10[%get3A_1624, %get3A_1625, %get3A_1626, %get3A_1627] {strides = array<i32>} : memref<2x4x8x128xf32, #tpu.memory_space<vmem>>, vector<16xf32>,
      tpu.vector_store_idx %arg8[%get3A_1622], %get3A_1628 : memref<51200xf32, #tpu.memory_space<vmem>>[vector<16xi32>], vector<16xf32>,
      %scan3A_1629 = arith.constant 4 : i32
      %scan3A_1630 = arith.addi %scan3A_1534, %scan3A_1629 : i32
      %shift_right_arithmetic3A_1631 = arith.constant 6 : i32
      %shift_right_arithmetic3A_1632 = arith.shrsi %scan3A_1630, %shift_right_arithmetic3A_1631 : i32
      %shift_right_arithmetic3A_1633 = arith.constant 3 : i32
      %shift_right_arithmetic3A_1634 = arith.shrsi %scan3A_1630, %shift_right_arithmetic3A_1633 : i32
      %and3A_1635 = arith.constant 7 : i32
      %and3A_1636 = arith.andi %shift_right_arithmetic3A_1634, %and3A_1635 : i32
      %and3A_1637 = arith.constant 7 : i32
      %and3A_1638 = arith.andi %scan3A_1630, %and3A_1637 : i32
      %mul3A_1639 = arith.constant 16 : i32
      %mul3A_1640 = arith.muli %and3A_1638, %mul3A_1639 : i32
      %get3A_1641 = arith.constant 1 : i32
      %get3A_1642 = arith.index_cast %get3A_1641 : i32 to index
      %get3A_1643 = arith.index_cast %shift_right_arithmetic3A_1632 : i32 to index
      %get3A_1644 = arith.index_cast %and3A_1636 : i32 to index
      %get3A_1645 = arith.index_cast %mul3A_1640 : i32 to index
      %get3A_1646 = tpu.vector_load %arg9[%get3A_1642, %get3A_1643, %get3A_1644, %get3A_1645] {strides = array<i32>} : memref<4x4x8x128xi32, #tpu.memory_space<vmem>>, vector<16xi32>,
      %get3A_1647 = arith.constant 1 : i32
      %get3A_1648 = arith.index_cast %get3A_1647 : i32 to index
      %get3A_1649 = arith.index_cast %shift_right_arithmetic3A_1632 : i32 to index
      %get3A_1650 = arith.index_cast %and3A_1636 : i32 to index
      %get3A_1651 = arith.index_cast %mul3A_1640 : i32 to index
      %get3A_1652 = tpu.vector_load %arg10[%get3A_1648, %get3A_1649, %get3A_1650, %get3A_1651] {strides = array<i32>} : memref<2x4x8x128xf32, #tpu.memory_space<vmem>>, vector<16xf32>,
      tpu.vector_store_idx %arg8[%get3A_1646], %get3A_1652 : memref<51200xf32, #tpu.memory_space<vmem>>[vector<16xi32>], vector<16xf32>,
      %scan3A_1653 = arith.constant 5 : i32
      %scan3A_1654 = arith.addi %scan3A_1534, %scan3A_1653 : i32
      %shift_right_arithmetic3A_1655 = arith.constant 6 : i32
      %shift_right_arithmetic3A_1656 = arith.shrsi %scan3A_1654, %shift_right_arithmetic3A_1655 : i32
      %shift_right_arithmetic3A_1657 = arith.constant 3 : i32
      %shift_right_arithmetic3A_1658 = arith.shrsi %scan3A_1654, %shift_right_arithmetic3A_1657 : i32
      %and3A_1659 = arith.constant 7 : i32
      %and3A_1660 = arith.andi %shift_right_arithmetic3A_1658, %and3A_1659 : i32
      %and3A_1661 = arith.constant 7 : i32
      %and3A_1662 = arith.andi %scan3A_1654, %and3A_1661 : i32
      %mul3A_1663 = arith.constant 16 : i32
      %mul3A_1664 = arith.muli %and3A_1662, %mul3A_1663 : i32
      %get3A_1665 = arith.constant 1 : i32
      %get3A_1666 = arith.index_cast %get3A_1665 : i32 to index
      %get3A_1667 = arith.index_cast %shift_right_arithmetic3A_1656 : i32 to index
      %get3A_1668 = arith.index_cast %and3A_1660 : i32 to index
      %get3A_1669 = arith.index_cast %mul3A_1664 : i32 to index
      %get3A_1670 = tpu.vector_load %arg9[%get3A_1666, %get3A_1667, %get3A_1668, %get3A_1669] {strides = array<i32>} : memref<4x4x8x128xi32, #tpu.memory_space<vmem>>, vector<16xi32>,
      %get3A_1671 = arith.constant 1 : i32
      %get3A_1672 = arith.index_cast %get3A_1671 : i32 to index
      %get3A_1673 = arith.index_cast %shift_right_arithmetic3A_1656 : i32 to index
      %get3A_1674 = arith.index_cast %and3A_1660 : i32 to index
      %get3A_1675 = arith.index_cast %mul3A_1664 : i32 to index
      %get3A_1676 = tpu.vector_load %arg10[%get3A_1672, %get3A_1673, %get3A_1674, %get3A_1675] {strides = array<i32>} : memref<2x4x8x128xf32, #tpu.memory_space<vmem>>, vector<16xf32>,
      tpu.vector_store_idx %arg8[%get3A_1670], %get3A_1676 : memref<51200xf32, #tpu.memory_space<vmem>>[vector<16xi32>], vector<16xf32>,
      %scan3A_1677 = arith.constant 6 : i32
      %scan3A_1678 = arith.addi %scan3A_1534, %scan3A_1677 : i32
      %shift_right_arithmetic3A_1679 = arith.constant 6 : i32
      %shift_right_arithmetic3A_1680 = arith.shrsi %scan3A_1678, %shift_right_arithmetic3A_1679 : i32
      %shift_right_arithmetic3A_1681 = arith.constant 3 : i32
      %shift_right_arithmetic3A_1682 = arith.shrsi %scan3A_1678, %shift_right_arithmetic3A_1681 : i32
      %and3A_1683 = arith.constant 7 : i32
      %and3A_1684 = arith.andi %shift_right_arithmetic3A_1682, %and3A_1683 : i32
      %and3A_1685 = arith.constant 7 : i32
      %and3A_1686 = arith.andi %scan3A_1678, %and3A_1685 : i32
      %mul3A_1687 = arith.constant 16 : i32
      %mul3A_1688 = arith.muli %and3A_1686, %mul3A_1687 : i32
      %get3A_1689 = arith.constant 1 : i32
      %get3A_1690 = arith.index_cast %get3A_1689 : i32 to index
      %get3A_1691 = arith.index_cast %shift_right_arithmetic3A_1680 : i32 to index
      %get3A_1692 = arith.index_cast %and3A_1684 : i32 to index
      %get3A_1693 = arith.index_cast %mul3A_1688 : i32 to index
      %get3A_1694 = tpu.vector_load %arg9[%get3A_1690, %get3A_1691, %get3A_1692, %get3A_1693] {strides = array<i32>} : memref<4x4x8x128xi32, #tpu.memory_space<vmem>>, vector<16xi32>,
      %get3A_1695 = arith.constant 1 : i32
      %get3A_1696 = arith.index_cast %get3A_1695 : i32 to index
      %get3A_1697 = arith.index_cast %shift_right_arithmetic3A_1680 : i32 to index
      %get3A_1698 = arith.index_cast %and3A_1684 : i32 to index
      %get3A_1699 = arith.index_cast %mul3A_1688 : i32 to index
      %get3A_1700 = tpu.vector_load %arg10[%get3A_1696, %get3A_1697, %get3A_1698, %get3A_1699] {strides = array<i32>} : memref<2x4x8x128xf32, #tpu.memory_space<vmem>>, vector<16xf32>,
      tpu.vector_store_idx %arg8[%get3A_1694], %get3A_1700 : memref<51200xf32, #tpu.memory_space<vmem>>[vector<16xi32>], vector<16xf32>,
      %scan3A_1701 = arith.constant 7 : i32
      %scan3A_1702 = arith.addi %scan3A_1534, %scan3A_1701 : i32
      %shift_right_arithmetic3A_1703 = arith.constant 6 : i32
      %shift_right_arithmetic3A_1704 = arith.shrsi %scan3A_1702, %shift_right_arithmetic3A_1703 : i32
      %shift_right_arithmetic3A_1705 = arith.constant 3 : i32
      %shift_right_arithmetic3A_1706 = arith.shrsi %scan3A_1702, %shift_right_arithmetic3A_1705 : i32
      %and3A_1707 = arith.constant 7 : i32
      %and3A_1708 = arith.andi %shift_right_arithmetic3A_1706, %and3A_1707 : i32
      %and3A_1709 = arith.constant 7 : i32
      %and3A_1710 = arith.andi %scan3A_1702, %and3A_1709 : i32
      %mul3A_1711 = arith.constant 16 : i32
      %mul3A_1712 = arith.muli %and3A_1710, %mul3A_1711 : i32
      %get3A_1713 = arith.constant 1 : i32
      %get3A_1714 = arith.index_cast %get3A_1713 : i32 to index
      %get3A_1715 = arith.index_cast %shift_right_arithmetic3A_1704 : i32 to index
      %get3A_1716 = arith.index_cast %and3A_1708 : i32 to index
      %get3A_1717 = arith.index_cast %mul3A_1712 : i32 to index
      %get3A_1718 = tpu.vector_load %arg9[%get3A_1714, %get3A_1715, %get3A_1716, %get3A_1717] {strides = array<i32>} : memref<4x4x8x128xi32, #tpu.memory_space<vmem>>, vector<16xi32>,
      %get3A_1719 = arith.constant 1 : i32
      %get3A_1720 = arith.index_cast %get3A_1719 : i32 to index
      %get3A_1721 = arith.index_cast %shift_right_arithmetic3A_1704 : i32 to index
      %get3A_1722 = arith.index_cast %and3A_1708 : i32 to index
      %get3A_1723 = arith.index_cast %mul3A_1712 : i32 to index
      %get3A_1724 = tpu.vector_load %arg10[%get3A_1720, %get3A_1721, %get3A_1722, %get3A_1723] {strides = array<i32>} : memref<2x4x8x128xf32, #tpu.memory_space<vmem>>, vector<16xf32>,
      tpu.vector_store_idx %arg8[%get3A_1718], %get3A_1724 : memref<51200xf32, #tpu.memory_space<vmem>>[vector<16xi32>], vector<16xf32>,
    }
    %scan3A_1127 = arith.constant 256 : i32
    %dma_start3A_1128 = arith.constant 0 : i32
    %dma_start3A_1129 = tpu.memref_slice %arg8[%dma_start3A_1128] : memref<51200xf32, #tpu.memory_space<vmem>> -> memref<50176xf32, #tpu.memory_space<vmem>>
    %dma_start3A_1130 = arith.constant 0 : i32
    %dma_start3A_1131 = tpu.memref_slice %arg5[%shift_right_arithmetic3A_999, %and3A_1001, %dma_start3A_1130] : memref<16x16x50257xf32, #tpu.memory_space<hbm>> -> memref<1x1x50176xf32, #tpu.memory_space<hbm>>
    %dma_start3A_1132 = tpu.memref_squeeze %dma_start3A_1131 : memref<1x1x50176xf32, #tpu.memory_space<hbm>> -> memref<50176xf32, #tpu.memory_space<hbm>>
    %dma_start3A_1133 = arith.constant 0 : i32
    %dma_start3A_1134 = tpu.memref_slice %arg5[%shift_right_arithmetic3A_999, %and3A_1001, %dma_start3A_1133] : memref<16x16x50257xf32, #tpu.memory_space<hbm>> -> memref<1x1x50176xf32, #tpu.memory_space<hbm>>
    %dma_start3A_1135 = tpu.memref_squeeze %dma_start3A_1134 : memref<1x1x50176xf32, #tpu.memory_space<hbm>> -> memref<50176xf32, #tpu.memory_space<hbm>>
    %dma_start3A_1136 = arith.constant 0 : i32
    %dma_start3A_1137 = tpu.memref_slice %arg8[%dma_start3A_1136] : memref<51200xf32, #tpu.memory_space<vmem>> -> memref<50176xf32, #tpu.memory_space<vmem>>
    tpu.enqueue_dma source(%dma_start3A_1137 : memref<50176xf32, #tpu.memory_space<vmem>>) target(%dma_start3A_1135 : memref<50176xf32, #tpu.memory_space<hbm>>) target_semaphore(%arg14 : memref<!tpu.dma_semaphore, #tpu.memory_space<semaphore_mem>>)
    %get3A_1138 = arith.constant 50176 : index
    %get3A_1139 = tpu.vector_load %arg8[%get3A_1138] {strides = array<i32>} : memref<51200xf32, #tpu.memory_space<vmem>>, vector<16xf32>,
    %swap3A_1140 = arith.constant 5 : i32
    %swap3A_1141 = arith.index_cast %swap3A_1140 : i32 to index
    %swap3A_1142 = arith.constant 0 : index
    %swap3A_1143 = tpu.vector_load %arg12[%swap3A_1141, %swap3A_1142] {strides = array<i32>} : memref<8x128xf32, #tpu.memory_space<vmem>>, vector<16xf32>,
    tpu.vector_store %arg12[%swap3A_1141, %swap3A_1142], %get3A_1139 {strides = array<i32>} : memref<8x128xf32, #tpu.memory_space<vmem>>, vector<16xf32>,
    %get3A_1144 = arith.constant 50192 : index
    %get3A_1145 = tpu.vector_load %arg8[%get3A_1144] {strides = array<i32>} : memref<51200xf32, #tpu.memory_space<vmem>>, vector<16xf32>,
    %swap3A_1146 = arith.constant 5 : i32
    %swap3A_1147 = arith.index_cast %swap3A_1146 : i32 to index
    %swap3A_1148 = arith.constant 16 : index
    %swap3A_1149 = tpu.vector_load %arg12[%swap3A_1147, %swap3A_1148] {strides = array<i32>} : memref<8x128xf32, #tpu.memory_space<vmem>>, vector<16xf32>,
    tpu.vector_store %arg12[%swap3A_1147, %swap3A_1148], %get3A_1145 {strides = array<i32>} : memref<8x128xf32, #tpu.memory_space<vmem>>, vector<16xf32>,
    %get3A_1150 = arith.constant 50208 : index
    %get3A_1151 = tpu.vector_load %arg8[%get3A_1150] {strides = array<i32>} : memref<51200xf32, #tpu.memory_space<vmem>>, vector<16xf32>,
    %swap3A_1152 = arith.constant 5 : i32
    %swap3A_1153 = arith.index_cast %swap3A_1152 : i32 to index
    %swap3A_1154 = arith.constant 32 : index
    %swap3A_1155 = tpu.vector_load %arg12[%swap3A_1153, %swap3A_1154] {strides = array<i32>} : memref<8x128xf32, #tpu.memory_space<vmem>>, vector<16xf32>,
    tpu.vector_store %arg12[%swap3A_1153, %swap3A_1154], %get3A_1151 {strides = array<i32>} : memref<8x128xf32, #tpu.memory_space<vmem>>, vector<16xf32>,
    %get3A_1156 = arith.constant 50224 : index
    %get3A_1157 = tpu.vector_load %arg8[%get3A_1156] {strides = array<i32>} : memref<51200xf32, #tpu.memory_space<vmem>>, vector<16xf32>,
    %swap3A_1158 = arith.constant 5 : i32
    %swap3A_1159 = arith.index_cast %swap3A_1158 : i32 to index
    %swap3A_1160 = arith.constant 48 : index
    %swap3A_1161 = tpu.vector_load %arg12[%swap3A_1159, %swap3A_1160] {strides = array<i32>} : memref<8x128xf32, #tpu.memory_space<vmem>>, vector<16xf32>,
    tpu.vector_store %arg12[%swap3A_1159, %swap3A_1160], %get3A_1157 {strides = array<i32>} : memref<8x128xf32, #tpu.memory_space<vmem>>, vector<16xf32>,
    %get3A_1162 = arith.constant 50240 : index
    %get3A_1163 = tpu.vector_load %arg8[%get3A_1162] {strides = array<i32>} : memref<51200xf32, #tpu.memory_space<vmem>>, vector<16xf32>,
    %swap3A_1164 = arith.constant 5 : i32
    %swap3A_1165 = arith.index_cast %swap3A_1164 : i32 to index
    %swap3A_1166 = arith.constant 64 : index
    %swap3A_1167 = tpu.vector_load %arg12[%swap3A_1165, %swap3A_1166] {strides = array<i32>} : memref<8x128xf32, #tpu.memory_space<vmem>>, vector<16xf32>,
    tpu.vector_store %arg12[%swap3A_1165, %swap3A_1166], %get3A_1163 {strides = array<i32>} : memref<8x128xf32, #tpu.memory_space<vmem>>, vector<16xf32>,
    %get3A_1168 = arith.constant 50256 : index
    %get3A_1169 = tpu.vector_load %arg8[%get3A_1168] {strides = array<i32>} : memref<51200xf32, #tpu.memory_space<vmem>>, vector<16xf32>,
    %swap3A_1170 = arith.constant 5 : i32
    %swap3A_1171 = arith.index_cast %swap3A_1170 : i32 to index
    %swap3A_1172 = arith.constant 80 : index
    %swap3A_1173 = tpu.vector_load %arg12[%swap3A_1171, %swap3A_1172] {strides = array<i32>} : memref<8x128xf32, #tpu.memory_space<vmem>>, vector<16xf32>,
    tpu.vector_store %arg12[%swap3A_1171, %swap3A_1172], %get3A_1169 {strides = array<i32>} : memref<8x128xf32, #tpu.memory_space<vmem>>, vector<16xf32>,
    %get3A_1174 = arith.constant 50272 : index
    %get3A_1175 = tpu.vector_load %arg8[%get3A_1174] {strides = array<i32>} : memref<51200xf32, #tpu.memory_space<vmem>>, vector<16xf32>,
    %swap3A_1176 = arith.constant 5 : i32
    %swap3A_1177 = arith.index_cast %swap3A_1176 : i32 to index
    %swap3A_1178 = arith.constant 96 : index
    %swap3A_1179 = tpu.vector_load %arg12[%swap3A_1177, %swap3A_1178] {strides = array<i32>} : memref<8x128xf32, #tpu.memory_space<vmem>>, vector<16xf32>,
    tpu.vector_store %arg12[%swap3A_1177, %swap3A_1178], %get3A_1175 {strides = array<i32>} : memref<8x128xf32, #tpu.memory_space<vmem>>, vector<16xf32>,
    %get3A_1180 = arith.constant 50288 : index
    %get3A_1181 = tpu.vector_load %arg8[%get3A_1180] {strides = array<i32>} : memref<51200xf32, #tpu.memory_space<vmem>>, vector<16xf32>,
    %swap3A_1182 = arith.constant 5 : i32
    %swap3A_1183 = arith.index_cast %swap3A_1182 : i32 to index
    %swap3A_1184 = arith.constant 112 : index
    %swap3A_1185 = tpu.vector_load %arg12[%swap3A_1183, %swap3A_1184] {strides = array<i32>} : memref<8x128xf32, #tpu.memory_space<vmem>>, vector<16xf32>,
    tpu.vector_store %arg12[%swap3A_1183, %swap3A_1184], %get3A_1181 {strides = array<i32>} : memref<8x128xf32, #tpu.memory_space<vmem>>, vector<16xf32>,
    %add3A_1186 = arith.constant 6 : i32
    %add3A_1187 = arith.addi %mul3A_2, %add3A_1186 : i32
    %shift_right_arithmetic3A_1188 = arith.constant 4 : i32
    %shift_right_arithmetic3A_1189 = arith.shrsi %add3A_1187, %shift_right_arithmetic3A_1188 : i32
    %and3A_1190 = arith.constant 15 : i32
    %and3A_1191 = arith.andi %add3A_1187, %and3A_1190 : i32
    %get3A_1192 = arith.constant 6 : i32
    %get3A_1193 = arith.index_cast %get3A_1192 : i32 to index
    %get3A_1194 = arith.constant 0 : index
    %get3A_1195 = tpu.vector_load %arg11[%get3A_1193, %get3A_1194] {strides = array<i32>} : memref<8x128xf32, #tpu.memory_space<vmem>>, vector<16xf32>,
    %dma_wait3A_1196 = arith.constant 0 : i32
    %dma_wait3A_1197 = tpu.memref_slice %arg7[%dma_wait3A_1196] : memref<51200xf32, #tpu.memory_space<vmem>> -> memref<50176xf32, #tpu.memory_space<vmem>>
    %dma_wait3A_1198 = arith.constant 0 : i32
    %dma_wait3A_1199 = tpu.memref_slice %arg5[%shift_right_arithmetic3A_809, %and3A_811, %dma_wait3A_1198] : memref<16x16x50257xf32, #tpu.memory_space<hbm>> -> memref<1x1x50176xf32, #tpu.memory_space<hbm>>
    %dma_wait3A_1200 = tpu.memref_squeeze %dma_wait3A_1199 : memref<1x1x50176xf32, #tpu.memory_space<hbm>> -> memref<50176xf32, #tpu.memory_space<hbm>>
    %dma_wait3A_1201 = arith.constant 0 : i32
    %dma_wait3A_1202 = tpu.memref_slice %arg5[%shift_right_arithmetic3A_809, %and3A_811, %dma_wait3A_1201] : memref<16x16x50257xf32, #tpu.memory_space<hbm>> -> memref<1x1x50176xf32, #tpu.memory_space<hbm>>
    %dma_wait3A_1203 = tpu.memref_squeeze %dma_wait3A_1202 : memref<1x1x50176xf32, #tpu.memory_space<hbm>> -> memref<50176xf32, #tpu.memory_space<hbm>>
    %dma_wait3A_1204 = arith.constant 0 : i32
    %dma_wait3A_1205 = tpu.memref_slice %arg7[%dma_wait3A_1204] : memref<51200xf32, #tpu.memory_space<vmem>> -> memref<50176xf32, #tpu.memory_space<vmem>>
    tpu.wait_dma2 semaphore(%arg13 : memref<!tpu.dma_semaphore, #tpu.memory_space<semaphore_mem>>) src(%dma_wait3A_1205 : memref<50176xf32, #tpu.memory_space<vmem>>) dst(%dma_wait3A_1203 : memref<50176xf32, #tpu.memory_space<hbm>>)
    %get3A_1206 = arith.constant 4 : i32
    %get3A_1207 = arith.index_cast %get3A_1206 : i32 to index
    %get3A_1208 = arith.constant 0 : index
    %get3A_1209 = tpu.vector_load %arg11[%get3A_1207, %get3A_1208] {strides = array<i32>} : memref<8x128xf32, #tpu.memory_space<vmem>>, vector<16xf32>,
    %sub3A_1210 = arith.subf %get3A_1195, %get3A_1209 : vector<16xf32>
    %abs3A_1211 = math.absf %sub3A_1210 : vector<16xf32>
    %reduce_max3A_1212 = arith.constant true
    %reduce_max3A_1213 = vector.broadcast %reduce_max3A_1212 : i1 to vector<16xi1>
    %reduce_max3A_1214 = tpu.scan <max>, %abs3A_1211 masked %reduce_max3A_1213 : vector<16xf32>, vector<16xi1> -> vector<16xf32>
    %reduce_max3A_1215 = vector.extract %reduce_max3A_1214[15] : f32 from vector<16xf32>
    %eq3A_1216 = arith.constant 0.000000e+00 : f32
    %eq3A_1217 = arith.cmpf oeq, %reduce_max3A_1215, %eq3A_1216 : f32
    %convert_element_type3A_1218 = arith.extui %eq3A_1217 : i1 to i32
    %cond3A_1219 = arith.constant 0 : i32
    %cond3A_1220 = arith.cmpi ne, %convert_element_type3A_1218, %cond3A_1219 : i32
    scf.if %cond3A_1220 {
      %scan3A_1534 = arith.constant 0 : i32
      %scan3A_1535 = arith.constant 256 : i32
      %scan3A_1536 = arith.addi %scan3A_1534, %scan3A_1535 : i32
      %scan3A_1537 = arith.constant 8 : i32
      scf.for %scan3A_1539 = %scan3A_1534 to %scan3A_1536 step %scan3A_1537  : i32 {
        %shift_right_arithmetic3A_1540 = arith.constant 6 : i32
        %shift_right_arithmetic3A_1541 = arith.shrsi %scan3A_1539, %shift_right_arithmetic3A_1540 : i32
        %shift_right_arithmetic3A_1542 = arith.constant 3 : i32
        %shift_right_arithmetic3A_1543 = arith.shrsi %scan3A_1539, %shift_right_arithmetic3A_1542 : i32
        %and3A_1544 = arith.constant 7 : i32
        %and3A_1545 = arith.andi %shift_right_arithmetic3A_1543, %and3A_1544 : i32
        %and3A_1546 = arith.constant 7 : i32
        %and3A_1547 = arith.andi %scan3A_1539, %and3A_1546 : i32
        %mul3A_1548 = arith.constant 16 : i32
        %mul3A_1549 = arith.muli %and3A_1547, %mul3A_1548 : i32
        %get3A_1550 = arith.constant 0 : i32
        %get3A_1551 = arith.index_cast %get3A_1550 : i32 to index
        %get3A_1552 = arith.index_cast %shift_right_arithmetic3A_1541 : i32 to index
        %get3A_1553 = arith.index_cast %and3A_1545 : i32 to index
        %get3A_1554 = arith.index_cast %mul3A_1549 : i32 to index
        %get3A_1555 = tpu.vector_load %arg9[%get3A_1551, %get3A_1552, %get3A_1553, %get3A_1554] {strides = array<i32>} : memref<4x4x8x128xi32, #tpu.memory_space<vmem>>, vector<16xi32>,
        tpu.vector_store_idx %arg7[%get3A_1555], %get3A_1195 : memref<51200xf32, #tpu.memory_space<vmem>>[vector<16xi32>], vector<16xf32>,
        %scan3A_1556 = arith.constant 1 : i32
        %scan3A_1557 = arith.addi %scan3A_1539, %scan3A_1556 : i32
        %shift_right_arithmetic3A_1558 = arith.constant 6 : i32
        %shift_right_arithmetic3A_1559 = arith.shrsi %scan3A_1557, %shift_right_arithmetic3A_1558 : i32
        %shift_right_arithmetic3A_1560 = arith.constant 3 : i32
        %shift_right_arithmetic3A_1561 = arith.shrsi %scan3A_1557, %shift_right_arithmetic3A_1560 : i32
        %and3A_1562 = arith.constant 7 : i32
        %and3A_1563 = arith.andi %shift_right_arithmetic3A_1561, %and3A_1562 : i32
        %and3A_1564 = arith.constant 7 : i32
        %and3A_1565 = arith.andi %scan3A_1557, %and3A_1564 : i32
        %mul3A_1566 = arith.constant 16 : i32
        %mul3A_1567 = arith.muli %and3A_1565, %mul3A_1566 : i32
        %get3A_1568 = arith.constant 0 : i32
        %get3A_1569 = arith.index_cast %get3A_1568 : i32 to index
        %get3A_1570 = arith.index_cast %shift_right_arithmetic3A_1559 : i32 to index
        %get3A_1571 = arith.index_cast %and3A_1563 : i32 to index
        %get3A_1572 = arith.index_cast %mul3A_1567 : i32 to index
        %get3A_1573 = tpu.vector_load %arg9[%get3A_1569, %get3A_1570, %get3A_1571, %get3A_1572] {strides = array<i32>} : memref<4x4x8x128xi32, #tpu.memory_space<vmem>>, vector<16xi32>,
        tpu.vector_store_idx %arg7[%get3A_1573], %get3A_1195 : memref<51200xf32, #tpu.memory_space<vmem>>[vector<16xi32>], vector<16xf32>,
        %scan3A_1574 = arith.constant 2 : i32
        %scan3A_1575 = arith.addi %scan3A_1539, %scan3A_1574 : i32
        %shift_right_arithmetic3A_1576 = arith.constant 6 : i32
        %shift_right_arithmetic3A_1577 = arith.shrsi %scan3A_1575, %shift_right_arithmetic3A_1576 : i32
        %shift_right_arithmetic3A_1578 = arith.constant 3 : i32
        %shift_right_arithmetic3A_1579 = arith.shrsi %scan3A_1575, %shift_right_arithmetic3A_1578 : i32
        %and3A_1580 = arith.constant 7 : i32
        %and3A_1581 = arith.andi %shift_right_arithmetic3A_1579, %and3A_1580 : i32
        %and3A_1582 = arith.constant 7 : i32
        %and3A_1583 = arith.andi %scan3A_1575, %and3A_1582 : i32
        %mul3A_1584 = arith.constant 16 : i32
        %mul3A_1585 = arith.muli %and3A_1583, %mul3A_1584 : i32
        %get3A_1586 = arith.constant 0 : i32
        %get3A_1587 = arith.index_cast %get3A_1586 : i32 to index
        %get3A_1588 = arith.index_cast %shift_right_arithmetic3A_1577 : i32 to index
        %get3A_1589 = arith.index_cast %and3A_1581 : i32 to index
        %get3A_1590 = arith.index_cast %mul3A_1585 : i32 to index
        %get3A_1591 = tpu.vector_load %arg9[%get3A_1587, %get3A_1588, %get3A_1589, %get3A_1590] {strides = array<i32>} : memref<4x4x8x128xi32, #tpu.memory_space<vmem>>, vector<16xi32>,
        tpu.vector_store_idx %arg7[%get3A_1591], %get3A_1195 : memref<51200xf32, #tpu.memory_space<vmem>>[vector<16xi32>], vector<16xf32>,
        %scan3A_1592 = arith.constant 3 : i32
        %scan3A_1593 = arith.addi %scan3A_1539, %scan3A_1592 : i32
        %shift_right_arithmetic3A_1594 = arith.constant 6 : i32
        %shift_right_arithmetic3A_1595 = arith.shrsi %scan3A_1593, %shift_right_arithmetic3A_1594 : i32
        %shift_right_arithmetic3A_1596 = arith.constant 3 : i32
        %shift_right_arithmetic3A_1597 = arith.shrsi %scan3A_1593, %shift_right_arithmetic3A_1596 : i32
        %and3A_1598 = arith.constant 7 : i32
        %and3A_1599 = arith.andi %shift_right_arithmetic3A_1597, %and3A_1598 : i32
        %and3A_1600 = arith.constant 7 : i32
        %and3A_1601 = arith.andi %scan3A_1593, %and3A_1600 : i32
        %mul3A_1602 = arith.constant 16 : i32
        %mul3A_1603 = arith.muli %and3A_1601, %mul3A_1602 : i32
        %get3A_1604 = arith.constant 0 : i32
        %get3A_1605 = arith.index_cast %get3A_1604 : i32 to index
        %get3A_1606 = arith.index_cast %shift_right_arithmetic3A_1595 : i32 to index
        %get3A_1607 = arith.index_cast %and3A_1599 : i32 to index
        %get3A_1608 = arith.index_cast %mul3A_1603 : i32 to index
        %get3A_1609 = tpu.vector_load %arg9[%get3A_1605, %get3A_1606, %get3A_1607, %get3A_1608] {strides = array<i32>} : memref<4x4x8x128xi32, #tpu.memory_space<vmem>>, vector<16xi32>,
        tpu.vector_store_idx %arg7[%get3A_1609], %get3A_1195 : memref<51200xf32, #tpu.memory_space<vmem>>[vector<16xi32>], vector<16xf32>,
        %scan3A_1610 = arith.constant 4 : i32
        %scan3A_1611 = arith.addi %scan3A_1539, %scan3A_1610 : i32
        %shift_right_arithmetic3A_1612 = arith.constant 6 : i32
        %shift_right_arithmetic3A_1613 = arith.shrsi %scan3A_1611, %shift_right_arithmetic3A_1612 : i32
        %shift_right_arithmetic3A_1614 = arith.constant 3 : i32
        %shift_right_arithmetic3A_1615 = arith.shrsi %scan3A_1611, %shift_right_arithmetic3A_1614 : i32
        %and3A_1616 = arith.constant 7 : i32
        %and3A_1617 = arith.andi %shift_right_arithmetic3A_1615, %and3A_1616 : i32
        %and3A_1618 = arith.constant 7 : i32
        %and3A_1619 = arith.andi %scan3A_1611, %and3A_1618 : i32
        %mul3A_1620 = arith.constant 16 : i32
        %mul3A_1621 = arith.muli %and3A_1619, %mul3A_1620 : i32
        %get3A_1622 = arith.constant 0 : i32
        %get3A_1623 = arith.index_cast %get3A_1622 : i32 to index
        %get3A_1624 = arith.index_cast %shift_right_arithmetic3A_1613 : i32 to index
        %get3A_1625 = arith.index_cast %and3A_1617 : i32 to index
        %get3A_1626 = arith.index_cast %mul3A_1621 : i32 to index
        %get3A_1627 = tpu.vector_load %arg9[%get3A_1623, %get3A_1624, %get3A_1625, %get3A_1626] {strides = array<i32>} : memref<4x4x8x128xi32, #tpu.memory_space<vmem>>, vector<16xi32>,
        tpu.vector_store_idx %arg7[%get3A_1627], %get3A_1195 : memref<51200xf32, #tpu.memory_space<vmem>>[vector<16xi32>], vector<16xf32>,
        %scan3A_1628 = arith.constant 5 : i32
        %scan3A_1629 = arith.addi %scan3A_1539, %scan3A_1628 : i32
        %shift_right_arithmetic3A_1630 = arith.constant 6 : i32
        %shift_right_arithmetic3A_1631 = arith.shrsi %scan3A_1629, %shift_right_arithmetic3A_1630 : i32
        %shift_right_arithmetic3A_1632 = arith.constant 3 : i32
        %shift_right_arithmetic3A_1633 = arith.shrsi %scan3A_1629, %shift_right_arithmetic3A_1632 : i32
        %and3A_1634 = arith.constant 7 : i32
        %and3A_1635 = arith.andi %shift_right_arithmetic3A_1633, %and3A_1634 : i32
        %and3A_1636 = arith.constant 7 : i32
        %and3A_1637 = arith.andi %scan3A_1629, %and3A_1636 : i32
        %mul3A_1638 = arith.constant 16 : i32
        %mul3A_1639 = arith.muli %and3A_1637, %mul3A_1638 : i32
        %get3A_1640 = arith.constant 0 : i32
        %get3A_1641 = arith.index_cast %get3A_1640 : i32 to index
        %get3A_1642 = arith.index_cast %shift_right_arithmetic3A_1631 : i32 to index
        %get3A_1643 = arith.index_cast %and3A_1635 : i32 to index
        %get3A_1644 = arith.index_cast %mul3A_1639 : i32 to index
        %get3A_1645 = tpu.vector_load %arg9[%get3A_1641, %get3A_1642, %get3A_1643, %get3A_1644] {strides = array<i32>} : memref<4x4x8x128xi32, #tpu.memory_space<vmem>>, vector<16xi32>,
        tpu.vector_store_idx %arg7[%get3A_1645], %get3A_1195 : memref<51200xf32, #tpu.memory_space<vmem>>[vector<16xi32>], vector<16xf32>,
        %scan3A_1646 = arith.constant 6 : i32
        %scan3A_1647 = arith.addi %scan3A_1539, %scan3A_1646 : i32
        %shift_right_arithmetic3A_1648 = arith.constant 6 : i32
        %shift_right_arithmetic3A_1649 = arith.shrsi %scan3A_1647, %shift_right_arithmetic3A_1648 : i32
        %shift_right_arithmetic3A_1650 = arith.constant 3 : i32
        %shift_right_arithmetic3A_1651 = arith.shrsi %scan3A_1647, %shift_right_arithmetic3A_1650 : i32
        %and3A_1652 = arith.constant 7 : i32
        %and3A_1653 = arith.andi %shift_right_arithmetic3A_1651, %and3A_1652 : i32
        %and3A_1654 = arith.constant 7 : i32
        %and3A_1655 = arith.andi %scan3A_1647, %and3A_1654 : i32
        %mul3A_1656 = arith.constant 16 : i32
        %mul3A_1657 = arith.muli %and3A_1655, %mul3A_1656 : i32
        %get3A_1658 = arith.constant 0 : i32
        %get3A_1659 = arith.index_cast %get3A_1658 : i32 to index
        %get3A_1660 = arith.index_cast %shift_right_arithmetic3A_1649 : i32 to index
        %get3A_1661 = arith.index_cast %and3A_1653 : i32 to index
        %get3A_1662 = arith.index_cast %mul3A_1657 : i32 to index
        %get3A_1663 = tpu.vector_load %arg9[%get3A_1659, %get3A_1660, %get3A_1661, %get3A_1662] {strides = array<i32>} : memref<4x4x8x128xi32, #tpu.memory_space<vmem>>, vector<16xi32>,
        tpu.vector_store_idx %arg7[%get3A_1663], %get3A_1195 : memref<51200xf32, #tpu.memory_space<vmem>>[vector<16xi32>], vector<16xf32>,
        %scan3A_1664 = arith.constant 7 : i32
        %scan3A_1665 = arith.addi %scan3A_1539, %scan3A_1664 : i32
        %shift_right_arithmetic3A_1666 = arith.constant 6 : i32
        %shift_right_arithmetic3A_1667 = arith.shrsi %scan3A_1665, %shift_right_arithmetic3A_1666 : i32
        %shift_right_arithmetic3A_1668 = arith.constant 3 : i32
        %shift_right_arithmetic3A_1669 = arith.shrsi %scan3A_1665, %shift_right_arithmetic3A_1668 : i32
        %and3A_1670 = arith.constant 7 : i32
        %and3A_1671 = arith.andi %shift_right_arithmetic3A_1669, %and3A_1670 : i32
        %and3A_1672 = arith.constant 7 : i32
        %and3A_1673 = arith.andi %scan3A_1665, %and3A_1672 : i32
        %mul3A_1674 = arith.constant 16 : i32
        %mul3A_1675 = arith.muli %and3A_1673, %mul3A_1674 : i32
        %get3A_1676 = arith.constant 0 : i32
        %get3A_1677 = arith.index_cast %get3A_1676 : i32 to index
        %get3A_1678 = arith.index_cast %shift_right_arithmetic3A_1667 : i32 to index
        %get3A_1679 = arith.index_cast %and3A_1671 : i32 to index
        %get3A_1680 = arith.index_cast %mul3A_1675 : i32 to index
        %get3A_1681 = tpu.vector_load %arg9[%get3A_1677, %get3A_1678, %get3A_1679, %get3A_1680] {strides = array<i32>} : memref<4x4x8x128xi32, #tpu.memory_space<vmem>>, vector<16xi32>,
        tpu.vector_store_idx %arg7[%get3A_1681], %get3A_1195 : memref<51200xf32, #tpu.memory_space<vmem>>[vector<16xi32>], vector<16xf32>,
      }
      %scan3A_1538 = arith.constant 256 : i32
    } else {
      %scan3A_1534 = arith.constant 0 : i32
      %scan3A_1535 = arith.constant 3144 : i32
      %scan3A_1536 = arith.addi %scan3A_1534, %scan3A_1535 : i32
      %scan3A_1537 = arith.constant 8 : i32
      scf.for %scan3A_1539 = %scan3A_1534 to %scan3A_1536 step %scan3A_1537  : i32 {
        %mul3A_1540 = arith.constant 16 : i32
        %mul3A_1541 = arith.muli %scan3A_1539, %mul3A_1540 : i32
        %swap3A_1542 = arith.index_cast %mul3A_1541 : i32 to index
        %swap3A_1543 = tpu.vector_load %arg7[%swap3A_1542] {strides = array<i32>} : memref<51200xf32, #tpu.memory_space<vmem>>, vector<16xf32>,
        tpu.vector_store %arg7[%swap3A_1542], %get3A_1195 {strides = array<i32>} : memref<51200xf32, #tpu.memory_space<vmem>>, vector<16xf32>,
        %scan3A_1544 = arith.constant 1 : i32
        %scan3A_1545 = arith.addi %scan3A_1539, %scan3A_1544 : i32
        %mul3A_1546 = arith.constant 16 : i32
        %mul3A_1547 = arith.muli %scan3A_1545, %mul3A_1546 : i32
        %swap3A_1548 = arith.index_cast %mul3A_1547 : i32 to index
        %swap3A_1549 = tpu.vector_load %arg7[%swap3A_1548] {strides = array<i32>} : memref<51200xf32, #tpu.memory_space<vmem>>, vector<16xf32>,
        tpu.vector_store %arg7[%swap3A_1548], %get3A_1195 {strides = array<i32>} : memref<51200xf32, #tpu.memory_space<vmem>>, vector<16xf32>,
        %scan3A_1550 = arith.constant 2 : i32
        %scan3A_1551 = arith.addi %scan3A_1539, %scan3A_1550 : i32
        %mul3A_1552 = arith.constant 16 : i32
        %mul3A_1553 = arith.muli %scan3A_1551, %mul3A_1552 : i32
        %swap3A_1554 = arith.index_cast %mul3A_1553 : i32 to index
        %swap3A_1555 = tpu.vector_load %arg7[%swap3A_1554] {strides = array<i32>} : memref<51200xf32, #tpu.memory_space<vmem>>, vector<16xf32>,
        tpu.vector_store %arg7[%swap3A_1554], %get3A_1195 {strides = array<i32>} : memref<51200xf32, #tpu.memory_space<vmem>>, vector<16xf32>,
        %scan3A_1556 = arith.constant 3 : i32
        %scan3A_1557 = arith.addi %scan3A_1539, %scan3A_1556 : i32
        %mul3A_1558 = arith.constant 16 : i32
        %mul3A_1559 = arith.muli %scan3A_1557, %mul3A_1558 : i32
        %swap3A_1560 = arith.index_cast %mul3A_1559 : i32 to index
        %swap3A_1561 = tpu.vector_load %arg7[%swap3A_1560] {strides = array<i32>} : memref<51200xf32, #tpu.memory_space<vmem>>, vector<16xf32>,
        tpu.vector_store %arg7[%swap3A_1560], %get3A_1195 {strides = array<i32>} : memref<51200xf32, #tpu.memory_space<vmem>>, vector<16xf32>,
        %scan3A_1562 = arith.constant 4 : i32
        %scan3A_1563 = arith.addi %scan3A_1539, %scan3A_1562 : i32
        %mul3A_1564 = arith.constant 16 : i32
        %mul3A_1565 = arith.muli %scan3A_1563, %mul3A_1564 : i32
        %swap3A_1566 = arith.index_cast %mul3A_1565 : i32 to index
        %swap3A_1567 = tpu.vector_load %arg7[%swap3A_1566] {strides = array<i32>} : memref<51200xf32, #tpu.memory_space<vmem>>, vector<16xf32>,
        tpu.vector_store %arg7[%swap3A_1566], %get3A_1195 {strides = array<i32>} : memref<51200xf32, #tpu.memory_space<vmem>>, vector<16xf32>,
        %scan3A_1568 = arith.constant 5 : i32
        %scan3A_1569 = arith.addi %scan3A_1539, %scan3A_1568 : i32
        %mul3A_1570 = arith.constant 16 : i32
        %mul3A_1571 = arith.muli %scan3A_1569, %mul3A_1570 : i32
        %swap3A_1572 = arith.index_cast %mul3A_1571 : i32 to index
        %swap3A_1573 = tpu.vector_load %arg7[%swap3A_1572] {strides = array<i32>} : memref<51200xf32, #tpu.memory_space<vmem>>, vector<16xf32>,
        tpu.vector_store %arg7[%swap3A_1572], %get3A_1195 {strides = array<i32>} : memref<51200xf32, #tpu.memory_space<vmem>>, vector<16xf32>,
        %scan3A_1574 = arith.constant 6 : i32
        %scan3A_1575 = arith.addi %scan3A_1539, %scan3A_1574 : i32
        %mul3A_1576 = arith.constant 16 : i32
        %mul3A_1577 = arith.muli %scan3A_1575, %mul3A_1576 : i32
        %swap3A_1578 = arith.index_cast %mul3A_1577 : i32 to index
        %swap3A_1579 = tpu.vector_load %arg7[%swap3A_1578] {strides = array<i32>} : memref<51200xf32, #tpu.memory_space<vmem>>, vector<16xf32>,
        tpu.vector_store %arg7[%swap3A_1578], %get3A_1195 {strides = array<i32>} : memref<51200xf32, #tpu.memory_space<vmem>>, vector<16xf32>,
        %scan3A_1580 = arith.constant 7 : i32
        %scan3A_1581 = arith.addi %scan3A_1539, %scan3A_1580 : i32
        %mul3A_1582 = arith.constant 16 : i32
        %mul3A_1583 = arith.muli %scan3A_1581, %mul3A_1582 : i32
        %swap3A_1584 = arith.index_cast %mul3A_1583 : i32 to index
        %swap3A_1585 = tpu.vector_load %arg7[%swap3A_1584] {strides = array<i32>} : memref<51200xf32, #tpu.memory_space<vmem>>, vector<16xf32>,
        tpu.vector_store %arg7[%swap3A_1584], %get3A_1195 {strides = array<i32>} : memref<51200xf32, #tpu.memory_space<vmem>>, vector<16xf32>,
      }
      %scan3A_1538 = arith.constant 3144 : i32
    }
    %add3A_1221 = arith.constant 6 : i32
    %add3A_1222 = arith.addi %mul3A_2, %add3A_1221 : i32
    %add3A_1223 = arith.constant 1 : i32
    %add3A_1224 = arith.addi %add3A_1222, %add3A_1223 : i32
    %mul3A_1225 = arith.constant 4 : i32
    %mul3A_1226 = arith.muli %add3A_1224, %mul3A_1225 : i32
    %dma_start3A_1227 = arith.constant 3 : i32
    %dma_start3A_1228 = arith.constant 3 : i32
    %dma_start3A_1229 = arith.constant 0 : i32
    %dma_start3A_1230 = arith.constant 0 : i32
    %dma_start3A_1231 = arith.constant 0 : i32
    %dma_start3A_1232 = tpu.memref_slice %arg9[%dma_start3A_1227, %dma_start3A_1229, %dma_start3A_1230, %dma_start3A_1231] : memref<4x4x8x128xi32, #tpu.memory_space<vmem>> -> memref<1x4x8x128xi32, #tpu.memory_space<vmem>>
    %dma_start3A_1233 = tpu.memref_squeeze %dma_start3A_1232 : memref<1x4x8x128xi32, #tpu.memory_space<vmem>> -> memref<4x8x128xi32, #tpu.memory_space<vmem>>
    %dma_start3A_1234 = arith.constant 0 : i32
    %dma_start3A_1235 = arith.constant 0 : i32
    %dma_start3A_1236 = tpu.memref_slice %arg3[%mul3A_1226, %dma_start3A_1234, %dma_start3A_1235] : memref<1024x8x128xi32, #tpu.memory_space<hbm>> -> memref<4x8x128xi32, #tpu.memory_space<hbm>>
    %dma_start3A_1237 = tpu.memref_slice %arg15[%dma_start3A_1228] : memref<4x!tpu.dma_semaphore, #tpu.memory_space<semaphore_mem>> -> memref<1x!tpu.dma_semaphore, #tpu.memory_space<semaphore_mem>>
    %dma_start3A_1238 = tpu.memref_squeeze %dma_start3A_1237 : memref<1x!tpu.dma_semaphore, #tpu.memory_space<semaphore_mem>> -> memref<!tpu.dma_semaphore, #tpu.memory_space<semaphore_mem>>
    %dma_start3A_1239 = arith.constant 0 : i32
    %dma_start3A_1240 = arith.constant 0 : i32
    %dma_start3A_1241 = arith.constant 0 : i32
    %dma_start3A_1242 = tpu.memref_slice %arg9[%dma_start3A_1227, %dma_start3A_1239, %dma_start3A_1240, %dma_start3A_1241] : memref<4x4x8x128xi32, #tpu.memory_space<vmem>> -> memref<1x4x8x128xi32, #tpu.memory_space<vmem>>
    %dma_start3A_1243 = tpu.memref_squeeze %dma_start3A_1242 : memref<1x4x8x128xi32, #tpu.memory_space<vmem>> -> memref<4x8x128xi32, #tpu.memory_space<vmem>>
    %dma_start3A_1244 = arith.constant 0 : i32
    %dma_start3A_1245 = arith.constant 0 : i32
    %dma_start3A_1246 = tpu.memref_slice %arg3[%mul3A_1226, %dma_start3A_1244, %dma_start3A_1245] : memref<1024x8x128xi32, #tpu.memory_space<hbm>> -> memref<4x8x128xi32, #tpu.memory_space<hbm>>
    tpu.enqueue_dma source(%dma_start3A_1246 : memref<4x8x128xi32, #tpu.memory_space<hbm>>) target(%dma_start3A_1243 : memref<4x8x128xi32, #tpu.memory_space<vmem>>) target_semaphore(%dma_start3A_1238 : memref<!tpu.dma_semaphore, #tpu.memory_space<semaphore_mem>>)
    %add3A_1247 = arith.constant 6 : i32
    %add3A_1248 = arith.addi %mul3A_2, %add3A_1247 : i32
    %add3A_1249 = arith.constant 1 : i32
    %add3A_1250 = arith.addi %add3A_1248, %add3A_1249 : i32
    %mul3A_1251 = arith.constant 4 : i32
    %mul3A_1252 = arith.muli %add3A_1250, %mul3A_1251 : i32
    %dma_start3A_1253 = arith.constant 1 : i32
    %dma_start3A_1254 = arith.constant 1 : i32
    %dma_start3A_1255 = arith.constant 0 : i32
    %dma_start3A_1256 = arith.constant 0 : i32
    %dma_start3A_1257 = arith.constant 0 : i32
    %dma_start3A_1258 = tpu.memref_slice %arg10[%dma_start3A_1253, %dma_start3A_1255, %dma_start3A_1256, %dma_start3A_1257] : memref<2x4x8x128xf32, #tpu.memory_space<vmem>> -> memref<1x4x8x128xf32, #tpu.memory_space<vmem>>
    %dma_start3A_1259 = tpu.memref_squeeze %dma_start3A_1258 : memref<1x4x8x128xf32, #tpu.memory_space<vmem>> -> memref<4x8x128xf32, #tpu.memory_space<vmem>>
    %dma_start3A_1260 = arith.constant 0 : i32
    %dma_start3A_1261 = arith.constant 0 : i32
    %dma_start3A_1262 = tpu.memref_slice %arg2[%mul3A_1252, %dma_start3A_1260, %dma_start3A_1261] : memref<1024x8x128xf32, #tpu.memory_space<hbm>> -> memref<4x8x128xf32, #tpu.memory_space<hbm>>
    %dma_start3A_1263 = tpu.memref_slice %arg16[%dma_start3A_1254] : memref<2x!tpu.dma_semaphore, #tpu.memory_space<semaphore_mem>> -> memref<1x!tpu.dma_semaphore, #tpu.memory_space<semaphore_mem>>
    %dma_start3A_1264 = tpu.memref_squeeze %dma_start3A_1263 : memref<1x!tpu.dma_semaphore, #tpu.memory_space<semaphore_mem>> -> memref<!tpu.dma_semaphore, #tpu.memory_space<semaphore_mem>>
    %dma_start3A_1265 = arith.constant 0 : i32
    %dma_start3A_1266 = arith.constant 0 : i32
    %dma_start3A_1267 = arith.constant 0 : i32
    %dma_start3A_1268 = tpu.memref_slice %arg10[%dma_start3A_1253, %dma_start3A_1265, %dma_start3A_1266, %dma_start3A_1267] : memref<2x4x8x128xf32, #tpu.memory_space<vmem>> -> memref<1x4x8x128xf32, #tpu.memory_space<vmem>>
    %dma_start3A_1269 = tpu.memref_squeeze %dma_start3A_1268 : memref<1x4x8x128xf32, #tpu.memory_space<vmem>> -> memref<4x8x128xf32, #tpu.memory_space<vmem>>
    %dma_start3A_1270 = arith.constant 0 : i32
    %dma_start3A_1271 = arith.constant 0 : i32
    %dma_start3A_1272 = tpu.memref_slice %arg2[%mul3A_1252, %dma_start3A_1270, %dma_start3A_1271] : memref<1024x8x128xf32, #tpu.memory_space<hbm>> -> memref<4x8x128xf32, #tpu.memory_space<hbm>>
    tpu.enqueue_dma source(%dma_start3A_1272 : memref<4x8x128xf32, #tpu.memory_space<hbm>>) target(%dma_start3A_1269 : memref<4x8x128xf32, #tpu.memory_space<vmem>>) target_semaphore(%dma_start3A_1264 : memref<!tpu.dma_semaphore, #tpu.memory_space<semaphore_mem>>)
    %dma_wait3A_1273 = arith.constant 2 : i32
    %dma_wait3A_1274 = arith.constant 2 : i32
    %dma_wait3A_1275 = arith.constant 0 : i32
    %dma_wait3A_1276 = arith.constant 0 : i32
    %dma_wait3A_1277 = arith.constant 0 : i32
    %dma_wait3A_1278 = tpu.memref_slice %arg9[%dma_wait3A_1273, %dma_wait3A_1275, %dma_wait3A_1276, %dma_wait3A_1277] : memref<4x4x8x128xi32, #tpu.memory_space<vmem>> -> memref<1x4x8x128xi32, #tpu.memory_space<vmem>>
    %dma_wait3A_1279 = tpu.memref_squeeze %dma_wait3A_1278 : memref<1x4x8x128xi32, #tpu.memory_space<vmem>> -> memref<4x8x128xi32, #tpu.memory_space<vmem>>
    %dma_wait3A_1280 = arith.constant 0 : i32
    %dma_wait3A_1281 = arith.constant 0 : i32
    %dma_wait3A_1282 = tpu.memref_slice %arg3[%mul3A_1036, %dma_wait3A_1280, %dma_wait3A_1281] : memref<1024x8x128xi32, #tpu.memory_space<hbm>> -> memref<4x8x128xi32, #tpu.memory_space<hbm>>
    %dma_wait3A_1283 = tpu.memref_slice %arg15[%dma_wait3A_1274] : memref<4x!tpu.dma_semaphore, #tpu.memory_space<semaphore_mem>> -> memref<1x!tpu.dma_semaphore, #tpu.memory_space<semaphore_mem>>
    %dma_wait3A_1284 = tpu.memref_squeeze %dma_wait3A_1283 : memref<1x!tpu.dma_semaphore, #tpu.memory_space<semaphore_mem>> -> memref<!tpu.dma_semaphore, #tpu.memory_space<semaphore_mem>>
    %dma_wait3A_1285 = arith.constant 0 : i32
    %dma_wait3A_1286 = arith.constant 0 : i32
    %dma_wait3A_1287 = arith.constant 0 : i32
    %dma_wait3A_1288 = tpu.memref_slice %arg9[%dma_wait3A_1273, %dma_wait3A_1285, %dma_wait3A_1286, %dma_wait3A_1287] : memref<4x4x8x128xi32, #tpu.memory_space<vmem>> -> memref<1x4x8x128xi32, #tpu.memory_space<vmem>>
    %dma_wait3A_1289 = tpu.memref_squeeze %dma_wait3A_1288 : memref<1x4x8x128xi32, #tpu.memory_space<vmem>> -> memref<4x8x128xi32, #tpu.memory_space<vmem>>
    %dma_wait3A_1290 = arith.constant 0 : i32
    %dma_wait3A_1291 = arith.constant 0 : i32
    %dma_wait3A_1292 = tpu.memref_slice %arg3[%mul3A_1036, %dma_wait3A_1290, %dma_wait3A_1291] : memref<1024x8x128xi32, #tpu.memory_space<hbm>> -> memref<4x8x128xi32, #tpu.memory_space<hbm>>
    tpu.wait_dma2 semaphore(%dma_wait3A_1284 : memref<!tpu.dma_semaphore, #tpu.memory_space<semaphore_mem>>) src(%dma_wait3A_1292 : memref<4x8x128xi32, #tpu.memory_space<hbm>>) dst(%dma_wait3A_1289 : memref<4x8x128xi32, #tpu.memory_space<vmem>>)
    %dma_wait3A_1293 = arith.constant 0 : i32
    %dma_wait3A_1294 = arith.constant 0 : i32
    %dma_wait3A_1295 = arith.constant 0 : i32
    %dma_wait3A_1296 = arith.constant 0 : i32
    %dma_wait3A_1297 = arith.constant 0 : i32
    %dma_wait3A_1298 = tpu.memref_slice %arg10[%dma_wait3A_1293, %dma_wait3A_1295, %dma_wait3A_1296, %dma_wait3A_1297] : memref<2x4x8x128xf32, #tpu.memory_space<vmem>> -> memref<1x4x8x128xf32, #tpu.memory_space<vmem>>
    %dma_wait3A_1299 = tpu.memref_squeeze %dma_wait3A_1298 : memref<1x4x8x128xf32, #tpu.memory_space<vmem>> -> memref<4x8x128xf32, #tpu.memory_space<vmem>>
    %dma_wait3A_1300 = arith.constant 0 : i32
    %dma_wait3A_1301 = arith.constant 0 : i32
    %dma_wait3A_1302 = tpu.memref_slice %arg2[%mul3A_1062, %dma_wait3A_1300, %dma_wait3A_1301] : memref<1024x8x128xf32, #tpu.memory_space<hbm>> -> memref<4x8x128xf32, #tpu.memory_space<hbm>>
    %dma_wait3A_1303 = tpu.memref_slice %arg16[%dma_wait3A_1294] : memref<2x!tpu.dma_semaphore, #tpu.memory_space<semaphore_mem>> -> memref<1x!tpu.dma_semaphore, #tpu.memory_space<semaphore_mem>>
    %dma_wait3A_1304 = tpu.memref_squeeze %dma_wait3A_1303 : memref<1x!tpu.dma_semaphore, #tpu.memory_space<semaphore_mem>> -> memref<!tpu.dma_semaphore, #tpu.memory_space<semaphore_mem>>
    %dma_wait3A_1305 = arith.constant 0 : i32
    %dma_wait3A_1306 = arith.constant 0 : i32
    %dma_wait3A_1307 = arith.constant 0 : i32
    %dma_wait3A_1308 = tpu.memref_slice %arg10[%dma_wait3A_1293, %dma_wait3A_1305, %dma_wait3A_1306, %dma_wait3A_1307] : memref<2x4x8x128xf32, #tpu.memory_space<vmem>> -> memref<1x4x8x128xf32, #tpu.memory_space<vmem>>
    %dma_wait3A_1309 = tpu.memref_squeeze %dma_wait3A_1308 : memref<1x4x8x128xf32, #tpu.memory_space<vmem>> -> memref<4x8x128xf32, #tpu.memory_space<vmem>>
    %dma_wait3A_1310 = arith.constant 0 : i32
    %dma_wait3A_1311 = arith.constant 0 : i32
    %dma_wait3A_1312 = tpu.memref_slice %arg2[%mul3A_1062, %dma_wait3A_1310, %dma_wait3A_1311] : memref<1024x8x128xf32, #tpu.memory_space<hbm>> -> memref<4x8x128xf32, #tpu.memory_space<hbm>>
    tpu.wait_dma2 semaphore(%dma_wait3A_1304 : memref<!tpu.dma_semaphore, #tpu.memory_space<semaphore_mem>>) src(%dma_wait3A_1312 : memref<4x8x128xf32, #tpu.memory_space<hbm>>) dst(%dma_wait3A_1309 : memref<4x8x128xf32, #tpu.memory_space<vmem>>)
    %scan3A_1313 = arith.constant 0 : i32
    %scan3A_1314 = arith.constant 256 : i32
    %scan3A_1315 = arith.addi %scan3A_1313, %scan3A_1314 : i32
    %scan3A_1316 = arith.constant 8 : i32
    scf.for %scan3A_1534 = %scan3A_1313 to %scan3A_1315 step %scan3A_1316  : i32 {
      %shift_right_arithmetic3A_1535 = arith.constant 6 : i32
      %shift_right_arithmetic3A_1536 = arith.shrsi %scan3A_1534, %shift_right_arithmetic3A_1535 : i32
      %shift_right_arithmetic3A_1537 = arith.constant 3 : i32
      %shift_right_arithmetic3A_1538 = arith.shrsi %scan3A_1534, %shift_right_arithmetic3A_1537 : i32
      %and3A_1539 = arith.constant 7 : i32
      %and3A_1540 = arith.andi %shift_right_arithmetic3A_1538, %and3A_1539 : i32
      %and3A_1541 = arith.constant 7 : i32
      %and3A_1542 = arith.andi %scan3A_1534, %and3A_1541 : i32
      %mul3A_1543 = arith.constant 16 : i32
      %mul3A_1544 = arith.muli %and3A_1542, %mul3A_1543 : i32
      %get3A_1545 = arith.constant 2 : i32
      %get3A_1546 = arith.index_cast %get3A_1545 : i32 to index
      %get3A_1547 = arith.index_cast %shift_right_arithmetic3A_1536 : i32 to index
      %get3A_1548 = arith.index_cast %and3A_1540 : i32 to index
      %get3A_1549 = arith.index_cast %mul3A_1544 : i32 to index
      %get3A_1550 = tpu.vector_load %arg9[%get3A_1546, %get3A_1547, %get3A_1548, %get3A_1549] {strides = array<i32>} : memref<4x4x8x128xi32, #tpu.memory_space<vmem>>, vector<16xi32>,
      %get3A_1551 = arith.constant 0 : i32
      %get3A_1552 = arith.index_cast %get3A_1551 : i32 to index
      %get3A_1553 = arith.index_cast %shift_right_arithmetic3A_1536 : i32 to index
      %get3A_1554 = arith.index_cast %and3A_1540 : i32 to index
      %get3A_1555 = arith.index_cast %mul3A_1544 : i32 to index
      %get3A_1556 = tpu.vector_load %arg10[%get3A_1552, %get3A_1553, %get3A_1554, %get3A_1555] {strides = array<i32>} : memref<2x4x8x128xf32, #tpu.memory_space<vmem>>, vector<16xf32>,
      tpu.vector_store_idx %arg7[%get3A_1550], %get3A_1556 : memref<51200xf32, #tpu.memory_space<vmem>>[vector<16xi32>], vector<16xf32>,
      %scan3A_1557 = arith.constant 1 : i32
      %scan3A_1558 = arith.addi %scan3A_1534, %scan3A_1557 : i32
      %shift_right_arithmetic3A_1559 = arith.constant 6 : i32
      %shift_right_arithmetic3A_1560 = arith.shrsi %scan3A_1558, %shift_right_arithmetic3A_1559 : i32
      %shift_right_arithmetic3A_1561 = arith.constant 3 : i32
      %shift_right_arithmetic3A_1562 = arith.shrsi %scan3A_1558, %shift_right_arithmetic3A_1561 : i32
      %and3A_1563 = arith.constant 7 : i32
      %and3A_1564 = arith.andi %shift_right_arithmetic3A_1562, %and3A_1563 : i32
      %and3A_1565 = arith.constant 7 : i32
      %and3A_1566 = arith.andi %scan3A_1558, %and3A_1565 : i32
      %mul3A_1567 = arith.constant 16 : i32
      %mul3A_1568 = arith.muli %and3A_1566, %mul3A_1567 : i32
      %get3A_1569 = arith.constant 2 : i32
      %get3A_1570 = arith.index_cast %get3A_1569 : i32 to index
      %get3A_1571 = arith.index_cast %shift_right_arithmetic3A_1560 : i32 to index
      %get3A_1572 = arith.index_cast %and3A_1564 : i32 to index
      %get3A_1573 = arith.index_cast %mul3A_1568 : i32 to index
      %get3A_1574 = tpu.vector_load %arg9[%get3A_1570, %get3A_1571, %get3A_1572, %get3A_1573] {strides = array<i32>} : memref<4x4x8x128xi32, #tpu.memory_space<vmem>>, vector<16xi32>,
      %get3A_1575 = arith.constant 0 : i32
      %get3A_1576 = arith.index_cast %get3A_1575 : i32 to index
      %get3A_1577 = arith.index_cast %shift_right_arithmetic3A_1560 : i32 to index
      %get3A_1578 = arith.index_cast %and3A_1564 : i32 to index
      %get3A_1579 = arith.index_cast %mul3A_1568 : i32 to index
      %get3A_1580 = tpu.vector_load %arg10[%get3A_1576, %get3A_1577, %get3A_1578, %get3A_1579] {strides = array<i32>} : memref<2x4x8x128xf32, #tpu.memory_space<vmem>>, vector<16xf32>,
      tpu.vector_store_idx %arg7[%get3A_1574], %get3A_1580 : memref<51200xf32, #tpu.memory_space<vmem>>[vector<16xi32>], vector<16xf32>,
      %scan3A_1581 = arith.constant 2 : i32
      %scan3A_1582 = arith.addi %scan3A_1534, %scan3A_1581 : i32
      %shift_right_arithmetic3A_1583 = arith.constant 6 : i32
      %shift_right_arithmetic3A_1584 = arith.shrsi %scan3A_1582, %shift_right_arithmetic3A_1583 : i32
      %shift_right_arithmetic3A_1585 = arith.constant 3 : i32
      %shift_right_arithmetic3A_1586 = arith.shrsi %scan3A_1582, %shift_right_arithmetic3A_1585 : i32
      %and3A_1587 = arith.constant 7 : i32
      %and3A_1588 = arith.andi %shift_right_arithmetic3A_1586, %and3A_1587 : i32
      %and3A_1589 = arith.constant 7 : i32
      %and3A_1590 = arith.andi %scan3A_1582, %and3A_1589 : i32
      %mul3A_1591 = arith.constant 16 : i32
      %mul3A_1592 = arith.muli %and3A_1590, %mul3A_1591 : i32
      %get3A_1593 = arith.constant 2 : i32
      %get3A_1594 = arith.index_cast %get3A_1593 : i32 to index
      %get3A_1595 = arith.index_cast %shift_right_arithmetic3A_1584 : i32 to index
      %get3A_1596 = arith.index_cast %and3A_1588 : i32 to index
      %get3A_1597 = arith.index_cast %mul3A_1592 : i32 to index
      %get3A_1598 = tpu.vector_load %arg9[%get3A_1594, %get3A_1595, %get3A_1596, %get3A_1597] {strides = array<i32>} : memref<4x4x8x128xi32, #tpu.memory_space<vmem>>, vector<16xi32>,
      %get3A_1599 = arith.constant 0 : i32
      %get3A_1600 = arith.index_cast %get3A_1599 : i32 to index
      %get3A_1601 = arith.index_cast %shift_right_arithmetic3A_1584 : i32 to index
      %get3A_1602 = arith.index_cast %and3A_1588 : i32 to index
      %get3A_1603 = arith.index_cast %mul3A_1592 : i32 to index
      %get3A_1604 = tpu.vector_load %arg10[%get3A_1600, %get3A_1601, %get3A_1602, %get3A_1603] {strides = array<i32>} : memref<2x4x8x128xf32, #tpu.memory_space<vmem>>, vector<16xf32>,
      tpu.vector_store_idx %arg7[%get3A_1598], %get3A_1604 : memref<51200xf32, #tpu.memory_space<vmem>>[vector<16xi32>], vector<16xf32>,
      %scan3A_1605 = arith.constant 3 : i32
      %scan3A_1606 = arith.addi %scan3A_1534, %scan3A_1605 : i32
      %shift_right_arithmetic3A_1607 = arith.constant 6 : i32
      %shift_right_arithmetic3A_1608 = arith.shrsi %scan3A_1606, %shift_right_arithmetic3A_1607 : i32
      %shift_right_arithmetic3A_1609 = arith.constant 3 : i32
      %shift_right_arithmetic3A_1610 = arith.shrsi %scan3A_1606, %shift_right_arithmetic3A_1609 : i32
      %and3A_1611 = arith.constant 7 : i32
      %and3A_1612 = arith.andi %shift_right_arithmetic3A_1610, %and3A_1611 : i32
      %and3A_1613 = arith.constant 7 : i32
      %and3A_1614 = arith.andi %scan3A_1606, %and3A_1613 : i32
      %mul3A_1615 = arith.constant 16 : i32
      %mul3A_1616 = arith.muli %and3A_1614, %mul3A_1615 : i32
      %get3A_1617 = arith.constant 2 : i32
      %get3A_1618 = arith.index_cast %get3A_1617 : i32 to index
      %get3A_1619 = arith.index_cast %shift_right_arithmetic3A_1608 : i32 to index
      %get3A_1620 = arith.index_cast %and3A_1612 : i32 to index
      %get3A_1621 = arith.index_cast %mul3A_1616 : i32 to index
      %get3A_1622 = tpu.vector_load %arg9[%get3A_1618, %get3A_1619, %get3A_1620, %get3A_1621] {strides = array<i32>} : memref<4x4x8x128xi32, #tpu.memory_space<vmem>>, vector<16xi32>,
      %get3A_1623 = arith.constant 0 : i32
      %get3A_1624 = arith.index_cast %get3A_1623 : i32 to index
      %get3A_1625 = arith.index_cast %shift_right_arithmetic3A_1608 : i32 to index
      %get3A_1626 = arith.index_cast %and3A_1612 : i32 to index
      %get3A_1627 = arith.index_cast %mul3A_1616 : i32 to index
      %get3A_1628 = tpu.vector_load %arg10[%get3A_1624, %get3A_1625, %get3A_1626, %get3A_1627] {strides = array<i32>} : memref<2x4x8x128xf32, #tpu.memory_space<vmem>>, vector<16xf32>,
      tpu.vector_store_idx %arg7[%get3A_1622], %get3A_1628 : memref<51200xf32, #tpu.memory_space<vmem>>[vector<16xi32>], vector<16xf32>,
      %scan3A_1629 = arith.constant 4 : i32
      %scan3A_1630 = arith.addi %scan3A_1534, %scan3A_1629 : i32
      %shift_right_arithmetic3A_1631 = arith.constant 6 : i32
      %shift_right_arithmetic3A_1632 = arith.shrsi %scan3A_1630, %shift_right_arithmetic3A_1631 : i32
      %shift_right_arithmetic3A_1633 = arith.constant 3 : i32
      %shift_right_arithmetic3A_1634 = arith.shrsi %scan3A_1630, %shift_right_arithmetic3A_1633 : i32
      %and3A_1635 = arith.constant 7 : i32
      %and3A_1636 = arith.andi %shift_right_arithmetic3A_1634, %and3A_1635 : i32
      %and3A_1637 = arith.constant 7 : i32
      %and3A_1638 = arith.andi %scan3A_1630, %and3A_1637 : i32
      %mul3A_1639 = arith.constant 16 : i32
      %mul3A_1640 = arith.muli %and3A_1638, %mul3A_1639 : i32
      %get3A_1641 = arith.constant 2 : i32
      %get3A_1642 = arith.index_cast %get3A_1641 : i32 to index
      %get3A_1643 = arith.index_cast %shift_right_arithmetic3A_1632 : i32 to index
      %get3A_1644 = arith.index_cast %and3A_1636 : i32 to index
      %get3A_1645 = arith.index_cast %mul3A_1640 : i32 to index
      %get3A_1646 = tpu.vector_load %arg9[%get3A_1642, %get3A_1643, %get3A_1644, %get3A_1645] {strides = array<i32>} : memref<4x4x8x128xi32, #tpu.memory_space<vmem>>, vector<16xi32>,
      %get3A_1647 = arith.constant 0 : i32
      %get3A_1648 = arith.index_cast %get3A_1647 : i32 to index
      %get3A_1649 = arith.index_cast %shift_right_arithmetic3A_1632 : i32 to index
      %get3A_1650 = arith.index_cast %and3A_1636 : i32 to index
      %get3A_1651 = arith.index_cast %mul3A_1640 : i32 to index
      %get3A_1652 = tpu.vector_load %arg10[%get3A_1648, %get3A_1649, %get3A_1650, %get3A_1651] {strides = array<i32>} : memref<2x4x8x128xf32, #tpu.memory_space<vmem>>, vector<16xf32>,
      tpu.vector_store_idx %arg7[%get3A_1646], %get3A_1652 : memref<51200xf32, #tpu.memory_space<vmem>>[vector<16xi32>], vector<16xf32>,
      %scan3A_1653 = arith.constant 5 : i32
      %scan3A_1654 = arith.addi %scan3A_1534, %scan3A_1653 : i32
      %shift_right_arithmetic3A_1655 = arith.constant 6 : i32
      %shift_right_arithmetic3A_1656 = arith.shrsi %scan3A_1654, %shift_right_arithmetic3A_1655 : i32
      %shift_right_arithmetic3A_1657 = arith.constant 3 : i32
      %shift_right_arithmetic3A_1658 = arith.shrsi %scan3A_1654, %shift_right_arithmetic3A_1657 : i32
      %and3A_1659 = arith.constant 7 : i32
      %and3A_1660 = arith.andi %shift_right_arithmetic3A_1658, %and3A_1659 : i32
      %and3A_1661 = arith.constant 7 : i32
      %and3A_1662 = arith.andi %scan3A_1654, %and3A_1661 : i32
      %mul3A_1663 = arith.constant 16 : i32
      %mul3A_1664 = arith.muli %and3A_1662, %mul3A_1663 : i32
      %get3A_1665 = arith.constant 2 : i32
      %get3A_1666 = arith.index_cast %get3A_1665 : i32 to index
      %get3A_1667 = arith.index_cast %shift_right_arithmetic3A_1656 : i32 to index
      %get3A_1668 = arith.index_cast %and3A_1660 : i32 to index
      %get3A_1669 = arith.index_cast %mul3A_1664 : i32 to index
      %get3A_1670 = tpu.vector_load %arg9[%get3A_1666, %get3A_1667, %get3A_1668, %get3A_1669] {strides = array<i32>} : memref<4x4x8x128xi32, #tpu.memory_space<vmem>>, vector<16xi32>,
      %get3A_1671 = arith.constant 0 : i32
      %get3A_1672 = arith.index_cast %get3A_1671 : i32 to index
      %get3A_1673 = arith.index_cast %shift_right_arithmetic3A_1656 : i32 to index
      %get3A_1674 = arith.index_cast %and3A_1660 : i32 to index
      %get3A_1675 = arith.index_cast %mul3A_1664 : i32 to index
      %get3A_1676 = tpu.vector_load %arg10[%get3A_1672, %get3A_1673, %get3A_1674, %get3A_1675] {strides = array<i32>} : memref<2x4x8x128xf32, #tpu.memory_space<vmem>>, vector<16xf32>,
      tpu.vector_store_idx %arg7[%get3A_1670], %get3A_1676 : memref<51200xf32, #tpu.memory_space<vmem>>[vector<16xi32>], vector<16xf32>,
      %scan3A_1677 = arith.constant 6 : i32
      %scan3A_1678 = arith.addi %scan3A_1534, %scan3A_1677 : i32
      %shift_right_arithmetic3A_1679 = arith.constant 6 : i32
      %shift_right_arithmetic3A_1680 = arith.shrsi %scan3A_1678, %shift_right_arithmetic3A_1679 : i32
      %shift_right_arithmetic3A_1681 = arith.constant 3 : i32
      %shift_right_arithmetic3A_1682 = arith.shrsi %scan3A_1678, %shift_right_arithmetic3A_1681 : i32
      %and3A_1683 = arith.constant 7 : i32
      %and3A_1684 = arith.andi %shift_right_arithmetic3A_1682, %and3A_1683 : i32
      %and3A_1685 = arith.constant 7 : i32
      %and3A_1686 = arith.andi %scan3A_1678, %and3A_1685 : i32
      %mul3A_1687 = arith.constant 16 : i32
      %mul3A_1688 = arith.muli %and3A_1686, %mul3A_1687 : i32
      %get3A_1689 = arith.constant 2 : i32
      %get3A_1690 = arith.index_cast %get3A_1689 : i32 to index
      %get3A_1691 = arith.index_cast %shift_right_arithmetic3A_1680 : i32 to index
      %get3A_1692 = arith.index_cast %and3A_1684 : i32 to index
      %get3A_1693 = arith.index_cast %mul3A_1688 : i32 to index
      %get3A_1694 = tpu.vector_load %arg9[%get3A_1690, %get3A_1691, %get3A_1692, %get3A_1693] {strides = array<i32>} : memref<4x4x8x128xi32, #tpu.memory_space<vmem>>, vector<16xi32>,
      %get3A_1695 = arith.constant 0 : i32
      %get3A_1696 = arith.index_cast %get3A_1695 : i32 to index
      %get3A_1697 = arith.index_cast %shift_right_arithmetic3A_1680 : i32 to index
      %get3A_1698 = arith.index_cast %and3A_1684 : i32 to index
      %get3A_1699 = arith.index_cast %mul3A_1688 : i32 to index
      %get3A_1700 = tpu.vector_load %arg10[%get3A_1696, %get3A_1697, %get3A_1698, %get3A_1699] {strides = array<i32>} : memref<2x4x8x128xf32, #tpu.memory_space<vmem>>, vector<16xf32>,
      tpu.vector_store_idx %arg7[%get3A_1694], %get3A_1700 : memref<51200xf32, #tpu.memory_space<vmem>>[vector<16xi32>], vector<16xf32>,
      %scan3A_1701 = arith.constant 7 : i32
      %scan3A_1702 = arith.addi %scan3A_1534, %scan3A_1701 : i32
      %shift_right_arithmetic3A_1703 = arith.constant 6 : i32
      %shift_right_arithmetic3A_1704 = arith.shrsi %scan3A_1702, %shift_right_arithmetic3A_1703 : i32
      %shift_right_arithmetic3A_1705 = arith.constant 3 : i32
      %shift_right_arithmetic3A_1706 = arith.shrsi %scan3A_1702, %shift_right_arithmetic3A_1705 : i32
      %and3A_1707 = arith.constant 7 : i32
      %and3A_1708 = arith.andi %shift_right_arithmetic3A_1706, %and3A_1707 : i32
      %and3A_1709 = arith.constant 7 : i32
      %and3A_1710 = arith.andi %scan3A_1702, %and3A_1709 : i32
      %mul3A_1711 = arith.constant 16 : i32
      %mul3A_1712 = arith.muli %and3A_1710, %mul3A_1711 : i32
      %get3A_1713 = arith.constant 2 : i32
      %get3A_1714 = arith.index_cast %get3A_1713 : i32 to index
      %get3A_1715 = arith.index_cast %shift_right_arithmetic3A_1704 : i32 to index
      %get3A_1716 = arith.index_cast %and3A_1708 : i32 to index
      %get3A_1717 = arith.index_cast %mul3A_1712 : i32 to index
      %get3A_1718 = tpu.vector_load %arg9[%get3A_1714, %get3A_1715, %get3A_1716, %get3A_1717] {strides = array<i32>} : memref<4x4x8x128xi32, #tpu.memory_space<vmem>>, vector<16xi32>,
      %get3A_1719 = arith.constant 0 : i32
      %get3A_1720 = arith.index_cast %get3A_1719 : i32 to index
      %get3A_1721 = arith.index_cast %shift_right_arithmetic3A_1704 : i32 to index
      %get3A_1722 = arith.index_cast %and3A_1708 : i32 to index
      %get3A_1723 = arith.index_cast %mul3A_1712 : i32 to index
      %get3A_1724 = tpu.vector_load %arg10[%get3A_1720, %get3A_1721, %get3A_1722, %get3A_1723] {strides = array<i32>} : memref<2x4x8x128xf32, #tpu.memory_space<vmem>>, vector<16xf32>,
      tpu.vector_store_idx %arg7[%get3A_1718], %get3A_1724 : memref<51200xf32, #tpu.memory_space<vmem>>[vector<16xi32>], vector<16xf32>,
    }
    %scan3A_1317 = arith.constant 256 : i32
    %dma_start3A_1318 = arith.constant 0 : i32
    %dma_start3A_1319 = tpu.memref_slice %arg7[%dma_start3A_1318] : memref<51200xf32, #tpu.memory_space<vmem>> -> memref<50176xf32, #tpu.memory_space<vmem>>
    %dma_start3A_1320 = arith.constant 0 : i32
    %dma_start3A_1321 = tpu.memref_slice %arg5[%shift_right_arithmetic3A_1189, %and3A_1191, %dma_start3A_1320] : memref<16x16x50257xf32, #tpu.memory_space<hbm>> -> memref<1x1x50176xf32, #tpu.memory_space<hbm>>
    %dma_start3A_1322 = tpu.memref_squeeze %dma_start3A_1321 : memref<1x1x50176xf32, #tpu.memory_space<hbm>> -> memref<50176xf32, #tpu.memory_space<hbm>>
    %dma_start3A_1323 = arith.constant 0 : i32
    %dma_start3A_1324 = tpu.memref_slice %arg5[%shift_right_arithmetic3A_1189, %and3A_1191, %dma_start3A_1323] : memref<16x16x50257xf32, #tpu.memory_space<hbm>> -> memref<1x1x50176xf32, #tpu.memory_space<hbm>>
    %dma_start3A_1325 = tpu.memref_squeeze %dma_start3A_1324 : memref<1x1x50176xf32, #tpu.memory_space<hbm>> -> memref<50176xf32, #tpu.memory_space<hbm>>
    %dma_start3A_1326 = arith.constant 0 : i32
    %dma_start3A_1327 = tpu.memref_slice %arg7[%dma_start3A_1326] : memref<51200xf32, #tpu.memory_space<vmem>> -> memref<50176xf32, #tpu.memory_space<vmem>>
    tpu.enqueue_dma source(%dma_start3A_1327 : memref<50176xf32, #tpu.memory_space<vmem>>) target(%dma_start3A_1325 : memref<50176xf32, #tpu.memory_space<hbm>>) target_semaphore(%arg13 : memref<!tpu.dma_semaphore, #tpu.memory_space<semaphore_mem>>)
    %get3A_1328 = arith.constant 50176 : index
    %get3A_1329 = tpu.vector_load %arg7[%get3A_1328] {strides = array<i32>} : memref<51200xf32, #tpu.memory_space<vmem>>, vector<16xf32>,
    %swap3A_1330 = arith.constant 6 : i32
    %swap3A_1331 = arith.index_cast %swap3A_1330 : i32 to index
    %swap3A_1332 = arith.constant 0 : index
    %swap3A_1333 = tpu.vector_load %arg12[%swap3A_1331, %swap3A_1332] {strides = array<i32>} : memref<8x128xf32, #tpu.memory_space<vmem>>, vector<16xf32>,
    tpu.vector_store %arg12[%swap3A_1331, %swap3A_1332], %get3A_1329 {strides = array<i32>} : memref<8x128xf32, #tpu.memory_space<vmem>>, vector<16xf32>,
    %get3A_1334 = arith.constant 50192 : index
    %get3A_1335 = tpu.vector_load %arg7[%get3A_1334] {strides = array<i32>} : memref<51200xf32, #tpu.memory_space<vmem>>, vector<16xf32>,
    %swap3A_1336 = arith.constant 6 : i32
    %swap3A_1337 = arith.index_cast %swap3A_1336 : i32 to index
    %swap3A_1338 = arith.constant 16 : index
    %swap3A_1339 = tpu.vector_load %arg12[%swap3A_1337, %swap3A_1338] {strides = array<i32>} : memref<8x128xf32, #tpu.memory_space<vmem>>, vector<16xf32>,
    tpu.vector_store %arg12[%swap3A_1337, %swap3A_1338], %get3A_1335 {strides = array<i32>} : memref<8x128xf32, #tpu.memory_space<vmem>>, vector<16xf32>,
    %get3A_1340 = arith.constant 50208 : index
    %get3A_1341 = tpu.vector_load %arg7[%get3A_1340] {strides = array<i32>} : memref<51200xf32, #tpu.memory_space<vmem>>, vector<16xf32>,
    %swap3A_1342 = arith.constant 6 : i32
    %swap3A_1343 = arith.index_cast %swap3A_1342 : i32 to index
    %swap3A_1344 = arith.constant 32 : index
    %swap3A_1345 = tpu.vector_load %arg12[%swap3A_1343, %swap3A_1344] {strides = array<i32>} : memref<8x128xf32, #tpu.memory_space<vmem>>, vector<16xf32>,
    tpu.vector_store %arg12[%swap3A_1343, %swap3A_1344], %get3A_1341 {strides = array<i32>} : memref<8x128xf32, #tpu.memory_space<vmem>>, vector<16xf32>,
    %get3A_1346 = arith.constant 50224 : index
    %get3A_1347 = tpu.vector_load %arg7[%get3A_1346] {strides = array<i32>} : memref<51200xf32, #tpu.memory_space<vmem>>, vector<16xf32>,
    %swap3A_1348 = arith.constant 6 : i32
    %swap3A_1349 = arith.index_cast %swap3A_1348 : i32 to index
    %swap3A_1350 = arith.constant 48 : index
    %swap3A_1351 = tpu.vector_load %arg12[%swap3A_1349, %swap3A_1350] {strides = array<i32>} : memref<8x128xf32, #tpu.memory_space<vmem>>, vector<16xf32>,
    tpu.vector_store %arg12[%swap3A_1349, %swap3A_1350], %get3A_1347 {strides = array<i32>} : memref<8x128xf32, #tpu.memory_space<vmem>>, vector<16xf32>,
    %get3A_1352 = arith.constant 50240 : index
    %get3A_1353 = tpu.vector_load %arg7[%get3A_1352] {strides = array<i32>} : memref<51200xf32, #tpu.memory_space<vmem>>, vector<16xf32>,
    %swap3A_1354 = arith.constant 6 : i32
    %swap3A_1355 = arith.index_cast %swap3A_1354 : i32 to index
    %swap3A_1356 = arith.constant 64 : index
    %swap3A_1357 = tpu.vector_load %arg12[%swap3A_1355, %swap3A_1356] {strides = array<i32>} : memref<8x128xf32, #tpu.memory_space<vmem>>, vector<16xf32>,
    tpu.vector_store %arg12[%swap3A_1355, %swap3A_1356], %get3A_1353 {strides = array<i32>} : memref<8x128xf32, #tpu.memory_space<vmem>>, vector<16xf32>,
    %get3A_1358 = arith.constant 50256 : index
    %get3A_1359 = tpu.vector_load %arg7[%get3A_1358] {strides = array<i32>} : memref<51200xf32, #tpu.memory_space<vmem>>, vector<16xf32>,
    %swap3A_1360 = arith.constant 6 : i32
    %swap3A_1361 = arith.index_cast %swap3A_1360 : i32 to index
    %swap3A_1362 = arith.constant 80 : index
    %swap3A_1363 = tpu.vector_load %arg12[%swap3A_1361, %swap3A_1362] {strides = array<i32>} : memref<8x128xf32, #tpu.memory_space<vmem>>, vector<16xf32>,
    tpu.vector_store %arg12[%swap3A_1361, %swap3A_1362], %get3A_1359 {strides = array<i32>} : memref<8x128xf32, #tpu.memory_space<vmem>>, vector<16xf32>,
    %get3A_1364 = arith.constant 50272 : index
    %get3A_1365 = tpu.vector_load %arg7[%get3A_1364] {strides = array<i32>} : memref<51200xf32, #tpu.memory_space<vmem>>, vector<16xf32>,
    %swap3A_1366 = arith.constant 6 : i32
    %swap3A_1367 = arith.index_cast %swap3A_1366 : i32 to index
    %swap3A_1368 = arith.constant 96 : index
    %swap3A_1369 = tpu.vector_load %arg12[%swap3A_1367, %swap3A_1368] {strides = array<i32>} : memref<8x128xf32, #tpu.memory_space<vmem>>, vector<16xf32>,
    tpu.vector_store %arg12[%swap3A_1367, %swap3A_1368], %get3A_1365 {strides = array<i32>} : memref<8x128xf32, #tpu.memory_space<vmem>>, vector<16xf32>,
    %get3A_1370 = arith.constant 50288 : index
    %get3A_1371 = tpu.vector_load %arg7[%get3A_1370] {strides = array<i32>} : memref<51200xf32, #tpu.memory_space<vmem>>, vector<16xf32>,
    %swap3A_1372 = arith.constant 6 : i32
    %swap3A_1373 = arith.index_cast %swap3A_1372 : i32 to index
    %swap3A_1374 = arith.constant 112 : index
    %swap3A_1375 = tpu.vector_load %arg12[%swap3A_1373, %swap3A_1374] {strides = array<i32>} : memref<8x128xf32, #tpu.memory_space<vmem>>, vector<16xf32>,
    tpu.vector_store %arg12[%swap3A_1373, %swap3A_1374], %get3A_1371 {strides = array<i32>} : memref<8x128xf32, #tpu.memory_space<vmem>>, vector<16xf32>,
    %add3A_1376 = arith.constant 7 : i32
    %add3A_1377 = arith.addi %mul3A_2, %add3A_1376 : i32
    %shift_right_arithmetic3A_1378 = arith.constant 4 : i32
    %shift_right_arithmetic3A_1379 = arith.shrsi %add3A_1377, %shift_right_arithmetic3A_1378 : i32
    %and3A_1380 = arith.constant 15 : i32
    %and3A_1381 = arith.andi %add3A_1377, %and3A_1380 : i32
    %get3A_1382 = arith.constant 7 : i32
    %get3A_1383 = arith.index_cast %get3A_1382 : i32 to index
    %get3A_1384 = arith.constant 0 : index
    %get3A_1385 = tpu.vector_load %arg11[%get3A_1383, %get3A_1384] {strides = array<i32>} : memref<8x128xf32, #tpu.memory_space<vmem>>, vector<16xf32>,
    %dma_wait3A_1386 = arith.constant 0 : i32
    %dma_wait3A_1387 = tpu.memref_slice %arg8[%dma_wait3A_1386] : memref<51200xf32, #tpu.memory_space<vmem>> -> memref<50176xf32, #tpu.memory_space<vmem>>
    %dma_wait3A_1388 = arith.constant 0 : i32
    %dma_wait3A_1389 = tpu.memref_slice %arg5[%shift_right_arithmetic3A_999, %and3A_1001, %dma_wait3A_1388] : memref<16x16x50257xf32, #tpu.memory_space<hbm>> -> memref<1x1x50176xf32, #tpu.memory_space<hbm>>
    %dma_wait3A_1390 = tpu.memref_squeeze %dma_wait3A_1389 : memref<1x1x50176xf32, #tpu.memory_space<hbm>> -> memref<50176xf32, #tpu.memory_space<hbm>>
    %dma_wait3A_1391 = arith.constant 0 : i32
    %dma_wait3A_1392 = tpu.memref_slice %arg5[%shift_right_arithmetic3A_999, %and3A_1001, %dma_wait3A_1391] : memref<16x16x50257xf32, #tpu.memory_space<hbm>> -> memref<1x1x50176xf32, #tpu.memory_space<hbm>>
    %dma_wait3A_1393 = tpu.memref_squeeze %dma_wait3A_1392 : memref<1x1x50176xf32, #tpu.memory_space<hbm>> -> memref<50176xf32, #tpu.memory_space<hbm>>
    %dma_wait3A_1394 = arith.constant 0 : i32
    %dma_wait3A_1395 = tpu.memref_slice %arg8[%dma_wait3A_1394] : memref<51200xf32, #tpu.memory_space<vmem>> -> memref<50176xf32, #tpu.memory_space<vmem>>
    tpu.wait_dma2 semaphore(%arg14 : memref<!tpu.dma_semaphore, #tpu.memory_space<semaphore_mem>>) src(%dma_wait3A_1395 : memref<50176xf32, #tpu.memory_space<vmem>>) dst(%dma_wait3A_1393 : memref<50176xf32, #tpu.memory_space<hbm>>)
    %get3A_1396 = arith.constant 5 : i32
    %get3A_1397 = arith.index_cast %get3A_1396 : i32 to index
    %get3A_1398 = arith.constant 0 : index
    %get3A_1399 = tpu.vector_load %arg11[%get3A_1397, %get3A_1398] {strides = array<i32>} : memref<8x128xf32, #tpu.memory_space<vmem>>, vector<16xf32>,
    %sub3A_1400 = arith.subf %get3A_1385, %get3A_1399 : vector<16xf32>
    %abs3A_1401 = math.absf %sub3A_1400 : vector<16xf32>
    %reduce_max3A_1402 = arith.constant true
    %reduce_max3A_1403 = vector.broadcast %reduce_max3A_1402 : i1 to vector<16xi1>
    %reduce_max3A_1404 = tpu.scan <max>, %abs3A_1401 masked %reduce_max3A_1403 : vector<16xf32>, vector<16xi1> -> vector<16xf32>
    %reduce_max3A_1405 = vector.extract %reduce_max3A_1404[15] : f32 from vector<16xf32>
    %eq3A_1406 = arith.constant 0.000000e+00 : f32
    %eq3A_1407 = arith.cmpf oeq, %reduce_max3A_1405, %eq3A_1406 : f32
    %convert_element_type3A_1408 = arith.extui %eq3A_1407 : i1 to i32
    %cond3A_1409 = arith.constant 0 : i32
    %cond3A_1410 = arith.cmpi ne, %convert_element_type3A_1408, %cond3A_1409 : i32
    scf.if %cond3A_1410 {
      %scan3A_1534 = arith.constant 0 : i32
      %scan3A_1535 = arith.constant 256 : i32
      %scan3A_1536 = arith.addi %scan3A_1534, %scan3A_1535 : i32
      %scan3A_1537 = arith.constant 8 : i32
      scf.for %scan3A_1539 = %scan3A_1534 to %scan3A_1536 step %scan3A_1537  : i32 {
        %shift_right_arithmetic3A_1540 = arith.constant 6 : i32
        %shift_right_arithmetic3A_1541 = arith.shrsi %scan3A_1539, %shift_right_arithmetic3A_1540 : i32
        %shift_right_arithmetic3A_1542 = arith.constant 3 : i32
        %shift_right_arithmetic3A_1543 = arith.shrsi %scan3A_1539, %shift_right_arithmetic3A_1542 : i32
        %and3A_1544 = arith.constant 7 : i32
        %and3A_1545 = arith.andi %shift_right_arithmetic3A_1543, %and3A_1544 : i32
        %and3A_1546 = arith.constant 7 : i32
        %and3A_1547 = arith.andi %scan3A_1539, %and3A_1546 : i32
        %mul3A_1548 = arith.constant 16 : i32
        %mul3A_1549 = arith.muli %and3A_1547, %mul3A_1548 : i32
        %get3A_1550 = arith.constant 1 : i32
        %get3A_1551 = arith.index_cast %get3A_1550 : i32 to index
        %get3A_1552 = arith.index_cast %shift_right_arithmetic3A_1541 : i32 to index
        %get3A_1553 = arith.index_cast %and3A_1545 : i32 to index
        %get3A_1554 = arith.index_cast %mul3A_1549 : i32 to index
        %get3A_1555 = tpu.vector_load %arg9[%get3A_1551, %get3A_1552, %get3A_1553, %get3A_1554] {strides = array<i32>} : memref<4x4x8x128xi32, #tpu.memory_space<vmem>>, vector<16xi32>,
        tpu.vector_store_idx %arg8[%get3A_1555], %get3A_1385 : memref<51200xf32, #tpu.memory_space<vmem>>[vector<16xi32>], vector<16xf32>,
        %scan3A_1556 = arith.constant 1 : i32
        %scan3A_1557 = arith.addi %scan3A_1539, %scan3A_1556 : i32
        %shift_right_arithmetic3A_1558 = arith.constant 6 : i32
        %shift_right_arithmetic3A_1559 = arith.shrsi %scan3A_1557, %shift_right_arithmetic3A_1558 : i32
        %shift_right_arithmetic3A_1560 = arith.constant 3 : i32
        %shift_right_arithmetic3A_1561 = arith.shrsi %scan3A_1557, %shift_right_arithmetic3A_1560 : i32
        %and3A_1562 = arith.constant 7 : i32
        %and3A_1563 = arith.andi %shift_right_arithmetic3A_1561, %and3A_1562 : i32
        %and3A_1564 = arith.constant 7 : i32
        %and3A_1565 = arith.andi %scan3A_1557, %and3A_1564 : i32
        %mul3A_1566 = arith.constant 16 : i32
        %mul3A_1567 = arith.muli %and3A_1565, %mul3A_1566 : i32
        %get3A_1568 = arith.constant 1 : i32
        %get3A_1569 = arith.index_cast %get3A_1568 : i32 to index
        %get3A_1570 = arith.index_cast %shift_right_arithmetic3A_1559 : i32 to index
        %get3A_1571 = arith.index_cast %and3A_1563 : i32 to index
        %get3A_1572 = arith.index_cast %mul3A_1567 : i32 to index
        %get3A_1573 = tpu.vector_load %arg9[%get3A_1569, %get3A_1570, %get3A_1571, %get3A_1572] {strides = array<i32>} : memref<4x4x8x128xi32, #tpu.memory_space<vmem>>, vector<16xi32>,
        tpu.vector_store_idx %arg8[%get3A_1573], %get3A_1385 : memref<51200xf32, #tpu.memory_space<vmem>>[vector<16xi32>], vector<16xf32>,
        %scan3A_1574 = arith.constant 2 : i32
        %scan3A_1575 = arith.addi %scan3A_1539, %scan3A_1574 : i32
        %shift_right_arithmetic3A_1576 = arith.constant 6 : i32
        %shift_right_arithmetic3A_1577 = arith.shrsi %scan3A_1575, %shift_right_arithmetic3A_1576 : i32
        %shift_right_arithmetic3A_1578 = arith.constant 3 : i32
        %shift_right_arithmetic3A_1579 = arith.shrsi %scan3A_1575, %shift_right_arithmetic3A_1578 : i32
        %and3A_1580 = arith.constant 7 : i32
        %and3A_1581 = arith.andi %shift_right_arithmetic3A_1579, %and3A_1580 : i32
        %and3A_1582 = arith.constant 7 : i32
        %and3A_1583 = arith.andi %scan3A_1575, %and3A_1582 : i32
        %mul3A_1584 = arith.constant 16 : i32
        %mul3A_1585 = arith.muli %and3A_1583, %mul3A_1584 : i32
        %get3A_1586 = arith.constant 1 : i32
        %get3A_1587 = arith.index_cast %get3A_1586 : i32 to index
        %get3A_1588 = arith.index_cast %shift_right_arithmetic3A_1577 : i32 to index
        %get3A_1589 = arith.index_cast %and3A_1581 : i32 to index
        %get3A_1590 = arith.index_cast %mul3A_1585 : i32 to index
        %get3A_1591 = tpu.vector_load %arg9[%get3A_1587, %get3A_1588, %get3A_1589, %get3A_1590] {strides = array<i32>} : memref<4x4x8x128xi32, #tpu.memory_space<vmem>>, vector<16xi32>,
        tpu.vector_store_idx %arg8[%get3A_1591], %get3A_1385 : memref<51200xf32, #tpu.memory_space<vmem>>[vector<16xi32>], vector<16xf32>,
        %scan3A_1592 = arith.constant 3 : i32
        %scan3A_1593 = arith.addi %scan3A_1539, %scan3A_1592 : i32
        %shift_right_arithmetic3A_1594 = arith.constant 6 : i32
        %shift_right_arithmetic3A_1595 = arith.shrsi %scan3A_1593, %shift_right_arithmetic3A_1594 : i32
        %shift_right_arithmetic3A_1596 = arith.constant 3 : i32
        %shift_right_arithmetic3A_1597 = arith.shrsi %scan3A_1593, %shift_right_arithmetic3A_1596 : i32
        %and3A_1598 = arith.constant 7 : i32
        %and3A_1599 = arith.andi %shift_right_arithmetic3A_1597, %and3A_1598 : i32
        %and3A_1600 = arith.constant 7 : i32
        %and3A_1601 = arith.andi %scan3A_1593, %and3A_1600 : i32
        %mul3A_1602 = arith.constant 16 : i32
        %mul3A_1603 = arith.muli %and3A_1601, %mul3A_1602 : i32
        %get3A_1604 = arith.constant 1 : i32
        %get3A_1605 = arith.index_cast %get3A_1604 : i32 to index
        %get3A_1606 = arith.index_cast %shift_right_arithmetic3A_1595 : i32 to index
        %get3A_1607 = arith.index_cast %and3A_1599 : i32 to index
        %get3A_1608 = arith.index_cast %mul3A_1603 : i32 to index
        %get3A_1609 = tpu.vector_load %arg9[%get3A_1605, %get3A_1606, %get3A_1607, %get3A_1608] {strides = array<i32>} : memref<4x4x8x128xi32, #tpu.memory_space<vmem>>, vector<16xi32>,
        tpu.vector_store_idx %arg8[%get3A_1609], %get3A_1385 : memref<51200xf32, #tpu.memory_space<vmem>>[vector<16xi32>], vector<16xf32>,
        %scan3A_1610 = arith.constant 4 : i32
        %scan3A_1611 = arith.addi %scan3A_1539, %scan3A_1610 : i32
        %shift_right_arithmetic3A_1612 = arith.constant 6 : i32
        %shift_right_arithmetic3A_1613 = arith.shrsi %scan3A_1611, %shift_right_arithmetic3A_1612 : i32
        %shift_right_arithmetic3A_1614 = arith.constant 3 : i32
        %shift_right_arithmetic3A_1615 = arith.shrsi %scan3A_1611, %shift_right_arithmetic3A_1614 : i32
        %and3A_1616 = arith.constant 7 : i32
        %and3A_1617 = arith.andi %shift_right_arithmetic3A_1615, %and3A_1616 : i32
        %and3A_1618 = arith.constant 7 : i32
        %and3A_1619 = arith.andi %scan3A_1611, %and3A_1618 : i32
        %mul3A_1620 = arith.constant 16 : i32
        %mul3A_1621 = arith.muli %and3A_1619, %mul3A_1620 : i32
        %get3A_1622 = arith.constant 1 : i32
        %get3A_1623 = arith.index_cast %get3A_1622 : i32 to index
        %get3A_1624 = arith.index_cast %shift_right_arithmetic3A_1613 : i32 to index
        %get3A_1625 = arith.index_cast %and3A_1617 : i32 to index
        %get3A_1626 = arith.index_cast %mul3A_1621 : i32 to index
        %get3A_1627 = tpu.vector_load %arg9[%get3A_1623, %get3A_1624, %get3A_1625, %get3A_1626] {strides = array<i32>} : memref<4x4x8x128xi32, #tpu.memory_space<vmem>>, vector<16xi32>,
        tpu.vector_store_idx %arg8[%get3A_1627], %get3A_1385 : memref<51200xf32, #tpu.memory_space<vmem>>[vector<16xi32>], vector<16xf32>,
        %scan3A_1628 = arith.constant 5 : i32
        %scan3A_1629 = arith.addi %scan3A_1539, %scan3A_1628 : i32
        %shift_right_arithmetic3A_1630 = arith.constant 6 : i32
        %shift_right_arithmetic3A_1631 = arith.shrsi %scan3A_1629, %shift_right_arithmetic3A_1630 : i32
        %shift_right_arithmetic3A_1632 = arith.constant 3 : i32
        %shift_right_arithmetic3A_1633 = arith.shrsi %scan3A_1629, %shift_right_arithmetic3A_1632 : i32
        %and3A_1634 = arith.constant 7 : i32
        %and3A_1635 = arith.andi %shift_right_arithmetic3A_1633, %and3A_1634 : i32
        %and3A_1636 = arith.constant 7 : i32
        %and3A_1637 = arith.andi %scan3A_1629, %and3A_1636 : i32
        %mul3A_1638 = arith.constant 16 : i32
        %mul3A_1639 = arith.muli %and3A_1637, %mul3A_1638 : i32
        %get3A_1640 = arith.constant 1 : i32
        %get3A_1641 = arith.index_cast %get3A_1640 : i32 to index
        %get3A_1642 = arith.index_cast %shift_right_arithmetic3A_1631 : i32 to index
        %get3A_1643 = arith.index_cast %and3A_1635 : i32 to index
        %get3A_1644 = arith.index_cast %mul3A_1639 : i32 to index
        %get3A_1645 = tpu.vector_load %arg9[%get3A_1641, %get3A_1642, %get3A_1643, %get3A_1644] {strides = array<i32>} : memref<4x4x8x128xi32, #tpu.memory_space<vmem>>, vector<16xi32>,
        tpu.vector_store_idx %arg8[%get3A_1645], %get3A_1385 : memref<51200xf32, #tpu.memory_space<vmem>>[vector<16xi32>], vector<16xf32>,
        %scan3A_1646 = arith.constant 6 : i32
        %scan3A_1647 = arith.addi %scan3A_1539, %scan3A_1646 : i32
        %shift_right_arithmetic3A_1648 = arith.constant 6 : i32
        %shift_right_arithmetic3A_1649 = arith.shrsi %scan3A_1647, %shift_right_arithmetic3A_1648 : i32
        %shift_right_arithmetic3A_1650 = arith.constant 3 : i32
        %shift_right_arithmetic3A_1651 = arith.shrsi %scan3A_1647, %shift_right_arithmetic3A_1650 : i32
        %and3A_1652 = arith.constant 7 : i32
        %and3A_1653 = arith.andi %shift_right_arithmetic3A_1651, %and3A_1652 : i32
        %and3A_1654 = arith.constant 7 : i32
        %and3A_1655 = arith.andi %scan3A_1647, %and3A_1654 : i32
        %mul3A_1656 = arith.constant 16 : i32
        %mul3A_1657 = arith.muli %and3A_1655, %mul3A_1656 : i32
        %get3A_1658 = arith.constant 1 : i32
        %get3A_1659 = arith.index_cast %get3A_1658 : i32 to index
        %get3A_1660 = arith.index_cast %shift_right_arithmetic3A_1649 : i32 to index
        %get3A_1661 = arith.index_cast %and3A_1653 : i32 to index
        %get3A_1662 = arith.index_cast %mul3A_1657 : i32 to index
        %get3A_1663 = tpu.vector_load %arg9[%get3A_1659, %get3A_1660, %get3A_1661, %get3A_1662] {strides = array<i32>} : memref<4x4x8x128xi32, #tpu.memory_space<vmem>>, vector<16xi32>,
        tpu.vector_store_idx %arg8[%get3A_1663], %get3A_1385 : memref<51200xf32, #tpu.memory_space<vmem>>[vector<16xi32>], vector<16xf32>,
        %scan3A_1664 = arith.constant 7 : i32
        %scan3A_1665 = arith.addi %scan3A_1539, %scan3A_1664 : i32
        %shift_right_arithmetic3A_1666 = arith.constant 6 : i32
        %shift_right_arithmetic3A_1667 = arith.shrsi %scan3A_1665, %shift_right_arithmetic3A_1666 : i32
        %shift_right_arithmetic3A_1668 = arith.constant 3 : i32
        %shift_right_arithmetic3A_1669 = arith.shrsi %scan3A_1665, %shift_right_arithmetic3A_1668 : i32
        %and3A_1670 = arith.constant 7 : i32
        %and3A_1671 = arith.andi %shift_right_arithmetic3A_1669, %and3A_1670 : i32
        %and3A_1672 = arith.constant 7 : i32
        %and3A_1673 = arith.andi %scan3A_1665, %and3A_1672 : i32
        %mul3A_1674 = arith.constant 16 : i32
        %mul3A_1675 = arith.muli %and3A_1673, %mul3A_1674 : i32
        %get3A_1676 = arith.constant 1 : i32
        %get3A_1677 = arith.index_cast %get3A_1676 : i32 to index
        %get3A_1678 = arith.index_cast %shift_right_arithmetic3A_1667 : i32 to index
        %get3A_1679 = arith.index_cast %and3A_1671 : i32 to index
        %get3A_1680 = arith.index_cast %mul3A_1675 : i32 to index
        %get3A_1681 = tpu.vector_load %arg9[%get3A_1677, %get3A_1678, %get3A_1679, %get3A_1680] {strides = array<i32>} : memref<4x4x8x128xi32, #tpu.memory_space<vmem>>, vector<16xi32>,
        tpu.vector_store_idx %arg8[%get3A_1681], %get3A_1385 : memref<51200xf32, #tpu.memory_space<vmem>>[vector<16xi32>], vector<16xf32>,
      }
      %scan3A_1538 = arith.constant 256 : i32
    } else {
      %scan3A_1534 = arith.constant 0 : i32
      %scan3A_1535 = arith.constant 3144 : i32
      %scan3A_1536 = arith.addi %scan3A_1534, %scan3A_1535 : i32
      %scan3A_1537 = arith.constant 8 : i32
      scf.for %scan3A_1539 = %scan3A_1534 to %scan3A_1536 step %scan3A_1537  : i32 {
        %mul3A_1540 = arith.constant 16 : i32
        %mul3A_1541 = arith.muli %scan3A_1539, %mul3A_1540 : i32
        %swap3A_1542 = arith.index_cast %mul3A_1541 : i32 to index
        %swap3A_1543 = tpu.vector_load %arg8[%swap3A_1542] {strides = array<i32>} : memref<51200xf32, #tpu.memory_space<vmem>>, vector<16xf32>,
        tpu.vector_store %arg8[%swap3A_1542], %get3A_1385 {strides = array<i32>} : memref<51200xf32, #tpu.memory_space<vmem>>, vector<16xf32>,
        %scan3A_1544 = arith.constant 1 : i32
        %scan3A_1545 = arith.addi %scan3A_1539, %scan3A_1544 : i32
        %mul3A_1546 = arith.constant 16 : i32
        %mul3A_1547 = arith.muli %scan3A_1545, %mul3A_1546 : i32
        %swap3A_1548 = arith.index_cast %mul3A_1547 : i32 to index
        %swap3A_1549 = tpu.vector_load %arg8[%swap3A_1548] {strides = array<i32>} : memref<51200xf32, #tpu.memory_space<vmem>>, vector<16xf32>,
        tpu.vector_store %arg8[%swap3A_1548], %get3A_1385 {strides = array<i32>} : memref<51200xf32, #tpu.memory_space<vmem>>, vector<16xf32>,
        %scan3A_1550 = arith.constant 2 : i32
        %scan3A_1551 = arith.addi %scan3A_1539, %scan3A_1550 : i32
        %mul3A_1552 = arith.constant 16 : i32
        %mul3A_1553 = arith.muli %scan3A_1551, %mul3A_1552 : i32
        %swap3A_1554 = arith.index_cast %mul3A_1553 : i32 to index
        %swap3A_1555 = tpu.vector_load %arg8[%swap3A_1554] {strides = array<i32>} : memref<51200xf32, #tpu.memory_space<vmem>>, vector<16xf32>,
        tpu.vector_store %arg8[%swap3A_1554], %get3A_1385 {strides = array<i32>} : memref<51200xf32, #tpu.memory_space<vmem>>, vector<16xf32>,
        %scan3A_1556 = arith.constant 3 : i32
        %scan3A_1557 = arith.addi %scan3A_1539, %scan3A_1556 : i32
        %mul3A_1558 = arith.constant 16 : i32
        %mul3A_1559 = arith.muli %scan3A_1557, %mul3A_1558 : i32
        %swap3A_1560 = arith.index_cast %mul3A_1559 : i32 to index
        %swap3A_1561 = tpu.vector_load %arg8[%swap3A_1560] {strides = array<i32>} : memref<51200xf32, #tpu.memory_space<vmem>>, vector<16xf32>,
        tpu.vector_store %arg8[%swap3A_1560], %get3A_1385 {strides = array<i32>} : memref<51200xf32, #tpu.memory_space<vmem>>, vector<16xf32>,
        %scan3A_1562 = arith.constant 4 : i32
        %scan3A_1563 = arith.addi %scan3A_1539, %scan3A_1562 : i32
        %mul3A_1564 = arith.constant 16 : i32
        %mul3A_1565 = arith.muli %scan3A_1563, %mul3A_1564 : i32
        %swap3A_1566 = arith.index_cast %mul3A_1565 : i32 to index
        %swap3A_1567 = tpu.vector_load %arg8[%swap3A_1566] {strides = array<i32>} : memref<51200xf32, #tpu.memory_space<vmem>>, vector<16xf32>,
        tpu.vector_store %arg8[%swap3A_1566], %get3A_1385 {strides = array<i32>} : memref<51200xf32, #tpu.memory_space<vmem>>, vector<16xf32>,
        %scan3A_1568 = arith.constant 5 : i32
        %scan3A_1569 = arith.addi %scan3A_1539, %scan3A_1568 : i32
        %mul3A_1570 = arith.constant 16 : i32
        %mul3A_1571 = arith.muli %scan3A_1569, %mul3A_1570 : i32
        %swap3A_1572 = arith.index_cast %mul3A_1571 : i32 to index
        %swap3A_1573 = tpu.vector_load %arg8[%swap3A_1572] {strides = array<i32>} : memref<51200xf32, #tpu.memory_space<vmem>>, vector<16xf32>,
        tpu.vector_store %arg8[%swap3A_1572], %get3A_1385 {strides = array<i32>} : memref<51200xf32, #tpu.memory_space<vmem>>, vector<16xf32>,
        %scan3A_1574 = arith.constant 6 : i32
        %scan3A_1575 = arith.addi %scan3A_1539, %scan3A_1574 : i32
        %mul3A_1576 = arith.constant 16 : i32
        %mul3A_1577 = arith.muli %scan3A_1575, %mul3A_1576 : i32
        %swap3A_1578 = arith.index_cast %mul3A_1577 : i32 to index
        %swap3A_1579 = tpu.vector_load %arg8[%swap3A_1578] {strides = array<i32>} : memref<51200xf32, #tpu.memory_space<vmem>>, vector<16xf32>,
        tpu.vector_store %arg8[%swap3A_1578], %get3A_1385 {strides = array<i32>} : memref<51200xf32, #tpu.memory_space<vmem>>, vector<16xf32>,
        %scan3A_1580 = arith.constant 7 : i32
        %scan3A_1581 = arith.addi %scan3A_1539, %scan3A_1580 : i32
        %mul3A_1582 = arith.constant 16 : i32
        %mul3A_1583 = arith.muli %scan3A_1581, %mul3A_1582 : i32
        %swap3A_1584 = arith.index_cast %mul3A_1583 : i32 to index
        %swap3A_1585 = tpu.vector_load %arg8[%swap3A_1584] {strides = array<i32>} : memref<51200xf32, #tpu.memory_space<vmem>>, vector<16xf32>,
        tpu.vector_store %arg8[%swap3A_1584], %get3A_1385 {strides = array<i32>} : memref<51200xf32, #tpu.memory_space<vmem>>, vector<16xf32>,
      }
      %scan3A_1538 = arith.constant 3144 : i32
    }
    %dma_wait3A_1411 = arith.constant 3 : i32
    %dma_wait3A_1412 = arith.constant 3 : i32
    %dma_wait3A_1413 = arith.constant 0 : i32
    %dma_wait3A_1414 = arith.constant 0 : i32
    %dma_wait3A_1415 = arith.constant 0 : i32
    %dma_wait3A_1416 = tpu.memref_slice %arg9[%dma_wait3A_1411, %dma_wait3A_1413, %dma_wait3A_1414, %dma_wait3A_1415] : memref<4x4x8x128xi32, #tpu.memory_space<vmem>> -> memref<1x4x8x128xi32, #tpu.memory_space<vmem>>
    %dma_wait3A_1417 = tpu.memref_squeeze %dma_wait3A_1416 : memref<1x4x8x128xi32, #tpu.memory_space<vmem>> -> memref<4x8x128xi32, #tpu.memory_space<vmem>>
    %dma_wait3A_1418 = arith.constant 0 : i32
    %dma_wait3A_1419 = arith.constant 0 : i32
    %dma_wait3A_1420 = tpu.memref_slice %arg3[%mul3A_1226, %dma_wait3A_1418, %dma_wait3A_1419] : memref<1024x8x128xi32, #tpu.memory_space<hbm>> -> memref<4x8x128xi32, #tpu.memory_space<hbm>>
    %dma_wait3A_1421 = tpu.memref_slice %arg15[%dma_wait3A_1412] : memref<4x!tpu.dma_semaphore, #tpu.memory_space<semaphore_mem>> -> memref<1x!tpu.dma_semaphore, #tpu.memory_space<semaphore_mem>>
    %dma_wait3A_1422 = tpu.memref_squeeze %dma_wait3A_1421 : memref<1x!tpu.dma_semaphore, #tpu.memory_space<semaphore_mem>> -> memref<!tpu.dma_semaphore, #tpu.memory_space<semaphore_mem>>
    %dma_wait3A_1423 = arith.constant 0 : i32
    %dma_wait3A_1424 = arith.constant 0 : i32
    %dma_wait3A_1425 = arith.constant 0 : i32
    %dma_wait3A_1426 = tpu.memref_slice %arg9[%dma_wait3A_1411, %dma_wait3A_1423, %dma_wait3A_1424, %dma_wait3A_1425] : memref<4x4x8x128xi32, #tpu.memory_space<vmem>> -> memref<1x4x8x128xi32, #tpu.memory_space<vmem>>
    %dma_wait3A_1427 = tpu.memref_squeeze %dma_wait3A_1426 : memref<1x4x8x128xi32, #tpu.memory_space<vmem>> -> memref<4x8x128xi32, #tpu.memory_space<vmem>>
    %dma_wait3A_1428 = arith.constant 0 : i32
    %dma_wait3A_1429 = arith.constant 0 : i32
    %dma_wait3A_1430 = tpu.memref_slice %arg3[%mul3A_1226, %dma_wait3A_1428, %dma_wait3A_1429] : memref<1024x8x128xi32, #tpu.memory_space<hbm>> -> memref<4x8x128xi32, #tpu.memory_space<hbm>>
    tpu.wait_dma2 semaphore(%dma_wait3A_1422 : memref<!tpu.dma_semaphore, #tpu.memory_space<semaphore_mem>>) src(%dma_wait3A_1430 : memref<4x8x128xi32, #tpu.memory_space<hbm>>) dst(%dma_wait3A_1427 : memref<4x8x128xi32, #tpu.memory_space<vmem>>)
    %dma_wait3A_1431 = arith.constant 1 : i32
    %dma_wait3A_1432 = arith.constant 1 : i32
    %dma_wait3A_1433 = arith.constant 0 : i32
    %dma_wait3A_1434 = arith.constant 0 : i32
    %dma_wait3A_1435 = arith.constant 0 : i32
    %dma_wait3A_1436 = tpu.memref_slice %arg10[%dma_wait3A_1431, %dma_wait3A_1433, %dma_wait3A_1434, %dma_wait3A_1435] : memref<2x4x8x128xf32, #tpu.memory_space<vmem>> -> memref<1x4x8x128xf32, #tpu.memory_space<vmem>>
    %dma_wait3A_1437 = tpu.memref_squeeze %dma_wait3A_1436 : memref<1x4x8x128xf32, #tpu.memory_space<vmem>> -> memref<4x8x128xf32, #tpu.memory_space<vmem>>
    %dma_wait3A_1438 = arith.constant 0 : i32
    %dma_wait3A_1439 = arith.constant 0 : i32
    %dma_wait3A_1440 = tpu.memref_slice %arg2[%mul3A_1252, %dma_wait3A_1438, %dma_wait3A_1439] : memref<1024x8x128xf32, #tpu.memory_space<hbm>> -> memref<4x8x128xf32, #tpu.memory_space<hbm>>
    %dma_wait3A_1441 = tpu.memref_slice %arg16[%dma_wait3A_1432] : memref<2x!tpu.dma_semaphore, #tpu.memory_space<semaphore_mem>> -> memref<1x!tpu.dma_semaphore, #tpu.memory_space<semaphore_mem>>
    %dma_wait3A_1442 = tpu.memref_squeeze %dma_wait3A_1441 : memref<1x!tpu.dma_semaphore, #tpu.memory_space<semaphore_mem>> -> memref<!tpu.dma_semaphore, #tpu.memory_space<semaphore_mem>>
    %dma_wait3A_1443 = arith.constant 0 : i32
    %dma_wait3A_1444 = arith.constant 0 : i32
    %dma_wait3A_1445 = arith.constant 0 : i32
    %dma_wait3A_1446 = tpu.memref_slice %arg10[%dma_wait3A_1431, %dma_wait3A_1443, %dma_wait3A_1444, %dma_wait3A_1445] : memref<2x4x8x128xf32, #tpu.memory_space<vmem>> -> memref<1x4x8x128xf32, #tpu.memory_space<vmem>>
    %dma_wait3A_1447 = tpu.memref_squeeze %dma_wait3A_1446 : memref<1x4x8x128xf32, #tpu.memory_space<vmem>> -> memref<4x8x128xf32, #tpu.memory_space<vmem>>
    %dma_wait3A_1448 = arith.constant 0 : i32
    %dma_wait3A_1449 = arith.constant 0 : i32
    %dma_wait3A_1450 = tpu.memref_slice %arg2[%mul3A_1252, %dma_wait3A_1448, %dma_wait3A_1449] : memref<1024x8x128xf32, #tpu.memory_space<hbm>> -> memref<4x8x128xf32, #tpu.memory_space<hbm>>
    tpu.wait_dma2 semaphore(%dma_wait3A_1442 : memref<!tpu.dma_semaphore, #tpu.memory_space<semaphore_mem>>) src(%dma_wait3A_1450 : memref<4x8x128xf32, #tpu.memory_space<hbm>>) dst(%dma_wait3A_1447 : memref<4x8x128xf32, #tpu.memory_space<vmem>>)
    %scan3A_1451 = arith.constant 0 : i32
    %scan3A_1452 = arith.constant 256 : i32
    %scan3A_1453 = arith.addi %scan3A_1451, %scan3A_1452 : i32
    %scan3A_1454 = arith.constant 8 : i32
    scf.for %scan3A_1534 = %scan3A_1451 to %scan3A_1453 step %scan3A_1454  : i32 {
      %shift_right_arithmetic3A_1535 = arith.constant 6 : i32
      %shift_right_arithmetic3A_1536 = arith.shrsi %scan3A_1534, %shift_right_arithmetic3A_1535 : i32
      %shift_right_arithmetic3A_1537 = arith.constant 3 : i32
      %shift_right_arithmetic3A_1538 = arith.shrsi %scan3A_1534, %shift_right_arithmetic3A_1537 : i32
      %and3A_1539 = arith.constant 7 : i32
      %and3A_1540 = arith.andi %shift_right_arithmetic3A_1538, %and3A_1539 : i32
      %and3A_1541 = arith.constant 7 : i32
      %and3A_1542 = arith.andi %scan3A_1534, %and3A_1541 : i32
      %mul3A_1543 = arith.constant 16 : i32
      %mul3A_1544 = arith.muli %and3A_1542, %mul3A_1543 : i32
      %get3A_1545 = arith.constant 3 : i32
      %get3A_1546 = arith.index_cast %get3A_1545 : i32 to index
      %get3A_1547 = arith.index_cast %shift_right_arithmetic3A_1536 : i32 to index
      %get3A_1548 = arith.index_cast %and3A_1540 : i32 to index
      %get3A_1549 = arith.index_cast %mul3A_1544 : i32 to index
      %get3A_1550 = tpu.vector_load %arg9[%get3A_1546, %get3A_1547, %get3A_1548, %get3A_1549] {strides = array<i32>} : memref<4x4x8x128xi32, #tpu.memory_space<vmem>>, vector<16xi32>,
      %get3A_1551 = arith.constant 1 : i32
      %get3A_1552 = arith.index_cast %get3A_1551 : i32 to index
      %get3A_1553 = arith.index_cast %shift_right_arithmetic3A_1536 : i32 to index
      %get3A_1554 = arith.index_cast %and3A_1540 : i32 to index
      %get3A_1555 = arith.index_cast %mul3A_1544 : i32 to index
      %get3A_1556 = tpu.vector_load %arg10[%get3A_1552, %get3A_1553, %get3A_1554, %get3A_1555] {strides = array<i32>} : memref<2x4x8x128xf32, #tpu.memory_space<vmem>>, vector<16xf32>,
      tpu.vector_store_idx %arg8[%get3A_1550], %get3A_1556 : memref<51200xf32, #tpu.memory_space<vmem>>[vector<16xi32>], vector<16xf32>,
      %scan3A_1557 = arith.constant 1 : i32
      %scan3A_1558 = arith.addi %scan3A_1534, %scan3A_1557 : i32
      %shift_right_arithmetic3A_1559 = arith.constant 6 : i32
      %shift_right_arithmetic3A_1560 = arith.shrsi %scan3A_1558, %shift_right_arithmetic3A_1559 : i32
      %shift_right_arithmetic3A_1561 = arith.constant 3 : i32
      %shift_right_arithmetic3A_1562 = arith.shrsi %scan3A_1558, %shift_right_arithmetic3A_1561 : i32
      %and3A_1563 = arith.constant 7 : i32
      %and3A_1564 = arith.andi %shift_right_arithmetic3A_1562, %and3A_1563 : i32
      %and3A_1565 = arith.constant 7 : i32
      %and3A_1566 = arith.andi %scan3A_1558, %and3A_1565 : i32
      %mul3A_1567 = arith.constant 16 : i32
      %mul3A_1568 = arith.muli %and3A_1566, %mul3A_1567 : i32
      %get3A_1569 = arith.constant 3 : i32
      %get3A_1570 = arith.index_cast %get3A_1569 : i32 to index
      %get3A_1571 = arith.index_cast %shift_right_arithmetic3A_1560 : i32 to index
      %get3A_1572 = arith.index_cast %and3A_1564 : i32 to index
      %get3A_1573 = arith.index_cast %mul3A_1568 : i32 to index
      %get3A_1574 = tpu.vector_load %arg9[%get3A_1570, %get3A_1571, %get3A_1572, %get3A_1573] {strides = array<i32>} : memref<4x4x8x128xi32, #tpu.memory_space<vmem>>, vector<16xi32>,
      %get3A_1575 = arith.constant 1 : i32
      %get3A_1576 = arith.index_cast %get3A_1575 : i32 to index
      %get3A_1577 = arith.index_cast %shift_right_arithmetic3A_1560 : i32 to index
      %get3A_1578 = arith.index_cast %and3A_1564 : i32 to index
      %get3A_1579 = arith.index_cast %mul3A_1568 : i32 to index
      %get3A_1580 = tpu.vector_load %arg10[%get3A_1576, %get3A_1577, %get3A_1578, %get3A_1579] {strides = array<i32>} : memref<2x4x8x128xf32, #tpu.memory_space<vmem>>, vector<16xf32>,
      tpu.vector_store_idx %arg8[%get3A_1574], %get3A_1580 : memref<51200xf32, #tpu.memory_space<vmem>>[vector<16xi32>], vector<16xf32>,
      %scan3A_1581 = arith.constant 2 : i32
      %scan3A_1582 = arith.addi %scan3A_1534, %scan3A_1581 : i32
      %shift_right_arithmetic3A_1583 = arith.constant 6 : i32
      %shift_right_arithmetic3A_1584 = arith.shrsi %scan3A_1582, %shift_right_arithmetic3A_1583 : i32
      %shift_right_arithmetic3A_1585 = arith.constant 3 : i32
      %shift_right_arithmetic3A_1586 = arith.shrsi %scan3A_1582, %shift_right_arithmetic3A_1585 : i32
      %and3A_1587 = arith.constant 7 : i32
      %and3A_1588 = arith.andi %shift_right_arithmetic3A_1586, %and3A_1587 : i32
      %and3A_1589 = arith.constant 7 : i32
      %and3A_1590 = arith.andi %scan3A_1582, %and3A_1589 : i32
      %mul3A_1591 = arith.constant 16 : i32
      %mul3A_1592 = arith.muli %and3A_1590, %mul3A_1591 : i32
      %get3A_1593 = arith.constant 3 : i32
      %get3A_1594 = arith.index_cast %get3A_1593 : i32 to index
      %get3A_1595 = arith.index_cast %shift_right_arithmetic3A_1584 : i32 to index
      %get3A_1596 = arith.index_cast %and3A_1588 : i32 to index
      %get3A_1597 = arith.index_cast %mul3A_1592 : i32 to index
      %get3A_1598 = tpu.vector_load %arg9[%get3A_1594, %get3A_1595, %get3A_1596, %get3A_1597] {strides = array<i32>} : memref<4x4x8x128xi32, #tpu.memory_space<vmem>>, vector<16xi32>,
      %get3A_1599 = arith.constant 1 : i32
      %get3A_1600 = arith.index_cast %get3A_1599 : i32 to index
      %get3A_1601 = arith.index_cast %shift_right_arithmetic3A_1584 : i32 to index
      %get3A_1602 = arith.index_cast %and3A_1588 : i32 to index
      %get3A_1603 = arith.index_cast %mul3A_1592 : i32 to index
      %get3A_1604 = tpu.vector_load %arg10[%get3A_1600, %get3A_1601, %get3A_1602, %get3A_1603] {strides = array<i32>} : memref<2x4x8x128xf32, #tpu.memory_space<vmem>>, vector<16xf32>,
      tpu.vector_store_idx %arg8[%get3A_1598], %get3A_1604 : memref<51200xf32, #tpu.memory_space<vmem>>[vector<16xi32>], vector<16xf32>,
      %scan3A_1605 = arith.constant 3 : i32
      %scan3A_1606 = arith.addi %scan3A_1534, %scan3A_1605 : i32
      %shift_right_arithmetic3A_1607 = arith.constant 6 : i32
      %shift_right_arithmetic3A_1608 = arith.shrsi %scan3A_1606, %shift_right_arithmetic3A_1607 : i32
      %shift_right_arithmetic3A_1609 = arith.constant 3 : i32
      %shift_right_arithmetic3A_1610 = arith.shrsi %scan3A_1606, %shift_right_arithmetic3A_1609 : i32
      %and3A_1611 = arith.constant 7 : i32
      %and3A_1612 = arith.andi %shift_right_arithmetic3A_1610, %and3A_1611 : i32
      %and3A_1613 = arith.constant 7 : i32
      %and3A_1614 = arith.andi %scan3A_1606, %and3A_1613 : i32
      %mul3A_1615 = arith.constant 16 : i32
      %mul3A_1616 = arith.muli %and3A_1614, %mul3A_1615 : i32
      %get3A_1617 = arith.constant 3 : i32
      %get3A_1618 = arith.index_cast %get3A_1617 : i32 to index
      %get3A_1619 = arith.index_cast %shift_right_arithmetic3A_1608 : i32 to index
      %get3A_1620 = arith.index_cast %and3A_1612 : i32 to index
      %get3A_1621 = arith.index_cast %mul3A_1616 : i32 to index
      %get3A_1622 = tpu.vector_load %arg9[%get3A_1618, %get3A_1619, %get3A_1620, %get3A_1621] {strides = array<i32>} : memref<4x4x8x128xi32, #tpu.memory_space<vmem>>, vector<16xi32>,
      %get3A_1623 = arith.constant 1 : i32
      %get3A_1624 = arith.index_cast %get3A_1623 : i32 to index
      %get3A_1625 = arith.index_cast %shift_right_arithmetic3A_1608 : i32 to index
      %get3A_1626 = arith.index_cast %and3A_1612 : i32 to index
      %get3A_1627 = arith.index_cast %mul3A_1616 : i32 to index
      %get3A_1628 = tpu.vector_load %arg10[%get3A_1624, %get3A_1625, %get3A_1626, %get3A_1627] {strides = array<i32>} : memref<2x4x8x128xf32, #tpu.memory_space<vmem>>, vector<16xf32>,
      tpu.vector_store_idx %arg8[%get3A_1622], %get3A_1628 : memref<51200xf32, #tpu.memory_space<vmem>>[vector<16xi32>], vector<16xf32>,
      %scan3A_1629 = arith.constant 4 : i32
      %scan3A_1630 = arith.addi %scan3A_1534, %scan3A_1629 : i32
      %shift_right_arithmetic3A_1631 = arith.constant 6 : i32
      %shift_right_arithmetic3A_1632 = arith.shrsi %scan3A_1630, %shift_right_arithmetic3A_1631 : i32
      %shift_right_arithmetic3A_1633 = arith.constant 3 : i32
      %shift_right_arithmetic3A_1634 = arith.shrsi %scan3A_1630, %shift_right_arithmetic3A_1633 : i32
      %and3A_1635 = arith.constant 7 : i32
      %and3A_1636 = arith.andi %shift_right_arithmetic3A_1634, %and3A_1635 : i32
      %and3A_1637 = arith.constant 7 : i32
      %and3A_1638 = arith.andi %scan3A_1630, %and3A_1637 : i32
      %mul3A_1639 = arith.constant 16 : i32
      %mul3A_1640 = arith.muli %and3A_1638, %mul3A_1639 : i32
      %get3A_1641 = arith.constant 3 : i32
      %get3A_1642 = arith.index_cast %get3A_1641 : i32 to index
      %get3A_1643 = arith.index_cast %shift_right_arithmetic3A_1632 : i32 to index
      %get3A_1644 = arith.index_cast %and3A_1636 : i32 to index
      %get3A_1645 = arith.index_cast %mul3A_1640 : i32 to index
      %get3A_1646 = tpu.vector_load %arg9[%get3A_1642, %get3A_1643, %get3A_1644, %get3A_1645] {strides = array<i32>} : memref<4x4x8x128xi32, #tpu.memory_space<vmem>>, vector<16xi32>,
      %get3A_1647 = arith.constant 1 : i32
      %get3A_1648 = arith.index_cast %get3A_1647 : i32 to index
      %get3A_1649 = arith.index_cast %shift_right_arithmetic3A_1632 : i32 to index
      %get3A_1650 = arith.index_cast %and3A_1636 : i32 to index
      %get3A_1651 = arith.index_cast %mul3A_1640 : i32 to index
      %get3A_1652 = tpu.vector_load %arg10[%get3A_1648, %get3A_1649, %get3A_1650, %get3A_1651] {strides = array<i32>} : memref<2x4x8x128xf32, #tpu.memory_space<vmem>>, vector<16xf32>,
      tpu.vector_store_idx %arg8[%get3A_1646], %get3A_1652 : memref<51200xf32, #tpu.memory_space<vmem>>[vector<16xi32>], vector<16xf32>,
      %scan3A_1653 = arith.constant 5 : i32
      %scan3A_1654 = arith.addi %scan3A_1534, %scan3A_1653 : i32
      %shift_right_arithmetic3A_1655 = arith.constant 6 : i32
      %shift_right_arithmetic3A_1656 = arith.shrsi %scan3A_1654, %shift_right_arithmetic3A_1655 : i32
      %shift_right_arithmetic3A_1657 = arith.constant 3 : i32
      %shift_right_arithmetic3A_1658 = arith.shrsi %scan3A_1654, %shift_right_arithmetic3A_1657 : i32
      %and3A_1659 = arith.constant 7 : i32
      %and3A_1660 = arith.andi %shift_right_arithmetic3A_1658, %and3A_1659 : i32
      %and3A_1661 = arith.constant 7 : i32
      %and3A_1662 = arith.andi %scan3A_1654, %and3A_1661 : i32
      %mul3A_1663 = arith.constant 16 : i32
      %mul3A_1664 = arith.muli %and3A_1662, %mul3A_1663 : i32
      %get3A_1665 = arith.constant 3 : i32
      %get3A_1666 = arith.index_cast %get3A_1665 : i32 to index
      %get3A_1667 = arith.index_cast %shift_right_arithmetic3A_1656 : i32 to index
      %get3A_1668 = arith.index_cast %and3A_1660 : i32 to index
      %get3A_1669 = arith.index_cast %mul3A_1664 : i32 to index
      %get3A_1670 = tpu.vector_load %arg9[%get3A_1666, %get3A_1667, %get3A_1668, %get3A_1669] {strides = array<i32>} : memref<4x4x8x128xi32, #tpu.memory_space<vmem>>, vector<16xi32>,
      %get3A_1671 = arith.constant 1 : i32
      %get3A_1672 = arith.index_cast %get3A_1671 : i32 to index
      %get3A_1673 = arith.index_cast %shift_right_arithmetic3A_1656 : i32 to index
      %get3A_1674 = arith.index_cast %and3A_1660 : i32 to index
      %get3A_1675 = arith.index_cast %mul3A_1664 : i32 to index
      %get3A_1676 = tpu.vector_load %arg10[%get3A_1672, %get3A_1673, %get3A_1674, %get3A_1675] {strides = array<i32>} : memref<2x4x8x128xf32, #tpu.memory_space<vmem>>, vector<16xf32>,
      tpu.vector_store_idx %arg8[%get3A_1670], %get3A_1676 : memref<51200xf32, #tpu.memory_space<vmem>>[vector<16xi32>], vector<16xf32>,
      %scan3A_1677 = arith.constant 6 : i32
      %scan3A_1678 = arith.addi %scan3A_1534, %scan3A_1677 : i32
      %shift_right_arithmetic3A_1679 = arith.constant 6 : i32
      %shift_right_arithmetic3A_1680 = arith.shrsi %scan3A_1678, %shift_right_arithmetic3A_1679 : i32
      %shift_right_arithmetic3A_1681 = arith.constant 3 : i32
      %shift_right_arithmetic3A_1682 = arith.shrsi %scan3A_1678, %shift_right_arithmetic3A_1681 : i32
      %and3A_1683 = arith.constant 7 : i32
      %and3A_1684 = arith.andi %shift_right_arithmetic3A_1682, %and3A_1683 : i32
      %and3A_1685 = arith.constant 7 : i32
      %and3A_1686 = arith.andi %scan3A_1678, %and3A_1685 : i32
      %mul3A_1687 = arith.constant 16 : i32
      %mul3A_1688 = arith.muli %and3A_1686, %mul3A_1687 : i32
      %get3A_1689 = arith.constant 3 : i32
      %get3A_1690 = arith.index_cast %get3A_1689 : i32 to index
      %get3A_1691 = arith.index_cast %shift_right_arithmetic3A_1680 : i32 to index
      %get3A_1692 = arith.index_cast %and3A_1684 : i32 to index
      %get3A_1693 = arith.index_cast %mul3A_1688 : i32 to index
      %get3A_1694 = tpu.vector_load %arg9[%get3A_1690, %get3A_1691, %get3A_1692, %get3A_1693] {strides = array<i32>} : memref<4x4x8x128xi32, #tpu.memory_space<vmem>>, vector<16xi32>,
      %get3A_1695 = arith.constant 1 : i32
      %get3A_1696 = arith.index_cast %get3A_1695 : i32 to index
      %get3A_1697 = arith.index_cast %shift_right_arithmetic3A_1680 : i32 to index
      %get3A_1698 = arith.index_cast %and3A_1684 : i32 to index
      %get3A_1699 = arith.index_cast %mul3A_1688 : i32 to index
      %get3A_1700 = tpu.vector_load %arg10[%get3A_1696, %get3A_1697, %get3A_1698, %get3A_1699] {strides = array<i32>} : memref<2x4x8x128xf32, #tpu.memory_space<vmem>>, vector<16xf32>,
      tpu.vector_store_idx %arg8[%get3A_1694], %get3A_1700 : memref<51200xf32, #tpu.memory_space<vmem>>[vector<16xi32>], vector<16xf32>,
      %scan3A_1701 = arith.constant 7 : i32
      %scan3A_1702 = arith.addi %scan3A_1534, %scan3A_1701 : i32
      %shift_right_arithmetic3A_1703 = arith.constant 6 : i32
      %shift_right_arithmetic3A_1704 = arith.shrsi %scan3A_1702, %shift_right_arithmetic3A_1703 : i32
      %shift_right_arithmetic3A_1705 = arith.constant 3 : i32
      %shift_right_arithmetic3A_1706 = arith.shrsi %scan3A_1702, %shift_right_arithmetic3A_1705 : i32
      %and3A_1707 = arith.constant 7 : i32
      %and3A_1708 = arith.andi %shift_right_arithmetic3A_1706, %and3A_1707 : i32
      %and3A_1709 = arith.constant 7 : i32
      %and3A_1710 = arith.andi %scan3A_1702, %and3A_1709 : i32
      %mul3A_1711 = arith.constant 16 : i32
      %mul3A_1712 = arith.muli %and3A_1710, %mul3A_1711 : i32
      %get3A_1713 = arith.constant 3 : i32
      %get3A_1714 = arith.index_cast %get3A_1713 : i32 to index
      %get3A_1715 = arith.index_cast %shift_right_arithmetic3A_1704 : i32 to index
      %get3A_1716 = arith.index_cast %and3A_1708 : i32 to index
      %get3A_1717 = arith.index_cast %mul3A_1712 : i32 to index
      %get3A_1718 = tpu.vector_load %arg9[%get3A_1714, %get3A_1715, %get3A_1716, %get3A_1717] {strides = array<i32>} : memref<4x4x8x128xi32, #tpu.memory_space<vmem>>, vector<16xi32>,
      %get3A_1719 = arith.constant 1 : i32
      %get3A_1720 = arith.index_cast %get3A_1719 : i32 to index
      %get3A_1721 = arith.index_cast %shift_right_arithmetic3A_1704 : i32 to index
      %get3A_1722 = arith.index_cast %and3A_1708 : i32 to index
      %get3A_1723 = arith.index_cast %mul3A_1712 : i32 to index
      %get3A_1724 = tpu.vector_load %arg10[%get3A_1720, %get3A_1721, %get3A_1722, %get3A_1723] {strides = array<i32>} : memref<2x4x8x128xf32, #tpu.memory_space<vmem>>, vector<16xf32>,
      tpu.vector_store_idx %arg8[%get3A_1718], %get3A_1724 : memref<51200xf32, #tpu.memory_space<vmem>>[vector<16xi32>], vector<16xf32>,
    }
    %scan3A_1455 = arith.constant 256 : i32
    %dma_start3A_1456 = arith.constant 0 : i32
    %dma_start3A_1457 = tpu.memref_slice %arg8[%dma_start3A_1456] : memref<51200xf32, #tpu.memory_space<vmem>> -> memref<50176xf32, #tpu.memory_space<vmem>>
    %dma_start3A_1458 = arith.constant 0 : i32
    %dma_start3A_1459 = tpu.memref_slice %arg5[%shift_right_arithmetic3A_1379, %and3A_1381, %dma_start3A_1458] : memref<16x16x50257xf32, #tpu.memory_space<hbm>> -> memref<1x1x50176xf32, #tpu.memory_space<hbm>>
    %dma_start3A_1460 = tpu.memref_squeeze %dma_start3A_1459 : memref<1x1x50176xf32, #tpu.memory_space<hbm>> -> memref<50176xf32, #tpu.memory_space<hbm>>
    %dma_start3A_1461 = arith.constant 0 : i32
    %dma_start3A_1462 = tpu.memref_slice %arg5[%shift_right_arithmetic3A_1379, %and3A_1381, %dma_start3A_1461] : memref<16x16x50257xf32, #tpu.memory_space<hbm>> -> memref<1x1x50176xf32, #tpu.memory_space<hbm>>
    %dma_start3A_1463 = tpu.memref_squeeze %dma_start3A_1462 : memref<1x1x50176xf32, #tpu.memory_space<hbm>> -> memref<50176xf32, #tpu.memory_space<hbm>>
    %dma_start3A_1464 = arith.constant 0 : i32
    %dma_start3A_1465 = tpu.memref_slice %arg8[%dma_start3A_1464] : memref<51200xf32, #tpu.memory_space<vmem>> -> memref<50176xf32, #tpu.memory_space<vmem>>
    tpu.enqueue_dma source(%dma_start3A_1465 : memref<50176xf32, #tpu.memory_space<vmem>>) target(%dma_start3A_1463 : memref<50176xf32, #tpu.memory_space<hbm>>) target_semaphore(%arg14 : memref<!tpu.dma_semaphore, #tpu.memory_space<semaphore_mem>>)
    %get3A_1466 = arith.constant 50176 : index
    %get3A_1467 = tpu.vector_load %arg8[%get3A_1466] {strides = array<i32>} : memref<51200xf32, #tpu.memory_space<vmem>>, vector<16xf32>,
    %swap3A_1468 = arith.constant 7 : i32
    %swap3A_1469 = arith.index_cast %swap3A_1468 : i32 to index
    %swap3A_1470 = arith.constant 0 : index
    %swap3A_1471 = tpu.vector_load %arg12[%swap3A_1469, %swap3A_1470] {strides = array<i32>} : memref<8x128xf32, #tpu.memory_space<vmem>>, vector<16xf32>,
    tpu.vector_store %arg12[%swap3A_1469, %swap3A_1470], %get3A_1467 {strides = array<i32>} : memref<8x128xf32, #tpu.memory_space<vmem>>, vector<16xf32>,
    %get3A_1472 = arith.constant 50192 : index
    %get3A_1473 = tpu.vector_load %arg8[%get3A_1472] {strides = array<i32>} : memref<51200xf32, #tpu.memory_space<vmem>>, vector<16xf32>,
    %swap3A_1474 = arith.constant 7 : i32
    %swap3A_1475 = arith.index_cast %swap3A_1474 : i32 to index
    %swap3A_1476 = arith.constant 16 : index
    %swap3A_1477 = tpu.vector_load %arg12[%swap3A_1475, %swap3A_1476] {strides = array<i32>} : memref<8x128xf32, #tpu.memory_space<vmem>>, vector<16xf32>,
    tpu.vector_store %arg12[%swap3A_1475, %swap3A_1476], %get3A_1473 {strides = array<i32>} : memref<8x128xf32, #tpu.memory_space<vmem>>, vector<16xf32>,
    %get3A_1478 = arith.constant 50208 : index
    %get3A_1479 = tpu.vector_load %arg8[%get3A_1478] {strides = array<i32>} : memref<51200xf32, #tpu.memory_space<vmem>>, vector<16xf32>,
    %swap3A_1480 = arith.constant 7 : i32
    %swap3A_1481 = arith.index_cast %swap3A_1480 : i32 to index
    %swap3A_1482 = arith.constant 32 : index
    %swap3A_1483 = tpu.vector_load %arg12[%swap3A_1481, %swap3A_1482] {strides = array<i32>} : memref<8x128xf32, #tpu.memory_space<vmem>>, vector<16xf32>,
    tpu.vector_store %arg12[%swap3A_1481, %swap3A_1482], %get3A_1479 {strides = array<i32>} : memref<8x128xf32, #tpu.memory_space<vmem>>, vector<16xf32>,
    %get3A_1484 = arith.constant 50224 : index
    %get3A_1485 = tpu.vector_load %arg8[%get3A_1484] {strides = array<i32>} : memref<51200xf32, #tpu.memory_space<vmem>>, vector<16xf32>,
    %swap3A_1486 = arith.constant 7 : i32
    %swap3A_1487 = arith.index_cast %swap3A_1486 : i32 to index
    %swap3A_1488 = arith.constant 48 : index
    %swap3A_1489 = tpu.vector_load %arg12[%swap3A_1487, %swap3A_1488] {strides = array<i32>} : memref<8x128xf32, #tpu.memory_space<vmem>>, vector<16xf32>,
    tpu.vector_store %arg12[%swap3A_1487, %swap3A_1488], %get3A_1485 {strides = array<i32>} : memref<8x128xf32, #tpu.memory_space<vmem>>, vector<16xf32>,
    %get3A_1490 = arith.constant 50240 : index
    %get3A_1491 = tpu.vector_load %arg8[%get3A_1490] {strides = array<i32>} : memref<51200xf32, #tpu.memory_space<vmem>>, vector<16xf32>,
    %swap3A_1492 = arith.constant 7 : i32
    %swap3A_1493 = arith.index_cast %swap3A_1492 : i32 to index
    %swap3A_1494 = arith.constant 64 : index
    %swap3A_1495 = tpu.vector_load %arg12[%swap3A_1493, %swap3A_1494] {strides = array<i32>} : memref<8x128xf32, #tpu.memory_space<vmem>>, vector<16xf32>,
    tpu.vector_store %arg12[%swap3A_1493, %swap3A_1494], %get3A_1491 {strides = array<i32>} : memref<8x128xf32, #tpu.memory_space<vmem>>, vector<16xf32>,
    %get3A_1496 = arith.constant 50256 : index
    %get3A_1497 = tpu.vector_load %arg8[%get3A_1496] {strides = array<i32>} : memref<51200xf32, #tpu.memory_space<vmem>>, vector<16xf32>,
    %swap3A_1498 = arith.constant 7 : i32
    %swap3A_1499 = arith.index_cast %swap3A_1498 : i32 to index
    %swap3A_1500 = arith.constant 80 : index
    %swap3A_1501 = tpu.vector_load %arg12[%swap3A_1499, %swap3A_1500] {strides = array<i32>} : memref<8x128xf32, #tpu.memory_space<vmem>>, vector<16xf32>,
    tpu.vector_store %arg12[%swap3A_1499, %swap3A_1500], %get3A_1497 {strides = array<i32>} : memref<8x128xf32, #tpu.memory_space<vmem>>, vector<16xf32>,
    %get3A_1502 = arith.constant 50272 : index
    %get3A_1503 = tpu.vector_load %arg8[%get3A_1502] {strides = array<i32>} : memref<51200xf32, #tpu.memory_space<vmem>>, vector<16xf32>,
    %swap3A_1504 = arith.constant 7 : i32
    %swap3A_1505 = arith.index_cast %swap3A_1504 : i32 to index
    %swap3A_1506 = arith.constant 96 : index
    %swap3A_1507 = tpu.vector_load %arg12[%swap3A_1505, %swap3A_1506] {strides = array<i32>} : memref<8x128xf32, #tpu.memory_space<vmem>>, vector<16xf32>,
    tpu.vector_store %arg12[%swap3A_1505, %swap3A_1506], %get3A_1503 {strides = array<i32>} : memref<8x128xf32, #tpu.memory_space<vmem>>, vector<16xf32>,
    %get3A_1508 = arith.constant 50288 : index
    %get3A_1509 = tpu.vector_load %arg8[%get3A_1508] {strides = array<i32>} : memref<51200xf32, #tpu.memory_space<vmem>>, vector<16xf32>,
    %swap3A_1510 = arith.constant 7 : i32
    %swap3A_1511 = arith.index_cast %swap3A_1510 : i32 to index
    %swap3A_1512 = arith.constant 112 : index
    %swap3A_1513 = tpu.vector_load %arg12[%swap3A_1511, %swap3A_1512] {strides = array<i32>} : memref<8x128xf32, #tpu.memory_space<vmem>>, vector<16xf32>,
    tpu.vector_store %arg12[%swap3A_1511, %swap3A_1512], %get3A_1509 {strides = array<i32>} : memref<8x128xf32, #tpu.memory_space<vmem>>, vector<16xf32>,
    "tpu.region"() ({
      %run_scoped3A = tpu.sem_alloc : memref<!tpu.dma_semaphore, #tpu.memory_space<semaphore_mem>>
      %dma_start3A_1534 = arith.constant 0 : i32
      %dma_start3A_1535 = arith.constant 0 : i32
      %dma_start3A_1536 = tpu.memref_slice %arg6[%add3A, %dma_start3A_1534, %dma_start3A_1535] : memref<32x8x128xf32, #tpu.memory_space<hbm>> -> memref<1x8x128xf32, #tpu.memory_space<hbm>>
      %dma_start3A_1537 = tpu.memref_squeeze %dma_start3A_1536 : memref<1x8x128xf32, #tpu.memory_space<hbm>> -> memref<8x128xf32, #tpu.memory_space<hbm>>
      %dma_start3A_1538 = arith.constant 0 : i32
      %dma_start3A_1539 = arith.constant 0 : i32
      %dma_start3A_1540 = tpu.memref_slice %arg6[%add3A, %dma_start3A_1538, %dma_start3A_1539] : memref<32x8x128xf32, #tpu.memory_space<hbm>> -> memref<1x8x128xf32, #tpu.memory_space<hbm>>
      %dma_start3A_1541 = tpu.memref_squeeze %dma_start3A_1540 : memref<1x8x128xf32, #tpu.memory_space<hbm>> -> memref<8x128xf32, #tpu.memory_space<hbm>>
      tpu.enqueue_dma source(%arg12 : memref<8x128xf32, #tpu.memory_space<vmem>>) target(%dma_start3A_1541 : memref<8x128xf32, #tpu.memory_space<hbm>>) target_semaphore(%run_scoped3A : memref<!tpu.dma_semaphore, #tpu.memory_space<semaphore_mem>>)
      %dma_wait3A_1542 = arith.constant 0 : i32
      %dma_wait3A_1543 = arith.constant 0 : i32
      %dma_wait3A_1544 = tpu.memref_slice %arg6[%add3A, %dma_wait3A_1542, %dma_wait3A_1543] : memref<32x8x128xf32, #tpu.memory_space<hbm>> -> memref<1x8x128xf32, #tpu.memory_space<hbm>>
      %dma_wait3A_1545 = tpu.memref_squeeze %dma_wait3A_1544 : memref<1x8x128xf32, #tpu.memory_space<hbm>> -> memref<8x128xf32, #tpu.memory_space<hbm>>
      %dma_wait3A_1546 = arith.constant 0 : i32
      %dma_wait3A_1547 = arith.constant 0 : i32
      %dma_wait3A_1548 = tpu.memref_slice %arg6[%add3A, %dma_wait3A_1546, %dma_wait3A_1547] : memref<32x8x128xf32, #tpu.memory_space<hbm>> -> memref<1x8x128xf32, #tpu.memory_space<hbm>>
      %dma_wait3A_1549 = tpu.memref_squeeze %dma_wait3A_1548 : memref<1x8x128xf32, #tpu.memory_space<hbm>> -> memref<8x128xf32, #tpu.memory_space<hbm>>
      tpu.wait_dma2 semaphore(%run_scoped3A : memref<!tpu.dma_semaphore, #tpu.memory_space<semaphore_mem>>) src(%arg12 : memref<8x128xf32, #tpu.memory_space<vmem>>) dst(%dma_wait3A_1549 : memref<8x128xf32, #tpu.memory_space<hbm>>)
      tpu.yield
    }) : () -> ()
    %dma_wait3A_1514 = arith.constant 0 : i32
    %dma_wait3A_1515 = tpu.memref_slice %arg7[%dma_wait3A_1514] : memref<51200xf32, #tpu.memory_space<vmem>> -> memref<50176xf32, #tpu.memory_space<vmem>>
    %dma_wait3A_1516 = arith.constant 0 : i32
    %dma_wait3A_1517 = tpu.memref_slice %arg5[%shift_right_arithmetic3A_1189, %and3A_1191, %dma_wait3A_1516] : memref<16x16x50257xf32, #tpu.memory_space<hbm>> -> memref<1x1x50176xf32, #tpu.memory_space<hbm>>
    %dma_wait3A_1518 = tpu.memref_squeeze %dma_wait3A_1517 : memref<1x1x50176xf32, #tpu.memory_space<hbm>> -> memref<50176xf32, #tpu.memory_space<hbm>>
    %dma_wait3A_1519 = arith.constant 0 : i32
    %dma_wait3A_1520 = tpu.memref_slice %arg5[%shift_right_arithmetic3A_1189, %and3A_1191, %dma_wait3A_1519] : memref<16x16x50257xf32, #tpu.memory_space<hbm>> -> memref<1x1x50176xf32, #tpu.memory_space<hbm>>
    %dma_wait3A_1521 = tpu.memref_squeeze %dma_wait3A_1520 : memref<1x1x50176xf32, #tpu.memory_space<hbm>> -> memref<50176xf32, #tpu.memory_space<hbm>>
    %dma_wait3A_1522 = arith.constant 0 : i32
    %dma_wait3A_1523 = tpu.memref_slice %arg7[%dma_wait3A_1522] : memref<51200xf32, #tpu.memory_space<vmem>> -> memref<50176xf32, #tpu.memory_space<vmem>>
    tpu.wait_dma2 semaphore(%arg13 : memref<!tpu.dma_semaphore, #tpu.memory_space<semaphore_mem>>) src(%dma_wait3A_1523 : memref<50176xf32, #tpu.memory_space<vmem>>) dst(%dma_wait3A_1521 : memref<50176xf32, #tpu.memory_space<hbm>>)
    %dma_wait3A_1524 = arith.constant 0 : i32
    %dma_wait3A_1525 = tpu.memref_slice %arg8[%dma_wait3A_1524] : memref<51200xf32, #tpu.memory_space<vmem>> -> memref<50176xf32, #tpu.memory_space<vmem>>
    %dma_wait3A_1526 = arith.constant 0 : i32
    %dma_wait3A_1527 = tpu.memref_slice %arg5[%shift_right_arithmetic3A_1379, %and3A_1381, %dma_wait3A_1526] : memref<16x16x50257xf32, #tpu.memory_space<hbm>> -> memref<1x1x50176xf32, #tpu.memory_space<hbm>>
    %dma_wait3A_1528 = tpu.memref_squeeze %dma_wait3A_1527 : memref<1x1x50176xf32, #tpu.memory_space<hbm>> -> memref<50176xf32, #tpu.memory_space<hbm>>
    %dma_wait3A_1529 = arith.constant 0 : i32
    %dma_wait3A_1530 = tpu.memref_slice %arg5[%shift_right_arithmetic3A_1379, %and3A_1381, %dma_wait3A_1529] : memref<16x16x50257xf32, #tpu.memory_space<hbm>> -> memref<1x1x50176xf32, #tpu.memory_space<hbm>>
    %dma_wait3A_1531 = tpu.memref_squeeze %dma_wait3A_1530 : memref<1x1x50176xf32, #tpu.memory_space<hbm>> -> memref<50176xf32, #tpu.memory_space<hbm>>
    %dma_wait3A_1532 = arith.constant 0 : i32
    %dma_wait3A_1533 = tpu.memref_slice %arg8[%dma_wait3A_1532] : memref<51200xf32, #tpu.memory_space<vmem>> -> memref<50176xf32, #tpu.memory_space<vmem>>
    tpu.wait_dma2 semaphore(%arg14 : memref<!tpu.dma_semaphore, #tpu.memory_space<semaphore_mem>>) src(%dma_wait3A_1533 : memref<50176xf32, #tpu.memory_space<vmem>>) dst(%dma_wait3A_1531 : memref<50176xf32, #tpu.memory_space<hbm>>)
    return
  }
}

module attributes {stable_mosaic.version = 14 : i64} {
  func.func @_merge_body(%arg0: i32, %arg1: memref<16x16x128xf32, #tpu.memory_space<vmem>>, %arg2: memref<16x16x128xf32, #tpu.memory_space<vmem>>, %arg3: memref<16x16x128xf32, #tpu.memory_space<vmem>>) attributes {dimension_semantics = [#tpu.dimension_semantics<arbitrary>], iteration_bounds = array<i64: 1>, scalar_prefetch = 0 : i64, scratch_operands = 0 : i64, tpu.core_type = #tpu.core_type<tc>, window_params = [{transform_indices = @transform_0, window_bounds = array<i64: 16, 16, 128>}, {pipeline_mode = #tpu.pipeline_mode<synchronous>, transform_indices = @transform_1, window_bounds = array<i64: 16, 16, 128>}, {transform_indices = @transform_2, window_bounds = array<i64: 16, 16, 128>}]} {
    %get3A = arith.constant 0 : index
    %get3A_0 = arith.constant 0 : index
    %get3A_1 = arith.constant 0 : index
    %get3A_2 = vector.load %arg2[%get3A, %get3A_0, %get3A_1] : memref<16x16x128xf32, #tpu.memory_space<vmem>>, vector<16x16x128xf32>
    %swap3A = arith.constant 0 : index
    %swap3A_3 = arith.constant 0 : index
    %swap3A_4 = arith.constant 0 : index
    %swap3A_5 = vector.load %arg3[%swap3A, %swap3A_3, %swap3A_4] : memref<16x16x128xf32, #tpu.memory_space<vmem>>, vector<16x16x128xf32>
    tpu.vector_store %arg3[%swap3A, %swap3A_3, %swap3A_4], %get3A_2 {strides = array<i32>} : memref<16x16x128xf32, #tpu.memory_space<vmem>>, vector<16x16x128xf32>,
    return
  }
  func.func @transform_0(%arg0: i32) -> (i32, i32, i32) {
    %c0_i32 = arith.constant 0 : i32
    %c0_i32_0 = arith.constant 0 : i32
    %c392_i32 = arith.constant 392 : i32
    %c0_i32_1 = arith.constant 0 : i32
    return %c0_i32, %c0_i32_0, %c392_i32 : i32, i32, i32
  }
  func.func @transform_1(%arg0: i32) -> (i32, i32, i32) {
    %c0_i32 = arith.constant 0 : i32
    %c0_i32_0 = arith.constant 0 : i32
    %c0_i32_1 = arith.constant 0 : i32
    %c0_i32_2 = arith.constant 0 : i32
    return %c0_i32, %c0_i32_0, %c0_i32_1 : i32, i32, i32
  }
  func.func @transform_2(%arg0: i32) -> (i32, i32, i32) {
    %c0_i32 = arith.constant 0 : i32
    %c0_i32_0 = arith.constant 0 : i32
    %c392_i32 = arith.constant 392 : i32
    %c0_i32_1 = arith.constant 0 : i32
    return %c0_i32, %c0_i32_0, %c392_i32 : i32, i32, i32
  }
}

module attributes {stable_mosaic.version = 14 : i64} {
  func.func @_prep_body(%arg0: memref<16x16x4096xf32, #tpu.memory_space<vmem>>, %arg1: memref<16x16x4096xi32, #tpu.memory_space<vmem>>, %arg2: memref<1024x8x128xf32, #tpu.memory_space<vmem>>, %arg3: memref<1024x8x128xi32, #tpu.memory_space<vmem>>, %arg4: memref<32x8x128xf32, #tpu.memory_space<vmem>>) attributes {dimension_semantics = [], scalar_prefetch = 0 : i64, scratch_operands = 0 : i64, tpu.core_type = #tpu.core_type<tc>} {
    %get3A = arith.constant 0 : index
    %get3A_0 = arith.constant 0 : index
    %get3A_1 = arith.constant 0 : index
    %get3A_2 = vector.load %arg0[%get3A, %get3A_0, %get3A_1] : memref<16x16x4096xf32, #tpu.memory_space<vmem>>, vector<16x16x4096xf32>
    %add3A = arith.constant 9.999940e-41 : f32
    %add3A_3 = vector.broadcast %add3A : f32 to vector<16x16x4096xf32>
    %add3A_4 = arith.addf %get3A_2, %add3A_3 : vector<16x16x4096xf32>
    %log3A = math.log %add3A_4 : vector<16x16x4096xf32>
    %reshape3A = vector.shape_cast %log3A : vector<16x16x4096xf32> to vector<1024x8x128xf32>
    %swap3A = arith.constant 0 : index
    %swap3A_5 = arith.constant 0 : index
    %swap3A_6 = arith.constant 0 : index
    %swap3A_7 = vector.load %arg2[%swap3A, %swap3A_5, %swap3A_6] : memref<1024x8x128xf32, #tpu.memory_space<vmem>>, vector<1024x8x128xf32>
    tpu.vector_store %arg2[%swap3A, %swap3A_5, %swap3A_6], %reshape3A {strides = array<i32>} : memref<1024x8x128xf32, #tpu.memory_space<vmem>>, vector<1024x8x128xf32>,
    %get3A_8 = arith.constant 0 : index
    %get3A_9 = arith.constant 0 : index
    %get3A_10 = arith.constant 0 : index
    %get3A_11 = vector.load %arg1[%get3A_8, %get3A_9, %get3A_10] : memref<16x16x4096xi32, #tpu.memory_space<vmem>>, vector<16x16x4096xi32>
    %reshape3A_12 = vector.shape_cast %get3A_11 : vector<16x16x4096xi32> to vector<1024x8x128xi32>
    %swap3A_13 = arith.constant 0 : index
    %swap3A_14 = arith.constant 0 : index
    %swap3A_15 = arith.constant 0 : index
    %swap3A_16 = vector.load %arg3[%swap3A_13, %swap3A_14, %swap3A_15] : memref<1024x8x128xi32, #tpu.memory_space<vmem>>, vector<1024x8x128xi32>
    tpu.vector_store %arg3[%swap3A_13, %swap3A_14, %swap3A_15], %reshape3A_12 {strides = array<i32>} : memref<1024x8x128xi32, #tpu.memory_space<vmem>>, vector<1024x8x128xi32>,
    %reduce_sum3A = arith.constant dense<0.000000e+00> : vector<16x16xf32>
    %reduce_sum3A_17 = vector.multi_reduction <add>, %get3A_2, %reduce_sum3A [2] : vector<16x16x4096xf32> to vector<16x16xf32>
    %sub3A = arith.constant 1.000000e+00 : f32
    %sub3A_18 = vector.broadcast %sub3A : f32 to vector<16x16xf32>
    %sub3A_19 = arith.subf %sub3A_18, %reduce_sum3A_17 : vector<16x16xf32>
    %jit3A = arith.constant 9.999940e-41 : f32
    %jit3A_20 = arith.constant 1.000000e+00 : f32
    %max3A = vector.broadcast %jit3A : f32 to vector<16x16xf32>
    %max3A_21 = arith.maximumf %max3A, %sub3A_19 : vector<16x16xf32>
    %min3A = vector.broadcast %jit3A_20 : f32 to vector<16x16xf32>
    %min3A_22 = arith.minimumf %min3A, %max3A_21 : vector<16x16xf32>
    %div3A = arith.constant 4.616100e+04 : f32
    %div3A_23 = vector.broadcast %div3A : f32 to vector<16x16xf32>
    %div3A_24 = arith.divf %min3A_22, %div3A_23 : vector<16x16xf32>
    %log3A_25 = math.log %div3A_24 : vector<16x16xf32>
    %reshape3A_26 = vector.shape_cast %log3A_25 : vector<16x16xf32> to vector<256xf32>
    %broadcast_in_dim3A = vector.shape_cast %reshape3A_26 : vector<256xf32> to vector<256x1xf32>
    %broadcast_in_dim3A_27 = vector.shape_cast %broadcast_in_dim3A : vector<256x1xf32> to vector<256x1xf32>
    %broadcast_in_dim3A_28 = vector.broadcast %broadcast_in_dim3A_27 : vector<256x1xf32> to vector<256x128xf32>
    %reshape3A_29 = vector.shape_cast %broadcast_in_dim3A_28 : vector<256x128xf32> to vector<32x8x128xf32>
    %swap3A_30 = arith.constant 0 : index
    %swap3A_31 = arith.constant 0 : index
    %swap3A_32 = arith.constant 0 : index
    %swap3A_33 = vector.load %arg4[%swap3A_30, %swap3A_31, %swap3A_32] : memref<32x8x128xf32, #tpu.memory_space<vmem>>, vector<32x8x128xf32>
    tpu.vector_store %arg4[%swap3A_30, %swap3A_31, %swap3A_32], %reshape3A_29 {strides = array<i32>} : memref<32x8x128xf32, #tpu.memory_space<vmem>>, vector<32x8x128xf32>,
    return
  }
}

</mosaic_0001>

<sc_bundles>
// kernel: kernel.5.cloned.1.call-start
scs
__scs_entry_jumppad:
0x0: {  	(pc) =	sbr.rel $0x88, $3  }
0x1: {  	(tag) =	ssettag $0x0;
	lr =	simm.s32 $0x1  }
0x2: {  	[smem:$0x3F9F] =	sst lr;
	_ =	strace $0xD0000000  }
0x3: {  	_ = 	snop  }
0x4: {  	_ = 	snop  }
0x5: {  	_ = 	snop  }
0x6: {  	_ = 	snop  }
0x7: {  	_ = 	snop  }
__scs_overlays_trampoline_lowered:
0x8: {  	[smem:$0x3FAE] =	sst s0  }
0x9: {  	[smem:$0x3FAF] =	sst s1  }
0xa: {  	[smem:$0x3FB0] =	sst s2  }
0xb: {  	[smem:$0x3FB1] =	sst s3  }
0xc: {  	[smem:$0x3FB2] =	sst s4  }
0xd: {  	[smem:$0x3FB3] =	sst s5  }
0xe: {  	[smem:$0x3FB4] =	sst s6  }
0xf: {  	[smem:$0x3FB5] =	sst s7  }
0x10: {  	[smem:$0x3FB6] =	sst s8  }
0x11: {  	[smem:$0x3FB7] =	sst s9;
	s0 =	simm.s32 @!p0 $0x0  }
0x12: {  	s1 =	sld [smem:$0x3F9D];
	s0 =	simm.s32 @p0 $0x1  }
0x13: {  	[smem:$0x3FB8] =	sst s0;
	s0 =	simm.s32 @!p1 $0x0  }
0x14: {  	s2 =	sld [smem:$0x3F9C];
	s0 =	simm.s32 @p1 $0x1  }
0x15: {  	[smem:$0x3FB9] =	sst s0;
	s0 =	simm.s32 @!p2 $0x0  }
0x16: {  	s3 =	sld [smem:$0x3FDB];
	s0 =	simm.s32 @p2 $0x1  }
0x17: {  	s4 =	simm.s32 $0x1BF5;
	[smem:$0x3FBB] =	sst s0  }
0x18: {  	s0 =	sld [smem:$0x3F9E];
	_ =	swait.ge [sflag:s4], $0x0  }
0x19: {  	s7 =	sld [smem:$0x3F9F]  }
0x1a: {  	s8 =	sadd.s32 $0xFFFFE003, lr  }
0x1b: {  	s9 =	sadd.s32 $0xFFFFFEF7, lr;
	s5 =	simm.s32 $0xFFFFFFFF;
	p2 =	slt.u32 s8, $0xFFFFF086  }
0x1c: {  	p1 =	slt.u32 s9, $0xF7A;
	s5 =	simm.s32 @!p2 $0x0  }
0x1d: {  	s5 =	simm.s32 @p1 $0x1;
	p0 =	seq.s32 s7, s2  }
0x1e: {  	s7 =	smul.u32 @!p0 $0xF7A, s2;
	p2 =	seq.s32 @!p0 s5, $0x0  }
0x1f: {  	s9 =	smul.u32 $0xF7A, s1;
	s8 =	simm.s32 @!p0 $0x1BF5;
	p2 =	por !p2, p0  }
0x20: {  	[sflag:s8] =	ssyncset.s32 @!p0 $0xFFFFF086;
	s6 =	sadd.s32 @!p0 s3, s7;
	s7 =	simm.s32 @!p0 $0x108  }
0x21: {  	s3 =	sadd.s32 s3, s9;
	s6 =	sadd.s32 @!p0 $0x88, s6;
	s7 =	simm.s32 @p2 $0x1082  }
0x22: {  	[simem:s7], [sflag:s8] =	dma.local @!p0 [hbm:s6], $0xF7A  }
0x23: {  	s9 =	sor.u32 $0xD0000000, s2;
	s6 =	simm.s32 $0x108;
	_ =	swait.ge @!p0 [sflag:s8], $0x0  }
0x24: {  	s3 =	sadd.s32 $0x88, s3;
	s6 =	simm.s32 @!p1 $0x1082;
	[sflag:s4] =	ssyncset.s32 $0xFFFFF086  }
0x25: {  	[simem:s6], [sflag:s4] =	dma.local [hbm:s3], $0xF7A  }
0x26: {  	[smem:$0x3F9F] =	sst s1;
	(tag) =	ssettag s2;
	_ =	strace s9  }
0x27: {  	s1 =	sld [smem:$0x3FAF]  }
0x28: {  	s2 =	sld [smem:$0x3FB0]  }
0x29: {  	s4 =	sld [smem:$0x3FB2]  }
0x2a: {  	p0 =	seq.s32 s5, $0x0;
	s5 =	sld [smem:$0x3FB3]  }
0x2b: {  	s6 =	sld [smem:$0x3FB4]  }
0x2c: {  	s7 =	sld [smem:$0x3FB5]  }
0x2d: {  	s3 =	simm.s32 $0x108;
	s8 =	sld [smem:$0x3FB6]  }
0x2e: {  	s3 =	simm.s32 @!p0 $0x1082;
	s9 =	sld [smem:$0x3FB7]  }
0x2f: {  	lr =	sadd.s32 s0, s3;
	s0 =	sld [smem:$0x3FAE]  }
0x30: {  	s3 =	sld [smem:$0x3FB1]  }
0x31: {  	[smem:$0x3FBA] =	sst s10  }
0x32: {  	s10 =	sld [smem:$0x3FB8];
	_ =	sdelay $0x3  }
0x33: {  	p0 =	seq.s32 s10, $0x1;
	s10 =	sld [smem:$0x3FBA];
	_ =	sdelay $0x3  }
0x34: {  	[smem:$0x3FBA] =	sst s10  }
0x35: {  	s10 =	sld [smem:$0x3FB9];
	_ =	sdelay $0x3  }
0x36: {  	p1 =	seq.s32 s10, $0x1;
	s10 =	sld [smem:$0x3FBA];
	_ =	sdelay $0x3  }
0x37: {  	[smem:$0x3FBA] =	sst s10  }
0x38: {  	s10 =	sld [smem:$0x3FBB]  }
0x39: {  	_ = 	snop;
	(pc) =	sbr.ind lr, $3  }
0x3a: {  	_ = 	snop  }
0x3b: {  	_ = 	snop  }
0x3c: {  	p2 =	seq.s32 s10, $0x1;
	s10 =	sld [smem:$0x3FBA]  }
0x3d: {  	_ =	shalt  }
0x3e: {  	_ =	shalt  }
0x3f: {  	_ =	shalt  }
0x40: {  	_ =	shalt  }
0x41: {  	_ =	shalt  }
0x42: {  	_ =	shalt  }
0x43: {  	_ =	shalt  }
0x44: {  	_ =	shalt  }
0x45: {  	_ =	shalt  }
0x46: {  	_ =	shalt  }
0x47: {  	_ =	shalt  }
0x48: {  	_ =	shalt  }
0x49: {  	_ =	shalt  }
0x4a: {  	_ =	shalt  }
0x4b: {  	_ =	shalt  }
0x4c: {  	_ =	shalt  }
0x4d: {  	_ =	shalt  }
0x4e: {  	_ =	shalt  }
0x4f: {  	_ =	shalt  }
0x50: {  	_ =	shalt  }
0x51: {  	_ =	shalt  }
0x52: {  	_ =	shalt  }
0x53: {  	_ =	shalt  }
0x54: {  	_ =	shalt  }
0x55: {  	_ =	shalt  }
0x56: {  	_ =	shalt  }
0x57: {  	_ =	shalt  }
0x58: {  	_ =	shalt  }
0x59: {  	_ =	shalt  }
0x5a: {  	_ =	shalt  }
0x5b: {  	_ =	shalt  }
0x5c: {  	_ =	shalt  }
0x5d: {  	_ =	shalt  }
0x5e: {  	_ =	shalt  }
0x5f: {  	_ =	shalt  }
0x60: {  	_ =	shalt  }
0x61: {  	_ =	shalt  }
0x62: {  	_ =	shalt  }
0x63: {  	_ =	shalt  }
0x64: {  	_ =	shalt  }
0x65: {  	_ =	shalt  }
0x66: {  	_ =	shalt  }
0x67: {  	_ =	shalt  }
0x68: {  	_ =	shalt  }
0x69: {  	_ =	shalt  }
0x6a: {  	_ =	shalt  }
0x6b: {  	_ =	shalt  }
0x6c: {  	_ =	shalt  }
0x6d: {  	_ =	shalt  }
0x6e: {  	_ =	shalt  }
0x6f: {  	_ =	shalt  }
0x70: {  	_ =	shalt  }
0x71: {  	_ =	shalt  }
0x72: {  	_ =	shalt  }
0x73: {  	_ =	shalt  }
0x74: {  	_ =	shalt  }
0x75: {  	_ =	shalt  }
0x76: {  	_ =	shalt  }
0x77: {  	_ =	shalt  }
0x78: {  	_ =	shalt  }
0x79: {  	_ =	shalt  }
0x7a: {  	_ =	shalt  }
0x7b: {  	_ =	shalt  }
0x7c: {  	_ =	shalt  }
0x7d: {  	_ =	shalt  }
0x7e: {  	_ =	shalt  }
0x7f: {  	_ =	shalt  }
0x80: {  	_ =	shalt  }
0x81: {  	_ =	shalt  }
0x82: {  	_ =	shalt  }
0x83: {  	_ =	shalt  }
0x84: {  	_ =	shalt  }
0x85: {  	_ =	shalt  }
0x86: {  	_ =	shalt  }
0x87: {  	_ =	shalt  }
.Lfunc_end0:
.L_simem_size_0:
called_computation_lowered:
.L_overlay_start_0:
0x88: {  	s2 =	sld [smem:$0x3FD9]  }
0x89: {  	s3 =	sld [smem:$0x3FFE];
	_ =	sdelay $0x1  }
0x8a: {  	s1 =	srdreg.scid  }
0x8b: {  	s0 =	sand.u32 $0x1, s1  }
0x8c: {  	s17 =	sshll.u32 s0, $0xA;
	s2 =	sadd.s32 s3, s2  }
0x8d: {  	s2 =	sadd.s32 s2, s17  }
0x8e: {  	[smem:$0x3FC6] =	sst s2  }
0x8f: {  	_ = 	snop  }
0x90: {  	s2 =	sld [smem:$0x3FD0];
	(tm) =	ssettm $0x1  }
0x91: {  	s18 =	sld [smem:$0x3FFB];
	_ =	sdelay $0x3  }
0x92: {  	_ =	strace s18  }
0x93: {  	s3 =	sld [smem:$0x3FFC];
	_ =	sdelay $0x3  }
0x94: {  	_ =	strace s3  }
0x95: {  	s3 =	sld [smem:$0x3FFD];
	_ =	sdelay $0x3  }
0x96: {  	_ =	strace s3  }
0x97: {  	_ =	strace $0x8FFFFFFF  }
0x98: {  	s19 =	sld [smem:$0x3FDB];
	_ =	sdelay $0x1  }
0x99: {  	s4 =	simm.s32 $_scs_section_size  }
0x9a: {  	s5 =	simm.s32 $_size__tile_overlayer_lowered;
	s6 =	simm.s32 $_tile_overlayer_lowered  }
0x9b: {  	s22 =	simm.s32 $0x1BFF;
	s21 =	sshll.u32 s6, $0x1;
	s3 =	sadd.s32 s4, s19  }
0x9c: {  	s7 =	simm.s32 $0x0;
	s20 =	sshll.u32 s5, $0x1;
	s5 =	sadd.s32 s21, s3  }
0x9d: {  	[timem:s7], [sflag:s22] =	dma.local [hbm:s5], s20  }
0x9e: {  	_ =	swait.ge [sflag:s22], s20  }
0x9f: {  	s4 =	ssub.s32 $0x0, s20;
	[sflag:s22] =	ssyncset.done $0x0  }
0xa0: {  	[sflag:s22] =	ssyncadd.s32 s4;
	_ =	sdelay $0x1  }
0xa1: {  	s23 =	simm.s32 $0x1B8B  }
0xa2: {  	_ =	swait.ge [sflag:s23], $0x1  }
0xa3: {  	[sflag:s23] =	ssyncset.done $0x0  }
0xa4: {  	s25 =	simm.s32 $0x1B8E;
	s24 =	sld [smem:$0x3FFE];
	[sflag:s23] =	ssyncadd.s32 $0xFFFFFFFF  }
0xa5: {  	s26 =	simm.s32 $execute0_lowered;
	[smem:$0x3FD2] =	sst s25  }
0xa6: {  	s5 =	sshll.u32 s26, $0x1;
	_ =	strace $0x80000046;
	[dreg:$0x1] =	wrdreg $0xFFFFFFFF  }
0xa7: {  	s28 =	simm.s32 $_size_execute0_lowered;
	s3 =	sadd.s32 s3, s5;
	[dreg:$0x0] =	wrdreg $0x0  }
0xa8: {  	s5 =	sshll.u32 s28, $0x1;
	[dreg:$0x2] =	wrdreg s3  }
0xa9: {  	[dreg:$0x3] =	wrdreg s5  }
0xaa: {  	[dreg:$0x4] =	wrdreg $0xC0  }
0xab: {  	_ =	task [dreg:s7], $0x5FFFF  }
0xac: {  	[dreg:$0x1] =	wrdreg $0xFFFFFFFF  }
0xad: {  	[dreg:$0x0] =	wrdreg $0x60  }
0xae: {  	[dreg:$0x2] =	wrdreg s24  }
0xaf: {  	[dreg:$0x3] =	wrdreg s2  }
0xb0: {  	[dreg:$0x4] =	wrdreg $0x9  }
0xb1: {  	_ =	task.clear_ibuf [dreg:s7], $0x5FFFF;
	_ =	strace $0x90000046  }
0xb2: {  	s29 =	simm.s32 $0x9;
	_ =	strace $0x80000048  }
0xb3: {  	_ =	swait.ge [sflag:s29], $0x1  }
0xb4: {  	[sflag:s29] =	ssyncadd.s32 $0xFFFFFFFF  }
0xb5: {  	_ =	strace $0x90000048  }
0xb6: {  	_ =	sfence  }
0xb7: {  	s30 =	sld [smem:$0x0];
	_ =	sdelay $0x2  }
0xb8: {  	s31 =	sshll.u32 s1, $0xD;
	s1 =	sshrl.u32 s1, $0x2  }
0xb9: {  	s3 =	sand.u32 $0x4000, s31;
	s1 =	sadd.s32 s1, s30  }
0xba: {  	s0 =	sor.u32 s3, s0;
	s1 =	sshll.u32 s1, $0x11  }
0xbb: {  	s0 =	sor.u32 s1, s0  }
0xbc: {  	s0 =	sadd.s32 $0x8F2B, s0  }
0xbd: {  	[sflag:s0] =	ssyncadd.remote.s32 $0x1  }
0xbe: {  	_ =	sfence.sel $0xFFFF  }
0xbf: {  	[dreg:$0x0] =	wrdreg $0xFFFFFFFF;
	(pc) =	sbr.abs _section_cstart, $3  }
0xc0: {  	[dreg:$0x1] =	wrdreg $0xFFFFFFFF  }
0xc1: {  	_ =	task.clear_ibuf [dreg:s7], $0x2FFFF;
	_ =	strace $0x9FFFFFFF  }
0xc2: {  	(tm) =	ssettm $0x7FFFFFFF  }
0xc3: {  	_ =	shalt  }
tec
execute0_lowered:
.L_overlay_start_1:
0x0: {  	(tag) =	ssettag $0x1  }
0x1: {  	s0 =	rddreg [dreg:$0x0]  }
0x2: {  	s1 =	rddreg [dreg:$0x1];
	s2 =	simm.s32 $0x0;
	s3 =	srdreg.scid  }
0x3: {  	s8 =	stileid.u32;
	s31 =	simm.s32 $0x1D000;
	[smem:$0x7FF] =	sst s2  }
0x4: {  	s3 =	sand.u32 $0x1, s3;
	s4 =	sshll.u32 s8, $0x1;
	s5 =	sadd.s32 $0x1600, s0  }
0x5: {  	s9 =	sadd.s32 $0x21600, s0;
	s24 =	smul.u32 $0xC4800, s8;
	_ =	strace $0x80000047  }
0x6: {  	s4 =	sor.u32 s3, s4;
	s7 =	ssub.s32 $0x2, s3;
	p0 =	seq.s32 s3, $0x1  }
0x7: {  	s3 =	simm.s32 $0x62400;
	s6 =	sshll.u32 s4, $0x7;
	s22 =	sshrl.u32 s7, $0x1  }
0x8: {  	s4 =	sshll.u32 s4, $0xC;
	s3 =	simm.s32 @!p0 $0x0;
	s0 =	sadd.s32 s6, s0  }
0x9: {  	s10 =	ssub.s32 s7, s22;
	s25 =	sadd.s32 s9, s4;
	s26 =	sor.u32 $0x200, s4  }
0xa: {  	s11 =	sadd.s32 s5, s4;
	s3 =	sadd.s32 s3, s24;
	s13 =	sor.u32 $0x600, s4  }
0xb: {  	s18 =	sor.u32 $0x800, s4;
	s20 =	sor.u32 $0xA00, s4;
	s22 =	sor.u32 $0xC00, s4  }
0xc: {  	s24 =	sor.u32 $0xE00, s4;
	s23 =	sadd.s32 $0x41600, s0;
	[dreg:$0x4] =	wrdreg s25  }
0xd: {  	[dreg:$0x5] =	wrdreg s11;
	s6 =	sadd.s32 s9, s26;
	s7 =	sadd.s32 s5, s26  }
0xe: {  	s3 =	sshrl.u32 s3, $0x3;
	s11 =	sor.u32 $0x400, s4;
	s16 =	sadd.s32 s9, s13  }
0xf: {  	s19 =	sadd.s32 s9, s18;
	s21 =	sadd.s32 s9, s20;
	[dreg:$0x3] =	wrdreg s23  }
0x10: {  	s25 =	sadd.s32 s9, s24;
	s4 =	simm.s32 $0x1E000;
	[dreg:$0x9] =	wrdreg s16  }
0x11: {  	s8 =	sadd.s32 s1, s3;
	s12 =	sadd.s32 s9, s11;
	[dreg:$0xc] =	wrdreg s19  }
0x12: {  	s14 =	sadd.s32 s5, s11;
	s1 =	sadd.s32 s5, s13;
	[dreg:$0xe] =	wrdreg s21  }
0x13: {  	s23 =	sadd.s32 s9, s22;
	[dreg:$0x12] =	wrdreg s25;
	s25 =	smax.u32 s10, $0x1  }
0x14: {  	s3 =	simm.s32 $0x1A000;
	s9 =	simm.s32 $0x7;
	s10 =	simm.s32 $0x80  }
0x15: {  	s11 =	simm.s32 $0x400;
	s13 =	simm.s32 $0x4;
	[dreg:$0x6] =	wrdreg s12  }
0x16: {  	s16 =	simm.s32 $0x1;
	s19 =	simm.s32 $0x6;
	[dreg:$0x7] =	wrdreg s14  }
0x17: {  	s15 =	sadd.s32 $0x10, s8;
	[dreg:$0xa] =	wrdreg s1;
	s17 =	sadd.s32 $0x20, s8  }
0x18: {  	s1 =	sadd.s32 s5, s18;
	[dreg:$0x10] =	wrdreg s23;
	s26 =	sadd.s32 $0x30, s8  }
0x19: {  	s28 =	sadd.s32 $0x50, s8;
	s29 =	sadd.s32 $0x60, s8;
	[dreg:$0x8] =	wrdreg s15  }
0x1a: {  	s30 =	sadd.s32 $0x70, s8;
	s12 =	simm.s32 $0x1B000;
	[dreg:$0xb] =	wrdreg s17  }
0x1b: {  	s14 =	simm.s32 $0x8;
	s18 =	simm.s32 $0x2;
	[dreg:$0xd] =	wrdreg s1  }
0x1c: {  	s1 =	sadd.s32 s5, s20;
	[dreg:$0x14] =	wrdreg s26;
	s26 =	sadd.s32 $0x40, s8  }
0x1d: {  	s15 =	simm.s32 $0xC800;
	[dreg:$0xf] =	wrdreg s1;
	s1 =	sadd.s32 s5, s22  }
0x1e: {  	s17 =	simm.s32 $0x1C000;
	s20 =	simm.s32 $0x0;
	[dreg:$0x11] =	wrdreg s1  }
0x1f: {  	s1 =	sadd.s32 s5, s24;
	s24 =	sadd.s32 $0x42600, s0;
	s0 =	simm.s32 $0x9  }
0x20: {  	s5 =	simm.s32 $0x3;
	[dreg:$0x13] =	wrdreg s1;
	s1 =	simm.s32 $0x5  }
.LBB2_1:
0x21: {  	s21 =	rddreg [dreg:$0x3];
	s22 =	simm.s32 $0x1F000  }
0x22: {  	[tilespmem:s22], [sflag:$0x9] =	stream.linear.gather [hbm4b:s21+s2], $0x400, $0x38;
	[tilespmem:$0x1F800] =	vst v63  }
0x23: {  	_ =	swait.ge [sflag:s0], $0x400  }
0x24: {  	[sflag:s0] =	ssyncset.done $0x0  }
0x25: {  	s23 =	simm.s32 $0x19000;
	s22 =	rddreg [dreg:$0x4];
	[sflag:s0] =	ssyncadd.s32 $0xFFFFFC00  }
0x26: {  	[tilespmem:s23], [sflag:$0x3] =	stream.linear.gather [hbm4b:s22+s2], $0x1000, $0x38;
	[tilespmem:$0x1F800] =	vst v63  }
0x27: {  	s23 =	rddreg [dreg:$0x5]  }
0x28: {  	[tilespmem:s31], [sflag:$0x7] =	stream.linear.gather [hbm4b:s23+s2], $0x1000, $0x38;
	[tilespmem:$0x1F800] =	vst v63  }
0x29: {  	_ = 	snop  }
0x2a: {  	[tilespmem:s3], [sflag:$0x4] =	stream.linear.gather [hbm4b:s6+s2], $0x1000, $0x38;
	[tilespmem:$0x1F800] =	vst v63  }
0x2b: {  	_ = 	snop  }
0x2c: {  	[tilespmem:s4], [sflag:$0x8] =	stream.linear.gather [hbm4b:s7+s2], $0x1000, $0x38;
	[tilespmem:$0x1F800] =	vst v63  }
0x2d: {  	v0 =	vld [tilespmem:$0x1F000];
	_ =	sdelay $0x3  }
0x2e: {  	s21 =	simm.s32 $0x40  }
0x2f: {  	[tilespmem:s21+$0xFFFFFFC0] =	vst v0  }
0x30: {  	[tilespmem:s21+$0x30] =	vst v0  }
0x31: {  	[tilespmem:s21+$0x20] =	vst v0  }
0x32: {  	[tilespmem:s21+$0x10] =	vst v0  }
0x33: {  	[tilespmem:s21+$0x0] =	vst v0  }
0x34: {  	[tilespmem:s21+$0xFFFFFFF0] =	vst v0  }
0x35: {  	s22 =	simm.s32 $0x0;
	[tilespmem:s21+$0xFFFFFFE0] =	vst v0  }
.LBB2_2:
0x36: {  	s22 =	sadd.s32 $0x8, s22;
	[tilespmem:s21+$0xFFFFFFD0] =	vst v0;
	s21 =	sadd.s32 $0x80, s21  }
0x37: {  	[tilespmem:s21+$0xFFFFFFC0] =	vst v0;
	p0 =	slt.u32 s22, $0xC40  }
0x38: {  	[tilespmem:s21+$0x30] =	vst v0  }
.Ltmp0:
0x39: {  	[tilespmem:s21+$0x20] =	vst v0;
	(pc) =	sbr.rel @p0 .LBB2_2-.Ltmp0, $4  }
0x3a: {  	[tilespmem:s21+$0x10] =	vst v0  }
0x3b: {  	[tilespmem:s21+$0x0] =	vst v0  }
0x3c: {  	[tilespmem:s21+$0xFFFFFFF0] =	vst v0  }
0x3d: {  	[tilespmem:s21+$0xFFFFFFE0] =	vst v0  }
0x3e: {  	[tilespmem:s21+$0xFFFFFFD0] =	vst v0  }
0x3f: {  	[tilespmem:s3], [sflag:$0x4] =	stream.linear.gather [hbm4b:s6+s2], $0x1000, $0x38;
	[tilespmem:$0x1F800] =	vst v63  }
0x40: {  	_ = 	snop  }
0x41: {  	[tilespmem:s4], [sflag:$0x8] =	stream.linear.gather [hbm4b:s7+s2], $0x1000, $0x38;
	[tilespmem:$0x1F800] =	vst v63  }
0x42: {  	_ =	swait.ge [sflag:s5], $0x1000  }
0x43: {  	[sflag:s5] =	ssyncset.done $0x0  }
0x44: {  	[sflag:s5] =	ssyncadd.s32 $0xFFFFF000  }
0x45: {  	_ =	swait.ge [sflag:s9], $0x1000  }
0x46: {  	s21 =	simm.s32 $0xFFFFFFF8;
	[sflag:s9] =	ssyncset.done $0x0  }
0x47: {  	s22 =	simm.s32 $0x19040;
	s23 =	simm.s32 $0x1D040;
	[sflag:s9] =	ssyncadd.s32 $0xFFFFF000  }
.LBB2_4:
0x48: {  	v0 =	vld [tilespmem:s22+$0xFFFFFFC0];
	_ =	sdelay $0x2  }
0x49: {  	v1 =	vld [tilespmem:s23+$0xFFFFFFC0];
	_ =	sdelay $0x4  }
0x4a: {  	[tilespmem:v0+s2+$0x0] =	vst.idx.msk $0xffff, v1  }
0x4b: {  	v0 =	vld [tilespmem:s22+$0xFFFFFFD0];
	_ =	sdelay $0x2  }
0x4c: {  	v1 =	vld [tilespmem:s23+$0xFFFFFFD0];
	_ =	sdelay $0x4  }
0x4d: {  	[tilespmem:v0+s2+$0x0] =	vst.idx.msk $0xffff, v1  }
0x4e: {  	v0 =	vld [tilespmem:s22+$0xFFFFFFE0];
	_ =	sdelay $0x2  }
0x4f: {  	v1 =	vld [tilespmem:s23+$0xFFFFFFE0];
	_ =	sdelay $0x4  }
0x50: {  	[tilespmem:v0+s2+$0x0] =	vst.idx.msk $0xffff, v1  }
0x51: {  	v0 =	vld [tilespmem:s22+$0xFFFFFFF0];
	_ =	sdelay $0x2  }
0x52: {  	v1 =	vld [tilespmem:s23+$0xFFFFFFF0];
	_ =	sdelay $0x4  }
0x53: {  	[tilespmem:v0+s2+$0x0] =	vst.idx.msk $0xffff, v1  }
0x54: {  	v0 =	vld [tilespmem:s22+$0x0];
	_ =	sdelay $0x2  }
0x55: {  	v1 =	vld [tilespmem:s23+$0x0];
	_ =	sdelay $0x4  }
0x56: {  	[tilespmem:v0+s2+$0x0] =	vst.idx.msk $0xffff, v1  }
0x57: {  	v0 =	vld [tilespmem:s22+$0x10];
	_ =	sdelay $0x2  }
0x58: {  	v1 =	vld [tilespmem:s23+$0x10];
	_ =	sdelay $0x4  }
0x59: {  	[tilespmem:v0+s2+$0x0] =	vst.idx.msk $0xffff, v1  }
0x5a: {  	v0 =	vld [tilespmem:s22+$0x20];
	_ =	sdelay $0x2  }
0x5b: {  	v1 =	vld [tilespmem:s23+$0x20];
	_ =	sdelay $0x4  }
0x5c: {  	[tilespmem:v0+s2+$0x0] =	vst.idx.msk $0xffff, v1  }
0x5d: {  	v0 =	vld [tilespmem:s22+$0x30];
	_ =	sdelay $0x1  }
0x5e: {  	s21 =	sadd.s32 $0x8, s21  }
0x5f: {  	p0 =	slt.u32 s21, $0xF8;
	v1 =	vld [tilespmem:s23+$0x30]  }
.Ltmp1:
0x60: {  	_ = 	snop;
	(pc) =	sbr.rel @p0 .LBB2_4-.Ltmp1, $2  }
0x61: {  	_ =	sdelay $0x2  }
0x62: {  	s22 =	sadd.s32 $0x80, s22;
	s23 =	sadd.s32 $0x80, s23;
	[tilespmem:v0+s2+$0x0] =	vst.idx.msk $0xffff, v1  }
0x63: {  	[hbm4b:s8+s10] =	stream.strided.scatter [tilespmem:s2], [sflag:$0x1], $0xC400, s11, s10, $0x38;
	[tilespmem:$0x1F800] =	vst v63  }
0x64: {  	v0 =	vld [tilespmem:$0xC400]  }
0x65: {  	v1 =	vld [tilespmem:$0xC410]  }
0x66: {  	v2 =	vld [tilespmem:$0xC420]  }
0x67: {  	v3 =	vld [tilespmem:$0xC430]  }
0x68: {  	v4 =	vld [tilespmem:$0xC440]  }
0x69: {  	v5 =	vld [tilespmem:$0xC450];
	[tilespmem:$0x1F400] =	vst v0  }
0x6a: {  	[tilespmem:$0x1F410] =	vst v1;
	v1 =	vld [tilespmem:$0xC460]  }
0x6b: {  	[tilespmem:$0x1F420] =	vst v2;
	v2 =	vld [tilespmem:$0xC470]  }
0x6c: {  	[tilespmem:$0x1F430] =	vst v3;
	v0 =	vld [tilespmem:$0x1F080]  }
0x6d: {  	[tilespmem:$0x1F440] =	vst v4  }
0x6e: {  	[tilespmem:$0x1F450] =	vst v5  }
0x6f: {  	[tilespmem:$0x1F460] =	vst v1  }
0x70: {  	s21 =	simm.s32 $0xC840;
	[tilespmem:$0x1F470] =	vst v2  }
0x71: {  	[tilespmem:s21+$0xFFFFFFC0] =	vst v0  }
0x72: {  	[tilespmem:s21+$0x30] =	vst v0  }
0x73: {  	[tilespmem:s21+$0x20] =	vst v0  }
0x74: {  	[tilespmem:s21+$0x10] =	vst v0  }
0x75: {  	[tilespmem:s21+$0x0] =	vst v0  }
0x76: {  	[tilespmem:s21+$0xFFFFFFF0] =	vst v0  }
0x77: {  	s22 =	simm.s32 $0x0;
	[tilespmem:s21+$0xFFFFFFE0] =	vst v0  }
.LBB2_6:
0x78: {  	s22 =	sadd.s32 $0x8, s22;
	[tilespmem:s21+$0xFFFFFFD0] =	vst v0;
	s21 =	sadd.s32 $0x80, s21  }
0x79: {  	[tilespmem:s21+$0xFFFFFFC0] =	vst v0;
	p0 =	slt.u32 s22, $0xC40  }
0x7a: {  	[tilespmem:s21+$0x30] =	vst v0  }
.Ltmp2:
0x7b: {  	[tilespmem:s21+$0x20] =	vst v0;
	(pc) =	sbr.rel @p0 .LBB2_6-.Ltmp2, $4  }
0x7c: {  	[tilespmem:s21+$0x10] =	vst v0  }
0x7d: {  	[tilespmem:s21+$0x0] =	vst v0  }
0x7e: {  	[tilespmem:s21+$0xFFFFFFF0] =	vst v0  }
0x7f: {  	[tilespmem:s21+$0xFFFFFFE0] =	vst v0  }
0x80: {  	[tilespmem:s21+$0xFFFFFFD0] =	vst v0;
	s22 =	rddreg [dreg:$0x6]  }
0x81: {  	[tilespmem:s12], [sflag:$0x5] =	stream.linear.gather [hbm4b:s22+s2], $0x1000, $0x38;
	[tilespmem:$0x1F800] =	vst v63  }
0x82: {  	s23 =	rddreg [dreg:$0x7]  }
0x83: {  	[tilespmem:s31], [sflag:$0x7] =	stream.linear.gather [hbm4b:s23+s2], $0x1000, $0x38;
	[tilespmem:$0x1F800] =	vst v63  }
0x84: {  	_ =	swait.ge [sflag:s13], $0x1000  }
0x85: {  	[sflag:s13] =	ssyncset.done $0x0  }
0x86: {  	[sflag:s13] =	ssyncadd.s32 $0xFFFFF000  }
0x87: {  	_ =	swait.ge [sflag:s14], $0x1000  }
0x88: {  	s21 =	simm.s32 $0xFFFFFFF8;
	[sflag:s14] =	ssyncset.done $0x0  }
0x89: {  	s22 =	simm.s32 $0x1A070;
	s23 =	simm.s32 $0x1E070;
	[sflag:s14] =	ssyncadd.s32 $0xFFFFF000  }
.LBB2_8:
0x8a: {  	v0 =	vld [tilespmem:s22+$0xFFFFFF90];
	_ =	sdelay $0x2  }
0x8b: {  	v1 =	vld [tilespmem:s23+$0xFFFFFF90];
	_ =	sdelay $0x4  }
0x8c: {  	[tilespmem:v0+s15+$0x0] =	vst.idx.msk $0xffff, v1  }
0x8d: {  	v0 =	vld [tilespmem:s22+$0xFFFFFFA0];
	_ =	sdelay $0x2  }
0x8e: {  	v1 =	vld [tilespmem:s23+$0xFFFFFFA0];
	_ =	sdelay $0x4  }
0x8f: {  	[tilespmem:v0+s15+$0x0] =	vst.idx.msk $0xffff, v1  }
0x90: {  	v0 =	vld [tilespmem:s22+$0xFFFFFFB0];
	_ =	sdelay $0x2  }
0x91: {  	v1 =	vld [tilespmem:s23+$0xFFFFFFB0];
	_ =	sdelay $0x4  }
0x92: {  	[tilespmem:v0+s15+$0x0] =	vst.idx.msk $0xffff, v1  }
0x93: {  	v0 =	vld [tilespmem:s22+$0xFFFFFFC0];
	_ =	sdelay $0x2  }
0x94: {  	v1 =	vld [tilespmem:s23+$0xFFFFFFC0];
	_ =	sdelay $0x4  }
0x95: {  	[tilespmem:v0+s15+$0x0] =	vst.idx.msk $0xffff, v1  }
0x96: {  	v0 =	vld [tilespmem:s22+$0xFFFFFFD0];
	_ =	sdelay $0x2  }
0x97: {  	v1 =	vld [tilespmem:s23+$0xFFFFFFD0];
	_ =	sdelay $0x4  }
0x98: {  	[tilespmem:v0+s15+$0x0] =	vst.idx.msk $0xffff, v1  }
0x99: {  	v0 =	vld [tilespmem:s22+$0xFFFFFFE0];
	_ =	sdelay $0x2  }
0x9a: {  	v1 =	vld [tilespmem:s23+$0xFFFFFFE0];
	_ =	sdelay $0x4  }
0x9b: {  	[tilespmem:v0+s15+$0x0] =	vst.idx.msk $0xffff, v1  }
0x9c: {  	v0 =	vld [tilespmem:s22+$0xFFFFFFF0];
	_ =	sdelay $0x2  }
0x9d: {  	v1 =	vld [tilespmem:s23+$0xFFFFFFF0];
	_ =	sdelay $0x4  }
0x9e: {  	[tilespmem:v0+s15+$0x0] =	vst.idx.msk $0xffff, v1  }
0x9f: {  	v0 =	vld [tilespmem:s22+$0x0];
	_ =	sdelay $0x1  }
0xa0: {  	s21 =	sadd.s32 $0x8, s21  }
0xa1: {  	p0 =	slt.u32 s21, $0xF8;
	v1 =	vld [tilespmem:s23+$0x0]  }
.Ltmp3:
0xa2: {  	_ = 	snop;
	(pc) =	sbr.rel @p0 .LBB2_8-.Ltmp3, $2  }
0xa3: {  	_ =	sdelay $0x2  }
0xa4: {  	s22 =	sadd.s32 $0x80, s22;
	s23 =	sadd.s32 $0x80, s23;
	[tilespmem:v0+s15+$0x0] =	vst.idx.msk $0xffff, v1  }
0xa5: {  	s21 =	rddreg [dreg:$0x8]  }
0xa6: {  	[hbm4b:s21+s10] =	stream.strided.scatter [tilespmem:s15], [sflag:$0x2], $0xC400, s11, s10, $0x38;
	[tilespmem:$0x1F800] =	vst v63  }
0xa7: {  	v0 =	vld [tilespmem:$0x18C00]  }
0xa8: {  	v1 =	vld [tilespmem:$0x18C10]  }
0xa9: {  	v2 =	vld [tilespmem:$0x18C20]  }
0xaa: {  	v3 =	vld [tilespmem:$0x18C30]  }
0xab: {  	v4 =	vld [tilespmem:$0x18C40]  }
0xac: {  	[tilespmem:$0x1F480] =	vst v0;
	v0 =	vld [tilespmem:$0x18C50]  }
0xad: {  	[tilespmem:$0x1F490] =	vst v1;
	v1 =	vld [tilespmem:$0x18C60]  }
0xae: {  	[tilespmem:$0x1F4A0] =	vst v2;
	v2 =	vld [tilespmem:$0x18C70]  }
0xaf: {  	[tilespmem:$0x1F4B0] =	vst v3  }
0xb0: {  	[tilespmem:$0x1F4C0] =	vst v4  }
0xb1: {  	[tilespmem:$0x1F4D0] =	vst v0  }
0xb2: {  	[tilespmem:$0x1F4E0] =	vst v1  }
0xb3: {  	[tilespmem:$0x1F4F0] =	vst v2  }
0xb4: {  	v0 =	vld [tilespmem:$0x1F100];
	_ =	swait.ge [sflag:s16], $0xC400  }
0xb5: {  	[sflag:s16] =	ssyncset.done $0x0  }
0xb6: {  	[sflag:s16] =	ssyncadd.s32 $0xFFFF3C00  }
0xb7: {  	v1 =	vld [tilespmem:$0x1F000];
	_ =	sdelay $0x4  }
0xb8: {  	v1 =	vsub.f32 v0, v1;
	_ =	sdelay $0x1  }
0xb9: {  	v1 =	vand.u32 $0x7FFFFFFF, v1  }
0xba: {  	(xrf0) =	vmax.scan.msk.f32 $0xffff, v1;
	_ =	sdelay $0x5  }
0xbb: {  	v1, _, _ =	vpop (xrf0)  }
0xbc: {  	(v2sf) =	vpush v1, $0xF;
	_ =	sdelay $0xe  }
0xbd: {  	s23 =	spop (v2sf)  }
0xbe: {  	p0 =	sne.f32 s23, $0.0e+00  }
.Ltmp4:
0xbf: {  	_ = 	snop;
	(pc) =	sbr.rel @p0 .LBB2_10-.Ltmp4, $2  }
0xc0: {  	_ =	sdelay $0x2  }
0xc1: {  	s22 =	simm.s32 $0x0;
	s21 =	simm.s32 $0xFFFFFFF8  }
.LBB2_47:
0xc2: {  	s23 =	sand.u32 $0xF80, s22  }
0xc3: {  	v1 =	vld [tilespmem:s23+$0x19000];
	_ =	sdelay $0x7  }
0xc4: {  	[tilespmem:v1+s2+$0x0] =	vst.idx.msk $0xffff, v0  }
0xc5: {  	v1 =	vld [tilespmem:s23+$0x19010];
	_ =	sdelay $0x7  }
0xc6: {  	[tilespmem:v1+s2+$0x0] =	vst.idx.msk $0xffff, v0  }
0xc7: {  	v1 =	vld [tilespmem:s23+$0x19020];
	_ =	sdelay $0x7  }
0xc8: {  	[tilespmem:v1+s2+$0x0] =	vst.idx.msk $0xffff, v0  }
0xc9: {  	v1 =	vld [tilespmem:s23+$0x19030];
	_ =	sdelay $0x7  }
0xca: {  	[tilespmem:v1+s2+$0x0] =	vst.idx.msk $0xffff, v0  }
0xcb: {  	v1 =	vld [tilespmem:s23+$0x19040];
	_ =	sdelay $0x7  }
0xcc: {  	[tilespmem:v1+s2+$0x0] =	vst.idx.msk $0xffff, v0  }
0xcd: {  	v1 =	vld [tilespmem:s23+$0x19050];
	_ =	sdelay $0x7  }
0xce: {  	[tilespmem:v1+s2+$0x0] =	vst.idx.msk $0xffff, v0  }
0xcf: {  	v1 =	vld [tilespmem:s23+$0x19060];
	_ =	sdelay $0x7  }
0xd0: {  	[tilespmem:v1+s2+$0x0] =	vst.idx.msk $0xffff, v0  }
0xd1: {  	v1 =	vld [tilespmem:s23+$0x19070];
	_ =	sdelay $0x1  }
0xd2: {  	s21 =	sadd.s32 $0x8, s21  }
0xd3: {  	p0 =	slt.u32 s21, $0xF8  }
.Ltmp5:
0xd4: {  	_ = 	snop;
	(pc) =	sbr.rel @p0 .LBB2_47-.Ltmp5, $2  }
0xd5: {  	_ =	sdelay $0x2  }
0xd6: {  	s22 =	sadd.s32 $0x80, s22;
	[tilespmem:v1+s2+$0x0] =	vst.idx.msk $0xffff, v0  }
.Ltmp6:
0xd7: {  	_ = 	snop;
	(pc) =	sbr.rel .LBB2_13-.Ltmp6, $1  }
0xd8: {  	_ =	sdelay $0x3  }
.LBB2_10:
0xd9: {  	s21 =	simm.s32 $0x40  }
0xda: {  	[tilespmem:s21+$0xFFFFFFC0] =	vst v0  }
0xdb: {  	[tilespmem:s21+$0x30] =	vst v0  }
0xdc: {  	[tilespmem:s21+$0x20] =	vst v0  }
0xdd: {  	[tilespmem:s21+$0x10] =	vst v0  }
0xde: {  	[tilespmem:s21+$0x0] =	vst v0  }
0xdf: {  	[tilespmem:s21+$0xFFFFFFF0] =	vst v0  }
0xe0: {  	s22 =	simm.s32 $0x0;
	[tilespmem:s21+$0xFFFFFFE0] =	vst v0  }
.LBB2_11:
0xe1: {  	s22 =	sadd.s32 $0x8, s22;
	[tilespmem:s21+$0xFFFFFFD0] =	vst v0;
	s21 =	sadd.s32 $0x80, s21  }
0xe2: {  	[tilespmem:s21+$0xFFFFFFC0] =	vst v0;
	p0 =	slt.u32 s22, $0xC40  }
0xe3: {  	[tilespmem:s21+$0x30] =	vst v0  }
.Ltmp7:
0xe4: {  	[tilespmem:s21+$0x20] =	vst v0;
	(pc) =	sbr.rel @p0 .LBB2_11-.Ltmp7, $4  }
0xe5: {  	[tilespmem:s21+$0x10] =	vst v0  }
0xe6: {  	[tilespmem:s21+$0x0] =	vst v0  }
0xe7: {  	[tilespmem:s21+$0xFFFFFFF0] =	vst v0  }
0xe8: {  	[tilespmem:s21+$0xFFFFFFE0] =	vst v0  }
0xe9: {  	[tilespmem:s21+$0xFFFFFFD0] =	vst v0  }
.LBB2_13:
0xea: {  	s21 =	simm.s32 $0x0;
	s22 =	rddreg [dreg:$0x9]  }
0xeb: {  	[tilespmem:s17], [sflag:$0x6] =	stream.linear.gather [hbm4b:s22+s21], $0x1000, $0x38;
	[tilespmem:$0x1F800] =	vst v63  }
0xec: {  	s23 =	rddreg [dreg:$0xa]  }
0xed: {  	[tilespmem:s4], [sflag:$0x8] =	stream.linear.gather [hbm4b:s23+s21], $0x1000, $0x38;
	[tilespmem:$0x1F800] =	vst v63  }
0xee: {  	_ =	swait.ge [sflag:s1], $0x1000  }
0xef: {  	[sflag:s1] =	ssyncset.done $0x0  }
0xf0: {  	[sflag:s1] =	ssyncadd.s32 $0xFFFFF000  }
0xf1: {  	_ =	swait.ge [sflag:s9], $0x1000  }
0xf2: {  	[sflag:s9] =	ssyncset.done $0x0  }
0xf3: {  	s22 =	simm.s32 $0xFFFFFFF8;
	[sflag:s9] =	ssyncadd.s32 $0xFFFFF000  }
.LBB2_14:
0xf4: {  	s23 =	sand.u32 $0xF80, s21  }
0xf5: {  	v0 =	vld [tilespmem:s23+$0x1B000];
	_ =	sdelay $0x2  }
0xf6: {  	v1 =	vld [tilespmem:s23+$0x1D000];
	_ =	sdelay $0x4  }
0xf7: {  	[tilespmem:v0+s2+$0x0] =	vst.idx.msk $0xffff, v1  }
0xf8: {  	v0 =	vld [tilespmem:s23+$0x1B010];
	_ =	sdelay $0x2  }
0xf9: {  	v1 =	vld [tilespmem:s23+$0x1D010];
	_ =	sdelay $0x4  }
0xfa: {  	[tilespmem:v0+s2+$0x0] =	vst.idx.msk $0xffff, v1  }
0xfb: {  	v0 =	vld [tilespmem:s23+$0x1B020];
	_ =	sdelay $0x2  }
0xfc: {  	v1 =	vld [tilespmem:s23+$0x1D020];
	_ =	sdelay $0x4  }
0xfd: {  	[tilespmem:v0+s2+$0x0] =	vst.idx.msk $0xffff, v1  }
0xfe: {  	v0 =	vld [tilespmem:s23+$0x1B030];
	_ =	sdelay $0x2  }
0xff: {  	v1 =	vld [tilespmem:s23+$0x1D030];
	_ =	sdelay $0x4  }
0x100: {  	[tilespmem:v0+s2+$0x0] =	vst.idx.msk $0xffff, v1  }
0x101: {  	v0 =	vld [tilespmem:s23+$0x1B040];
	_ =	sdelay $0x2  }
0x102: {  	v1 =	vld [tilespmem:s23+$0x1D040];
	_ =	sdelay $0x4  }
0x103: {  	[tilespmem:v0+s2+$0x0] =	vst.idx.msk $0xffff, v1  }
0x104: {  	v0 =	vld [tilespmem:s23+$0x1B050];
	_ =	sdelay $0x2  }
0x105: {  	v1 =	vld [tilespmem:s23+$0x1D050];
	_ =	sdelay $0x4  }
0x106: {  	[tilespmem:v0+s2+$0x0] =	vst.idx.msk $0xffff, v1  }
0x107: {  	v0 =	vld [tilespmem:s23+$0x1B060];
	_ =	sdelay $0x2  }
0x108: {  	v1 =	vld [tilespmem:s23+$0x1D060];
	_ =	sdelay $0x4  }
0x109: {  	[tilespmem:v0+s2+$0x0] =	vst.idx.msk $0xffff, v1  }
0x10a: {  	v0 =	vld [tilespmem:s23+$0x1B070];
	_ =	sdelay $0x1  }
0x10b: {  	s22 =	sadd.s32 $0x8, s22  }
0x10c: {  	p0 =	slt.u32 s22, $0xF8;
	v1 =	vld [tilespmem:s23+$0x1D070]  }
.Ltmp8:
0x10d: {  	_ = 	snop;
	(pc) =	sbr.rel @p0 .LBB2_14-.Ltmp8, $2  }
0x10e: {  	_ =	sdelay $0x2  }
0x10f: {  	s21 =	sadd.s32 $0x80, s21;
	[tilespmem:v0+s2+$0x0] =	vst.idx.msk $0xffff, v1  }
0x110: {  	s21 =	simm.s32 $0x0;
	s22 =	rddreg [dreg:$0xb]  }
0x111: {  	[hbm4b:s22+s10] =	stream.strided.scatter [tilespmem:s21], [sflag:$0x1], $0xC400, s11, s10, $0x38;
	[tilespmem:$0x1F800] =	vst v63  }
0x112: {  	v0 =	vld [tilespmem:$0xC400]  }
0x113: {  	v1 =	vld [tilespmem:$0xC410]  }
0x114: {  	v2 =	vld [tilespmem:$0xC420]  }
0x115: {  	v3 =	vld [tilespmem:$0xC430]  }
0x116: {  	v4 =	vld [tilespmem:$0xC440]  }
0x117: {  	[tilespmem:$0x1F500] =	vst v0;
	v0 =	vld [tilespmem:$0xC450]  }
0x118: {  	[tilespmem:$0x1F510] =	vst v1;
	v1 =	vld [tilespmem:$0xC460]  }
0x119: {  	[tilespmem:$0x1F520] =	vst v2;
	v2 =	vld [tilespmem:$0xC470]  }
0x11a: {  	[tilespmem:$0x1F530] =	vst v3  }
0x11b: {  	[tilespmem:$0x1F540] =	vst v4  }
0x11c: {  	[tilespmem:$0x1F550] =	vst v0  }
0x11d: {  	[tilespmem:$0x1F560] =	vst v1  }
0x11e: {  	[tilespmem:$0x1F570] =	vst v2  }
0x11f: {  	v0 =	vld [tilespmem:$0x1F180];
	_ =	swait.ge [sflag:s18], $0xC400  }
0x120: {  	[sflag:s18] =	ssyncset.done $0x0  }
0x121: {  	[sflag:s18] =	ssyncadd.s32 $0xFFFF3C00  }
0x122: {  	v1 =	vld [tilespmem:$0x1F080];
	_ =	sdelay $0x4  }
0x123: {  	v1 =	vsub.f32 v0, v1;
	_ =	sdelay $0x1  }
0x124: {  	v1 =	vand.u32 $0x7FFFFFFF, v1  }
0x125: {  	(xrf0) =	vmax.scan.msk.f32 $0xffff, v1;
	_ =	sdelay $0x5  }
0x126: {  	v1, _, _ =	vpop (xrf0)  }
0x127: {  	(v2sf) =	vpush v1, $0xF;
	_ =	sdelay $0xe  }
0x128: {  	s23 =	spop (v2sf)  }
0x129: {  	p0 =	sne.f32 s23, $0.0e+00  }
.Ltmp9:
0x12a: {  	_ = 	snop;
	(pc) =	sbr.rel @p0 .LBB2_16-.Ltmp9, $2  }
0x12b: {  	_ =	sdelay $0x2  }
0x12c: {  	s22 =	simm.s32 $0xFFFFFFF8  }
.LBB2_48:
0x12d: {  	s23 =	sand.u32 $0xF80, s21  }
0x12e: {  	v1 =	vld [tilespmem:s23+$0x1A000];
	_ =	sdelay $0x7  }
0x12f: {  	[tilespmem:v1+s15+$0x0] =	vst.idx.msk $0xffff, v0  }
0x130: {  	v1 =	vld [tilespmem:s23+$0x1A010];
	_ =	sdelay $0x7  }
0x131: {  	[tilespmem:v1+s15+$0x0] =	vst.idx.msk $0xffff, v0  }
0x132: {  	v1 =	vld [tilespmem:s23+$0x1A020];
	_ =	sdelay $0x7  }
0x133: {  	[tilespmem:v1+s15+$0x0] =	vst.idx.msk $0xffff, v0  }
0x134: {  	v1 =	vld [tilespmem:s23+$0x1A030];
	_ =	sdelay $0x7  }
0x135: {  	[tilespmem:v1+s15+$0x0] =	vst.idx.msk $0xffff, v0  }
0x136: {  	v1 =	vld [tilespmem:s23+$0x1A040];
	_ =	sdelay $0x7  }
0x137: {  	[tilespmem:v1+s15+$0x0] =	vst.idx.msk $0xffff, v0  }
0x138: {  	v1 =	vld [tilespmem:s23+$0x1A050];
	_ =	sdelay $0x7  }
0x139: {  	[tilespmem:v1+s15+$0x0] =	vst.idx.msk $0xffff, v0  }
0x13a: {  	v1 =	vld [tilespmem:s23+$0x1A060];
	_ =	sdelay $0x7  }
0x13b: {  	[tilespmem:v1+s15+$0x0] =	vst.idx.msk $0xffff, v0  }
0x13c: {  	v1 =	vld [tilespmem:s23+$0x1A070];
	_ =	sdelay $0x1  }
0x13d: {  	s22 =	sadd.s32 $0x8, s22  }
0x13e: {  	p0 =	slt.u32 s22, $0xF8  }
.Ltmp10:
0x13f: {  	_ = 	snop;
	(pc) =	sbr.rel @p0 .LBB2_48-.Ltmp10, $2  }
0x140: {  	_ =	sdelay $0x2  }
0x141: {  	s21 =	sadd.s32 $0x80, s21;
	[tilespmem:v1+s15+$0x0] =	vst.idx.msk $0xffff, v0  }
.Ltmp11:
0x142: {  	_ = 	snop;
	(pc) =	sbr.rel .LBB2_19-.Ltmp11, $1  }
0x143: {  	_ =	sdelay $0x3  }
.LBB2_16:
0x144: {  	s21 =	simm.s32 $0xC840  }
0x145: {  	[tilespmem:s21+$0xFFFFFFC0] =	vst v0  }
0x146: {  	[tilespmem:s21+$0x30] =	vst v0  }
0x147: {  	[tilespmem:s21+$0x20] =	vst v0  }
0x148: {  	[tilespmem:s21+$0x10] =	vst v0  }
0x149: {  	[tilespmem:s21+$0x0] =	vst v0  }
0x14a: {  	[tilespmem:s21+$0xFFFFFFF0] =	vst v0  }
0x14b: {  	s22 =	simm.s32 $0x0;
	[tilespmem:s21+$0xFFFFFFE0] =	vst v0  }
.LBB2_17:
0x14c: {  	s22 =	sadd.s32 $0x8, s22;
	[tilespmem:s21+$0xFFFFFFD0] =	vst v0;
	s21 =	sadd.s32 $0x80, s21  }
0x14d: {  	[tilespmem:s21+$0xFFFFFFC0] =	vst v0;
	p0 =	slt.u32 s22, $0xC40  }
0x14e: {  	[tilespmem:s21+$0x30] =	vst v0  }
.Ltmp12:
0x14f: {  	[tilespmem:s21+$0x20] =	vst v0;
	(pc) =	sbr.rel @p0 .LBB2_17-.Ltmp12, $4  }
0x150: {  	[tilespmem:s21+$0x10] =	vst v0  }
0x151: {  	[tilespmem:s21+$0x0] =	vst v0  }
0x152: {  	[tilespmem:s21+$0xFFFFFFF0] =	vst v0  }
0x153: {  	[tilespmem:s21+$0xFFFFFFE0] =	vst v0  }
0x154: {  	[tilespmem:s21+$0xFFFFFFD0] =	vst v0  }
.LBB2_19:
0x155: {  	s21 =	simm.s32 $0x0;
	s22 =	rddreg [dreg:$0xc];
	s23 =	simm.s32 $0x19000  }
0x156: {  	[tilespmem:s23], [sflag:$0x3] =	stream.linear.gather [hbm4b:s22+s21], $0x1000, $0x38;
	[tilespmem:$0x1F800] =	vst v63  }
0x157: {  	s23 =	rddreg [dreg:$0xd]  }
0x158: {  	[tilespmem:s31], [sflag:$0x7] =	stream.linear.gather [hbm4b:s23+s21], $0x1000, $0x38;
	[tilespmem:$0x1F800] =	vst v63  }
0x159: {  	_ =	swait.ge [sflag:s19], $0x1000  }
0x15a: {  	[sflag:s19] =	ssyncset.done $0x0  }
0x15b: {  	[sflag:s19] =	ssyncadd.s32 $0xFFFFF000  }
0x15c: {  	_ =	swait.ge [sflag:s14], $0x1000  }
0x15d: {  	[sflag:s14] =	ssyncset.done $0x0  }
0x15e: {  	s22 =	simm.s32 $0xFFFFFFF8;
	[sflag:s14] =	ssyncadd.s32 $0xFFFFF000  }
.LBB2_20:
0x15f: {  	s23 =	sand.u32 $0xF80, s21  }
0x160: {  	v0 =	vld [tilespmem:s23+$0x1C000];
	_ =	sdelay $0x2  }
0x161: {  	v1 =	vld [tilespmem:s23+$0x1E000];
	_ =	sdelay $0x4  }
0x162: {  	[tilespmem:v0+s15+$0x0] =	vst.idx.msk $0xffff, v1  }
0x163: {  	v0 =	vld [tilespmem:s23+$0x1C010];
	_ =	sdelay $0x2  }
0x164: {  	v1 =	vld [tilespmem:s23+$0x1E010];
	_ =	sdelay $0x4  }
0x165: {  	[tilespmem:v0+s15+$0x0] =	vst.idx.msk $0xffff, v1  }
0x166: {  	v0 =	vld [tilespmem:s23+$0x1C020];
	_ =	sdelay $0x2  }
0x167: {  	v1 =	vld [tilespmem:s23+$0x1E020];
	_ =	sdelay $0x4  }
0x168: {  	[tilespmem:v0+s15+$0x0] =	vst.idx.msk $0xffff, v1  }
0x169: {  	v0 =	vld [tilespmem:s23+$0x1C030];
	_ =	sdelay $0x2  }
0x16a: {  	v1 =	vld [tilespmem:s23+$0x1E030];
	_ =	sdelay $0x4  }
0x16b: {  	[tilespmem:v0+s15+$0x0] =	vst.idx.msk $0xffff, v1  }
0x16c: {  	v0 =	vld [tilespmem:s23+$0x1C040];
	_ =	sdelay $0x2  }
0x16d: {  	v1 =	vld [tilespmem:s23+$0x1E040];
	_ =	sdelay $0x4  }
0x16e: {  	[tilespmem:v0+s15+$0x0] =	vst.idx.msk $0xffff, v1  }
0x16f: {  	v0 =	vld [tilespmem:s23+$0x1C050];
	_ =	sdelay $0x2  }
0x170: {  	v1 =	vld [tilespmem:s23+$0x1E050];
	_ =	sdelay $0x4  }
0x171: {  	[tilespmem:v0+s15+$0x0] =	vst.idx.msk $0xffff, v1  }
0x172: {  	v0 =	vld [tilespmem:s23+$0x1C060];
	_ =	sdelay $0x2  }
0x173: {  	v1 =	vld [tilespmem:s23+$0x1E060];
	_ =	sdelay $0x4  }
0x174: {  	[tilespmem:v0+s15+$0x0] =	vst.idx.msk $0xffff, v1  }
0x175: {  	v0 =	vld [tilespmem:s23+$0x1C070];
	_ =	sdelay $0x1  }
0x176: {  	s22 =	sadd.s32 $0x8, s22  }
0x177: {  	p0 =	slt.u32 s22, $0xF8;
	v1 =	vld [tilespmem:s23+$0x1E070]  }
.Ltmp13:
0x178: {  	_ = 	snop;
	(pc) =	sbr.rel @p0 .LBB2_20-.Ltmp13, $2  }
0x179: {  	_ =	sdelay $0x2  }
0x17a: {  	s21 =	sadd.s32 $0x80, s21;
	[tilespmem:v0+s15+$0x0] =	vst.idx.msk $0xffff, v1  }
0x17b: {  	s21 =	rddreg [dreg:$0x14]  }
0x17c: {  	[hbm4b:s21+s10] =	stream.strided.scatter [tilespmem:s15], [sflag:$0x2], $0xC400, s11, s10, $0x38;
	[tilespmem:$0x1F800] =	vst v63  }
0x17d: {  	v0 =	vld [tilespmem:$0x18C00]  }
0x17e: {  	v1 =	vld [tilespmem:$0x18C10]  }
0x17f: {  	v2 =	vld [tilespmem:$0x18C20]  }
0x180: {  	v3 =	vld [tilespmem:$0x18C30]  }
0x181: {  	v4 =	vld [tilespmem:$0x18C40]  }
0x182: {  	[tilespmem:$0x1F580] =	vst v0;
	v0 =	vld [tilespmem:$0x18C50]  }
0x183: {  	[tilespmem:$0x1F590] =	vst v1;
	v1 =	vld [tilespmem:$0x18C60]  }
0x184: {  	[tilespmem:$0x1F5A0] =	vst v2;
	v2 =	vld [tilespmem:$0x18C70]  }
0x185: {  	[tilespmem:$0x1F5B0] =	vst v3  }
0x186: {  	[tilespmem:$0x1F5C0] =	vst v4  }
0x187: {  	[tilespmem:$0x1F5D0] =	vst v0  }
0x188: {  	[tilespmem:$0x1F5E0] =	vst v1  }
0x189: {  	[tilespmem:$0x1F5F0] =	vst v2  }
0x18a: {  	v0 =	vld [tilespmem:$0x1F200];
	_ =	swait.ge [sflag:s16], $0xC400  }
0x18b: {  	[sflag:s16] =	ssyncset.done $0x0  }
0x18c: {  	[sflag:s16] =	ssyncadd.s32 $0xFFFF3C00  }
0x18d: {  	v1 =	vld [tilespmem:$0x1F100];
	_ =	sdelay $0x4  }
0x18e: {  	v1 =	vsub.f32 v0, v1;
	_ =	sdelay $0x1  }
0x18f: {  	v1 =	vand.u32 $0x7FFFFFFF, v1  }
0x190: {  	(xrf0) =	vmax.scan.msk.f32 $0xffff, v1;
	_ =	sdelay $0x5  }
0x191: {  	v1, _, _ =	vpop (xrf0)  }
0x192: {  	(v2sf) =	vpush v1, $0xF;
	_ =	sdelay $0xe  }
0x193: {  	s23 =	spop (v2sf)  }
0x194: {  	p0 =	sne.f32 s23, $0.0e+00  }
.Ltmp14:
0x195: {  	_ = 	snop;
	(pc) =	sbr.rel @p0 .LBB2_22-.Ltmp14, $2  }
0x196: {  	_ =	sdelay $0x2  }
0x197: {  	s22 =	simm.s32 $0x0;
	s21 =	simm.s32 $0xFFFFFFF8  }
.LBB2_49:
0x198: {  	s23 =	sand.u32 $0xF80, s22  }
0x199: {  	v1 =	vld [tilespmem:s23+$0x1B000];
	_ =	sdelay $0x7  }
0x19a: {  	[tilespmem:v1+s2+$0x0] =	vst.idx.msk $0xffff, v0  }
0x19b: {  	v1 =	vld [tilespmem:s23+$0x1B010];
	_ =	sdelay $0x7  }
0x19c: {  	[tilespmem:v1+s2+$0x0] =	vst.idx.msk $0xffff, v0  }
0x19d: {  	v1 =	vld [tilespmem:s23+$0x1B020];
	_ =	sdelay $0x7  }
0x19e: {  	[tilespmem:v1+s2+$0x0] =	vst.idx.msk $0xffff, v0  }
0x19f: {  	v1 =	vld [tilespmem:s23+$0x1B030];
	_ =	sdelay $0x7  }
0x1a0: {  	[tilespmem:v1+s2+$0x0] =	vst.idx.msk $0xffff, v0  }
0x1a1: {  	v1 =	vld [tilespmem:s23+$0x1B040];
	_ =	sdelay $0x7  }
0x1a2: {  	[tilespmem:v1+s2+$0x0] =	vst.idx.msk $0xffff, v0  }
0x1a3: {  	v1 =	vld [tilespmem:s23+$0x1B050];
	_ =	sdelay $0x7  }
0x1a4: {  	[tilespmem:v1+s2+$0x0] =	vst.idx.msk $0xffff, v0  }
0x1a5: {  	v1 =	vld [tilespmem:s23+$0x1B060];
	_ =	sdelay $0x7  }
0x1a6: {  	[tilespmem:v1+s2+$0x0] =	vst.idx.msk $0xffff, v0  }
0x1a7: {  	v1 =	vld [tilespmem:s23+$0x1B070];
	_ =	sdelay $0x1  }
0x1a8: {  	s21 =	sadd.s32 $0x8, s21  }
0x1a9: {  	p0 =	slt.u32 s21, $0xF8  }
.Ltmp15:
0x1aa: {  	_ = 	snop;
	(pc) =	sbr.rel @p0 .LBB2_49-.Ltmp15, $2  }
0x1ab: {  	_ =	sdelay $0x2  }
0x1ac: {  	s22 =	sadd.s32 $0x80, s22;
	[tilespmem:v1+s2+$0x0] =	vst.idx.msk $0xffff, v0  }
.Ltmp16:
0x1ad: {  	_ = 	snop;
	(pc) =	sbr.rel .LBB2_25-.Ltmp16, $1  }
0x1ae: {  	_ =	sdelay $0x3  }
.LBB2_22:
0x1af: {  	s21 =	simm.s32 $0x40  }
0x1b0: {  	[tilespmem:s21+$0xFFFFFFC0] =	vst v0  }
0x1b1: {  	[tilespmem:s21+$0x30] =	vst v0  }
0x1b2: {  	[tilespmem:s21+$0x20] =	vst v0  }
0x1b3: {  	[tilespmem:s21+$0x10] =	vst v0  }
0x1b4: {  	[tilespmem:s21+$0x0] =	vst v0  }
0x1b5: {  	[tilespmem:s21+$0xFFFFFFF0] =	vst v0  }
0x1b6: {  	s22 =	simm.s32 $0x0;
	[tilespmem:s21+$0xFFFFFFE0] =	vst v0  }
.LBB2_23:
0x1b7: {  	s22 =	sadd.s32 $0x8, s22;
	[tilespmem:s21+$0xFFFFFFD0] =	vst v0;
	s21 =	sadd.s32 $0x80, s21  }
0x1b8: {  	[tilespmem:s21+$0xFFFFFFC0] =	vst v0;
	p0 =	slt.u32 s22, $0xC40  }
0x1b9: {  	[tilespmem:s21+$0x30] =	vst v0  }
.Ltmp17:
0x1ba: {  	[tilespmem:s21+$0x20] =	vst v0;
	(pc) =	sbr.rel @p0 .LBB2_23-.Ltmp17, $4  }
0x1bb: {  	[tilespmem:s21+$0x10] =	vst v0  }
0x1bc: {  	[tilespmem:s21+$0x0] =	vst v0  }
0x1bd: {  	[tilespmem:s21+$0xFFFFFFF0] =	vst v0  }
0x1be: {  	[tilespmem:s21+$0xFFFFFFE0] =	vst v0  }
0x1bf: {  	[tilespmem:s21+$0xFFFFFFD0] =	vst v0  }
.LBB2_25:
0x1c0: {  	s21 =	rddreg [dreg:$0xe]  }
0x1c1: {  	[tilespmem:s3], [sflag:$0x4] =	stream.linear.gather [hbm4b:s21+s2], $0x1000, $0x38;
	[tilespmem:$0x1F800] =	vst v63  }
0x1c2: {  	s23 =	rddreg [dreg:$0xf]  }
0x1c3: {  	[tilespmem:s4], [sflag:$0x8] =	stream.linear.gather [hbm4b:s23+s2], $0x1000, $0x38;
	[tilespmem:$0x1F800] =	vst v63  }
0x1c4: {  	_ =	swait.ge [sflag:s5], $0x1000  }
0x1c5: {  	[sflag:s5] =	ssyncset.done $0x0  }
0x1c6: {  	[sflag:s5] =	ssyncadd.s32 $0xFFFFF000  }
0x1c7: {  	_ =	swait.ge [sflag:s9], $0x1000  }
0x1c8: {  	s22 =	simm.s32 $0x19040;
	[sflag:s9] =	ssyncset.done $0x0  }
0x1c9: {  	s21 =	simm.s32 $0xFFFFFFF8;
	s23 =	simm.s32 $0x1D040;
	[sflag:s9] =	ssyncadd.s32 $0xFFFFF000  }
.LBB2_26:
0x1ca: {  	v0 =	vld [tilespmem:s22+$0xFFFFFFC0];
	_ =	sdelay $0x2  }
0x1cb: {  	v1 =	vld [tilespmem:s23+$0xFFFFFFC0];
	_ =	sdelay $0x4  }
0x1cc: {  	[tilespmem:v0+s2+$0x0] =	vst.idx.msk $0xffff, v1  }
0x1cd: {  	v0 =	vld [tilespmem:s22+$0xFFFFFFD0];
	_ =	sdelay $0x2  }
0x1ce: {  	v1 =	vld [tilespmem:s23+$0xFFFFFFD0];
	_ =	sdelay $0x4  }
0x1cf: {  	[tilespmem:v0+s2+$0x0] =	vst.idx.msk $0xffff, v1  }
0x1d0: {  	v0 =	vld [tilespmem:s22+$0xFFFFFFE0];
	_ =	sdelay $0x2  }
0x1d1: {  	v1 =	vld [tilespmem:s23+$0xFFFFFFE0];
	_ =	sdelay $0x4  }
0x1d2: {  	[tilespmem:v0+s2+$0x0] =	vst.idx.msk $0xffff, v1  }
0x1d3: {  	v0 =	vld [tilespmem:s22+$0xFFFFFFF0];
	_ =	sdelay $0x2  }
0x1d4: {  	v1 =	vld [tilespmem:s23+$0xFFFFFFF0];
	_ =	sdelay $0x4  }
0x1d5: {  	[tilespmem:v0+s2+$0x0] =	vst.idx.msk $0xffff, v1  }
0x1d6: {  	v0 =	vld [tilespmem:s22+$0x0];
	_ =	sdelay $0x2  }
0x1d7: {  	v1 =	vld [tilespmem:s23+$0x0];
	_ =	sdelay $0x4  }
0x1d8: {  	[tilespmem:v0+s2+$0x0] =	vst.idx.msk $0xffff, v1  }
0x1d9: {  	v0 =	vld [tilespmem:s22+$0x10];
	_ =	sdelay $0x2  }
0x1da: {  	v1 =	vld [tilespmem:s23+$0x10];
	_ =	sdelay $0x4  }
0x1db: {  	[tilespmem:v0+s2+$0x0] =	vst.idx.msk $0xffff, v1  }
0x1dc: {  	v0 =	vld [tilespmem:s22+$0x20];
	_ =	sdelay $0x2  }
0x1dd: {  	v1 =	vld [tilespmem:s23+$0x20];
	_ =	sdelay $0x4  }
0x1de: {  	[tilespmem:v0+s2+$0x0] =	vst.idx.msk $0xffff, v1  }
0x1df: {  	v0 =	vld [tilespmem:s22+$0x30];
	_ =	sdelay $0x1  }
0x1e0: {  	s21 =	sadd.s32 $0x8, s21  }
0x1e1: {  	p0 =	slt.u32 s21, $0xF8;
	v1 =	vld [tilespmem:s23+$0x30]  }
.Ltmp18:
0x1e2: {  	_ = 	snop;
	(pc) =	sbr.rel @p0 .LBB2_26-.Ltmp18, $2  }
0x1e3: {  	_ =	sdelay $0x2  }
0x1e4: {  	s22 =	sadd.s32 $0x80, s22;
	s23 =	sadd.s32 $0x80, s23;
	[tilespmem:v0+s2+$0x0] =	vst.idx.msk $0xffff, v1  }
0x1e5: {  	s21 =	simm.s32 $0x0  }
0x1e6: {  	[hbm4b:s26+s10] =	stream.strided.scatter [tilespmem:s21], [sflag:$0x1], $0xC400, s11, s10, $0x38;
	[tilespmem:$0x1F800] =	vst v63  }
0x1e7: {  	v0 =	vld [tilespmem:$0xC400]  }
0x1e8: {  	v1 =	vld [tilespmem:$0xC410]  }
0x1e9: {  	v2 =	vld [tilespmem:$0xC420]  }
0x1ea: {  	v3 =	vld [tilespmem:$0xC430]  }
0x1eb: {  	v4 =	vld [tilespmem:$0xC440]  }
0x1ec: {  	[tilespmem:$0x1F600] =	vst v0;
	v0 =	vld [tilespmem:$0xC450]  }
0x1ed: {  	[tilespmem:$0x1F610] =	vst v1;
	v1 =	vld [tilespmem:$0xC460]  }
0x1ee: {  	[tilespmem:$0x1F620] =	vst v2;
	v2 =	vld [tilespmem:$0xC470]  }
0x1ef: {  	[tilespmem:$0x1F630] =	vst v3  }
0x1f0: {  	[tilespmem:$0x1F640] =	vst v4  }
0x1f1: {  	[tilespmem:$0x1F650] =	vst v0  }
0x1f2: {  	[tilespmem:$0x1F660] =	vst v1  }
0x1f3: {  	[tilespmem:$0x1F670] =	vst v2  }
0x1f4: {  	v0 =	vld [tilespmem:$0x1F280];
	_ =	swait.ge [sflag:s18], $0xC400  }
0x1f5: {  	[sflag:s18] =	ssyncset.done $0x0  }
0x1f6: {  	[sflag:s18] =	ssyncadd.s32 $0xFFFF3C00  }
0x1f7: {  	v1 =	vld [tilespmem:$0x1F180];
	_ =	sdelay $0x4  }
0x1f8: {  	v1 =	vsub.f32 v0, v1;
	_ =	sdelay $0x1  }
0x1f9: {  	v1 =	vand.u32 $0x7FFFFFFF, v1  }
0x1fa: {  	(xrf0) =	vmax.scan.msk.f32 $0xffff, v1;
	_ =	sdelay $0x5  }
0x1fb: {  	v1, _, _ =	vpop (xrf0)  }
0x1fc: {  	(v2sf) =	vpush v1, $0xF;
	_ =	sdelay $0xe  }
0x1fd: {  	s22 =	spop (v2sf)  }
0x1fe: {  	p0 =	sne.f32 s22, $0.0e+00  }
.Ltmp19:
0x1ff: {  	_ = 	snop;
	(pc) =	sbr.rel @p0 .LBB2_28-.Ltmp19, $2  }
0x200: {  	_ =	sdelay $0x2  }
0x201: {  	s22 =	simm.s32 $0xFFFFFFF8  }
.LBB2_50:
0x202: {  	s23 =	sand.u32 $0xF80, s21  }
0x203: {  	v1 =	vld [tilespmem:s23+$0x1C000];
	_ =	sdelay $0x7  }
0x204: {  	[tilespmem:v1+s15+$0x0] =	vst.idx.msk $0xffff, v0  }
0x205: {  	v1 =	vld [tilespmem:s23+$0x1C010];
	_ =	sdelay $0x7  }
0x206: {  	[tilespmem:v1+s15+$0x0] =	vst.idx.msk $0xffff, v0  }
0x207: {  	v1 =	vld [tilespmem:s23+$0x1C020];
	_ =	sdelay $0x7  }
0x208: {  	[tilespmem:v1+s15+$0x0] =	vst.idx.msk $0xffff, v0  }
0x209: {  	v1 =	vld [tilespmem:s23+$0x1C030];
	_ =	sdelay $0x7  }
0x20a: {  	[tilespmem:v1+s15+$0x0] =	vst.idx.msk $0xffff, v0  }
0x20b: {  	v1 =	vld [tilespmem:s23+$0x1C040];
	_ =	sdelay $0x7  }
0x20c: {  	[tilespmem:v1+s15+$0x0] =	vst.idx.msk $0xffff, v0  }
0x20d: {  	v1 =	vld [tilespmem:s23+$0x1C050];
	_ =	sdelay $0x7  }
0x20e: {  	[tilespmem:v1+s15+$0x0] =	vst.idx.msk $0xffff, v0  }
0x20f: {  	v1 =	vld [tilespmem:s23+$0x1C060];
	_ =	sdelay $0x7  }
0x210: {  	[tilespmem:v1+s15+$0x0] =	vst.idx.msk $0xffff, v0  }
0x211: {  	v1 =	vld [tilespmem:s23+$0x1C070];
	_ =	sdelay $0x1  }
0x212: {  	s22 =	sadd.s32 $0x8, s22  }
0x213: {  	p0 =	slt.u32 s22, $0xF8  }
.Ltmp20:
0x214: {  	_ = 	snop;
	(pc) =	sbr.rel @p0 .LBB2_50-.Ltmp20, $2  }
0x215: {  	_ =	sdelay $0x2  }
0x216: {  	s21 =	sadd.s32 $0x80, s21;
	[tilespmem:v1+s15+$0x0] =	vst.idx.msk $0xffff, v0  }
.Ltmp21:
0x217: {  	_ = 	snop;
	(pc) =	sbr.rel .LBB2_31-.Ltmp21, $1  }
0x218: {  	_ =	sdelay $0x3  }
.LBB2_28:
0x219: {  	s21 =	simm.s32 $0xC840  }
0x21a: {  	[tilespmem:s21+$0xFFFFFFC0] =	vst v0  }
0x21b: {  	[tilespmem:s21+$0x30] =	vst v0  }
0x21c: {  	[tilespmem:s21+$0x20] =	vst v0  }
0x21d: {  	[tilespmem:s21+$0x10] =	vst v0  }
0x21e: {  	[tilespmem:s21+$0x0] =	vst v0  }
0x21f: {  	[tilespmem:s21+$0xFFFFFFF0] =	vst v0  }
0x220: {  	s22 =	simm.s32 $0x0;
	[tilespmem:s21+$0xFFFFFFE0] =	vst v0  }
.LBB2_29:
0x221: {  	s22 =	sadd.s32 $0x8, s22;
	[tilespmem:s21+$0xFFFFFFD0] =	vst v0;
	s21 =	sadd.s32 $0x80, s21  }
0x222: {  	[tilespmem:s21+$0xFFFFFFC0] =	vst v0;
	p0 =	slt.u32 s22, $0xC40  }
0x223: {  	[tilespmem:s21+$0x30] =	vst v0  }
.Ltmp22:
0x224: {  	[tilespmem:s21+$0x20] =	vst v0;
	(pc) =	sbr.rel @p0 .LBB2_29-.Ltmp22, $4  }
0x225: {  	[tilespmem:s21+$0x10] =	vst v0  }
0x226: {  	[tilespmem:s21+$0x0] =	vst v0  }
0x227: {  	[tilespmem:s21+$0xFFFFFFF0] =	vst v0  }
0x228: {  	[tilespmem:s21+$0xFFFFFFE0] =	vst v0  }
0x229: {  	[tilespmem:s21+$0xFFFFFFD0] =	vst v0  }
.LBB2_31:
0x22a: {  	s21 =	rddreg [dreg:$0x10]  }
0x22b: {  	[tilespmem:s12], [sflag:$0x5] =	stream.linear.gather [hbm4b:s21+s2], $0x1000, $0x38;
	[tilespmem:$0x1F800] =	vst v63  }
0x22c: {  	s23 =	rddreg [dreg:$0x11]  }
0x22d: {  	[tilespmem:s31], [sflag:$0x7] =	stream.linear.gather [hbm4b:s23+s2], $0x1000, $0x38;
	[tilespmem:$0x1F800] =	vst v63  }
0x22e: {  	_ =	swait.ge [sflag:s13], $0x1000  }
0x22f: {  	[sflag:s13] =	ssyncset.done $0x0  }
0x230: {  	[sflag:s13] =	ssyncadd.s32 $0xFFFFF000  }
0x231: {  	_ =	swait.ge [sflag:s14], $0x1000  }
0x232: {  	s22 =	simm.s32 $0x1A070;
	[sflag:s14] =	ssyncset.done $0x0  }
0x233: {  	s21 =	simm.s32 $0xFFFFFFF8;
	s23 =	simm.s32 $0x1E070;
	[sflag:s14] =	ssyncadd.s32 $0xFFFFF000  }
.LBB2_32:
0x234: {  	v0 =	vld [tilespmem:s22+$0xFFFFFF90];
	_ =	sdelay $0x2  }
0x235: {  	v1 =	vld [tilespmem:s23+$0xFFFFFF90];
	_ =	sdelay $0x4  }
0x236: {  	[tilespmem:v0+s15+$0x0] =	vst.idx.msk $0xffff, v1  }
0x237: {  	v0 =	vld [tilespmem:s22+$0xFFFFFFA0];
	_ =	sdelay $0x2  }
0x238: {  	v1 =	vld [tilespmem:s23+$0xFFFFFFA0];
	_ =	sdelay $0x4  }
0x239: {  	[tilespmem:v0+s15+$0x0] =	vst.idx.msk $0xffff, v1  }
0x23a: {  	v0 =	vld [tilespmem:s22+$0xFFFFFFB0];
	_ =	sdelay $0x2  }
0x23b: {  	v1 =	vld [tilespmem:s23+$0xFFFFFFB0];
	_ =	sdelay $0x4  }
0x23c: {  	[tilespmem:v0+s15+$0x0] =	vst.idx.msk $0xffff, v1  }
0x23d: {  	v0 =	vld [tilespmem:s22+$0xFFFFFFC0];
	_ =	sdelay $0x2  }
0x23e: {  	v1 =	vld [tilespmem:s23+$0xFFFFFFC0];
	_ =	sdelay $0x4  }
0x23f: {  	[tilespmem:v0+s15+$0x0] =	vst.idx.msk $0xffff, v1  }
0x240: {  	v0 =	vld [tilespmem:s22+$0xFFFFFFD0];
	_ =	sdelay $0x2  }
0x241: {  	v1 =	vld [tilespmem:s23+$0xFFFFFFD0];
	_ =	sdelay $0x4  }
0x242: {  	[tilespmem:v0+s15+$0x0] =	vst.idx.msk $0xffff, v1  }
0x243: {  	v0 =	vld [tilespmem:s22+$0xFFFFFFE0];
	_ =	sdelay $0x2  }
0x244: {  	v1 =	vld [tilespmem:s23+$0xFFFFFFE0];
	_ =	sdelay $0x4  }
0x245: {  	[tilespmem:v0+s15+$0x0] =	vst.idx.msk $0xffff, v1  }
0x246: {  	v0 =	vld [tilespmem:s22+$0xFFFFFFF0];
	_ =	sdelay $0x2  }
0x247: {  	v1 =	vld [tilespmem:s23+$0xFFFFFFF0];
	_ =	sdelay $0x4  }
0x248: {  	[tilespmem:v0+s15+$0x0] =	vst.idx.msk $0xffff, v1  }
0x249: {  	v0 =	vld [tilespmem:s22+$0x0];
	_ =	sdelay $0x1  }
0x24a: {  	s21 =	sadd.s32 $0x8, s21  }
0x24b: {  	p0 =	slt.u32 s21, $0xF8;
	v1 =	vld [tilespmem:s23+$0x0]  }
.Ltmp23:
0x24c: {  	_ = 	snop;
	(pc) =	sbr.rel @p0 .LBB2_32-.Ltmp23, $2  }
0x24d: {  	_ =	sdelay $0x2  }
0x24e: {  	s22 =	sadd.s32 $0x80, s22;
	s23 =	sadd.s32 $0x80, s23;
	[tilespmem:v0+s15+$0x0] =	vst.idx.msk $0xffff, v1  }
0x24f: {  	[hbm4b:s28+s10] =	stream.strided.scatter [tilespmem:s15], [sflag:$0x2], $0xC400, s11, s10, $0x38;
	[tilespmem:$0x1F800] =	vst v63  }
0x250: {  	v0 =	vld [tilespmem:$0x18C00]  }
0x251: {  	v1 =	vld [tilespmem:$0x18C10]  }
0x252: {  	v2 =	vld [tilespmem:$0x18C20]  }
0x253: {  	v3 =	vld [tilespmem:$0x18C30]  }
0x254: {  	v4 =	vld [tilespmem:$0x18C40]  }
0x255: {  	[tilespmem:$0x1F680] =	vst v0;
	v0 =	vld [tilespmem:$0x18C50]  }
0x256: {  	[tilespmem:$0x1F690] =	vst v1;
	v1 =	vld [tilespmem:$0x18C60]  }
0x257: {  	[tilespmem:$0x1F6A0] =	vst v2;
	v2 =	vld [tilespmem:$0x18C70]  }
0x258: {  	[tilespmem:$0x1F6B0] =	vst v3  }
0x259: {  	[tilespmem:$0x1F6C0] =	vst v4  }
0x25a: {  	[tilespmem:$0x1F6D0] =	vst v0  }
0x25b: {  	[tilespmem:$0x1F6E0] =	vst v1  }
0x25c: {  	[tilespmem:$0x1F6F0] =	vst v2  }
0x25d: {  	v0 =	vld [tilespmem:$0x1F300];
	_ =	swait.ge [sflag:s16], $0xC400  }
0x25e: {  	[sflag:s16] =	ssyncset.done $0x0  }
0x25f: {  	[sflag:s16] =	ssyncadd.s32 $0xFFFF3C00  }
0x260: {  	v1 =	vld [tilespmem:$0x1F200];
	_ =	sdelay $0x4  }
0x261: {  	v1 =	vsub.f32 v0, v1;
	_ =	sdelay $0x1  }
0x262: {  	v1 =	vand.u32 $0x7FFFFFFF, v1  }
0x263: {  	(xrf0) =	vmax.scan.msk.f32 $0xffff, v1;
	_ =	sdelay $0x5  }
0x264: {  	v1, _, _ =	vpop (xrf0)  }
0x265: {  	(v2sf) =	vpush v1, $0xF;
	_ =	sdelay $0xe  }
0x266: {  	s21 =	spop (v2sf)  }
0x267: {  	p0 =	sne.f32 s21, $0.0e+00  }
.Ltmp24:
0x268: {  	_ = 	snop;
	(pc) =	sbr.rel @p0 .LBB2_34-.Ltmp24, $2  }
0x269: {  	_ =	sdelay $0x2  }
0x26a: {  	s22 =	simm.s32 $0x0;
	s21 =	simm.s32 $0xFFFFFFF8  }
.LBB2_51:
0x26b: {  	s23 =	sand.u32 $0xF80, s22  }
0x26c: {  	v1 =	vld [tilespmem:s23+$0x19000];
	_ =	sdelay $0x7  }
0x26d: {  	[tilespmem:v1+s2+$0x0] =	vst.idx.msk $0xffff, v0  }
0x26e: {  	v1 =	vld [tilespmem:s23+$0x19010];
	_ =	sdelay $0x7  }
0x26f: {  	[tilespmem:v1+s2+$0x0] =	vst.idx.msk $0xffff, v0  }
0x270: {  	v1 =	vld [tilespmem:s23+$0x19020];
	_ =	sdelay $0x7  }
0x271: {  	[tilespmem:v1+s2+$0x0] =	vst.idx.msk $0xffff, v0  }
0x272: {  	v1 =	vld [tilespmem:s23+$0x19030];
	_ =	sdelay $0x7  }
0x273: {  	[tilespmem:v1+s2+$0x0] =	vst.idx.msk $0xffff, v0  }
0x274: {  	v1 =	vld [tilespmem:s23+$0x19040];
	_ =	sdelay $0x7  }
0x275: {  	[tilespmem:v1+s2+$0x0] =	vst.idx.msk $0xffff, v0  }
0x276: {  	v1 =	vld [tilespmem:s23+$0x19050];
	_ =	sdelay $0x7  }
0x277: {  	[tilespmem:v1+s2+$0x0] =	vst.idx.msk $0xffff, v0  }
0x278: {  	v1 =	vld [tilespmem:s23+$0x19060];
	_ =	sdelay $0x7  }
0x279: {  	[tilespmem:v1+s2+$0x0] =	vst.idx.msk $0xffff, v0  }
0x27a: {  	v1 =	vld [tilespmem:s23+$0x19070];
	_ =	sdelay $0x1  }
0x27b: {  	s21 =	sadd.s32 $0x8, s21  }
0x27c: {  	p0 =	slt.u32 s21, $0xF8  }
.Ltmp25:
0x27d: {  	_ = 	snop;
	(pc) =	sbr.rel @p0 .LBB2_51-.Ltmp25, $2  }
0x27e: {  	_ =	sdelay $0x2  }
0x27f: {  	s22 =	sadd.s32 $0x80, s22;
	[tilespmem:v1+s2+$0x0] =	vst.idx.msk $0xffff, v0  }
.Ltmp26:
0x280: {  	_ = 	snop;
	(pc) =	sbr.rel .LBB2_37-.Ltmp26, $1  }
0x281: {  	_ =	sdelay $0x3  }
.LBB2_34:
0x282: {  	s21 =	simm.s32 $0x40  }
0x283: {  	[tilespmem:s21+$0xFFFFFFC0] =	vst v0  }
0x284: {  	[tilespmem:s21+$0x30] =	vst v0  }
0x285: {  	[tilespmem:s21+$0x20] =	vst v0  }
0x286: {  	[tilespmem:s21+$0x10] =	vst v0  }
0x287: {  	[tilespmem:s21+$0x0] =	vst v0  }
0x288: {  	[tilespmem:s21+$0xFFFFFFF0] =	vst v0  }
0x289: {  	s22 =	simm.s32 $0x0;
	[tilespmem:s21+$0xFFFFFFE0] =	vst v0  }
.LBB2_35:
0x28a: {  	s22 =	sadd.s32 $0x8, s22;
	[tilespmem:s21+$0xFFFFFFD0] =	vst v0;
	s21 =	sadd.s32 $0x80, s21  }
0x28b: {  	[tilespmem:s21+$0xFFFFFFC0] =	vst v0;
	p0 =	slt.u32 s22, $0xC40  }
0x28c: {  	[tilespmem:s21+$0x30] =	vst v0  }
.Ltmp27:
0x28d: {  	[tilespmem:s21+$0x20] =	vst v0;
	(pc) =	sbr.rel @p0 .LBB2_35-.Ltmp27, $4  }
0x28e: {  	[tilespmem:s21+$0x10] =	vst v0  }
0x28f: {  	[tilespmem:s21+$0x0] =	vst v0  }
0x290: {  	[tilespmem:s21+$0xFFFFFFF0] =	vst v0  }
0x291: {  	[tilespmem:s21+$0xFFFFFFE0] =	vst v0  }
0x292: {  	[tilespmem:s21+$0xFFFFFFD0] =	vst v0  }
.LBB2_37:
0x293: {  	s21 =	simm.s32 $0x0;
	s22 =	rddreg [dreg:$0x12]  }
0x294: {  	[tilespmem:s17], [sflag:$0x6] =	stream.linear.gather [hbm4b:s22+s21], $0x1000, $0x38;
	[tilespmem:$0x1F800] =	vst v63  }
0x295: {  	s23 =	rddreg [dreg:$0x13]  }
0x296: {  	[tilespmem:s4], [sflag:$0x8] =	stream.linear.gather [hbm4b:s23+s21], $0x1000, $0x38;
	[tilespmem:$0x1F800] =	vst v63  }
0x297: {  	_ =	swait.ge [sflag:s1], $0x1000  }
0x298: {  	[sflag:s1] =	ssyncset.done $0x0  }
0x299: {  	[sflag:s1] =	ssyncadd.s32 $0xFFFFF000  }
0x29a: {  	_ =	swait.ge [sflag:s9], $0x1000  }
0x29b: {  	[sflag:s9] =	ssyncset.done $0x0  }
0x29c: {  	s22 =	simm.s32 $0xFFFFFFF8;
	[sflag:s9] =	ssyncadd.s32 $0xFFFFF000  }
.LBB2_38:
0x29d: {  	s23 =	sand.u32 $0xF80, s21  }
0x29e: {  	v0 =	vld [tilespmem:s23+$0x1B000];
	_ =	sdelay $0x2  }
0x29f: {  	v1 =	vld [tilespmem:s23+$0x1D000];
	_ =	sdelay $0x4  }
0x2a0: {  	[tilespmem:v0+s2+$0x0] =	vst.idx.msk $0xffff, v1  }
0x2a1: {  	v0 =	vld [tilespmem:s23+$0x1B010];
	_ =	sdelay $0x2  }
0x2a2: {  	v1 =	vld [tilespmem:s23+$0x1D010];
	_ =	sdelay $0x4  }
0x2a3: {  	[tilespmem:v0+s2+$0x0] =	vst.idx.msk $0xffff, v1  }
0x2a4: {  	v0 =	vld [tilespmem:s23+$0x1B020];
	_ =	sdelay $0x2  }
0x2a5: {  	v1 =	vld [tilespmem:s23+$0x1D020];
	_ =	sdelay $0x4  }
0x2a6: {  	[tilespmem:v0+s2+$0x0] =	vst.idx.msk $0xffff, v1  }
0x2a7: {  	v0 =	vld [tilespmem:s23+$0x1B030];
	_ =	sdelay $0x2  }
0x2a8: {  	v1 =	vld [tilespmem:s23+$0x1D030];
	_ =	sdelay $0x4  }
0x2a9: {  	[tilespmem:v0+s2+$0x0] =	vst.idx.msk $0xffff, v1  }
0x2aa: {  	v0 =	vld [tilespmem:s23+$0x1B040];
	_ =	sdelay $0x2  }
0x2ab: {  	v1 =	vld [tilespmem:s23+$0x1D040];
	_ =	sdelay $0x4  }
0x2ac: {  	[tilespmem:v0+s2+$0x0] =	vst.idx.msk $0xffff, v1  }
0x2ad: {  	v0 =	vld [tilespmem:s23+$0x1B050];
	_ =	sdelay $0x2  }
0x2ae: {  	v1 =	vld [tilespmem:s23+$0x1D050];
	_ =	sdelay $0x4  }
0x2af: {  	[tilespmem:v0+s2+$0x0] =	vst.idx.msk $0xffff, v1  }
0x2b0: {  	v0 =	vld [tilespmem:s23+$0x1B060];
	_ =	sdelay $0x2  }
0x2b1: {  	v1 =	vld [tilespmem:s23+$0x1D060];
	_ =	sdelay $0x4  }
0x2b2: {  	[tilespmem:v0+s2+$0x0] =	vst.idx.msk $0xffff, v1  }
0x2b3: {  	v0 =	vld [tilespmem:s23+$0x1B070];
	_ =	sdelay $0x1  }
0x2b4: {  	s22 =	sadd.s32 $0x8, s22  }
0x2b5: {  	p0 =	slt.u32 s22, $0xF8;
	v1 =	vld [tilespmem:s23+$0x1D070]  }
.Ltmp28:
0x2b6: {  	_ = 	snop;
	(pc) =	sbr.rel @p0 .LBB2_38-.Ltmp28, $2  }
0x2b7: {  	_ =	sdelay $0x2  }
0x2b8: {  	s21 =	sadd.s32 $0x80, s21;
	[tilespmem:v0+s2+$0x0] =	vst.idx.msk $0xffff, v1  }
0x2b9: {  	s21 =	simm.s32 $0x0  }
0x2ba: {  	[hbm4b:s29+s10] =	stream.strided.scatter [tilespmem:s21], [sflag:$0x1], $0xC400, s11, s10, $0x38;
	[tilespmem:$0x1F800] =	vst v63  }
0x2bb: {  	v0 =	vld [tilespmem:$0xC400]  }
0x2bc: {  	v1 =	vld [tilespmem:$0xC410]  }
0x2bd: {  	v2 =	vld [tilespmem:$0xC420]  }
0x2be: {  	v3 =	vld [tilespmem:$0xC430]  }
0x2bf: {  	v4 =	vld [tilespmem:$0xC440]  }
0x2c0: {  	[tilespmem:$0x1F700] =	vst v0;
	v0 =	vld [tilespmem:$0xC450]  }
0x2c1: {  	[tilespmem:$0x1F710] =	vst v1;
	v1 =	vld [tilespmem:$0xC460]  }
0x2c2: {  	[tilespmem:$0x1F720] =	vst v2;
	v2 =	vld [tilespmem:$0xC470]  }
0x2c3: {  	[tilespmem:$0x1F730] =	vst v3  }
0x2c4: {  	[tilespmem:$0x1F740] =	vst v4  }
0x2c5: {  	[tilespmem:$0x1F750] =	vst v0  }
0x2c6: {  	[tilespmem:$0x1F760] =	vst v1  }
0x2c7: {  	[tilespmem:$0x1F770] =	vst v2  }
0x2c8: {  	v0 =	vld [tilespmem:$0x1F380];
	_ =	swait.ge [sflag:s18], $0xC400  }
0x2c9: {  	[sflag:s18] =	ssyncset.done $0x0  }
0x2ca: {  	[sflag:s18] =	ssyncadd.s32 $0xFFFF3C00  }
0x2cb: {  	v1 =	vld [tilespmem:$0x1F280];
	_ =	sdelay $0x4  }
0x2cc: {  	v1 =	vsub.f32 v0, v1;
	_ =	sdelay $0x1  }
0x2cd: {  	v1 =	vand.u32 $0x7FFFFFFF, v1  }
0x2ce: {  	(xrf0) =	vmax.scan.msk.f32 $0xffff, v1;
	_ =	sdelay $0x5  }
0x2cf: {  	v1, _, _ =	vpop (xrf0)  }
0x2d0: {  	(v2sf) =	vpush v1, $0xF;
	_ =	sdelay $0xe  }
0x2d1: {  	s22 =	spop (v2sf)  }
0x2d2: {  	p0 =	sne.f32 s22, $0.0e+00  }
.Ltmp29:
0x2d3: {  	_ = 	snop;
	(pc) =	sbr.rel @p0 .LBB2_40-.Ltmp29, $2  }
0x2d4: {  	_ =	sdelay $0x2  }
0x2d5: {  	s22 =	simm.s32 $0xFFFFFFF8  }
.LBB2_52:
0x2d6: {  	s23 =	sand.u32 $0xF80, s21  }
0x2d7: {  	v1 =	vld [tilespmem:s23+$0x1A000];
	_ =	sdelay $0x7  }
0x2d8: {  	[tilespmem:v1+s15+$0x0] =	vst.idx.msk $0xffff, v0  }
0x2d9: {  	v1 =	vld [tilespmem:s23+$0x1A010];
	_ =	sdelay $0x7  }
0x2da: {  	[tilespmem:v1+s15+$0x0] =	vst.idx.msk $0xffff, v0  }
0x2db: {  	v1 =	vld [tilespmem:s23+$0x1A020];
	_ =	sdelay $0x7  }
0x2dc: {  	[tilespmem:v1+s15+$0x0] =	vst.idx.msk $0xffff, v0  }
0x2dd: {  	v1 =	vld [tilespmem:s23+$0x1A030];
	_ =	sdelay $0x7  }
0x2de: {  	[tilespmem:v1+s15+$0x0] =	vst.idx.msk $0xffff, v0  }
0x2df: {  	v1 =	vld [tilespmem:s23+$0x1A040];
	_ =	sdelay $0x7  }
0x2e0: {  	[tilespmem:v1+s15+$0x0] =	vst.idx.msk $0xffff, v0  }
0x2e1: {  	v1 =	vld [tilespmem:s23+$0x1A050];
	_ =	sdelay $0x7  }
0x2e2: {  	[tilespmem:v1+s15+$0x0] =	vst.idx.msk $0xffff, v0  }
0x2e3: {  	v1 =	vld [tilespmem:s23+$0x1A060];
	_ =	sdelay $0x7  }
0x2e4: {  	[tilespmem:v1+s15+$0x0] =	vst.idx.msk $0xffff, v0  }
0x2e5: {  	v1 =	vld [tilespmem:s23+$0x1A070];
	_ =	sdelay $0x1  }
0x2e6: {  	s22 =	sadd.s32 $0x8, s22  }
0x2e7: {  	p0 =	slt.u32 s22, $0xF8  }
.Ltmp30:
0x2e8: {  	_ = 	snop;
	(pc) =	sbr.rel @p0 .LBB2_52-.Ltmp30, $2  }
0x2e9: {  	_ =	sdelay $0x2  }
0x2ea: {  	s21 =	sadd.s32 $0x80, s21;
	[tilespmem:v1+s15+$0x0] =	vst.idx.msk $0xffff, v0  }
.Ltmp31:
0x2eb: {  	_ = 	snop;
	(pc) =	sbr.rel .LBB2_43-.Ltmp31, $1  }
0x2ec: {  	_ =	sdelay $0x3  }
.LBB2_40:
0x2ed: {  	s21 =	simm.s32 $0xC840  }
0x2ee: {  	[tilespmem:s21+$0xFFFFFFC0] =	vst v0  }
0x2ef: {  	[tilespmem:s21+$0x30] =	vst v0  }
0x2f0: {  	[tilespmem:s21+$0x20] =	vst v0  }
0x2f1: {  	[tilespmem:s21+$0x10] =	vst v0  }
0x2f2: {  	[tilespmem:s21+$0x0] =	vst v0  }
0x2f3: {  	[tilespmem:s21+$0xFFFFFFF0] =	vst v0  }
0x2f4: {  	s22 =	simm.s32 $0x0;
	[tilespmem:s21+$0xFFFFFFE0] =	vst v0  }
.LBB2_41:
0x2f5: {  	s22 =	sadd.s32 $0x8, s22;
	[tilespmem:s21+$0xFFFFFFD0] =	vst v0;
	s21 =	sadd.s32 $0x80, s21  }
0x2f6: {  	[tilespmem:s21+$0xFFFFFFC0] =	vst v0;
	p0 =	slt.u32 s22, $0xC40  }
0x2f7: {  	[tilespmem:s21+$0x30] =	vst v0  }
.Ltmp32:
0x2f8: {  	[tilespmem:s21+$0x20] =	vst v0;
	(pc) =	sbr.rel @p0 .LBB2_41-.Ltmp32, $4  }
0x2f9: {  	[tilespmem:s21+$0x10] =	vst v0  }
0x2fa: {  	[tilespmem:s21+$0x0] =	vst v0  }
0x2fb: {  	[tilespmem:s21+$0xFFFFFFF0] =	vst v0  }
0x2fc: {  	[tilespmem:s21+$0xFFFFFFE0] =	vst v0  }
0x2fd: {  	[tilespmem:s21+$0xFFFFFFD0] =	vst v0  }
.LBB2_43:
0x2fe: {  	_ =	swait.ge [sflag:s19], $0x1000  }
0x2ff: {  	[sflag:s19] =	ssyncset.done $0x0  }
0x300: {  	[sflag:s19] =	ssyncadd.s32 $0xFFFFF000  }
0x301: {  	_ =	swait.ge [sflag:s14], $0x1000  }
0x302: {  	[sflag:s14] =	ssyncset.done $0x0  }
0x303: {  	s21 =	simm.s32 $0xFFFFFFF8;
	s22 =	simm.s32 $0x0;
	[sflag:s14] =	ssyncadd.s32 $0xFFFFF000  }
.LBB2_44:
0x304: {  	s23 =	sand.u32 $0xF80, s22  }
0x305: {  	v0 =	vld [tilespmem:s23+$0x1C000];
	_ =	sdelay $0x2  }
0x306: {  	v1 =	vld [tilespmem:s23+$0x1E000];
	_ =	sdelay $0x4  }
0x307: {  	[tilespmem:v0+s15+$0x0] =	vst.idx.msk $0xffff, v1  }
0x308: {  	v0 =	vld [tilespmem:s23+$0x1C010];
	_ =	sdelay $0x2  }
0x309: {  	v1 =	vld [tilespmem:s23+$0x1E010];
	_ =	sdelay $0x4  }
0x30a: {  	[tilespmem:v0+s15+$0x0] =	vst.idx.msk $0xffff, v1  }
0x30b: {  	v0 =	vld [tilespmem:s23+$0x1C020];
	_ =	sdelay $0x2  }
0x30c: {  	v1 =	vld [tilespmem:s23+$0x1E020];
	_ =	sdelay $0x4  }
0x30d: {  	[tilespmem:v0+s15+$0x0] =	vst.idx.msk $0xffff, v1  }
0x30e: {  	v0 =	vld [tilespmem:s23+$0x1C030];
	_ =	sdelay $0x2  }
0x30f: {  	v1 =	vld [tilespmem:s23+$0x1E030];
	_ =	sdelay $0x4  }
0x310: {  	[tilespmem:v0+s15+$0x0] =	vst.idx.msk $0xffff, v1  }
0x311: {  	v0 =	vld [tilespmem:s23+$0x1C040];
	_ =	sdelay $0x2  }
0x312: {  	v1 =	vld [tilespmem:s23+$0x1E040];
	_ =	sdelay $0x4  }
0x313: {  	[tilespmem:v0+s15+$0x0] =	vst.idx.msk $0xffff, v1  }
0x314: {  	v0 =	vld [tilespmem:s23+$0x1C050];
	_ =	sdelay $0x2  }
0x315: {  	v1 =	vld [tilespmem:s23+$0x1E050];
	_ =	sdelay $0x4  }
0x316: {  	[tilespmem:v0+s15+$0x0] =	vst.idx.msk $0xffff, v1  }
0x317: {  	v0 =	vld [tilespmem:s23+$0x1C060];
	_ =	sdelay $0x2  }
0x318: {  	v1 =	vld [tilespmem:s23+$0x1E060];
	_ =	sdelay $0x4  }
0x319: {  	[tilespmem:v0+s15+$0x0] =	vst.idx.msk $0xffff, v1  }
0x31a: {  	v0 =	vld [tilespmem:s23+$0x1C070];
	_ =	sdelay $0x1  }
0x31b: {  	s21 =	sadd.s32 $0x8, s21  }
0x31c: {  	p0 =	slt.u32 s21, $0xF8;
	v1 =	vld [tilespmem:s23+$0x1E070]  }
.Ltmp33:
0x31d: {  	_ = 	snop;
	(pc) =	sbr.rel @p0 .LBB2_44-.Ltmp33, $2  }
0x31e: {  	_ =	sdelay $0x2  }
0x31f: {  	s22 =	sadd.s32 $0x80, s22;
	[tilespmem:v0+s15+$0x0] =	vst.idx.msk $0xffff, v1  }
0x320: {  	[hbm4b:s30+s10] =	stream.strided.scatter [tilespmem:s15], [sflag:$0x2], $0xC400, s11, s10, $0x38;
	[tilespmem:$0x1F800] =	vst v63  }
0x321: {  	v0 =	vld [tilespmem:$0x18C00]  }
0x322: {  	v1 =	vld [tilespmem:$0x18C10]  }
0x323: {  	v2 =	vld [tilespmem:$0x18C20]  }
0x324: {  	v3 =	vld [tilespmem:$0x18C30]  }
0x325: {  	v4 =	vld [tilespmem:$0x18C40]  }
0x326: {  	v61 =	vld [tilespmem:$0x18C50];
	[tilespmem:$0x1F780] =	vst v0  }
0x327: {  	v62 =	vld [tilespmem:$0x18C60];
	[tilespmem:$0x1F790] =	vst v1  }
0x328: {  	v63 =	vld [tilespmem:$0x18C70];
	[tilespmem:$0x1F7A0] =	vst v2  }
0x329: {  	[tilespmem:$0x1F7B0] =	vst v3  }
0x32a: {  	[tilespmem:$0x1F7C0] =	vst v4  }
0x32b: {  	[tilespmem:$0x1F7D0] =	vst v61  }
0x32c: {  	[tilespmem:$0x1F7E0] =	vst v62  }
0x32d: {  	s21 =	simm.s32 $0x1F400;
	[tilespmem:$0x1F7F0] =	vst v63  }
0x32e: {  	[hbm4b:s24+s2] =	stream.linear.scatter [tilespmem:s21], [sflag:$0x9], $0x400, $0x38;
	[tilespmem:$0x1F800] =	vst v63  }
0x32f: {  	_ =	swait.ge [sflag:s0], $0x400  }
0x330: {  	[sflag:s0] =	ssyncset.done $0x0  }
0x331: {  	s20 =	sadd.s32 $0x1, s20;
	[sflag:s0] =	ssyncadd.s32 $0xFFFFFC00  }
0x332: {  	p0 =	sne.s32 s20, s25;
	_ =	swait.ge [sflag:s16], $0xC400  }
.Ltmp34:
0x333: {  	[sflag:s16] =	ssyncset.done $0x0;
	(pc) =	sbr.rel @p0 .LBB2_1-.Ltmp34, $4  }
0x334: {  	[sflag:s16] =	ssyncadd.s32 $0xFFFF3C00  }
0x335: {  	_ =	swait.ge [sflag:s18], $0xC400  }
0x336: {  	[sflag:s18] =	ssyncset.done $0x0  }
0x337: {  	[sflag:s18] =	ssyncadd.s32 $0xFFFF3C00  }
0x338: {  	_ =	sfence.sel $0x180000  }
0x339: {  	[bflag:$0x0] =	sbarrier.arrive $0xFFFF  }
0x33a: {  	_ =	strace $0x90000047  }
0x33b: {  	s0 =	stileid.u32;
	[bflag:$0x2] =	sbarrier.arrive $0xFFFF  }
0x33c: {  	p0 =	sne.s32 s0, $0x0;
	s0 =	rddreg [dreg:$0x2]  }
0x33d: {  	s0 =	sadd.s32 @!p0 $0x100000, s0  }
0x33e: {  	[sflag:s0] =	ssyncadd.tile.s32 @!p0 $0x1;
	_ =	shalt  }
.Lfunc_end2:
_tile_overlayer_lowered:
.L_overlay_start_2:
0x33f: {  	(tag) =	ssettag $0x2  }
0x340: {  	s0 =	rddreg [dreg:$0x0];
	s2 =	stileid.u32  }
0x341: {  	s1 =	rddreg [dreg:$0x1];
	p0 =	sne.s32 s2, $0x0  }
0x342: {  	s3 =	rddreg [dreg:$0x2];
	[bflag:$0x3] =	sbarrier.arrive $0xFFFF;
	s2 =	simm.s32 @!p0 $0x1C09  }
0x343: {  	[timem:s3], [sflag:s2] =	dma.local @!p0 [hbm:s0], s1  }
0x344: {  	s0 =	simm.s32 @!p0 $0x9  }
0x345: {  	_ =	swait.ge @!p0 [sflag:s0], s1  }
0x346: {  	s1 =	ssub.s32 @!p0 $0x0, s1;
	[sflag:s0] =	ssyncset.done @!p0 $0x0  }
0x347: {  	[sflag:s0] =	ssyncadd.s32 @!p0 s1  }
0x348: {  	[bflag:$0x3] =	sbarrier.arrive $0xFFFF  }
0x349: {  	_ =	shalt  }

</sc_bundles>
